<compile_context>
chip_gen: v7x
topology: tpu7x:2x2x1
jax: 0.10.2.dev20260603
libtpu: 0.0.44.dev20260713+nightly
codegen_flags: <defaults>
</compile_context>

<pallas_src>
import jax
import jax.numpy as jnp
from jax import lax
from jax.experimental import pallas as pl
from jax.experimental.pallas import tpu as pltpu
from jax.experimental.pallas import tpu_sc as plsc

N_NODES = 10000
FEATS = 128
K = 25
E_RAW = 75
E_PAD = 80
W_PAD = 96

NW = 32
C = 2
N_PAD = 10240
CHUNKS = N_PAD // C
CHUNKS_PER_W = CHUNKS // NW


def _mm_body(h_ref, wt_ref, b_ref, o_ref):
    o_ref[...] = jnp.dot(h_ref[...], wt_ref[...],
                         preferred_element_type=jnp.float32) + b_ref[...]


def _tc_matmul(h, wt, b2, n):
    blk = 1000
    nb = n // blk
    kk = h.shape[1]
    return pl.pallas_call(
        _mm_body,
        grid=(nb,),
        in_specs=[
            pl.BlockSpec((blk, kk), lambda i: (i, 0)),
            pl.BlockSpec((kk, FEATS), lambda i: (0, 0)),
            pl.BlockSpec((1, FEATS), lambda i: (0, 0)),
        ],
        out_specs=pl.BlockSpec((blk, FEATS), lambda i: (i, 0)),
        out_shape=jax.ShapeDtypeStruct((n, FEATS), jnp.float32),
    )(h, wt, b2)


def _sc_body(x_hbm, gidx_hbm, w_hbm, h_hbm,
             idxA, idxB, wA, wB, rows0, rows1, h_v, x_sh,
             sem0, sem1, wsemA, wsemB):
    sid = lax.axis_index("s")
    wid = sid * 2 + lax.axis_index("c")
    base = wid * CHUNKS_PER_W
    idx_v = (idxA, idxB)
    w_v = (wA, wB)
    rows_v = (rows0, rows1)
    sem = (sem0, sem1)
    wsem = (wsemA, wsemB)

    @pl.when(sid == 0)
    def _stage():
        pltpu.sync_copy(x_hbm, x_sh)
    plsc.subcore_barrier()

    lane = jnp.arange(16, dtype=jnp.int32)
    rotidx = [((lane + p) % 3)[:, None] for p in range(3)]
    gdn = lax.GatherDimensionNumbers(
        offset_dims=(), collapsed_slice_dims=(0,), start_index_map=(0,))

    def lane_gather(vec, idx):
        return lax.gather(vec, idx, dimension_numbers=gdn, slice_sizes=(1,),
                          mode=lax.GatherScatterMode.PROMISE_IN_BOUNDS)

    def fetch_pair(half, ab):
        pair = jnp.minimum(base // 2 + half, CHUNKS // 2 - 1)
        pltpu.sync_copy(gidx_hbm.at[pair], idx_v[ab])
        pltpu.async_copy(w_hbm.at[pair], w_v[ab], wsem[ab])

    def fire_rows(ab, p, buf):
        for j in range(C):
            pltpu.async_copy(x_sh.at[idx_v[ab].at[p, j, pl.ds(0, E_RAW)]],
                             rows_v[buf].at[j], sem[buf])

    def wait_rows(ab, p, buf):
        for j in range(C):
            pltpu.make_async_copy(
                x_sh.at[idx_v[ab].at[p, j, pl.ds(0, E_RAW)]],
                rows_v[buf].at[j], sem[buf]).wait()

    def wait_w(ab):
        pltpu.make_async_copy(w_hbm.at[0], w_v[ab], wsem[ab]).wait()

    def compute(t, ab, p, buf):
        def k_body(kk):
            for i in range(C):
                wv = w_v[ab][p, i, pl.ds(kk * 3, 16)]
                V = [lane_gather(wv, rotidx[q]) for q in range(3)]
                accs = []
                for f in range(8):
                    r0 = rows_v[buf][i, kk * 3, pl.ds(f * 16, 16)]
                    r1 = rows_v[buf][i, kk * 3 + 1, pl.ds(f * 16, 16)]
                    r2 = rows_v[buf][i, kk * 3 + 2, pl.ds(f * 16, 16)]
                    accs.append(V[f % 3] * r0
                                + V[(f + 2) % 3] * r1
                                + V[(f + 1) % 3] * r2)
                for f in range(8):
                    h_v[i, pl.ds(kk * FEATS + f * 16, 16)] = accs[f]
        plsc.parallel_loop(0, K, unroll=2)(k_body)
        pltpu.sync_copy(h_v, h_hbm.at[pl.ds((base + t) * C, C)])

    fetch_pair(0, 0)
    fire_rows(0, 0, 0)
    fire_rows(0, 1, 1)

    def m_body(m, carry):
        t0 = 4 * m
        fetch_pair(2 * m + 1, 1)
        wait_w(0)
        wait_rows(0, 0, 0)
        compute(t0, 0, 0, 0)
        fire_rows(1, 0, 0)
        wait_rows(0, 1, 1)
        compute(t0 + 1, 0, 1, 1)
        fire_rows(1, 1, 1)
        fetch_pair(2 * m + 2, 0)
        wait_w(1)
        wait_rows(1, 0, 0)
        compute(t0 + 2, 1, 0, 0)
        fire_rows(0, 0, 0)
        wait_rows(1, 1, 1)
        compute(t0 + 3, 1, 1, 1)
        fire_rows(0, 1, 1)
        return carry

    lax.fori_loop(0, CHUNKS_PER_W // 4, m_body, None)
    wait_w(0)
    wait_rows(0, 0, 0)
    wait_rows(0, 1, 1)


def _sc_gather(x, gidx, wflat):
    return pl.kernel(
        _sc_body,
        out_type=jax.ShapeDtypeStruct((N_PAD, K * FEATS), jnp.float32),
        mesh=plsc.VectorSubcoreMesh(core_axis_name="c", subcore_axis_name="s"),
        scratch_types=[
            pltpu.VMEM((2, C, E_PAD), jnp.int32),
            pltpu.VMEM((2, C, E_PAD), jnp.int32),
            pltpu.VMEM((2, C, W_PAD), jnp.float32),
            pltpu.VMEM((2, C, W_PAD), jnp.float32),
            pltpu.VMEM((C, E_RAW, FEATS), jnp.float32),
            pltpu.VMEM((C, E_RAW, FEATS), jnp.float32),
            pltpu.VMEM((C, K * FEATS), jnp.float32),
            pltpu.VMEM_SHARED((N_NODES, FEATS), jnp.float32),
            pltpu.SemaphoreType.DMA,
            pltpu.SemaphoreType.DMA,
            pltpu.SemaphoreType.DMA,
            pltpu.SemaphoreType.DMA,
        ],
    )(x, gidx, wflat)


def kernel(x, neigh_indices, neigh_weights, W, b):
    n = x.shape[0]
    gidx = jnp.pad(neigh_indices - 1, ((0, N_PAD - n), (0, E_PAD - E_RAW)))
    wflat = jnp.pad(neigh_weights.reshape(n, E_RAW),
                    ((0, N_PAD - n), (0, W_PAD - E_RAW)))

    h = _sc_gather(x,
                   gidx.reshape(CHUNKS // 2, 2, C, E_PAD),
                   wflat.reshape(CHUNKS // 2, 2, C, W_PAD))

    return _tc_matmul(h, W.T, b.reshape(1, FEATS), n)

# --- scband reference (transcript-rebuilt; emitter-appended) ---
"""Pipeline reference for scband-conv-layer-37598143709504 (READ-ONLY COPY).

The authoritative reference and input builder live on the scoring server;
editing this copy changes nothing except your own understanding.
"""

import jax, jax.numpy as jnp
import numpy as np

N = 10000
IN_FEATS = 128
OUT_FEATS = 128


def setup_inputs(seed: int = 0) -> dict:
    key = jax.random.key(seed)
    k1, k2, k3, k4 = jax.random.split(key, 4)
    x = jax.random.normal(k1, (N, IN_FEATS), dtype=jnp.float32)
    # 1-indexed neighbor indices (the module subtracts 1), shape (N, 25*3)
    neigh_indices = jax.random.randint(k2, (N, 75), 1, N + 1, dtype=jnp.int32)
    # interpolation weights per node: (N, 25, 3)
    neigh_weights = jax.random.uniform(k3, (N, 25, 3), dtype=jnp.float32)
    # nn.Linear(25*in_feats, out_feats): W (out, 25*in), b (out,)
    W = jax.random.normal(k4, (OUT_FEATS, 25 * IN_FEATS), dtype=jnp.float32) * 0.02
    b = jnp.zeros((OUT_FEATS,), dtype=jnp.float32)
    return {"x": x, "neigh_indices": neigh_indices, "neigh_weights": neigh_weights, "W": W, "b": b}


def reference(x, neigh_indices, neigh_weights, W, b):
    nodes = x.shape[0]
    in_feats = x.shape[1]
    idx = neigh_indices.reshape(-1) - 1  # to 0-indexed
    # gather: (N*75, in_feats) -> (N, 25, 3, in_feats)
    mat = jnp.take(x, idx, axis=0).reshape(nodes, 25, 3, in_feats)
    # faithful to np.tile(neigh_weights, in_feats).reshape(N, 25, 3, -1)
    nw = jnp.tile(neigh_weights, (1, 1, in_feats)).reshape(nodes, 25, 3, -1)
    h = jnp.sum(mat * nw, axis=2).reshape(nodes, -1)  # (N, 25*in_feats)
    out = h @ W.T + b
    return out

if __name__ == "__main__":
    import jax
    _d = setup_inputs()
    print(jax.jit(kernel)(*tuple(_d.values())))

</pallas_src>

<mosaic_0001>
#map = affine_map<(d0, d1) -> (0, 0)>
#map1 = affine_map<(d0, d1) -> (0, 0, 0, 0)>
module attributes {stable_mosaic.version = 14 : i64} {
  func.func @_sc_body(%arg0: i32, %arg1: i32, %arg2: memref<10000x128xf32, #tpu.memory_space<hbm>>, %arg3: memref<2560x2x2x80xi32, #tpu.memory_space<hbm>>, %arg4: memref<2560x2x2x96xf32, #tpu.memory_space<hbm>>, %arg5: memref<10240x3200xf32, #tpu.memory_space<hbm>>, %arg6: memref<2x2x80xi32, #tpu.memory_space<vmem>>, %arg7: memref<2x2x80xi32, #tpu.memory_space<vmem>>, %arg8: memref<2x2x96xf32, #tpu.memory_space<vmem>>, %arg9: memref<2x2x96xf32, #tpu.memory_space<vmem>>, %arg10: memref<2x75x128xf32, #tpu.memory_space<vmem>>, %arg11: memref<2x75x128xf32, #tpu.memory_space<vmem>>, %arg12: memref<2x3200xf32, #tpu.memory_space<vmem>>, %arg13: memref<10000x128xf32, #tpu.memory_space<vmem_shared>>, %arg14: memref<!tpu.dma_semaphore, #tpu.memory_space<semaphore_mem>>, %arg15: memref<!tpu.dma_semaphore, #tpu.memory_space<semaphore_mem>>, %arg16: memref<!tpu.dma_semaphore, #tpu.memory_space<semaphore_mem>>, %arg17: memref<!tpu.dma_semaphore, #tpu.memory_space<semaphore_mem>>) attributes {dimension_semantics = [#tpu.dimension_semantics<core_parallel>, #tpu.dimension_semantics<subcore_parallel>], iteration_bounds = array<i64: 2, 16>, scalar_prefetch = 0 : i64, scratch_operands = 12 : i64, tpu.core_type = #tpu.core_type<sc_vector_subcore>, window_params = [{transform_indices = #map}, {transform_indices = #map1}, {transform_indices = #map1}, {transform_indices = #map}]} {
    %mul3A = arith.constant 2 : i32
    %mul3A_0 = arith.muli %arg1, %mul3A : i32
    %add3A = arith.addi %mul3A_0, %arg0 : i32
    %mul3A_1 = arith.constant 160 : i32
    %mul3A_2 = arith.muli %add3A, %mul3A_1 : i32
    %eq3A = arith.constant 0 : i32
    %eq3A_3 = arith.cmpi eq, %arg1, %eq3A : i32
    %convert_element_type3A = arith.extui %eq3A_3 : i1 to i32
    %cond3A = arith.constant 0 : i32
    %cond3A_4 = arith.cmpi ne, %convert_element_type3A, %cond3A : i32
    scf.if %cond3A_4 {
      "tpu.region"() ({
        %run_scoped3A = tpu.sem_alloc : memref<!tpu.dma_semaphore, #tpu.memory_space<semaphore_mem>>
        tpu.enqueue_dma source(%arg2 : memref<10000x128xf32, #tpu.memory_space<hbm>>) target(%arg13 : memref<10000x128xf32, #tpu.memory_space<vmem_shared>>) target_semaphore(%run_scoped3A : memref<!tpu.dma_semaphore, #tpu.memory_space<semaphore_mem>>)
        tpu.wait_dma2 semaphore(%run_scoped3A : memref<!tpu.dma_semaphore, #tpu.memory_space<semaphore_mem>>) src(%arg2 : memref<10000x128xf32, #tpu.memory_space<hbm>>) dst(%arg13 : memref<10000x128xf32, #tpu.memory_space<vmem_shared>>)
        tpu.yield
      }) : () -> ()
    } else {
    }
    %barrier3A = arith.constant 0 : index
    tpu.barrier barrier_id(%barrier3A)
    %iota3A = tpu.iota {dimensions = array<i32: 0>} : vector<16xi32>
    %add3A_5 = arith.constant 0 : i32
    %add3A_6 = vector.broadcast %add3A_5 : i32 to vector<16xi32>
    %add3A_7 = arith.addi %iota3A, %add3A_6 : vector<16xi32>
    %jit3A = arith.constant 3 : i32
    %eq3A_8 = arith.constant 0 : i32
    %eq3A_9 = arith.cmpi eq, %jit3A, %eq3A_8 : i32
    %jit3A_10 = arith.constant 1 : i32
    %select_n3A = arith.select %eq3A_9, %jit3A_10, %jit3A : i32
    %rem3A = vector.broadcast %select_n3A : i32 to vector<16xi32>
    %rem3A_11 = arith.remsi %add3A_7, %rem3A : vector<16xi32>
    %ne3A = arith.constant 0 : i32
    %ne3A_12 = vector.broadcast %ne3A : i32 to vector<16xi32>
    %ne3A_13 = arith.cmpi ne, %rem3A_11, %ne3A_12 : vector<16xi32>
    %lt3A = arith.constant 0 : i32
    %lt3A_14 = vector.broadcast %lt3A : i32 to vector<16xi32>
    %lt3A_15 = arith.cmpi slt, %rem3A_11, %lt3A_14 : vector<16xi32>
    %lt3A_16 = arith.constant 0 : i32
    %lt3A_17 = arith.cmpi slt, %select_n3A, %lt3A_16 : i32
    %ne3A_18 = vector.broadcast %lt3A_17 : i1 to vector<16xi1>
    %ne3A_19 = vector.broadcast %ne3A_18 : vector<16xi1> to vector<16xi1>
    %ne3A_20 = arith.xori %lt3A_15, %ne3A_19 : vector<16xi1>
    %and3A = arith.andi %ne3A_20, %ne3A_13 : vector<16xi1>
    %add3A_21 = vector.broadcast %select_n3A : i32 to vector<16xi32>
    %add3A_22 = arith.addi %rem3A_11, %add3A_21 : vector<16xi32>
    %select_n3A_23 = arith.select %and3A, %add3A_22, %rem3A_11 : vector<16xi1>, vector<16xi32>
    %broadcast_in_dim3A = vector.shape_cast %select_n3A_23 : vector<16xi32> to vector<16x1xi32>
    %add3A_24 = arith.constant 1 : i32
    %add3A_25 = vector.broadcast %add3A_24 : i32 to vector<16xi32>
    %add3A_26 = arith.addi %iota3A, %add3A_25 : vector<16xi32>
    %jit3A_27 = arith.constant 3 : i32
    %eq3A_28 = arith.constant 0 : i32
    %eq3A_29 = arith.cmpi eq, %jit3A_27, %eq3A_28 : i32
    %jit3A_30 = arith.constant 1 : i32
    %select_n3A_31 = arith.select %eq3A_29, %jit3A_30, %jit3A_27 : i32
    %rem3A_32 = vector.broadcast %select_n3A_31 : i32 to vector<16xi32>
    %rem3A_33 = arith.remsi %add3A_26, %rem3A_32 : vector<16xi32>
    %ne3A_34 = arith.constant 0 : i32
    %ne3A_35 = vector.broadcast %ne3A_34 : i32 to vector<16xi32>
    %ne3A_36 = arith.cmpi ne, %rem3A_33, %ne3A_35 : vector<16xi32>
    %lt3A_37 = arith.constant 0 : i32
    %lt3A_38 = vector.broadcast %lt3A_37 : i32 to vector<16xi32>
    %lt3A_39 = arith.cmpi slt, %rem3A_33, %lt3A_38 : vector<16xi32>
    %lt3A_40 = arith.constant 0 : i32
    %lt3A_41 = arith.cmpi slt, %select_n3A_31, %lt3A_40 : i32
    %ne3A_42 = vector.broadcast %lt3A_41 : i1 to vector<16xi1>
    %ne3A_43 = vector.broadcast %ne3A_42 : vector<16xi1> to vector<16xi1>
    %ne3A_44 = arith.xori %lt3A_39, %ne3A_43 : vector<16xi1>
    %and3A_45 = arith.andi %ne3A_44, %ne3A_36 : vector<16xi1>
    %add3A_46 = vector.broadcast %select_n3A_31 : i32 to vector<16xi32>
    %add3A_47 = arith.addi %rem3A_33, %add3A_46 : vector<16xi32>
    %select_n3A_48 = arith.select %and3A_45, %add3A_47, %rem3A_33 : vector<16xi1>, vector<16xi32>
    %broadcast_in_dim3A_49 = vector.shape_cast %select_n3A_48 : vector<16xi32> to vector<16x1xi32>
    %add3A_50 = arith.constant 2 : i32
    %add3A_51 = vector.broadcast %add3A_50 : i32 to vector<16xi32>
    %add3A_52 = arith.addi %iota3A, %add3A_51 : vector<16xi32>
    %jit3A_53 = arith.constant 3 : i32
    %eq3A_54 = arith.constant 0 : i32
    %eq3A_55 = arith.cmpi eq, %jit3A_53, %eq3A_54 : i32
    %jit3A_56 = arith.constant 1 : i32
    %select_n3A_57 = arith.select %eq3A_55, %jit3A_56, %jit3A_53 : i32
    %rem3A_58 = vector.broadcast %select_n3A_57 : i32 to vector<16xi32>
    %rem3A_59 = arith.remsi %add3A_52, %rem3A_58 : vector<16xi32>
    %ne3A_60 = arith.constant 0 : i32
    %ne3A_61 = vector.broadcast %ne3A_60 : i32 to vector<16xi32>
    %ne3A_62 = arith.cmpi ne, %rem3A_59, %ne3A_61 : vector<16xi32>
    %lt3A_63 = arith.constant 0 : i32
    %lt3A_64 = vector.broadcast %lt3A_63 : i32 to vector<16xi32>
    %lt3A_65 = arith.cmpi slt, %rem3A_59, %lt3A_64 : vector<16xi32>
    %lt3A_66 = arith.constant 0 : i32
    %lt3A_67 = arith.cmpi slt, %select_n3A_57, %lt3A_66 : i32
    %ne3A_68 = vector.broadcast %lt3A_67 : i1 to vector<16xi1>
    %ne3A_69 = vector.broadcast %ne3A_68 : vector<16xi1> to vector<16xi1>
    %ne3A_70 = arith.xori %lt3A_65, %ne3A_69 : vector<16xi1>
    %and3A_71 = arith.andi %ne3A_70, %ne3A_62 : vector<16xi1>
    %add3A_72 = vector.broadcast %select_n3A_57 : i32 to vector<16xi32>
    %add3A_73 = arith.addi %rem3A_59, %add3A_72 : vector<16xi32>
    %select_n3A_74 = arith.select %and3A_71, %add3A_73, %rem3A_59 : vector<16xi1>, vector<16xi32>
    %broadcast_in_dim3A_75 = vector.shape_cast %select_n3A_74 : vector<16xi32> to vector<16x1xi32>
    %jit3A_76 = arith.constant 2 : i32
    %div3A = arith.divsi %mul3A_2, %jit3A_76 : i32
    %sign3A = arith.constant 0 : i32
    %sign3A_77 = arith.cmpi sgt, %mul3A_2, %sign3A : i32
    %sign3A_78 = arith.extui %sign3A_77 : i1 to i32
    %sign3A_79 = arith.constant 0 : i32
    %sign3A_80 = arith.cmpi slt, %mul3A_2, %sign3A_79 : i32
    %sign3A_81 = arith.extui %sign3A_80 : i1 to i32
    %sign3A_82 = arith.subi %sign3A_78, %sign3A_81 : i32
    %sign3A_83 = arith.constant 0 : i32
    %sign3A_84 = arith.cmpi sgt, %jit3A_76, %sign3A_83 : i32
    %sign3A_85 = arith.extui %sign3A_84 : i1 to i32
    %sign3A_86 = arith.constant 0 : i32
    %sign3A_87 = arith.cmpi slt, %jit3A_76, %sign3A_86 : i32
    %sign3A_88 = arith.extui %sign3A_87 : i1 to i32
    %sign3A_89 = arith.subi %sign3A_85, %sign3A_88 : i32
    %ne3A_90 = arith.cmpi ne, %sign3A_82, %sign3A_89 : i32
    %rem3A_91 = arith.remsi %mul3A_2, %jit3A_76 : i32
    %ne3A_92 = arith.constant 0 : i32
    %ne3A_93 = arith.cmpi ne, %rem3A_91, %ne3A_92 : i32
    %and3A_94 = arith.andi %ne3A_90, %ne3A_93 : i1
    %sub3A = arith.constant 1 : i32
    %sub3A_95 = arith.subi %div3A, %sub3A : i32
    %select_n3A_96 = arith.select %and3A_94, %sub3A_95, %div3A : i32
    %add3A_97 = arith.constant 0 : i32
    %add3A_98 = arith.addi %select_n3A_96, %add3A_97 : i32
    %min3A = arith.constant 2559 : i32
    %min3A_99 = arith.minsi %add3A_98, %min3A : i32
    "tpu.region"() ({
      %run_scoped3A = tpu.sem_alloc : memref<!tpu.dma_semaphore, #tpu.memory_space<semaphore_mem>>
      %dma_start3A_227 = arith.constant 0 : i32
      %dma_start3A_228 = arith.constant 0 : i32
      %dma_start3A_229 = arith.constant 0 : i32
      %dma_start3A_230 = tpu.memref_slice %arg3[%min3A_99, %dma_start3A_227, %dma_start3A_228, %dma_start3A_229] : memref<2560x2x2x80xi32, #tpu.memory_space<hbm>> -> memref<1x2x2x80xi32, #tpu.memory_space<hbm>>
      %dma_start3A_231 = tpu.memref_squeeze %dma_start3A_230 : memref<1x2x2x80xi32, #tpu.memory_space<hbm>> -> memref<2x2x80xi32, #tpu.memory_space<hbm>>
      %dma_start3A_232 = arith.constant 0 : i32
      %dma_start3A_233 = arith.constant 0 : i32
      %dma_start3A_234 = arith.constant 0 : i32
      %dma_start3A_235 = tpu.memref_slice %arg3[%min3A_99, %dma_start3A_232, %dma_start3A_233, %dma_start3A_234] : memref<2560x2x2x80xi32, #tpu.memory_space<hbm>> -> memref<1x2x2x80xi32, #tpu.memory_space<hbm>>
      %dma_start3A_236 = tpu.memref_squeeze %dma_start3A_235 : memref<1x2x2x80xi32, #tpu.memory_space<hbm>> -> memref<2x2x80xi32, #tpu.memory_space<hbm>>
      tpu.enqueue_dma source(%dma_start3A_236 : memref<2x2x80xi32, #tpu.memory_space<hbm>>) target(%arg6 : memref<2x2x80xi32, #tpu.memory_space<vmem>>) target_semaphore(%run_scoped3A : memref<!tpu.dma_semaphore, #tpu.memory_space<semaphore_mem>>)
      %dma_wait3A_237 = arith.constant 0 : i32
      %dma_wait3A_238 = arith.constant 0 : i32
      %dma_wait3A_239 = arith.constant 0 : i32
      %dma_wait3A_240 = tpu.memref_slice %arg3[%min3A_99, %dma_wait3A_237, %dma_wait3A_238, %dma_wait3A_239] : memref<2560x2x2x80xi32, #tpu.memory_space<hbm>> -> memref<1x2x2x80xi32, #tpu.memory_space<hbm>>
      %dma_wait3A_241 = tpu.memref_squeeze %dma_wait3A_240 : memref<1x2x2x80xi32, #tpu.memory_space<hbm>> -> memref<2x2x80xi32, #tpu.memory_space<hbm>>
      %dma_wait3A_242 = arith.constant 0 : i32
      %dma_wait3A_243 = arith.constant 0 : i32
      %dma_wait3A_244 = arith.constant 0 : i32
      %dma_wait3A_245 = tpu.memref_slice %arg3[%min3A_99, %dma_wait3A_242, %dma_wait3A_243, %dma_wait3A_244] : memref<2560x2x2x80xi32, #tpu.memory_space<hbm>> -> memref<1x2x2x80xi32, #tpu.memory_space<hbm>>
      %dma_wait3A_246 = tpu.memref_squeeze %dma_wait3A_245 : memref<1x2x2x80xi32, #tpu.memory_space<hbm>> -> memref<2x2x80xi32, #tpu.memory_space<hbm>>
      tpu.wait_dma2 semaphore(%run_scoped3A : memref<!tpu.dma_semaphore, #tpu.memory_space<semaphore_mem>>) src(%dma_wait3A_246 : memref<2x2x80xi32, #tpu.memory_space<hbm>>) dst(%arg6 : memref<2x2x80xi32, #tpu.memory_space<vmem>>)
      tpu.yield
    }) : () -> ()
    %dma_start3A = arith.constant 0 : i32
    %dma_start3A_100 = arith.constant 0 : i32
    %dma_start3A_101 = arith.constant 0 : i32
    %dma_start3A_102 = tpu.memref_slice %arg4[%min3A_99, %dma_start3A, %dma_start3A_100, %dma_start3A_101] : memref<2560x2x2x96xf32, #tpu.memory_space<hbm>> -> memref<1x2x2x96xf32, #tpu.memory_space<hbm>>
    %dma_start3A_103 = tpu.memref_squeeze %dma_start3A_102 : memref<1x2x2x96xf32, #tpu.memory_space<hbm>> -> memref<2x2x96xf32, #tpu.memory_space<hbm>>
    %dma_start3A_104 = arith.constant 0 : i32
    %dma_start3A_105 = arith.constant 0 : i32
    %dma_start3A_106 = arith.constant 0 : i32
    %dma_start3A_107 = tpu.memref_slice %arg4[%min3A_99, %dma_start3A_104, %dma_start3A_105, %dma_start3A_106] : memref<2560x2x2x96xf32, #tpu.memory_space<hbm>> -> memref<1x2x2x96xf32, #tpu.memory_space<hbm>>
    %dma_start3A_108 = tpu.memref_squeeze %dma_start3A_107 : memref<1x2x2x96xf32, #tpu.memory_space<hbm>> -> memref<2x2x96xf32, #tpu.memory_space<hbm>>
    tpu.enqueue_dma source(%dma_start3A_108 : memref<2x2x96xf32, #tpu.memory_space<hbm>>) target(%arg8 : memref<2x2x96xf32, #tpu.memory_space<vmem>>) target_semaphore(%arg16 : memref<!tpu.dma_semaphore, #tpu.memory_space<semaphore_mem>>)
    %dma_start3A_109 = arith.constant 0 : i32
    %dma_start3A_110 = arith.constant 0 : i32
    %dma_start3A_111 = arith.constant 0 : i32
    %dma_start3A_112 = arith.constant 0 : i32
    %dma_start3A_113 = arith.constant 0 : i32
    %dma_start3A_114 = tpu.memref_slice %arg10[%dma_start3A_111, %dma_start3A_112, %dma_start3A_113] : memref<2x75x128xf32, #tpu.memory_space<vmem>> -> memref<1x75x128xf32, #tpu.memory_space<vmem>>
    %dma_start3A_115 = tpu.memref_squeeze %dma_start3A_114 : memref<1x75x128xf32, #tpu.memory_space<vmem>> -> memref<75x128xf32, #tpu.memory_space<vmem>>
    %dma_start3A_116 = arith.constant 0 : i32
    %dma_start3A_117 = tpu.memref_slice %arg6[%dma_start3A_109, %dma_start3A_110, %dma_start3A_116] : memref<2x2x80xi32, #tpu.memory_space<vmem>> -> memref<1x1x75xi32, #tpu.memory_space<vmem>>
    %dma_start3A_118 = tpu.memref_squeeze %dma_start3A_117 : memref<1x1x75xi32, #tpu.memory_space<vmem>> -> memref<75xi32, #tpu.memory_space<vmem>>
    %dma_start3A_119 = arith.constant 0 : i32
    %dma_start3A_120 = arith.constant 0 : i32
    %dma_start3A_121 = tpu.memref_slice %arg13[%dma_start3A_119, %dma_start3A_120] : memref<10000x128xf32, #tpu.memory_space<vmem_shared>> -> memref<10000x128xf32, #tpu.memory_space<vmem_shared>>
    tpu.enqueue_indirect_dma source(%dma_start3A_121 : memref<10000x128xf32, #tpu.memory_space<vmem_shared>>) target(%dma_start3A_115 : memref<75x128xf32, #tpu.memory_space<vmem>>) offsets(%dma_start3A_118 : memref<75xi32, #tpu.memory_space<vmem>>) semaphore(%arg14 : memref<!tpu.dma_semaphore, #tpu.memory_space<semaphore_mem>>)
    %dma_start3A_122 = arith.constant 0 : i32
    %dma_start3A_123 = arith.constant 1 : i32
    %dma_start3A_124 = arith.constant 1 : i32
    %dma_start3A_125 = arith.constant 0 : i32
    %dma_start3A_126 = arith.constant 0 : i32
    %dma_start3A_127 = tpu.memref_slice %arg10[%dma_start3A_124, %dma_start3A_125, %dma_start3A_126] : memref<2x75x128xf32, #tpu.memory_space<vmem>> -> memref<1x75x128xf32, #tpu.memory_space<vmem>>
    %dma_start3A_128 = tpu.memref_squeeze %dma_start3A_127 : memref<1x75x128xf32, #tpu.memory_space<vmem>> -> memref<75x128xf32, #tpu.memory_space<vmem>>
    %dma_start3A_129 = arith.constant 0 : i32
    %dma_start3A_130 = tpu.memref_slice %arg6[%dma_start3A_122, %dma_start3A_123, %dma_start3A_129] : memref<2x2x80xi32, #tpu.memory_space<vmem>> -> memref<1x1x75xi32, #tpu.memory_space<vmem>>
    %dma_start3A_131 = tpu.memref_squeeze %dma_start3A_130 : memref<1x1x75xi32, #tpu.memory_space<vmem>> -> memref<75xi32, #tpu.memory_space<vmem>>
    %dma_start3A_132 = arith.constant 0 : i32
    %dma_start3A_133 = arith.constant 0 : i32
    %dma_start3A_134 = tpu.memref_slice %arg13[%dma_start3A_132, %dma_start3A_133] : memref<10000x128xf32, #tpu.memory_space<vmem_shared>> -> memref<10000x128xf32, #tpu.memory_space<vmem_shared>>
    tpu.enqueue_indirect_dma source(%dma_start3A_134 : memref<10000x128xf32, #tpu.memory_space<vmem_shared>>) target(%dma_start3A_128 : memref<75x128xf32, #tpu.memory_space<vmem>>) offsets(%dma_start3A_131 : memref<75xi32, #tpu.memory_space<vmem>>) semaphore(%arg14 : memref<!tpu.dma_semaphore, #tpu.memory_space<semaphore_mem>>)
    %dma_start3A_135 = arith.constant 1 : i32
    %dma_start3A_136 = arith.constant 0 : i32
    %dma_start3A_137 = arith.constant 0 : i32
    %dma_start3A_138 = arith.constant 0 : i32
    %dma_start3A_139 = arith.constant 0 : i32
    %dma_start3A_140 = tpu.memref_slice %arg11[%dma_start3A_137, %dma_start3A_138, %dma_start3A_139] : memref<2x75x128xf32, #tpu.memory_space<vmem>> -> memref<1x75x128xf32, #tpu.memory_space<vmem>>
    %dma_start3A_141 = tpu.memref_squeeze %dma_start3A_140 : memref<1x75x128xf32, #tpu.memory_space<vmem>> -> memref<75x128xf32, #tpu.memory_space<vmem>>
    %dma_start3A_142 = arith.constant 0 : i32
    %dma_start3A_143 = tpu.memref_slice %arg6[%dma_start3A_135, %dma_start3A_136, %dma_start3A_142] : memref<2x2x80xi32, #tpu.memory_space<vmem>> -> memref<1x1x75xi32, #tpu.memory_space<vmem>>
    %dma_start3A_144 = tpu.memref_squeeze %dma_start3A_143 : memref<1x1x75xi32, #tpu.memory_space<vmem>> -> memref<75xi32, #tpu.memory_space<vmem>>
    %dma_start3A_145 = arith.constant 0 : i32
    %dma_start3A_146 = arith.constant 0 : i32
    %dma_start3A_147 = tpu.memref_slice %arg13[%dma_start3A_145, %dma_start3A_146] : memref<10000x128xf32, #tpu.memory_space<vmem_shared>> -> memref<10000x128xf32, #tpu.memory_space<vmem_shared>>
    tpu.enqueue_indirect_dma source(%dma_start3A_147 : memref<10000x128xf32, #tpu.memory_space<vmem_shared>>) target(%dma_start3A_141 : memref<75x128xf32, #tpu.memory_space<vmem>>) offsets(%dma_start3A_144 : memref<75xi32, #tpu.memory_space<vmem>>) semaphore(%arg15 : memref<!tpu.dma_semaphore, #tpu.memory_space<semaphore_mem>>)
    %dma_start3A_148 = arith.constant 1 : i32
    %dma_start3A_149 = arith.constant 1 : i32
    %dma_start3A_150 = arith.constant 1 : i32
    %dma_start3A_151 = arith.constant 0 : i32
    %dma_start3A_152 = arith.constant 0 : i32
    %dma_start3A_153 = tpu.memref_slice %arg11[%dma_start3A_150, %dma_start3A_151, %dma_start3A_152] : memref<2x75x128xf32, #tpu.memory_space<vmem>> -> memref<1x75x128xf32, #tpu.memory_space<vmem>>
    %dma_start3A_154 = tpu.memref_squeeze %dma_start3A_153 : memref<1x75x128xf32, #tpu.memory_space<vmem>> -> memref<75x128xf32, #tpu.memory_space<vmem>>
    %dma_start3A_155 = arith.constant 0 : i32
    %dma_start3A_156 = tpu.memref_slice %arg6[%dma_start3A_148, %dma_start3A_149, %dma_start3A_155] : memref<2x2x80xi32, #tpu.memory_space<vmem>> -> memref<1x1x75xi32, #tpu.memory_space<vmem>>
    %dma_start3A_157 = tpu.memref_squeeze %dma_start3A_156 : memref<1x1x75xi32, #tpu.memory_space<vmem>> -> memref<75xi32, #tpu.memory_space<vmem>>
    %dma_start3A_158 = arith.constant 0 : i32
    %dma_start3A_159 = arith.constant 0 : i32
    %dma_start3A_160 = tpu.memref_slice %arg13[%dma_start3A_158, %dma_start3A_159] : memref<10000x128xf32, #tpu.memory_space<vmem_shared>> -> memref<10000x128xf32, #tpu.memory_space<vmem_shared>>
    tpu.enqueue_indirect_dma source(%dma_start3A_160 : memref<10000x128xf32, #tpu.memory_space<vmem_shared>>) target(%dma_start3A_154 : memref<75x128xf32, #tpu.memory_space<vmem>>) offsets(%dma_start3A_157 : memref<75xi32, #tpu.memory_space<vmem>>) semaphore(%arg15 : memref<!tpu.dma_semaphore, #tpu.memory_space<semaphore_mem>>)
    %scan3A = arith.constant 0 : i32
    %scan3A_161 = arith.constant 40 : i32
    %scan3A_162 = arith.addi %scan3A, %scan3A_161 : i32
    %scan3A_163 = arith.constant 1 : i32
    scf.for %scan3A_227 = %scan3A to %scan3A_162 step %scan3A_163  : i32 {
      %mul3A_228 = arith.constant 4 : i32
      %mul3A_229 = arith.muli %mul3A_228, %scan3A_227 : i32
      %mul3A_230 = arith.constant 2 : i32
      %mul3A_231 = arith.muli %mul3A_230, %scan3A_227 : i32
      %add3A_232 = arith.constant 1 : i32
      %add3A_233 = arith.addi %mul3A_231, %add3A_232 : i32
      %jit3A_234 = arith.constant 2 : i32
      %div3A_235 = arith.divsi %mul3A_2, %jit3A_234 : i32
      %sign3A_236 = arith.constant 0 : i32
      %sign3A_237 = arith.cmpi sgt, %mul3A_2, %sign3A_236 : i32
      %sign3A_238 = arith.extui %sign3A_237 : i1 to i32
      %sign3A_239 = arith.constant 0 : i32
      %sign3A_240 = arith.cmpi slt, %mul3A_2, %sign3A_239 : i32
      %sign3A_241 = arith.extui %sign3A_240 : i1 to i32
      %sign3A_242 = arith.subi %sign3A_238, %sign3A_241 : i32
      %sign3A_243 = arith.constant 0 : i32
      %sign3A_244 = arith.cmpi sgt, %jit3A_234, %sign3A_243 : i32
      %sign3A_245 = arith.extui %sign3A_244 : i1 to i32
      %sign3A_246 = arith.constant 0 : i32
      %sign3A_247 = arith.cmpi slt, %jit3A_234, %sign3A_246 : i32
      %sign3A_248 = arith.extui %sign3A_247 : i1 to i32
      %sign3A_249 = arith.subi %sign3A_245, %sign3A_248 : i32
      %ne3A_250 = arith.cmpi ne, %sign3A_242, %sign3A_249 : i32
      %rem3A_251 = arith.remsi %mul3A_2, %jit3A_234 : i32
      %ne3A_252 = arith.constant 0 : i32
      %ne3A_253 = arith.cmpi ne, %rem3A_251, %ne3A_252 : i32
      %and3A_254 = arith.andi %ne3A_250, %ne3A_253 : i1
      %sub3A_255 = arith.constant 1 : i32
      %sub3A_256 = arith.subi %div3A_235, %sub3A_255 : i32
      %select_n3A_257 = arith.select %and3A_254, %sub3A_256, %div3A_235 : i32
      %add3A_258 = arith.addi %select_n3A_257, %add3A_233 : i32
      %min3A_259 = arith.constant 2559 : i32
      %min3A_260 = arith.minsi %add3A_258, %min3A_259 : i32
      "tpu.region"() ({
        %run_scoped3A = tpu.sem_alloc : memref<!tpu.dma_semaphore, #tpu.memory_space<semaphore_mem>>
        %dma_start3A_571 = arith.constant 0 : i32
        %dma_start3A_572 = arith.constant 0 : i32
        %dma_start3A_573 = arith.constant 0 : i32
        %dma_start3A_574 = tpu.memref_slice %arg3[%min3A_260, %dma_start3A_571, %dma_start3A_572, %dma_start3A_573] : memref<2560x2x2x80xi32, #tpu.memory_space<hbm>> -> memref<1x2x2x80xi32, #tpu.memory_space<hbm>>
        %dma_start3A_575 = tpu.memref_squeeze %dma_start3A_574 : memref<1x2x2x80xi32, #tpu.memory_space<hbm>> -> memref<2x2x80xi32, #tpu.memory_space<hbm>>
        %dma_start3A_576 = arith.constant 0 : i32
        %dma_start3A_577 = arith.constant 0 : i32
        %dma_start3A_578 = arith.constant 0 : i32
        %dma_start3A_579 = tpu.memref_slice %arg3[%min3A_260, %dma_start3A_576, %dma_start3A_577, %dma_start3A_578] : memref<2560x2x2x80xi32, #tpu.memory_space<hbm>> -> memref<1x2x2x80xi32, #tpu.memory_space<hbm>>
        %dma_start3A_580 = tpu.memref_squeeze %dma_start3A_579 : memref<1x2x2x80xi32, #tpu.memory_space<hbm>> -> memref<2x2x80xi32, #tpu.memory_space<hbm>>
        tpu.enqueue_dma source(%dma_start3A_580 : memref<2x2x80xi32, #tpu.memory_space<hbm>>) target(%arg7 : memref<2x2x80xi32, #tpu.memory_space<vmem>>) target_semaphore(%run_scoped3A : memref<!tpu.dma_semaphore, #tpu.memory_space<semaphore_mem>>)
        %dma_wait3A_581 = arith.constant 0 : i32
        %dma_wait3A_582 = arith.constant 0 : i32
        %dma_wait3A_583 = arith.constant 0 : i32
        %dma_wait3A_584 = tpu.memref_slice %arg3[%min3A_260, %dma_wait3A_581, %dma_wait3A_582, %dma_wait3A_583] : memref<2560x2x2x80xi32, #tpu.memory_space<hbm>> -> memref<1x2x2x80xi32, #tpu.memory_space<hbm>>
        %dma_wait3A_585 = tpu.memref_squeeze %dma_wait3A_584 : memref<1x2x2x80xi32, #tpu.memory_space<hbm>> -> memref<2x2x80xi32, #tpu.memory_space<hbm>>
        %dma_wait3A_586 = arith.constant 0 : i32
        %dma_wait3A_587 = arith.constant 0 : i32
        %dma_wait3A_588 = arith.constant 0 : i32
        %dma_wait3A_589 = tpu.memref_slice %arg3[%min3A_260, %dma_wait3A_586, %dma_wait3A_587, %dma_wait3A_588] : memref<2560x2x2x80xi32, #tpu.memory_space<hbm>> -> memref<1x2x2x80xi32, #tpu.memory_space<hbm>>
        %dma_wait3A_590 = tpu.memref_squeeze %dma_wait3A_589 : memref<1x2x2x80xi32, #tpu.memory_space<hbm>> -> memref<2x2x80xi32, #tpu.memory_space<hbm>>
        tpu.wait_dma2 semaphore(%run_scoped3A : memref<!tpu.dma_semaphore, #tpu.memory_space<semaphore_mem>>) src(%dma_wait3A_590 : memref<2x2x80xi32, #tpu.memory_space<hbm>>) dst(%arg7 : memref<2x2x80xi32, #tpu.memory_space<vmem>>)
        tpu.yield
      }) : () -> ()
      %dma_start3A_261 = arith.constant 0 : i32
      %dma_start3A_262 = arith.constant 0 : i32
      %dma_start3A_263 = arith.constant 0 : i32
      %dma_start3A_264 = tpu.memref_slice %arg4[%min3A_260, %dma_start3A_261, %dma_start3A_262, %dma_start3A_263] : memref<2560x2x2x96xf32, #tpu.memory_space<hbm>> -> memref<1x2x2x96xf32, #tpu.memory_space<hbm>>
      %dma_start3A_265 = tpu.memref_squeeze %dma_start3A_264 : memref<1x2x2x96xf32, #tpu.memory_space<hbm>> -> memref<2x2x96xf32, #tpu.memory_space<hbm>>
      %dma_start3A_266 = arith.constant 0 : i32
      %dma_start3A_267 = arith.constant 0 : i32
      %dma_start3A_268 = arith.constant 0 : i32
      %dma_start3A_269 = tpu.memref_slice %arg4[%min3A_260, %dma_start3A_266, %dma_start3A_267, %dma_start3A_268] : memref<2560x2x2x96xf32, #tpu.memory_space<hbm>> -> memref<1x2x2x96xf32, #tpu.memory_space<hbm>>
      %dma_start3A_270 = tpu.memref_squeeze %dma_start3A_269 : memref<1x2x2x96xf32, #tpu.memory_space<hbm>> -> memref<2x2x96xf32, #tpu.memory_space<hbm>>
      tpu.enqueue_dma source(%dma_start3A_270 : memref<2x2x96xf32, #tpu.memory_space<hbm>>) target(%arg9 : memref<2x2x96xf32, #tpu.memory_space<vmem>>) target_semaphore(%arg17 : memref<!tpu.dma_semaphore, #tpu.memory_space<semaphore_mem>>)
      %dma_wait3A_271 = arith.constant 0 : i32
      %dma_wait3A_272 = arith.constant 0 : i32
      %dma_wait3A_273 = arith.constant 0 : i32
      %dma_wait3A_274 = arith.constant 0 : i32
      %dma_wait3A_275 = tpu.memref_slice %arg4[%dma_wait3A_271, %dma_wait3A_272, %dma_wait3A_273, %dma_wait3A_274] : memref<2560x2x2x96xf32, #tpu.memory_space<hbm>> -> memref<1x2x2x96xf32, #tpu.memory_space<hbm>>
      %dma_wait3A_276 = tpu.memref_squeeze %dma_wait3A_275 : memref<1x2x2x96xf32, #tpu.memory_space<hbm>> -> memref<2x2x96xf32, #tpu.memory_space<hbm>>
      %dma_wait3A_277 = arith.constant 0 : i32
      %dma_wait3A_278 = arith.constant 0 : i32
      %dma_wait3A_279 = arith.constant 0 : i32
      %dma_wait3A_280 = tpu.memref_slice %arg4[%dma_wait3A_271, %dma_wait3A_277, %dma_wait3A_278, %dma_wait3A_279] : memref<2560x2x2x96xf32, #tpu.memory_space<hbm>> -> memref<1x2x2x96xf32, #tpu.memory_space<hbm>>
      %dma_wait3A_281 = tpu.memref_squeeze %dma_wait3A_280 : memref<1x2x2x96xf32, #tpu.memory_space<hbm>> -> memref<2x2x96xf32, #tpu.memory_space<hbm>>
      tpu.wait_dma2 semaphore(%arg16 : memref<!tpu.dma_semaphore, #tpu.memory_space<semaphore_mem>>) src(%dma_wait3A_281 : memref<2x2x96xf32, #tpu.memory_space<hbm>>) dst(%arg8 : memref<2x2x96xf32, #tpu.memory_space<vmem>>)
      %dma_wait3A_282 = arith.constant 0 : i32
      %dma_wait3A_283 = arith.constant 0 : i32
      %dma_wait3A_284 = arith.constant 0 : i32
      %dma_wait3A_285 = arith.constant 0 : i32
      %dma_wait3A_286 = arith.constant 0 : i32
      %dma_wait3A_287 = tpu.memref_slice %arg10[%dma_wait3A_284, %dma_wait3A_285, %dma_wait3A_286] : memref<2x75x128xf32, #tpu.memory_space<vmem>> -> memref<1x75x128xf32, #tpu.memory_space<vmem>>
      %dma_wait3A_288 = tpu.memref_squeeze %dma_wait3A_287 : memref<1x75x128xf32, #tpu.memory_space<vmem>> -> memref<75x128xf32, #tpu.memory_space<vmem>>
      %dma_wait3A_289 = arith.constant 0 : i32
      %dma_wait3A_290 = tpu.memref_slice %arg6[%dma_wait3A_282, %dma_wait3A_283, %dma_wait3A_289] : memref<2x2x80xi32, #tpu.memory_space<vmem>> -> memref<1x1x75xi32, #tpu.memory_space<vmem>>
      %dma_wait3A_291 = tpu.memref_squeeze %dma_wait3A_290 : memref<1x1x75xi32, #tpu.memory_space<vmem>> -> memref<75xi32, #tpu.memory_space<vmem>>
      %dma_wait3A_292 = arith.constant 0 : i32
      %dma_wait3A_293 = arith.constant 0 : i32
      %dma_wait3A_294 = tpu.memref_slice %arg13[%dma_wait3A_292, %dma_wait3A_293] : memref<10000x128xf32, #tpu.memory_space<vmem_shared>> -> memref<10000x128xf32, #tpu.memory_space<vmem_shared>>
      tpu.wait_indirect_dma semaphore(%arg14 : memref<!tpu.dma_semaphore, #tpu.memory_space<semaphore_mem>>) src(%dma_wait3A_294 : memref<10000x128xf32, #tpu.memory_space<vmem_shared>>) dst(%dma_wait3A_288 : memref<75x128xf32, #tpu.memory_space<vmem>>)
      %dma_wait3A_295 = arith.constant 0 : i32
      %dma_wait3A_296 = arith.constant 1 : i32
      %dma_wait3A_297 = arith.constant 1 : i32
      %dma_wait3A_298 = arith.constant 0 : i32
      %dma_wait3A_299 = arith.constant 0 : i32
      %dma_wait3A_300 = tpu.memref_slice %arg10[%dma_wait3A_297, %dma_wait3A_298, %dma_wait3A_299] : memref<2x75x128xf32, #tpu.memory_space<vmem>> -> memref<1x75x128xf32, #tpu.memory_space<vmem>>
      %dma_wait3A_301 = tpu.memref_squeeze %dma_wait3A_300 : memref<1x75x128xf32, #tpu.memory_space<vmem>> -> memref<75x128xf32, #tpu.memory_space<vmem>>
      %dma_wait3A_302 = arith.constant 0 : i32
      %dma_wait3A_303 = tpu.memref_slice %arg6[%dma_wait3A_295, %dma_wait3A_296, %dma_wait3A_302] : memref<2x2x80xi32, #tpu.memory_space<vmem>> -> memref<1x1x75xi32, #tpu.memory_space<vmem>>
      %dma_wait3A_304 = tpu.memref_squeeze %dma_wait3A_303 : memref<1x1x75xi32, #tpu.memory_space<vmem>> -> memref<75xi32, #tpu.memory_space<vmem>>
      %dma_wait3A_305 = arith.constant 0 : i32
      %dma_wait3A_306 = arith.constant 0 : i32
      %dma_wait3A_307 = tpu.memref_slice %arg13[%dma_wait3A_305, %dma_wait3A_306] : memref<10000x128xf32, #tpu.memory_space<vmem_shared>> -> memref<10000x128xf32, #tpu.memory_space<vmem_shared>>
      tpu.wait_indirect_dma semaphore(%arg14 : memref<!tpu.dma_semaphore, #tpu.memory_space<semaphore_mem>>) src(%dma_wait3A_307 : memref<10000x128xf32, #tpu.memory_space<vmem_shared>>) dst(%dma_wait3A_301 : memref<75x128xf32, #tpu.memory_space<vmem>>)
      %parallel_loop3A = arith.constant 0 : i32
      %parallel_loop3A_308 = arith.constant 25 : i32
      %parallel_loop3A_309 = arith.constant 1 : i32
      scf.for %parallel_loop3A_571 = %parallel_loop3A to %parallel_loop3A_308 step %parallel_loop3A_309  : i32 {
        %parallel_loop3A_572 = arith.constant 3 : i32
        %parallel_loop3A_573 = arith.muli %parallel_loop3A_571, %parallel_loop3A_572 : i32
        %parallel_loop3A_574 = arith.constant 0 : i32
        %parallel_loop3A_575 = arith.constant 0 : i32
        %parallel_loop3A_576 = arith.index_cast %parallel_loop3A_574 : i32 to index
        %parallel_loop3A_577 = arith.index_cast %parallel_loop3A_575 : i32 to index
        %parallel_loop3A_578 = arith.index_cast %parallel_loop3A_573 : i32 to index
        %parallel_loop3A_579 = tpu.vector_load %arg8[%parallel_loop3A_576, %parallel_loop3A_577, %parallel_loop3A_578] {strides = array<i32>} : memref<2x2x96xf32, #tpu.memory_space<vmem>>, vector<1x1x16xf32>,
        %parallel_loop3A_580 = vector.shape_cast %parallel_loop3A_579 : vector<1x1x16xf32> to vector<16xf32>
        %parallel_loop3A_581 = vector.shape_cast %broadcast_in_dim3A : vector<16x1xi32> to vector<16xi32>
        %parallel_loop3A_582 = tpu.dynamic_gather %parallel_loop3A_580[%parallel_loop3A_581] in [0] : vector<16xf32>, vector<16xi32> -> vector<16xf32>
        %parallel_loop3A_583 = vector.shape_cast %broadcast_in_dim3A_49 : vector<16x1xi32> to vector<16xi32>
        %parallel_loop3A_584 = tpu.dynamic_gather %parallel_loop3A_580[%parallel_loop3A_583] in [0] : vector<16xf32>, vector<16xi32> -> vector<16xf32>
        %parallel_loop3A_585 = vector.shape_cast %broadcast_in_dim3A_75 : vector<16x1xi32> to vector<16xi32>
        %parallel_loop3A_586 = tpu.dynamic_gather %parallel_loop3A_580[%parallel_loop3A_585] in [0] : vector<16xf32>, vector<16xi32> -> vector<16xf32>
        %parallel_loop3A_587 = arith.constant 3 : i32
        %parallel_loop3A_588 = arith.muli %parallel_loop3A_571, %parallel_loop3A_587 : i32
        %parallel_loop3A_589 = arith.constant 0 : i32
        %parallel_loop3A_590 = arith.index_cast %parallel_loop3A_589 : i32 to index
        %parallel_loop3A_591 = arith.index_cast %parallel_loop3A_588 : i32 to index
        %parallel_loop3A_592 = arith.constant 0 : index
        %parallel_loop3A_593 = tpu.vector_load %arg10[%parallel_loop3A_590, %parallel_loop3A_591, %parallel_loop3A_592] {strides = array<i32>} : memref<2x75x128xf32, #tpu.memory_space<vmem>>, vector<1x1x16xf32>,
        %parallel_loop3A_594 = vector.shape_cast %parallel_loop3A_593 : vector<1x1x16xf32> to vector<16xf32>
        %parallel_loop3A_595 = arith.constant 3 : i32
        %parallel_loop3A_596 = arith.muli %parallel_loop3A_571, %parallel_loop3A_595 : i32
        %parallel_loop3A_597 = arith.constant 1 : i32
        %parallel_loop3A_598 = arith.addi %parallel_loop3A_596, %parallel_loop3A_597 : i32
        %parallel_loop3A_599 = arith.constant 0 : i32
        %parallel_loop3A_600 = arith.index_cast %parallel_loop3A_599 : i32 to index
        %parallel_loop3A_601 = arith.index_cast %parallel_loop3A_598 : i32 to index
        %parallel_loop3A_602 = arith.constant 0 : index
        %parallel_loop3A_603 = tpu.vector_load %arg10[%parallel_loop3A_600, %parallel_loop3A_601, %parallel_loop3A_602] {strides = array<i32>} : memref<2x75x128xf32, #tpu.memory_space<vmem>>, vector<1x1x16xf32>,
        %parallel_loop3A_604 = vector.shape_cast %parallel_loop3A_603 : vector<1x1x16xf32> to vector<16xf32>
        %parallel_loop3A_605 = arith.constant 3 : i32
        %parallel_loop3A_606 = arith.muli %parallel_loop3A_571, %parallel_loop3A_605 : i32
        %parallel_loop3A_607 = arith.constant 2 : i32
        %parallel_loop3A_608 = arith.addi %parallel_loop3A_606, %parallel_loop3A_607 : i32
        %parallel_loop3A_609 = arith.constant 0 : i32
        %parallel_loop3A_610 = arith.index_cast %parallel_loop3A_609 : i32 to index
        %parallel_loop3A_611 = arith.index_cast %parallel_loop3A_608 : i32 to index
        %parallel_loop3A_612 = arith.constant 0 : index
        %parallel_loop3A_613 = tpu.vector_load %arg10[%parallel_loop3A_610, %parallel_loop3A_611, %parallel_loop3A_612] {strides = array<i32>} : memref<2x75x128xf32, #tpu.memory_space<vmem>>, vector<1x1x16xf32>,
        %parallel_loop3A_614 = vector.shape_cast %parallel_loop3A_613 : vector<1x1x16xf32> to vector<16xf32>
        %parallel_loop3A_615 = arith.mulf %parallel_loop3A_582, %parallel_loop3A_594 : vector<16xf32>
        %parallel_loop3A_616 = arith.mulf %parallel_loop3A_586, %parallel_loop3A_604 : vector<16xf32>
        %parallel_loop3A_617 = arith.addf %parallel_loop3A_615, %parallel_loop3A_616 : vector<16xf32>
        %parallel_loop3A_618 = arith.mulf %parallel_loop3A_584, %parallel_loop3A_614 : vector<16xf32>
        %parallel_loop3A_619 = arith.addf %parallel_loop3A_617, %parallel_loop3A_618 : vector<16xf32>
        %parallel_loop3A_620 = arith.constant 3 : i32
        %parallel_loop3A_621 = arith.muli %parallel_loop3A_571, %parallel_loop3A_620 : i32
        %parallel_loop3A_622 = arith.constant 0 : i32
        %parallel_loop3A_623 = arith.index_cast %parallel_loop3A_622 : i32 to index
        %parallel_loop3A_624 = arith.index_cast %parallel_loop3A_621 : i32 to index
        %parallel_loop3A_625 = arith.constant 16 : index
        %parallel_loop3A_626 = tpu.vector_load %arg10[%parallel_loop3A_623, %parallel_loop3A_624, %parallel_loop3A_625] {strides = array<i32>} : memref<2x75x128xf32, #tpu.memory_space<vmem>>, vector<1x1x16xf32>,
        %parallel_loop3A_627 = vector.shape_cast %parallel_loop3A_626 : vector<1x1x16xf32> to vector<16xf32>
        %parallel_loop3A_628 = arith.constant 3 : i32
        %parallel_loop3A_629 = arith.muli %parallel_loop3A_571, %parallel_loop3A_628 : i32
        %parallel_loop3A_630 = arith.constant 1 : i32
        %parallel_loop3A_631 = arith.addi %parallel_loop3A_629, %parallel_loop3A_630 : i32
        %parallel_loop3A_632 = arith.constant 0 : i32
        %parallel_loop3A_633 = arith.index_cast %parallel_loop3A_632 : i32 to index
        %parallel_loop3A_634 = arith.index_cast %parallel_loop3A_631 : i32 to index
        %parallel_loop3A_635 = arith.constant 16 : index
        %parallel_loop3A_636 = tpu.vector_load %arg10[%parallel_loop3A_633, %parallel_loop3A_634, %parallel_loop3A_635] {strides = array<i32>} : memref<2x75x128xf32, #tpu.memory_space<vmem>>, vector<1x1x16xf32>,
        %parallel_loop3A_637 = vector.shape_cast %parallel_loop3A_636 : vector<1x1x16xf32> to vector<16xf32>
        %parallel_loop3A_638 = arith.constant 3 : i32
        %parallel_loop3A_639 = arith.muli %parallel_loop3A_571, %parallel_loop3A_638 : i32
        %parallel_loop3A_640 = arith.constant 2 : i32
        %parallel_loop3A_641 = arith.addi %parallel_loop3A_639, %parallel_loop3A_640 : i32
        %parallel_loop3A_642 = arith.constant 0 : i32
        %parallel_loop3A_643 = arith.index_cast %parallel_loop3A_642 : i32 to index
        %parallel_loop3A_644 = arith.index_cast %parallel_loop3A_641 : i32 to index
        %parallel_loop3A_645 = arith.constant 16 : index
        %parallel_loop3A_646 = tpu.vector_load %arg10[%parallel_loop3A_643, %parallel_loop3A_644, %parallel_loop3A_645] {strides = array<i32>} : memref<2x75x128xf32, #tpu.memory_space<vmem>>, vector<1x1x16xf32>,
        %parallel_loop3A_647 = vector.shape_cast %parallel_loop3A_646 : vector<1x1x16xf32> to vector<16xf32>
        %parallel_loop3A_648 = arith.mulf %parallel_loop3A_584, %parallel_loop3A_627 : vector<16xf32>
        %parallel_loop3A_649 = arith.mulf %parallel_loop3A_582, %parallel_loop3A_637 : vector<16xf32>
        %parallel_loop3A_650 = arith.addf %parallel_loop3A_648, %parallel_loop3A_649 : vector<16xf32>
        %parallel_loop3A_651 = arith.mulf %parallel_loop3A_586, %parallel_loop3A_647 : vector<16xf32>
        %parallel_loop3A_652 = arith.addf %parallel_loop3A_650, %parallel_loop3A_651 : vector<16xf32>
        %parallel_loop3A_653 = arith.constant 3 : i32
        %parallel_loop3A_654 = arith.muli %parallel_loop3A_571, %parallel_loop3A_653 : i32
        %parallel_loop3A_655 = arith.constant 0 : i32
        %parallel_loop3A_656 = arith.index_cast %parallel_loop3A_655 : i32 to index
        %parallel_loop3A_657 = arith.index_cast %parallel_loop3A_654 : i32 to index
        %parallel_loop3A_658 = arith.constant 32 : index
        %parallel_loop3A_659 = tpu.vector_load %arg10[%parallel_loop3A_656, %parallel_loop3A_657, %parallel_loop3A_658] {strides = array<i32>} : memref<2x75x128xf32, #tpu.memory_space<vmem>>, vector<1x1x16xf32>,
        %parallel_loop3A_660 = vector.shape_cast %parallel_loop3A_659 : vector<1x1x16xf32> to vector<16xf32>
        %parallel_loop3A_661 = arith.constant 3 : i32
        %parallel_loop3A_662 = arith.muli %parallel_loop3A_571, %parallel_loop3A_661 : i32
        %parallel_loop3A_663 = arith.constant 1 : i32
        %parallel_loop3A_664 = arith.addi %parallel_loop3A_662, %parallel_loop3A_663 : i32
        %parallel_loop3A_665 = arith.constant 0 : i32
        %parallel_loop3A_666 = arith.index_cast %parallel_loop3A_665 : i32 to index
        %parallel_loop3A_667 = arith.index_cast %parallel_loop3A_664 : i32 to index
        %parallel_loop3A_668 = arith.constant 32 : index
        %parallel_loop3A_669 = tpu.vector_load %arg10[%parallel_loop3A_666, %parallel_loop3A_667, %parallel_loop3A_668] {strides = array<i32>} : memref<2x75x128xf32, #tpu.memory_space<vmem>>, vector<1x1x16xf32>,
        %parallel_loop3A_670 = vector.shape_cast %parallel_loop3A_669 : vector<1x1x16xf32> to vector<16xf32>
        %parallel_loop3A_671 = arith.constant 3 : i32
        %parallel_loop3A_672 = arith.muli %parallel_loop3A_571, %parallel_loop3A_671 : i32
        %parallel_loop3A_673 = arith.constant 2 : i32
        %parallel_loop3A_674 = arith.addi %parallel_loop3A_672, %parallel_loop3A_673 : i32
        %parallel_loop3A_675 = arith.constant 0 : i32
        %parallel_loop3A_676 = arith.index_cast %parallel_loop3A_675 : i32 to index
        %parallel_loop3A_677 = arith.index_cast %parallel_loop3A_674 : i32 to index
        %parallel_loop3A_678 = arith.constant 32 : index
        %parallel_loop3A_679 = tpu.vector_load %arg10[%parallel_loop3A_676, %parallel_loop3A_677, %parallel_loop3A_678] {strides = array<i32>} : memref<2x75x128xf32, #tpu.memory_space<vmem>>, vector<1x1x16xf32>,
        %parallel_loop3A_680 = vector.shape_cast %parallel_loop3A_679 : vector<1x1x16xf32> to vector<16xf32>
        %parallel_loop3A_681 = arith.mulf %parallel_loop3A_586, %parallel_loop3A_660 : vector<16xf32>
        %parallel_loop3A_682 = arith.mulf %parallel_loop3A_584, %parallel_loop3A_670 : vector<16xf32>
        %parallel_loop3A_683 = arith.addf %parallel_loop3A_681, %parallel_loop3A_682 : vector<16xf32>
        %parallel_loop3A_684 = arith.mulf %parallel_loop3A_582, %parallel_loop3A_680 : vector<16xf32>
        %parallel_loop3A_685 = arith.addf %parallel_loop3A_683, %parallel_loop3A_684 : vector<16xf32>
        %parallel_loop3A_686 = arith.constant 3 : i32
        %parallel_loop3A_687 = arith.muli %parallel_loop3A_571, %parallel_loop3A_686 : i32
        %parallel_loop3A_688 = arith.constant 0 : i32
        %parallel_loop3A_689 = arith.index_cast %parallel_loop3A_688 : i32 to index
        %parallel_loop3A_690 = arith.index_cast %parallel_loop3A_687 : i32 to index
        %parallel_loop3A_691 = arith.constant 48 : index
        %parallel_loop3A_692 = tpu.vector_load %arg10[%parallel_loop3A_689, %parallel_loop3A_690, %parallel_loop3A_691] {strides = array<i32>} : memref<2x75x128xf32, #tpu.memory_space<vmem>>, vector<1x1x16xf32>,
        %parallel_loop3A_693 = vector.shape_cast %parallel_loop3A_692 : vector<1x1x16xf32> to vector<16xf32>
        %parallel_loop3A_694 = arith.constant 3 : i32
        %parallel_loop3A_695 = arith.muli %parallel_loop3A_571, %parallel_loop3A_694 : i32
        %parallel_loop3A_696 = arith.constant 1 : i32
        %parallel_loop3A_697 = arith.addi %parallel_loop3A_695, %parallel_loop3A_696 : i32
        %parallel_loop3A_698 = arith.constant 0 : i32
        %parallel_loop3A_699 = arith.index_cast %parallel_loop3A_698 : i32 to index
        %parallel_loop3A_700 = arith.index_cast %parallel_loop3A_697 : i32 to index
        %parallel_loop3A_701 = arith.constant 48 : index
        %parallel_loop3A_702 = tpu.vector_load %arg10[%parallel_loop3A_699, %parallel_loop3A_700, %parallel_loop3A_701] {strides = array<i32>} : memref<2x75x128xf32, #tpu.memory_space<vmem>>, vector<1x1x16xf32>,
        %parallel_loop3A_703 = vector.shape_cast %parallel_loop3A_702 : vector<1x1x16xf32> to vector<16xf32>
        %parallel_loop3A_704 = arith.constant 3 : i32
        %parallel_loop3A_705 = arith.muli %parallel_loop3A_571, %parallel_loop3A_704 : i32
        %parallel_loop3A_706 = arith.constant 2 : i32
        %parallel_loop3A_707 = arith.addi %parallel_loop3A_705, %parallel_loop3A_706 : i32
        %parallel_loop3A_708 = arith.constant 0 : i32
        %parallel_loop3A_709 = arith.index_cast %parallel_loop3A_708 : i32 to index
        %parallel_loop3A_710 = arith.index_cast %parallel_loop3A_707 : i32 to index
        %parallel_loop3A_711 = arith.constant 48 : index
        %parallel_loop3A_712 = tpu.vector_load %arg10[%parallel_loop3A_709, %parallel_loop3A_710, %parallel_loop3A_711] {strides = array<i32>} : memref<2x75x128xf32, #tpu.memory_space<vmem>>, vector<1x1x16xf32>,
        %parallel_loop3A_713 = vector.shape_cast %parallel_loop3A_712 : vector<1x1x16xf32> to vector<16xf32>
        %parallel_loop3A_714 = arith.mulf %parallel_loop3A_582, %parallel_loop3A_693 : vector<16xf32>
        %parallel_loop3A_715 = arith.mulf %parallel_loop3A_586, %parallel_loop3A_703 : vector<16xf32>
        %parallel_loop3A_716 = arith.addf %parallel_loop3A_714, %parallel_loop3A_715 : vector<16xf32>
        %parallel_loop3A_717 = arith.mulf %parallel_loop3A_584, %parallel_loop3A_713 : vector<16xf32>
        %parallel_loop3A_718 = arith.addf %parallel_loop3A_716, %parallel_loop3A_717 : vector<16xf32>
        %parallel_loop3A_719 = arith.constant 3 : i32
        %parallel_loop3A_720 = arith.muli %parallel_loop3A_571, %parallel_loop3A_719 : i32
        %parallel_loop3A_721 = arith.constant 0 : i32
        %parallel_loop3A_722 = arith.index_cast %parallel_loop3A_721 : i32 to index
        %parallel_loop3A_723 = arith.index_cast %parallel_loop3A_720 : i32 to index
        %parallel_loop3A_724 = arith.constant 64 : index
        %parallel_loop3A_725 = tpu.vector_load %arg10[%parallel_loop3A_722, %parallel_loop3A_723, %parallel_loop3A_724] {strides = array<i32>} : memref<2x75x128xf32, #tpu.memory_space<vmem>>, vector<1x1x16xf32>,
        %parallel_loop3A_726 = vector.shape_cast %parallel_loop3A_725 : vector<1x1x16xf32> to vector<16xf32>
        %parallel_loop3A_727 = arith.constant 3 : i32
        %parallel_loop3A_728 = arith.muli %parallel_loop3A_571, %parallel_loop3A_727 : i32
        %parallel_loop3A_729 = arith.constant 1 : i32
        %parallel_loop3A_730 = arith.addi %parallel_loop3A_728, %parallel_loop3A_729 : i32
        %parallel_loop3A_731 = arith.constant 0 : i32
        %parallel_loop3A_732 = arith.index_cast %parallel_loop3A_731 : i32 to index
        %parallel_loop3A_733 = arith.index_cast %parallel_loop3A_730 : i32 to index
        %parallel_loop3A_734 = arith.constant 64 : index
        %parallel_loop3A_735 = tpu.vector_load %arg10[%parallel_loop3A_732, %parallel_loop3A_733, %parallel_loop3A_734] {strides = array<i32>} : memref<2x75x128xf32, #tpu.memory_space<vmem>>, vector<1x1x16xf32>,
        %parallel_loop3A_736 = vector.shape_cast %parallel_loop3A_735 : vector<1x1x16xf32> to vector<16xf32>
        %parallel_loop3A_737 = arith.constant 3 : i32
        %parallel_loop3A_738 = arith.muli %parallel_loop3A_571, %parallel_loop3A_737 : i32
        %parallel_loop3A_739 = arith.constant 2 : i32
        %parallel_loop3A_740 = arith.addi %parallel_loop3A_738, %parallel_loop3A_739 : i32
        %parallel_loop3A_741 = arith.constant 0 : i32
        %parallel_loop3A_742 = arith.index_cast %parallel_loop3A_741 : i32 to index
        %parallel_loop3A_743 = arith.index_cast %parallel_loop3A_740 : i32 to index
        %parallel_loop3A_744 = arith.constant 64 : index
        %parallel_loop3A_745 = tpu.vector_load %arg10[%parallel_loop3A_742, %parallel_loop3A_743, %parallel_loop3A_744] {strides = array<i32>} : memref<2x75x128xf32, #tpu.memory_space<vmem>>, vector<1x1x16xf32>,
        %parallel_loop3A_746 = vector.shape_cast %parallel_loop3A_745 : vector<1x1x16xf32> to vector<16xf32>
        %parallel_loop3A_747 = arith.mulf %parallel_loop3A_584, %parallel_loop3A_726 : vector<16xf32>
        %parallel_loop3A_748 = arith.mulf %parallel_loop3A_582, %parallel_loop3A_736 : vector<16xf32>
        %parallel_loop3A_749 = arith.addf %parallel_loop3A_747, %parallel_loop3A_748 : vector<16xf32>
        %parallel_loop3A_750 = arith.mulf %parallel_loop3A_586, %parallel_loop3A_746 : vector<16xf32>
        %parallel_loop3A_751 = arith.addf %parallel_loop3A_749, %parallel_loop3A_750 : vector<16xf32>
        %parallel_loop3A_752 = arith.constant 3 : i32
        %parallel_loop3A_753 = arith.muli %parallel_loop3A_571, %parallel_loop3A_752 : i32
        %parallel_loop3A_754 = arith.constant 0 : i32
        %parallel_loop3A_755 = arith.index_cast %parallel_loop3A_754 : i32 to index
        %parallel_loop3A_756 = arith.index_cast %parallel_loop3A_753 : i32 to index
        %parallel_loop3A_757 = arith.constant 80 : index
        %parallel_loop3A_758 = tpu.vector_load %arg10[%parallel_loop3A_755, %parallel_loop3A_756, %parallel_loop3A_757] {strides = array<i32>} : memref<2x75x128xf32, #tpu.memory_space<vmem>>, vector<1x1x16xf32>,
        %parallel_loop3A_759 = vector.shape_cast %parallel_loop3A_758 : vector<1x1x16xf32> to vector<16xf32>
        %parallel_loop3A_760 = arith.constant 3 : i32
        %parallel_loop3A_761 = arith.muli %parallel_loop3A_571, %parallel_loop3A_760 : i32
        %parallel_loop3A_762 = arith.constant 1 : i32
        %parallel_loop3A_763 = arith.addi %parallel_loop3A_761, %parallel_loop3A_762 : i32
        %parallel_loop3A_764 = arith.constant 0 : i32
        %parallel_loop3A_765 = arith.index_cast %parallel_loop3A_764 : i32 to index
        %parallel_loop3A_766 = arith.index_cast %parallel_loop3A_763 : i32 to index
        %parallel_loop3A_767 = arith.constant 80 : index
        %parallel_loop3A_768 = tpu.vector_load %arg10[%parallel_loop3A_765, %parallel_loop3A_766, %parallel_loop3A_767] {strides = array<i32>} : memref<2x75x128xf32, #tpu.memory_space<vmem>>, vector<1x1x16xf32>,
        %parallel_loop3A_769 = vector.shape_cast %parallel_loop3A_768 : vector<1x1x16xf32> to vector<16xf32>
        %parallel_loop3A_770 = arith.constant 3 : i32
        %parallel_loop3A_771 = arith.muli %parallel_loop3A_571, %parallel_loop3A_770 : i32
        %parallel_loop3A_772 = arith.constant 2 : i32
        %parallel_loop3A_773 = arith.addi %parallel_loop3A_771, %parallel_loop3A_772 : i32
        %parallel_loop3A_774 = arith.constant 0 : i32
        %parallel_loop3A_775 = arith.index_cast %parallel_loop3A_774 : i32 to index
        %parallel_loop3A_776 = arith.index_cast %parallel_loop3A_773 : i32 to index
        %parallel_loop3A_777 = arith.constant 80 : index
        %parallel_loop3A_778 = tpu.vector_load %arg10[%parallel_loop3A_775, %parallel_loop3A_776, %parallel_loop3A_777] {strides = array<i32>} : memref<2x75x128xf32, #tpu.memory_space<vmem>>, vector<1x1x16xf32>,
        %parallel_loop3A_779 = vector.shape_cast %parallel_loop3A_778 : vector<1x1x16xf32> to vector<16xf32>
        %parallel_loop3A_780 = arith.mulf %parallel_loop3A_586, %parallel_loop3A_759 : vector<16xf32>
        %parallel_loop3A_781 = arith.mulf %parallel_loop3A_584, %parallel_loop3A_769 : vector<16xf32>
        %parallel_loop3A_782 = arith.addf %parallel_loop3A_780, %parallel_loop3A_781 : vector<16xf32>
        %parallel_loop3A_783 = arith.mulf %parallel_loop3A_582, %parallel_loop3A_779 : vector<16xf32>
        %parallel_loop3A_784 = arith.addf %parallel_loop3A_782, %parallel_loop3A_783 : vector<16xf32>
        %parallel_loop3A_785 = arith.constant 3 : i32
        %parallel_loop3A_786 = arith.muli %parallel_loop3A_571, %parallel_loop3A_785 : i32
        %parallel_loop3A_787 = arith.constant 0 : i32
        %parallel_loop3A_788 = arith.index_cast %parallel_loop3A_787 : i32 to index
        %parallel_loop3A_789 = arith.index_cast %parallel_loop3A_786 : i32 to index
        %parallel_loop3A_790 = arith.constant 96 : index
        %parallel_loop3A_791 = tpu.vector_load %arg10[%parallel_loop3A_788, %parallel_loop3A_789, %parallel_loop3A_790] {strides = array<i32>} : memref<2x75x128xf32, #tpu.memory_space<vmem>>, vector<1x1x16xf32>,
        %parallel_loop3A_792 = vector.shape_cast %parallel_loop3A_791 : vector<1x1x16xf32> to vector<16xf32>
        %parallel_loop3A_793 = arith.constant 3 : i32
        %parallel_loop3A_794 = arith.muli %parallel_loop3A_571, %parallel_loop3A_793 : i32
        %parallel_loop3A_795 = arith.constant 1 : i32
        %parallel_loop3A_796 = arith.addi %parallel_loop3A_794, %parallel_loop3A_795 : i32
        %parallel_loop3A_797 = arith.constant 0 : i32
        %parallel_loop3A_798 = arith.index_cast %parallel_loop3A_797 : i32 to index
        %parallel_loop3A_799 = arith.index_cast %parallel_loop3A_796 : i32 to index
        %parallel_loop3A_800 = arith.constant 96 : index
        %parallel_loop3A_801 = tpu.vector_load %arg10[%parallel_loop3A_798, %parallel_loop3A_799, %parallel_loop3A_800] {strides = array<i32>} : memref<2x75x128xf32, #tpu.memory_space<vmem>>, vector<1x1x16xf32>,
        %parallel_loop3A_802 = vector.shape_cast %parallel_loop3A_801 : vector<1x1x16xf32> to vector<16xf32>
        %parallel_loop3A_803 = arith.constant 3 : i32
        %parallel_loop3A_804 = arith.muli %parallel_loop3A_571, %parallel_loop3A_803 : i32
        %parallel_loop3A_805 = arith.constant 2 : i32
        %parallel_loop3A_806 = arith.addi %parallel_loop3A_804, %parallel_loop3A_805 : i32
        %parallel_loop3A_807 = arith.constant 0 : i32
        %parallel_loop3A_808 = arith.index_cast %parallel_loop3A_807 : i32 to index
        %parallel_loop3A_809 = arith.index_cast %parallel_loop3A_806 : i32 to index
        %parallel_loop3A_810 = arith.constant 96 : index
        %parallel_loop3A_811 = tpu.vector_load %arg10[%parallel_loop3A_808, %parallel_loop3A_809, %parallel_loop3A_810] {strides = array<i32>} : memref<2x75x128xf32, #tpu.memory_space<vmem>>, vector<1x1x16xf32>,
        %parallel_loop3A_812 = vector.shape_cast %parallel_loop3A_811 : vector<1x1x16xf32> to vector<16xf32>
        %parallel_loop3A_813 = arith.mulf %parallel_loop3A_582, %parallel_loop3A_792 : vector<16xf32>
        %parallel_loop3A_814 = arith.mulf %parallel_loop3A_586, %parallel_loop3A_802 : vector<16xf32>
        %parallel_loop3A_815 = arith.addf %parallel_loop3A_813, %parallel_loop3A_814 : vector<16xf32>
        %parallel_loop3A_816 = arith.mulf %parallel_loop3A_584, %parallel_loop3A_812 : vector<16xf32>
        %parallel_loop3A_817 = arith.addf %parallel_loop3A_815, %parallel_loop3A_816 : vector<16xf32>
        %parallel_loop3A_818 = arith.constant 3 : i32
        %parallel_loop3A_819 = arith.muli %parallel_loop3A_571, %parallel_loop3A_818 : i32
        %parallel_loop3A_820 = arith.constant 0 : i32
        %parallel_loop3A_821 = arith.index_cast %parallel_loop3A_820 : i32 to index
        %parallel_loop3A_822 = arith.index_cast %parallel_loop3A_819 : i32 to index
        %parallel_loop3A_823 = arith.constant 112 : index
        %parallel_loop3A_824 = tpu.vector_load %arg10[%parallel_loop3A_821, %parallel_loop3A_822, %parallel_loop3A_823] {strides = array<i32>} : memref<2x75x128xf32, #tpu.memory_space<vmem>>, vector<1x1x16xf32>,
        %parallel_loop3A_825 = vector.shape_cast %parallel_loop3A_824 : vector<1x1x16xf32> to vector<16xf32>
        %parallel_loop3A_826 = arith.constant 3 : i32
        %parallel_loop3A_827 = arith.muli %parallel_loop3A_571, %parallel_loop3A_826 : i32
        %parallel_loop3A_828 = arith.constant 1 : i32
        %parallel_loop3A_829 = arith.addi %parallel_loop3A_827, %parallel_loop3A_828 : i32
        %parallel_loop3A_830 = arith.constant 0 : i32
        %parallel_loop3A_831 = arith.index_cast %parallel_loop3A_830 : i32 to index
        %parallel_loop3A_832 = arith.index_cast %parallel_loop3A_829 : i32 to index
        %parallel_loop3A_833 = arith.constant 112 : index
        %parallel_loop3A_834 = tpu.vector_load %arg10[%parallel_loop3A_831, %parallel_loop3A_832, %parallel_loop3A_833] {strides = array<i32>} : memref<2x75x128xf32, #tpu.memory_space<vmem>>, vector<1x1x16xf32>,
        %parallel_loop3A_835 = vector.shape_cast %parallel_loop3A_834 : vector<1x1x16xf32> to vector<16xf32>
        %parallel_loop3A_836 = arith.constant 3 : i32
        %parallel_loop3A_837 = arith.muli %parallel_loop3A_571, %parallel_loop3A_836 : i32
        %parallel_loop3A_838 = arith.constant 2 : i32
        %parallel_loop3A_839 = arith.addi %parallel_loop3A_837, %parallel_loop3A_838 : i32
        %parallel_loop3A_840 = arith.constant 0 : i32
        %parallel_loop3A_841 = arith.index_cast %parallel_loop3A_840 : i32 to index
        %parallel_loop3A_842 = arith.index_cast %parallel_loop3A_839 : i32 to index
        %parallel_loop3A_843 = arith.constant 112 : index
        %parallel_loop3A_844 = tpu.vector_load %arg10[%parallel_loop3A_841, %parallel_loop3A_842, %parallel_loop3A_843] {strides = array<i32>} : memref<2x75x128xf32, #tpu.memory_space<vmem>>, vector<1x1x16xf32>,
        %parallel_loop3A_845 = vector.shape_cast %parallel_loop3A_844 : vector<1x1x16xf32> to vector<16xf32>
        %parallel_loop3A_846 = arith.mulf %parallel_loop3A_584, %parallel_loop3A_825 : vector<16xf32>
        %parallel_loop3A_847 = arith.mulf %parallel_loop3A_582, %parallel_loop3A_835 : vector<16xf32>
        %parallel_loop3A_848 = arith.addf %parallel_loop3A_846, %parallel_loop3A_847 : vector<16xf32>
        %parallel_loop3A_849 = arith.mulf %parallel_loop3A_586, %parallel_loop3A_845 : vector<16xf32>
        %parallel_loop3A_850 = arith.addf %parallel_loop3A_848, %parallel_loop3A_849 : vector<16xf32>
        %parallel_loop3A_851 = arith.constant 128 : i32
        %parallel_loop3A_852 = arith.muli %parallel_loop3A_571, %parallel_loop3A_851 : i32
        %parallel_loop3A_853 = arith.constant 0 : i32
        %parallel_loop3A_854 = arith.addi %parallel_loop3A_852, %parallel_loop3A_853 : i32
        %parallel_loop3A_855 = arith.constant 0 : i32
        %parallel_loop3A_856 = arith.index_cast %parallel_loop3A_855 : i32 to index
        %parallel_loop3A_857 = arith.index_cast %parallel_loop3A_854 : i32 to index
        %parallel_loop3A_858 = tpu.vector_load %arg12[%parallel_loop3A_856, %parallel_loop3A_857] {strides = array<i32>} : memref<2x3200xf32, #tpu.memory_space<vmem>>, vector<1x16xf32>,
        %parallel_loop3A_859 = vector.shape_cast %parallel_loop3A_858 : vector<1x16xf32> to vector<16xf32>
        %parallel_loop3A_860 = vector.shape_cast %parallel_loop3A_619 : vector<16xf32> to vector<1x16xf32>
        tpu.vector_store %arg12[%parallel_loop3A_856, %parallel_loop3A_857], %parallel_loop3A_860 {strides = array<i32>} : memref<2x3200xf32, #tpu.memory_space<vmem>>, vector<1x16xf32>,
        %parallel_loop3A_861 = arith.constant 128 : i32
        %parallel_loop3A_862 = arith.muli %parallel_loop3A_571, %parallel_loop3A_861 : i32
        %parallel_loop3A_863 = arith.constant 16 : i32
        %parallel_loop3A_864 = arith.addi %parallel_loop3A_862, %parallel_loop3A_863 : i32
        %parallel_loop3A_865 = arith.constant 0 : i32
        %parallel_loop3A_866 = arith.index_cast %parallel_loop3A_865 : i32 to index
        %parallel_loop3A_867 = arith.index_cast %parallel_loop3A_864 : i32 to index
        %parallel_loop3A_868 = tpu.vector_load %arg12[%parallel_loop3A_866, %parallel_loop3A_867] {strides = array<i32>} : memref<2x3200xf32, #tpu.memory_space<vmem>>, vector<1x16xf32>,
        %parallel_loop3A_869 = vector.shape_cast %parallel_loop3A_868 : vector<1x16xf32> to vector<16xf32>
        %parallel_loop3A_870 = vector.shape_cast %parallel_loop3A_652 : vector<16xf32> to vector<1x16xf32>
        tpu.vector_store %arg12[%parallel_loop3A_866, %parallel_loop3A_867], %parallel_loop3A_870 {strides = array<i32>} : memref<2x3200xf32, #tpu.memory_space<vmem>>, vector<1x16xf32>,
        %parallel_loop3A_871 = arith.constant 128 : i32
        %parallel_loop3A_872 = arith.muli %parallel_loop3A_571, %parallel_loop3A_871 : i32
        %parallel_loop3A_873 = arith.constant 32 : i32
        %parallel_loop3A_874 = arith.addi %parallel_loop3A_872, %parallel_loop3A_873 : i32
        %parallel_loop3A_875 = arith.constant 0 : i32
        %parallel_loop3A_876 = arith.index_cast %parallel_loop3A_875 : i32 to index
        %parallel_loop3A_877 = arith.index_cast %parallel_loop3A_874 : i32 to index
        %parallel_loop3A_878 = tpu.vector_load %arg12[%parallel_loop3A_876, %parallel_loop3A_877] {strides = array<i32>} : memref<2x3200xf32, #tpu.memory_space<vmem>>, vector<1x16xf32>,
        %parallel_loop3A_879 = vector.shape_cast %parallel_loop3A_878 : vector<1x16xf32> to vector<16xf32>
        %parallel_loop3A_880 = vector.shape_cast %parallel_loop3A_685 : vector<16xf32> to vector<1x16xf32>
        tpu.vector_store %arg12[%parallel_loop3A_876, %parallel_loop3A_877], %parallel_loop3A_880 {strides = array<i32>} : memref<2x3200xf32, #tpu.memory_space<vmem>>, vector<1x16xf32>,
        %parallel_loop3A_881 = arith.constant 128 : i32
        %parallel_loop3A_882 = arith.muli %parallel_loop3A_571, %parallel_loop3A_881 : i32
        %parallel_loop3A_883 = arith.constant 48 : i32
        %parallel_loop3A_884 = arith.addi %parallel_loop3A_882, %parallel_loop3A_883 : i32
        %parallel_loop3A_885 = arith.constant 0 : i32
        %parallel_loop3A_886 = arith.index_cast %parallel_loop3A_885 : i32 to index
        %parallel_loop3A_887 = arith.index_cast %parallel_loop3A_884 : i32 to index
        %parallel_loop3A_888 = tpu.vector_load %arg12[%parallel_loop3A_886, %parallel_loop3A_887] {strides = array<i32>} : memref<2x3200xf32, #tpu.memory_space<vmem>>, vector<1x16xf32>,
        %parallel_loop3A_889 = vector.shape_cast %parallel_loop3A_888 : vector<1x16xf32> to vector<16xf32>
        %parallel_loop3A_890 = vector.shape_cast %parallel_loop3A_718 : vector<16xf32> to vector<1x16xf32>
        tpu.vector_store %arg12[%parallel_loop3A_886, %parallel_loop3A_887], %parallel_loop3A_890 {strides = array<i32>} : memref<2x3200xf32, #tpu.memory_space<vmem>>, vector<1x16xf32>,
        %parallel_loop3A_891 = arith.constant 128 : i32
        %parallel_loop3A_892 = arith.muli %parallel_loop3A_571, %parallel_loop3A_891 : i32
        %parallel_loop3A_893 = arith.constant 64 : i32
        %parallel_loop3A_894 = arith.addi %parallel_loop3A_892, %parallel_loop3A_893 : i32
        %parallel_loop3A_895 = arith.constant 0 : i32
        %parallel_loop3A_896 = arith.index_cast %parallel_loop3A_895 : i32 to index
        %parallel_loop3A_897 = arith.index_cast %parallel_loop3A_894 : i32 to index
        %parallel_loop3A_898 = tpu.vector_load %arg12[%parallel_loop3A_896, %parallel_loop3A_897] {strides = array<i32>} : memref<2x3200xf32, #tpu.memory_space<vmem>>, vector<1x16xf32>,
        %parallel_loop3A_899 = vector.shape_cast %parallel_loop3A_898 : vector<1x16xf32> to vector<16xf32>
        %parallel_loop3A_900 = vector.shape_cast %parallel_loop3A_751 : vector<16xf32> to vector<1x16xf32>
        tpu.vector_store %arg12[%parallel_loop3A_896, %parallel_loop3A_897], %parallel_loop3A_900 {strides = array<i32>} : memref<2x3200xf32, #tpu.memory_space<vmem>>, vector<1x16xf32>,
        %parallel_loop3A_901 = arith.constant 128 : i32
        %parallel_loop3A_902 = arith.muli %parallel_loop3A_571, %parallel_loop3A_901 : i32
        %parallel_loop3A_903 = arith.constant 80 : i32
        %parallel_loop3A_904 = arith.addi %parallel_loop3A_902, %parallel_loop3A_903 : i32
        %parallel_loop3A_905 = arith.constant 0 : i32
        %parallel_loop3A_906 = arith.index_cast %parallel_loop3A_905 : i32 to index
        %parallel_loop3A_907 = arith.index_cast %parallel_loop3A_904 : i32 to index
        %parallel_loop3A_908 = tpu.vector_load %arg12[%parallel_loop3A_906, %parallel_loop3A_907] {strides = array<i32>} : memref<2x3200xf32, #tpu.memory_space<vmem>>, vector<1x16xf32>,
        %parallel_loop3A_909 = vector.shape_cast %parallel_loop3A_908 : vector<1x16xf32> to vector<16xf32>
        %parallel_loop3A_910 = vector.shape_cast %parallel_loop3A_784 : vector<16xf32> to vector<1x16xf32>
        tpu.vector_store %arg12[%parallel_loop3A_906, %parallel_loop3A_907], %parallel_loop3A_910 {strides = array<i32>} : memref<2x3200xf32, #tpu.memory_space<vmem>>, vector<1x16xf32>,
        %parallel_loop3A_911 = arith.constant 128 : i32
        %parallel_loop3A_912 = arith.muli %parallel_loop3A_571, %parallel_loop3A_911 : i32
        %parallel_loop3A_913 = arith.constant 96 : i32
        %parallel_loop3A_914 = arith.addi %parallel_loop3A_912, %parallel_loop3A_913 : i32
        %parallel_loop3A_915 = arith.constant 0 : i32
        %parallel_loop3A_916 = arith.index_cast %parallel_loop3A_915 : i32 to index
        %parallel_loop3A_917 = arith.index_cast %parallel_loop3A_914 : i32 to index
        %parallel_loop3A_918 = tpu.vector_load %arg12[%parallel_loop3A_916, %parallel_loop3A_917] {strides = array<i32>} : memref<2x3200xf32, #tpu.memory_space<vmem>>, vector<1x16xf32>,
        %parallel_loop3A_919 = vector.shape_cast %parallel_loop3A_918 : vector<1x16xf32> to vector<16xf32>
        %parallel_loop3A_920 = vector.shape_cast %parallel_loop3A_817 : vector<16xf32> to vector<1x16xf32>
        tpu.vector_store %arg12[%parallel_loop3A_916, %parallel_loop3A_917], %parallel_loop3A_920 {strides = array<i32>} : memref<2x3200xf32, #tpu.memory_space<vmem>>, vector<1x16xf32>,
        %parallel_loop3A_921 = arith.constant 128 : i32
        %parallel_loop3A_922 = arith.muli %parallel_loop3A_571, %parallel_loop3A_921 : i32
        %parallel_loop3A_923 = arith.constant 112 : i32
        %parallel_loop3A_924 = arith.addi %parallel_loop3A_922, %parallel_loop3A_923 : i32
        %parallel_loop3A_925 = arith.constant 0 : i32
        %parallel_loop3A_926 = arith.index_cast %parallel_loop3A_925 : i32 to index
        %parallel_loop3A_927 = arith.index_cast %parallel_loop3A_924 : i32 to index
        %parallel_loop3A_928 = tpu.vector_load %arg12[%parallel_loop3A_926, %parallel_loop3A_927] {strides = array<i32>} : memref<2x3200xf32, #tpu.memory_space<vmem>>, vector<1x16xf32>,
        %parallel_loop3A_929 = vector.shape_cast %parallel_loop3A_928 : vector<1x16xf32> to vector<16xf32>
        %parallel_loop3A_930 = vector.shape_cast %parallel_loop3A_850 : vector<16xf32> to vector<1x16xf32>
        tpu.vector_store %arg12[%parallel_loop3A_926, %parallel_loop3A_927], %parallel_loop3A_930 {strides = array<i32>} : memref<2x3200xf32, #tpu.memory_space<vmem>>, vector<1x16xf32>,
        %parallel_loop3A_931 = arith.constant 3 : i32
        %parallel_loop3A_932 = arith.muli %parallel_loop3A_571, %parallel_loop3A_931 : i32
        %parallel_loop3A_933 = arith.constant 0 : i32
        %parallel_loop3A_934 = arith.constant 1 : i32
        %parallel_loop3A_935 = arith.index_cast %parallel_loop3A_933 : i32 to index
        %parallel_loop3A_936 = arith.index_cast %parallel_loop3A_934 : i32 to index
        %parallel_loop3A_937 = arith.index_cast %parallel_loop3A_932 : i32 to index
        %parallel_loop3A_938 = tpu.vector_load %arg8[%parallel_loop3A_935, %parallel_loop3A_936, %parallel_loop3A_937] {strides = array<i32>} : memref<2x2x96xf32, #tpu.memory_space<vmem>>, vector<1x1x16xf32>,
        %parallel_loop3A_939 = vector.shape_cast %parallel_loop3A_938 : vector<1x1x16xf32> to vector<16xf32>
        %parallel_loop3A_940 = vector.shape_cast %broadcast_in_dim3A : vector<16x1xi32> to vector<16xi32>
        %parallel_loop3A_941 = tpu.dynamic_gather %parallel_loop3A_939[%parallel_loop3A_940] in [0] : vector<16xf32>, vector<16xi32> -> vector<16xf32>
        %parallel_loop3A_942 = vector.shape_cast %broadcast_in_dim3A_49 : vector<16x1xi32> to vector<16xi32>
        %parallel_loop3A_943 = tpu.dynamic_gather %parallel_loop3A_939[%parallel_loop3A_942] in [0] : vector<16xf32>, vector<16xi32> -> vector<16xf32>
        %parallel_loop3A_944 = vector.shape_cast %broadcast_in_dim3A_75 : vector<16x1xi32> to vector<16xi32>
        %parallel_loop3A_945 = tpu.dynamic_gather %parallel_loop3A_939[%parallel_loop3A_944] in [0] : vector<16xf32>, vector<16xi32> -> vector<16xf32>
        %parallel_loop3A_946 = arith.constant 3 : i32
        %parallel_loop3A_947 = arith.muli %parallel_loop3A_571, %parallel_loop3A_946 : i32
        %parallel_loop3A_948 = arith.constant 1 : i32
        %parallel_loop3A_949 = arith.index_cast %parallel_loop3A_948 : i32 to index
        %parallel_loop3A_950 = arith.index_cast %parallel_loop3A_947 : i32 to index
        %parallel_loop3A_951 = arith.constant 0 : index
        %parallel_loop3A_952 = tpu.vector_load %arg10[%parallel_loop3A_949, %parallel_loop3A_950, %parallel_loop3A_951] {strides = array<i32>} : memref<2x75x128xf32, #tpu.memory_space<vmem>>, vector<1x1x16xf32>,
        %parallel_loop3A_953 = vector.shape_cast %parallel_loop3A_952 : vector<1x1x16xf32> to vector<16xf32>
        %parallel_loop3A_954 = arith.constant 3 : i32
        %parallel_loop3A_955 = arith.muli %parallel_loop3A_571, %parallel_loop3A_954 : i32
        %parallel_loop3A_956 = arith.constant 1 : i32
        %parallel_loop3A_957 = arith.addi %parallel_loop3A_955, %parallel_loop3A_956 : i32
        %parallel_loop3A_958 = arith.constant 1 : i32
        %parallel_loop3A_959 = arith.index_cast %parallel_loop3A_958 : i32 to index
        %parallel_loop3A_960 = arith.index_cast %parallel_loop3A_957 : i32 to index
        %parallel_loop3A_961 = arith.constant 0 : index
        %parallel_loop3A_962 = tpu.vector_load %arg10[%parallel_loop3A_959, %parallel_loop3A_960, %parallel_loop3A_961] {strides = array<i32>} : memref<2x75x128xf32, #tpu.memory_space<vmem>>, vector<1x1x16xf32>,
        %parallel_loop3A_963 = vector.shape_cast %parallel_loop3A_962 : vector<1x1x16xf32> to vector<16xf32>
        %parallel_loop3A_964 = arith.constant 3 : i32
        %parallel_loop3A_965 = arith.muli %parallel_loop3A_571, %parallel_loop3A_964 : i32
        %parallel_loop3A_966 = arith.constant 2 : i32
        %parallel_loop3A_967 = arith.addi %parallel_loop3A_965, %parallel_loop3A_966 : i32
        %parallel_loop3A_968 = arith.constant 1 : i32
        %parallel_loop3A_969 = arith.index_cast %parallel_loop3A_968 : i32 to index
        %parallel_loop3A_970 = arith.index_cast %parallel_loop3A_967 : i32 to index
        %parallel_loop3A_971 = arith.constant 0 : index
        %parallel_loop3A_972 = tpu.vector_load %arg10[%parallel_loop3A_969, %parallel_loop3A_970, %parallel_loop3A_971] {strides = array<i32>} : memref<2x75x128xf32, #tpu.memory_space<vmem>>, vector<1x1x16xf32>,
        %parallel_loop3A_973 = vector.shape_cast %parallel_loop3A_972 : vector<1x1x16xf32> to vector<16xf32>
        %parallel_loop3A_974 = arith.mulf %parallel_loop3A_941, %parallel_loop3A_953 : vector<16xf32>
        %parallel_loop3A_975 = arith.mulf %parallel_loop3A_945, %parallel_loop3A_963 : vector<16xf32>
        %parallel_loop3A_976 = arith.addf %parallel_loop3A_974, %parallel_loop3A_975 : vector<16xf32>
        %parallel_loop3A_977 = arith.mulf %parallel_loop3A_943, %parallel_loop3A_973 : vector<16xf32>
        %parallel_loop3A_978 = arith.addf %parallel_loop3A_976, %parallel_loop3A_977 : vector<16xf32>
        %parallel_loop3A_979 = arith.constant 3 : i32
        %parallel_loop3A_980 = arith.muli %parallel_loop3A_571, %parallel_loop3A_979 : i32
        %parallel_loop3A_981 = arith.constant 1 : i32
        %parallel_loop3A_982 = arith.index_cast %parallel_loop3A_981 : i32 to index
        %parallel_loop3A_983 = arith.index_cast %parallel_loop3A_980 : i32 to index
        %parallel_loop3A_984 = arith.constant 16 : index
        %parallel_loop3A_985 = tpu.vector_load %arg10[%parallel_loop3A_982, %parallel_loop3A_983, %parallel_loop3A_984] {strides = array<i32>} : memref<2x75x128xf32, #tpu.memory_space<vmem>>, vector<1x1x16xf32>,
        %parallel_loop3A_986 = vector.shape_cast %parallel_loop3A_985 : vector<1x1x16xf32> to vector<16xf32>
        %parallel_loop3A_987 = arith.constant 3 : i32
        %parallel_loop3A_988 = arith.muli %parallel_loop3A_571, %parallel_loop3A_987 : i32
        %parallel_loop3A_989 = arith.constant 1 : i32
        %parallel_loop3A_990 = arith.addi %parallel_loop3A_988, %parallel_loop3A_989 : i32
        %parallel_loop3A_991 = arith.constant 1 : i32
        %parallel_loop3A_992 = arith.index_cast %parallel_loop3A_991 : i32 to index
        %parallel_loop3A_993 = arith.index_cast %parallel_loop3A_990 : i32 to index
        %parallel_loop3A_994 = arith.constant 16 : index
        %parallel_loop3A_995 = tpu.vector_load %arg10[%parallel_loop3A_992, %parallel_loop3A_993, %parallel_loop3A_994] {strides = array<i32>} : memref<2x75x128xf32, #tpu.memory_space<vmem>>, vector<1x1x16xf32>,
        %parallel_loop3A_996 = vector.shape_cast %parallel_loop3A_995 : vector<1x1x16xf32> to vector<16xf32>
        %parallel_loop3A_997 = arith.constant 3 : i32
        %parallel_loop3A_998 = arith.muli %parallel_loop3A_571, %parallel_loop3A_997 : i32
        %parallel_loop3A_999 = arith.constant 2 : i32
        %parallel_loop3A_1000 = arith.addi %parallel_loop3A_998, %parallel_loop3A_999 : i32
        %parallel_loop3A_1001 = arith.constant 1 : i32
        %parallel_loop3A_1002 = arith.index_cast %parallel_loop3A_1001 : i32 to index
        %parallel_loop3A_1003 = arith.index_cast %parallel_loop3A_1000 : i32 to index
        %parallel_loop3A_1004 = arith.constant 16 : index
        %parallel_loop3A_1005 = tpu.vector_load %arg10[%parallel_loop3A_1002, %parallel_loop3A_1003, %parallel_loop3A_1004] {strides = array<i32>} : memref<2x75x128xf32, #tpu.memory_space<vmem>>, vector<1x1x16xf32>,
        %parallel_loop3A_1006 = vector.shape_cast %parallel_loop3A_1005 : vector<1x1x16xf32> to vector<16xf32>
        %parallel_loop3A_1007 = arith.mulf %parallel_loop3A_943, %parallel_loop3A_986 : vector<16xf32>
        %parallel_loop3A_1008 = arith.mulf %parallel_loop3A_941, %parallel_loop3A_996 : vector<16xf32>
        %parallel_loop3A_1009 = arith.addf %parallel_loop3A_1007, %parallel_loop3A_1008 : vector<16xf32>
        %parallel_loop3A_1010 = arith.mulf %parallel_loop3A_945, %parallel_loop3A_1006 : vector<16xf32>
        %parallel_loop3A_1011 = arith.addf %parallel_loop3A_1009, %parallel_loop3A_1010 : vector<16xf32>
        %parallel_loop3A_1012 = arith.constant 3 : i32
        %parallel_loop3A_1013 = arith.muli %parallel_loop3A_571, %parallel_loop3A_1012 : i32
        %parallel_loop3A_1014 = arith.constant 1 : i32
        %parallel_loop3A_1015 = arith.index_cast %parallel_loop3A_1014 : i32 to index
        %parallel_loop3A_1016 = arith.index_cast %parallel_loop3A_1013 : i32 to index
        %parallel_loop3A_1017 = arith.constant 32 : index
        %parallel_loop3A_1018 = tpu.vector_load %arg10[%parallel_loop3A_1015, %parallel_loop3A_1016, %parallel_loop3A_1017] {strides = array<i32>} : memref<2x75x128xf32, #tpu.memory_space<vmem>>, vector<1x1x16xf32>,
        %parallel_loop3A_1019 = vector.shape_cast %parallel_loop3A_1018 : vector<1x1x16xf32> to vector<16xf32>
        %parallel_loop3A_1020 = arith.constant 3 : i32
        %parallel_loop3A_1021 = arith.muli %parallel_loop3A_571, %parallel_loop3A_1020 : i32
        %parallel_loop3A_1022 = arith.constant 1 : i32
        %parallel_loop3A_1023 = arith.addi %parallel_loop3A_1021, %parallel_loop3A_1022 : i32
        %parallel_loop3A_1024 = arith.constant 1 : i32
        %parallel_loop3A_1025 = arith.index_cast %parallel_loop3A_1024 : i32 to index
        %parallel_loop3A_1026 = arith.index_cast %parallel_loop3A_1023 : i32 to index
        %parallel_loop3A_1027 = arith.constant 32 : index
        %parallel_loop3A_1028 = tpu.vector_load %arg10[%parallel_loop3A_1025, %parallel_loop3A_1026, %parallel_loop3A_1027] {strides = array<i32>} : memref<2x75x128xf32, #tpu.memory_space<vmem>>, vector<1x1x16xf32>,
        %parallel_loop3A_1029 = vector.shape_cast %parallel_loop3A_1028 : vector<1x1x16xf32> to vector<16xf32>
        %parallel_loop3A_1030 = arith.constant 3 : i32
        %parallel_loop3A_1031 = arith.muli %parallel_loop3A_571, %parallel_loop3A_1030 : i32
        %parallel_loop3A_1032 = arith.constant 2 : i32
        %parallel_loop3A_1033 = arith.addi %parallel_loop3A_1031, %parallel_loop3A_1032 : i32
        %parallel_loop3A_1034 = arith.constant 1 : i32
        %parallel_loop3A_1035 = arith.index_cast %parallel_loop3A_1034 : i32 to index
        %parallel_loop3A_1036 = arith.index_cast %parallel_loop3A_1033 : i32 to index
        %parallel_loop3A_1037 = arith.constant 32 : index
        %parallel_loop3A_1038 = tpu.vector_load %arg10[%parallel_loop3A_1035, %parallel_loop3A_1036, %parallel_loop3A_1037] {strides = array<i32>} : memref<2x75x128xf32, #tpu.memory_space<vmem>>, vector<1x1x16xf32>,
        %parallel_loop3A_1039 = vector.shape_cast %parallel_loop3A_1038 : vector<1x1x16xf32> to vector<16xf32>
        %parallel_loop3A_1040 = arith.mulf %parallel_loop3A_945, %parallel_loop3A_1019 : vector<16xf32>
        %parallel_loop3A_1041 = arith.mulf %parallel_loop3A_943, %parallel_loop3A_1029 : vector<16xf32>
        %parallel_loop3A_1042 = arith.addf %parallel_loop3A_1040, %parallel_loop3A_1041 : vector<16xf32>
        %parallel_loop3A_1043 = arith.mulf %parallel_loop3A_941, %parallel_loop3A_1039 : vector<16xf32>
        %parallel_loop3A_1044 = arith.addf %parallel_loop3A_1042, %parallel_loop3A_1043 : vector<16xf32>
        %parallel_loop3A_1045 = arith.constant 3 : i32
        %parallel_loop3A_1046 = arith.muli %parallel_loop3A_571, %parallel_loop3A_1045 : i32
        %parallel_loop3A_1047 = arith.constant 1 : i32
        %parallel_loop3A_1048 = arith.index_cast %parallel_loop3A_1047 : i32 to index
        %parallel_loop3A_1049 = arith.index_cast %parallel_loop3A_1046 : i32 to index
        %parallel_loop3A_1050 = arith.constant 48 : index
        %parallel_loop3A_1051 = tpu.vector_load %arg10[%parallel_loop3A_1048, %parallel_loop3A_1049, %parallel_loop3A_1050] {strides = array<i32>} : memref<2x75x128xf32, #tpu.memory_space<vmem>>, vector<1x1x16xf32>,
        %parallel_loop3A_1052 = vector.shape_cast %parallel_loop3A_1051 : vector<1x1x16xf32> to vector<16xf32>
        %parallel_loop3A_1053 = arith.constant 3 : i32
        %parallel_loop3A_1054 = arith.muli %parallel_loop3A_571, %parallel_loop3A_1053 : i32
        %parallel_loop3A_1055 = arith.constant 1 : i32
        %parallel_loop3A_1056 = arith.addi %parallel_loop3A_1054, %parallel_loop3A_1055 : i32
        %parallel_loop3A_1057 = arith.constant 1 : i32
        %parallel_loop3A_1058 = arith.index_cast %parallel_loop3A_1057 : i32 to index
        %parallel_loop3A_1059 = arith.index_cast %parallel_loop3A_1056 : i32 to index
        %parallel_loop3A_1060 = arith.constant 48 : index
        %parallel_loop3A_1061 = tpu.vector_load %arg10[%parallel_loop3A_1058, %parallel_loop3A_1059, %parallel_loop3A_1060] {strides = array<i32>} : memref<2x75x128xf32, #tpu.memory_space<vmem>>, vector<1x1x16xf32>,
        %parallel_loop3A_1062 = vector.shape_cast %parallel_loop3A_1061 : vector<1x1x16xf32> to vector<16xf32>
        %parallel_loop3A_1063 = arith.constant 3 : i32
        %parallel_loop3A_1064 = arith.muli %parallel_loop3A_571, %parallel_loop3A_1063 : i32
        %parallel_loop3A_1065 = arith.constant 2 : i32
        %parallel_loop3A_1066 = arith.addi %parallel_loop3A_1064, %parallel_loop3A_1065 : i32
        %parallel_loop3A_1067 = arith.constant 1 : i32
        %parallel_loop3A_1068 = arith.index_cast %parallel_loop3A_1067 : i32 to index
        %parallel_loop3A_1069 = arith.index_cast %parallel_loop3A_1066 : i32 to index
        %parallel_loop3A_1070 = arith.constant 48 : index
        %parallel_loop3A_1071 = tpu.vector_load %arg10[%parallel_loop3A_1068, %parallel_loop3A_1069, %parallel_loop3A_1070] {strides = array<i32>} : memref<2x75x128xf32, #tpu.memory_space<vmem>>, vector<1x1x16xf32>,
        %parallel_loop3A_1072 = vector.shape_cast %parallel_loop3A_1071 : vector<1x1x16xf32> to vector<16xf32>
        %parallel_loop3A_1073 = arith.mulf %parallel_loop3A_941, %parallel_loop3A_1052 : vector<16xf32>
        %parallel_loop3A_1074 = arith.mulf %parallel_loop3A_945, %parallel_loop3A_1062 : vector<16xf32>
        %parallel_loop3A_1075 = arith.addf %parallel_loop3A_1073, %parallel_loop3A_1074 : vector<16xf32>
        %parallel_loop3A_1076 = arith.mulf %parallel_loop3A_943, %parallel_loop3A_1072 : vector<16xf32>
        %parallel_loop3A_1077 = arith.addf %parallel_loop3A_1075, %parallel_loop3A_1076 : vector<16xf32>
        %parallel_loop3A_1078 = arith.constant 3 : i32
        %parallel_loop3A_1079 = arith.muli %parallel_loop3A_571, %parallel_loop3A_1078 : i32
        %parallel_loop3A_1080 = arith.constant 1 : i32
        %parallel_loop3A_1081 = arith.index_cast %parallel_loop3A_1080 : i32 to index
        %parallel_loop3A_1082 = arith.index_cast %parallel_loop3A_1079 : i32 to index
        %parallel_loop3A_1083 = arith.constant 64 : index
        %parallel_loop3A_1084 = tpu.vector_load %arg10[%parallel_loop3A_1081, %parallel_loop3A_1082, %parallel_loop3A_1083] {strides = array<i32>} : memref<2x75x128xf32, #tpu.memory_space<vmem>>, vector<1x1x16xf32>,
        %parallel_loop3A_1085 = vector.shape_cast %parallel_loop3A_1084 : vector<1x1x16xf32> to vector<16xf32>
        %parallel_loop3A_1086 = arith.constant 3 : i32
        %parallel_loop3A_1087 = arith.muli %parallel_loop3A_571, %parallel_loop3A_1086 : i32
        %parallel_loop3A_1088 = arith.constant 1 : i32
        %parallel_loop3A_1089 = arith.addi %parallel_loop3A_1087, %parallel_loop3A_1088 : i32
        %parallel_loop3A_1090 = arith.constant 1 : i32
        %parallel_loop3A_1091 = arith.index_cast %parallel_loop3A_1090 : i32 to index
        %parallel_loop3A_1092 = arith.index_cast %parallel_loop3A_1089 : i32 to index
        %parallel_loop3A_1093 = arith.constant 64 : index
        %parallel_loop3A_1094 = tpu.vector_load %arg10[%parallel_loop3A_1091, %parallel_loop3A_1092, %parallel_loop3A_1093] {strides = array<i32>} : memref<2x75x128xf32, #tpu.memory_space<vmem>>, vector<1x1x16xf32>,
        %parallel_loop3A_1095 = vector.shape_cast %parallel_loop3A_1094 : vector<1x1x16xf32> to vector<16xf32>
        %parallel_loop3A_1096 = arith.constant 3 : i32
        %parallel_loop3A_1097 = arith.muli %parallel_loop3A_571, %parallel_loop3A_1096 : i32
        %parallel_loop3A_1098 = arith.constant 2 : i32
        %parallel_loop3A_1099 = arith.addi %parallel_loop3A_1097, %parallel_loop3A_1098 : i32
        %parallel_loop3A_1100 = arith.constant 1 : i32
        %parallel_loop3A_1101 = arith.index_cast %parallel_loop3A_1100 : i32 to index
        %parallel_loop3A_1102 = arith.index_cast %parallel_loop3A_1099 : i32 to index
        %parallel_loop3A_1103 = arith.constant 64 : index
        %parallel_loop3A_1104 = tpu.vector_load %arg10[%parallel_loop3A_1101, %parallel_loop3A_1102, %parallel_loop3A_1103] {strides = array<i32>} : memref<2x75x128xf32, #tpu.memory_space<vmem>>, vector<1x1x16xf32>,
        %parallel_loop3A_1105 = vector.shape_cast %parallel_loop3A_1104 : vector<1x1x16xf32> to vector<16xf32>
        %parallel_loop3A_1106 = arith.mulf %parallel_loop3A_943, %parallel_loop3A_1085 : vector<16xf32>
        %parallel_loop3A_1107 = arith.mulf %parallel_loop3A_941, %parallel_loop3A_1095 : vector<16xf32>
        %parallel_loop3A_1108 = arith.addf %parallel_loop3A_1106, %parallel_loop3A_1107 : vector<16xf32>
        %parallel_loop3A_1109 = arith.mulf %parallel_loop3A_945, %parallel_loop3A_1105 : vector<16xf32>
        %parallel_loop3A_1110 = arith.addf %parallel_loop3A_1108, %parallel_loop3A_1109 : vector<16xf32>
        %parallel_loop3A_1111 = arith.constant 3 : i32
        %parallel_loop3A_1112 = arith.muli %parallel_loop3A_571, %parallel_loop3A_1111 : i32
        %parallel_loop3A_1113 = arith.constant 1 : i32
        %parallel_loop3A_1114 = arith.index_cast %parallel_loop3A_1113 : i32 to index
        %parallel_loop3A_1115 = arith.index_cast %parallel_loop3A_1112 : i32 to index
        %parallel_loop3A_1116 = arith.constant 80 : index
        %parallel_loop3A_1117 = tpu.vector_load %arg10[%parallel_loop3A_1114, %parallel_loop3A_1115, %parallel_loop3A_1116] {strides = array<i32>} : memref<2x75x128xf32, #tpu.memory_space<vmem>>, vector<1x1x16xf32>,
        %parallel_loop3A_1118 = vector.shape_cast %parallel_loop3A_1117 : vector<1x1x16xf32> to vector<16xf32>
        %parallel_loop3A_1119 = arith.constant 3 : i32
        %parallel_loop3A_1120 = arith.muli %parallel_loop3A_571, %parallel_loop3A_1119 : i32
        %parallel_loop3A_1121 = arith.constant 1 : i32
        %parallel_loop3A_1122 = arith.addi %parallel_loop3A_1120, %parallel_loop3A_1121 : i32
        %parallel_loop3A_1123 = arith.constant 1 : i32
        %parallel_loop3A_1124 = arith.index_cast %parallel_loop3A_1123 : i32 to index
        %parallel_loop3A_1125 = arith.index_cast %parallel_loop3A_1122 : i32 to index
        %parallel_loop3A_1126 = arith.constant 80 : index
        %parallel_loop3A_1127 = tpu.vector_load %arg10[%parallel_loop3A_1124, %parallel_loop3A_1125, %parallel_loop3A_1126] {strides = array<i32>} : memref<2x75x128xf32, #tpu.memory_space<vmem>>, vector<1x1x16xf32>,
        %parallel_loop3A_1128 = vector.shape_cast %parallel_loop3A_1127 : vector<1x1x16xf32> to vector<16xf32>
        %parallel_loop3A_1129 = arith.constant 3 : i32
        %parallel_loop3A_1130 = arith.muli %parallel_loop3A_571, %parallel_loop3A_1129 : i32
        %parallel_loop3A_1131 = arith.constant 2 : i32
        %parallel_loop3A_1132 = arith.addi %parallel_loop3A_1130, %parallel_loop3A_1131 : i32
        %parallel_loop3A_1133 = arith.constant 1 : i32
        %parallel_loop3A_1134 = arith.index_cast %parallel_loop3A_1133 : i32 to index
        %parallel_loop3A_1135 = arith.index_cast %parallel_loop3A_1132 : i32 to index
        %parallel_loop3A_1136 = arith.constant 80 : index
        %parallel_loop3A_1137 = tpu.vector_load %arg10[%parallel_loop3A_1134, %parallel_loop3A_1135, %parallel_loop3A_1136] {strides = array<i32>} : memref<2x75x128xf32, #tpu.memory_space<vmem>>, vector<1x1x16xf32>,
        %parallel_loop3A_1138 = vector.shape_cast %parallel_loop3A_1137 : vector<1x1x16xf32> to vector<16xf32>
        %parallel_loop3A_1139 = arith.mulf %parallel_loop3A_945, %parallel_loop3A_1118 : vector<16xf32>
        %parallel_loop3A_1140 = arith.mulf %parallel_loop3A_943, %parallel_loop3A_1128 : vector<16xf32>
        %parallel_loop3A_1141 = arith.addf %parallel_loop3A_1139, %parallel_loop3A_1140 : vector<16xf32>
        %parallel_loop3A_1142 = arith.mulf %parallel_loop3A_941, %parallel_loop3A_1138 : vector<16xf32>
        %parallel_loop3A_1143 = arith.addf %parallel_loop3A_1141, %parallel_loop3A_1142 : vector<16xf32>
        %parallel_loop3A_1144 = arith.constant 3 : i32
        %parallel_loop3A_1145 = arith.muli %parallel_loop3A_571, %parallel_loop3A_1144 : i32
        %parallel_loop3A_1146 = arith.constant 1 : i32
        %parallel_loop3A_1147 = arith.index_cast %parallel_loop3A_1146 : i32 to index
        %parallel_loop3A_1148 = arith.index_cast %parallel_loop3A_1145 : i32 to index
        %parallel_loop3A_1149 = arith.constant 96 : index
        %parallel_loop3A_1150 = tpu.vector_load %arg10[%parallel_loop3A_1147, %parallel_loop3A_1148, %parallel_loop3A_1149] {strides = array<i32>} : memref<2x75x128xf32, #tpu.memory_space<vmem>>, vector<1x1x16xf32>,
        %parallel_loop3A_1151 = vector.shape_cast %parallel_loop3A_1150 : vector<1x1x16xf32> to vector<16xf32>
        %parallel_loop3A_1152 = arith.constant 3 : i32
        %parallel_loop3A_1153 = arith.muli %parallel_loop3A_571, %parallel_loop3A_1152 : i32
        %parallel_loop3A_1154 = arith.constant 1 : i32
        %parallel_loop3A_1155 = arith.addi %parallel_loop3A_1153, %parallel_loop3A_1154 : i32
        %parallel_loop3A_1156 = arith.constant 1 : i32
        %parallel_loop3A_1157 = arith.index_cast %parallel_loop3A_1156 : i32 to index
        %parallel_loop3A_1158 = arith.index_cast %parallel_loop3A_1155 : i32 to index
        %parallel_loop3A_1159 = arith.constant 96 : index
        %parallel_loop3A_1160 = tpu.vector_load %arg10[%parallel_loop3A_1157, %parallel_loop3A_1158, %parallel_loop3A_1159] {strides = array<i32>} : memref<2x75x128xf32, #tpu.memory_space<vmem>>, vector<1x1x16xf32>,
        %parallel_loop3A_1161 = vector.shape_cast %parallel_loop3A_1160 : vector<1x1x16xf32> to vector<16xf32>
        %parallel_loop3A_1162 = arith.constant 3 : i32
        %parallel_loop3A_1163 = arith.muli %parallel_loop3A_571, %parallel_loop3A_1162 : i32
        %parallel_loop3A_1164 = arith.constant 2 : i32
        %parallel_loop3A_1165 = arith.addi %parallel_loop3A_1163, %parallel_loop3A_1164 : i32
        %parallel_loop3A_1166 = arith.constant 1 : i32
        %parallel_loop3A_1167 = arith.index_cast %parallel_loop3A_1166 : i32 to index
        %parallel_loop3A_1168 = arith.index_cast %parallel_loop3A_1165 : i32 to index
        %parallel_loop3A_1169 = arith.constant 96 : index
        %parallel_loop3A_1170 = tpu.vector_load %arg10[%parallel_loop3A_1167, %parallel_loop3A_1168, %parallel_loop3A_1169] {strides = array<i32>} : memref<2x75x128xf32, #tpu.memory_space<vmem>>, vector<1x1x16xf32>,
        %parallel_loop3A_1171 = vector.shape_cast %parallel_loop3A_1170 : vector<1x1x16xf32> to vector<16xf32>
        %parallel_loop3A_1172 = arith.mulf %parallel_loop3A_941, %parallel_loop3A_1151 : vector<16xf32>
        %parallel_loop3A_1173 = arith.mulf %parallel_loop3A_945, %parallel_loop3A_1161 : vector<16xf32>
        %parallel_loop3A_1174 = arith.addf %parallel_loop3A_1172, %parallel_loop3A_1173 : vector<16xf32>
        %parallel_loop3A_1175 = arith.mulf %parallel_loop3A_943, %parallel_loop3A_1171 : vector<16xf32>
        %parallel_loop3A_1176 = arith.addf %parallel_loop3A_1174, %parallel_loop3A_1175 : vector<16xf32>
        %parallel_loop3A_1177 = arith.constant 3 : i32
        %parallel_loop3A_1178 = arith.muli %parallel_loop3A_571, %parallel_loop3A_1177 : i32
        %parallel_loop3A_1179 = arith.constant 1 : i32
        %parallel_loop3A_1180 = arith.index_cast %parallel_loop3A_1179 : i32 to index
        %parallel_loop3A_1181 = arith.index_cast %parallel_loop3A_1178 : i32 to index
        %parallel_loop3A_1182 = arith.constant 112 : index
        %parallel_loop3A_1183 = tpu.vector_load %arg10[%parallel_loop3A_1180, %parallel_loop3A_1181, %parallel_loop3A_1182] {strides = array<i32>} : memref<2x75x128xf32, #tpu.memory_space<vmem>>, vector<1x1x16xf32>,
        %parallel_loop3A_1184 = vector.shape_cast %parallel_loop3A_1183 : vector<1x1x16xf32> to vector<16xf32>
        %parallel_loop3A_1185 = arith.constant 3 : i32
        %parallel_loop3A_1186 = arith.muli %parallel_loop3A_571, %parallel_loop3A_1185 : i32
        %parallel_loop3A_1187 = arith.constant 1 : i32
        %parallel_loop3A_1188 = arith.addi %parallel_loop3A_1186, %parallel_loop3A_1187 : i32
        %parallel_loop3A_1189 = arith.constant 1 : i32
        %parallel_loop3A_1190 = arith.index_cast %parallel_loop3A_1189 : i32 to index
        %parallel_loop3A_1191 = arith.index_cast %parallel_loop3A_1188 : i32 to index
        %parallel_loop3A_1192 = arith.constant 112 : index
        %parallel_loop3A_1193 = tpu.vector_load %arg10[%parallel_loop3A_1190, %parallel_loop3A_1191, %parallel_loop3A_1192] {strides = array<i32>} : memref<2x75x128xf32, #tpu.memory_space<vmem>>, vector<1x1x16xf32>,
        %parallel_loop3A_1194 = vector.shape_cast %parallel_loop3A_1193 : vector<1x1x16xf32> to vector<16xf32>
        %parallel_loop3A_1195 = arith.constant 3 : i32
        %parallel_loop3A_1196 = arith.muli %parallel_loop3A_571, %parallel_loop3A_1195 : i32
        %parallel_loop3A_1197 = arith.constant 2 : i32
        %parallel_loop3A_1198 = arith.addi %parallel_loop3A_1196, %parallel_loop3A_1197 : i32
        %parallel_loop3A_1199 = arith.constant 1 : i32
        %parallel_loop3A_1200 = arith.index_cast %parallel_loop3A_1199 : i32 to index
        %parallel_loop3A_1201 = arith.index_cast %parallel_loop3A_1198 : i32 to index
        %parallel_loop3A_1202 = arith.constant 112 : index
        %parallel_loop3A_1203 = tpu.vector_load %arg10[%parallel_loop3A_1200, %parallel_loop3A_1201, %parallel_loop3A_1202] {strides = array<i32>} : memref<2x75x128xf32, #tpu.memory_space<vmem>>, vector<1x1x16xf32>,
        %parallel_loop3A_1204 = vector.shape_cast %parallel_loop3A_1203 : vector<1x1x16xf32> to vector<16xf32>
        %parallel_loop3A_1205 = arith.mulf %parallel_loop3A_943, %parallel_loop3A_1184 : vector<16xf32>
        %parallel_loop3A_1206 = arith.mulf %parallel_loop3A_941, %parallel_loop3A_1194 : vector<16xf32>
        %parallel_loop3A_1207 = arith.addf %parallel_loop3A_1205, %parallel_loop3A_1206 : vector<16xf32>
        %parallel_loop3A_1208 = arith.mulf %parallel_loop3A_945, %parallel_loop3A_1204 : vector<16xf32>
        %parallel_loop3A_1209 = arith.addf %parallel_loop3A_1207, %parallel_loop3A_1208 : vector<16xf32>
        %parallel_loop3A_1210 = arith.constant 128 : i32
        %parallel_loop3A_1211 = arith.muli %parallel_loop3A_571, %parallel_loop3A_1210 : i32
        %parallel_loop3A_1212 = arith.constant 0 : i32
        %parallel_loop3A_1213 = arith.addi %parallel_loop3A_1211, %parallel_loop3A_1212 : i32
        %parallel_loop3A_1214 = arith.constant 1 : i32
        %parallel_loop3A_1215 = arith.index_cast %parallel_loop3A_1214 : i32 to index
        %parallel_loop3A_1216 = arith.index_cast %parallel_loop3A_1213 : i32 to index
        %parallel_loop3A_1217 = tpu.vector_load %arg12[%parallel_loop3A_1215, %parallel_loop3A_1216] {strides = array<i32>} : memref<2x3200xf32, #tpu.memory_space<vmem>>, vector<1x16xf32>,
        %parallel_loop3A_1218 = vector.shape_cast %parallel_loop3A_1217 : vector<1x16xf32> to vector<16xf32>
        %parallel_loop3A_1219 = vector.shape_cast %parallel_loop3A_978 : vector<16xf32> to vector<1x16xf32>
        tpu.vector_store %arg12[%parallel_loop3A_1215, %parallel_loop3A_1216], %parallel_loop3A_1219 {strides = array<i32>} : memref<2x3200xf32, #tpu.memory_space<vmem>>, vector<1x16xf32>,
        %parallel_loop3A_1220 = arith.constant 128 : i32
        %parallel_loop3A_1221 = arith.muli %parallel_loop3A_571, %parallel_loop3A_1220 : i32
        %parallel_loop3A_1222 = arith.constant 16 : i32
        %parallel_loop3A_1223 = arith.addi %parallel_loop3A_1221, %parallel_loop3A_1222 : i32
        %parallel_loop3A_1224 = arith.constant 1 : i32
        %parallel_loop3A_1225 = arith.index_cast %parallel_loop3A_1224 : i32 to index
        %parallel_loop3A_1226 = arith.index_cast %parallel_loop3A_1223 : i32 to index
        %parallel_loop3A_1227 = tpu.vector_load %arg12[%parallel_loop3A_1225, %parallel_loop3A_1226] {strides = array<i32>} : memref<2x3200xf32, #tpu.memory_space<vmem>>, vector<1x16xf32>,
        %parallel_loop3A_1228 = vector.shape_cast %parallel_loop3A_1227 : vector<1x16xf32> to vector<16xf32>
        %parallel_loop3A_1229 = vector.shape_cast %parallel_loop3A_1011 : vector<16xf32> to vector<1x16xf32>
        tpu.vector_store %arg12[%parallel_loop3A_1225, %parallel_loop3A_1226], %parallel_loop3A_1229 {strides = array<i32>} : memref<2x3200xf32, #tpu.memory_space<vmem>>, vector<1x16xf32>,
        %parallel_loop3A_1230 = arith.constant 128 : i32
        %parallel_loop3A_1231 = arith.muli %parallel_loop3A_571, %parallel_loop3A_1230 : i32
        %parallel_loop3A_1232 = arith.constant 32 : i32
        %parallel_loop3A_1233 = arith.addi %parallel_loop3A_1231, %parallel_loop3A_1232 : i32
        %parallel_loop3A_1234 = arith.constant 1 : i32
        %parallel_loop3A_1235 = arith.index_cast %parallel_loop3A_1234 : i32 to index
        %parallel_loop3A_1236 = arith.index_cast %parallel_loop3A_1233 : i32 to index
        %parallel_loop3A_1237 = tpu.vector_load %arg12[%parallel_loop3A_1235, %parallel_loop3A_1236] {strides = array<i32>} : memref<2x3200xf32, #tpu.memory_space<vmem>>, vector<1x16xf32>,
        %parallel_loop3A_1238 = vector.shape_cast %parallel_loop3A_1237 : vector<1x16xf32> to vector<16xf32>
        %parallel_loop3A_1239 = vector.shape_cast %parallel_loop3A_1044 : vector<16xf32> to vector<1x16xf32>
        tpu.vector_store %arg12[%parallel_loop3A_1235, %parallel_loop3A_1236], %parallel_loop3A_1239 {strides = array<i32>} : memref<2x3200xf32, #tpu.memory_space<vmem>>, vector<1x16xf32>,
        %parallel_loop3A_1240 = arith.constant 128 : i32
        %parallel_loop3A_1241 = arith.muli %parallel_loop3A_571, %parallel_loop3A_1240 : i32
        %parallel_loop3A_1242 = arith.constant 48 : i32
        %parallel_loop3A_1243 = arith.addi %parallel_loop3A_1241, %parallel_loop3A_1242 : i32
        %parallel_loop3A_1244 = arith.constant 1 : i32
        %parallel_loop3A_1245 = arith.index_cast %parallel_loop3A_1244 : i32 to index
        %parallel_loop3A_1246 = arith.index_cast %parallel_loop3A_1243 : i32 to index
        %parallel_loop3A_1247 = tpu.vector_load %arg12[%parallel_loop3A_1245, %parallel_loop3A_1246] {strides = array<i32>} : memref<2x3200xf32, #tpu.memory_space<vmem>>, vector<1x16xf32>,
        %parallel_loop3A_1248 = vector.shape_cast %parallel_loop3A_1247 : vector<1x16xf32> to vector<16xf32>
        %parallel_loop3A_1249 = vector.shape_cast %parallel_loop3A_1077 : vector<16xf32> to vector<1x16xf32>
        tpu.vector_store %arg12[%parallel_loop3A_1245, %parallel_loop3A_1246], %parallel_loop3A_1249 {strides = array<i32>} : memref<2x3200xf32, #tpu.memory_space<vmem>>, vector<1x16xf32>,
        %parallel_loop3A_1250 = arith.constant 128 : i32
        %parallel_loop3A_1251 = arith.muli %parallel_loop3A_571, %parallel_loop3A_1250 : i32
        %parallel_loop3A_1252 = arith.constant 64 : i32
        %parallel_loop3A_1253 = arith.addi %parallel_loop3A_1251, %parallel_loop3A_1252 : i32
        %parallel_loop3A_1254 = arith.constant 1 : i32
        %parallel_loop3A_1255 = arith.index_cast %parallel_loop3A_1254 : i32 to index
        %parallel_loop3A_1256 = arith.index_cast %parallel_loop3A_1253 : i32 to index
        %parallel_loop3A_1257 = tpu.vector_load %arg12[%parallel_loop3A_1255, %parallel_loop3A_1256] {strides = array<i32>} : memref<2x3200xf32, #tpu.memory_space<vmem>>, vector<1x16xf32>,
        %parallel_loop3A_1258 = vector.shape_cast %parallel_loop3A_1257 : vector<1x16xf32> to vector<16xf32>
        %parallel_loop3A_1259 = vector.shape_cast %parallel_loop3A_1110 : vector<16xf32> to vector<1x16xf32>
        tpu.vector_store %arg12[%parallel_loop3A_1255, %parallel_loop3A_1256], %parallel_loop3A_1259 {strides = array<i32>} : memref<2x3200xf32, #tpu.memory_space<vmem>>, vector<1x16xf32>,
        %parallel_loop3A_1260 = arith.constant 128 : i32
        %parallel_loop3A_1261 = arith.muli %parallel_loop3A_571, %parallel_loop3A_1260 : i32
        %parallel_loop3A_1262 = arith.constant 80 : i32
        %parallel_loop3A_1263 = arith.addi %parallel_loop3A_1261, %parallel_loop3A_1262 : i32
        %parallel_loop3A_1264 = arith.constant 1 : i32
        %parallel_loop3A_1265 = arith.index_cast %parallel_loop3A_1264 : i32 to index
        %parallel_loop3A_1266 = arith.index_cast %parallel_loop3A_1263 : i32 to index
        %parallel_loop3A_1267 = tpu.vector_load %arg12[%parallel_loop3A_1265, %parallel_loop3A_1266] {strides = array<i32>} : memref<2x3200xf32, #tpu.memory_space<vmem>>, vector<1x16xf32>,
        %parallel_loop3A_1268 = vector.shape_cast %parallel_loop3A_1267 : vector<1x16xf32> to vector<16xf32>
        %parallel_loop3A_1269 = vector.shape_cast %parallel_loop3A_1143 : vector<16xf32> to vector<1x16xf32>
        tpu.vector_store %arg12[%parallel_loop3A_1265, %parallel_loop3A_1266], %parallel_loop3A_1269 {strides = array<i32>} : memref<2x3200xf32, #tpu.memory_space<vmem>>, vector<1x16xf32>,
        %parallel_loop3A_1270 = arith.constant 128 : i32
        %parallel_loop3A_1271 = arith.muli %parallel_loop3A_571, %parallel_loop3A_1270 : i32
        %parallel_loop3A_1272 = arith.constant 96 : i32
        %parallel_loop3A_1273 = arith.addi %parallel_loop3A_1271, %parallel_loop3A_1272 : i32
        %parallel_loop3A_1274 = arith.constant 1 : i32
        %parallel_loop3A_1275 = arith.index_cast %parallel_loop3A_1274 : i32 to index
        %parallel_loop3A_1276 = arith.index_cast %parallel_loop3A_1273 : i32 to index
        %parallel_loop3A_1277 = tpu.vector_load %arg12[%parallel_loop3A_1275, %parallel_loop3A_1276] {strides = array<i32>} : memref<2x3200xf32, #tpu.memory_space<vmem>>, vector<1x16xf32>,
        %parallel_loop3A_1278 = vector.shape_cast %parallel_loop3A_1277 : vector<1x16xf32> to vector<16xf32>
        %parallel_loop3A_1279 = vector.shape_cast %parallel_loop3A_1176 : vector<16xf32> to vector<1x16xf32>
        tpu.vector_store %arg12[%parallel_loop3A_1275, %parallel_loop3A_1276], %parallel_loop3A_1279 {strides = array<i32>} : memref<2x3200xf32, #tpu.memory_space<vmem>>, vector<1x16xf32>,
        %parallel_loop3A_1280 = arith.constant 128 : i32
        %parallel_loop3A_1281 = arith.muli %parallel_loop3A_571, %parallel_loop3A_1280 : i32
        %parallel_loop3A_1282 = arith.constant 112 : i32
        %parallel_loop3A_1283 = arith.addi %parallel_loop3A_1281, %parallel_loop3A_1282 : i32
        %parallel_loop3A_1284 = arith.constant 1 : i32
        %parallel_loop3A_1285 = arith.index_cast %parallel_loop3A_1284 : i32 to index
        %parallel_loop3A_1286 = arith.index_cast %parallel_loop3A_1283 : i32 to index
        %parallel_loop3A_1287 = tpu.vector_load %arg12[%parallel_loop3A_1285, %parallel_loop3A_1286] {strides = array<i32>} : memref<2x3200xf32, #tpu.memory_space<vmem>>, vector<1x16xf32>,
        %parallel_loop3A_1288 = vector.shape_cast %parallel_loop3A_1287 : vector<1x16xf32> to vector<16xf32>
        %parallel_loop3A_1289 = vector.shape_cast %parallel_loop3A_1209 : vector<16xf32> to vector<1x16xf32>
        tpu.vector_store %arg12[%parallel_loop3A_1285, %parallel_loop3A_1286], %parallel_loop3A_1289 {strides = array<i32>} : memref<2x3200xf32, #tpu.memory_space<vmem>>, vector<1x16xf32>,
      } {sc.loop_unroll_factor = 2 : i64, sc.parallel_access}
      %add3A_310 = arith.addi %mul3A_2, %mul3A_229 : i32
      %mul3A_311 = arith.constant 2 : i32
      %mul3A_312 = arith.muli %add3A_310, %mul3A_311 : i32
      "tpu.region"() ({
        %run_scoped3A = tpu.sem_alloc : memref<!tpu.dma_semaphore, #tpu.memory_space<semaphore_mem>>
        %dma_start3A_571 = arith.constant 0 : i32
        %dma_start3A_572 = tpu.memref_slice %arg5[%mul3A_312, %dma_start3A_571] : memref<10240x3200xf32, #tpu.memory_space<hbm>> -> memref<2x3200xf32, #tpu.memory_space<hbm>>
        %dma_start3A_573 = arith.constant 0 : i32
        %dma_start3A_574 = tpu.memref_slice %arg5[%mul3A_312, %dma_start3A_573] : memref<10240x3200xf32, #tpu.memory_space<hbm>> -> memref<2x3200xf32, #tpu.memory_space<hbm>>
        tpu.enqueue_dma source(%arg12 : memref<2x3200xf32, #tpu.memory_space<vmem>>) target(%dma_start3A_574 : memref<2x3200xf32, #tpu.memory_space<hbm>>) target_semaphore(%run_scoped3A : memref<!tpu.dma_semaphore, #tpu.memory_space<semaphore_mem>>)
        %dma_wait3A_575 = arith.constant 0 : i32
        %dma_wait3A_576 = tpu.memref_slice %arg5[%mul3A_312, %dma_wait3A_575] : memref<10240x3200xf32, #tpu.memory_space<hbm>> -> memref<2x3200xf32, #tpu.memory_space<hbm>>
        %dma_wait3A_577 = arith.constant 0 : i32
        %dma_wait3A_578 = tpu.memref_slice %arg5[%mul3A_312, %dma_wait3A_577] : memref<10240x3200xf32, #tpu.memory_space<hbm>> -> memref<2x3200xf32, #tpu.memory_space<hbm>>
        tpu.wait_dma2 semaphore(%run_scoped3A : memref<!tpu.dma_semaphore, #tpu.memory_space<semaphore_mem>>) src(%arg12 : memref<2x3200xf32, #tpu.memory_space<vmem>>) dst(%dma_wait3A_578 : memref<2x3200xf32, #tpu.memory_space<hbm>>)
        tpu.yield
      }) : () -> ()
      %dma_start3A_313 = arith.constant 0 : i32
      %dma_start3A_314 = arith.constant 0 : i32
      %dma_start3A_315 = arith.constant 0 : i32
      %dma_start3A_316 = arith.constant 0 : i32
      %dma_start3A_317 = arith.constant 0 : i32
      %dma_start3A_318 = tpu.memref_slice %arg10[%dma_start3A_315, %dma_start3A_316, %dma_start3A_317] : memref<2x75x128xf32, #tpu.memory_space<vmem>> -> memref<1x75x128xf32, #tpu.memory_space<vmem>>
      %dma_start3A_319 = tpu.memref_squeeze %dma_start3A_318 : memref<1x75x128xf32, #tpu.memory_space<vmem>> -> memref<75x128xf32, #tpu.memory_space<vmem>>
      %dma_start3A_320 = arith.constant 0 : i32
      %dma_start3A_321 = tpu.memref_slice %arg7[%dma_start3A_313, %dma_start3A_314, %dma_start3A_320] : memref<2x2x80xi32, #tpu.memory_space<vmem>> -> memref<1x1x75xi32, #tpu.memory_space<vmem>>
      %dma_start3A_322 = tpu.memref_squeeze %dma_start3A_321 : memref<1x1x75xi32, #tpu.memory_space<vmem>> -> memref<75xi32, #tpu.memory_space<vmem>>
      %dma_start3A_323 = arith.constant 0 : i32
      %dma_start3A_324 = arith.constant 0 : i32
      %dma_start3A_325 = tpu.memref_slice %arg13[%dma_start3A_323, %dma_start3A_324] : memref<10000x128xf32, #tpu.memory_space<vmem_shared>> -> memref<10000x128xf32, #tpu.memory_space<vmem_shared>>
      tpu.enqueue_indirect_dma source(%dma_start3A_325 : memref<10000x128xf32, #tpu.memory_space<vmem_shared>>) target(%dma_start3A_319 : memref<75x128xf32, #tpu.memory_space<vmem>>) offsets(%dma_start3A_322 : memref<75xi32, #tpu.memory_space<vmem>>) semaphore(%arg14 : memref<!tpu.dma_semaphore, #tpu.memory_space<semaphore_mem>>)
      %dma_start3A_326 = arith.constant 0 : i32
      %dma_start3A_327 = arith.constant 1 : i32
      %dma_start3A_328 = arith.constant 1 : i32
      %dma_start3A_329 = arith.constant 0 : i32
      %dma_start3A_330 = arith.constant 0 : i32
      %dma_start3A_331 = tpu.memref_slice %arg10[%dma_start3A_328, %dma_start3A_329, %dma_start3A_330] : memref<2x75x128xf32, #tpu.memory_space<vmem>> -> memref<1x75x128xf32, #tpu.memory_space<vmem>>
      %dma_start3A_332 = tpu.memref_squeeze %dma_start3A_331 : memref<1x75x128xf32, #tpu.memory_space<vmem>> -> memref<75x128xf32, #tpu.memory_space<vmem>>
      %dma_start3A_333 = arith.constant 0 : i32
      %dma_start3A_334 = tpu.memref_slice %arg7[%dma_start3A_326, %dma_start3A_327, %dma_start3A_333] : memref<2x2x80xi32, #tpu.memory_space<vmem>> -> memref<1x1x75xi32, #tpu.memory_space<vmem>>
      %dma_start3A_335 = tpu.memref_squeeze %dma_start3A_334 : memref<1x1x75xi32, #tpu.memory_space<vmem>> -> memref<75xi32, #tpu.memory_space<vmem>>
      %dma_start3A_336 = arith.constant 0 : i32
      %dma_start3A_337 = arith.constant 0 : i32
      %dma_start3A_338 = tpu.memref_slice %arg13[%dma_start3A_336, %dma_start3A_337] : memref<10000x128xf32, #tpu.memory_space<vmem_shared>> -> memref<10000x128xf32, #tpu.memory_space<vmem_shared>>
      tpu.enqueue_indirect_dma source(%dma_start3A_338 : memref<10000x128xf32, #tpu.memory_space<vmem_shared>>) target(%dma_start3A_332 : memref<75x128xf32, #tpu.memory_space<vmem>>) offsets(%dma_start3A_335 : memref<75xi32, #tpu.memory_space<vmem>>) semaphore(%arg14 : memref<!tpu.dma_semaphore, #tpu.memory_space<semaphore_mem>>)
      %dma_wait3A_339 = arith.constant 1 : i32
      %dma_wait3A_340 = arith.constant 0 : i32
      %dma_wait3A_341 = arith.constant 0 : i32
      %dma_wait3A_342 = arith.constant 0 : i32
      %dma_wait3A_343 = arith.constant 0 : i32
      %dma_wait3A_344 = tpu.memref_slice %arg11[%dma_wait3A_341, %dma_wait3A_342, %dma_wait3A_343] : memref<2x75x128xf32, #tpu.memory_space<vmem>> -> memref<1x75x128xf32, #tpu.memory_space<vmem>>
      %dma_wait3A_345 = tpu.memref_squeeze %dma_wait3A_344 : memref<1x75x128xf32, #tpu.memory_space<vmem>> -> memref<75x128xf32, #tpu.memory_space<vmem>>
      %dma_wait3A_346 = arith.constant 0 : i32
      %dma_wait3A_347 = tpu.memref_slice %arg6[%dma_wait3A_339, %dma_wait3A_340, %dma_wait3A_346] : memref<2x2x80xi32, #tpu.memory_space<vmem>> -> memref<1x1x75xi32, #tpu.memory_space<vmem>>
      %dma_wait3A_348 = tpu.memref_squeeze %dma_wait3A_347 : memref<1x1x75xi32, #tpu.memory_space<vmem>> -> memref<75xi32, #tpu.memory_space<vmem>>
      %dma_wait3A_349 = arith.constant 0 : i32
      %dma_wait3A_350 = arith.constant 0 : i32
      %dma_wait3A_351 = tpu.memref_slice %arg13[%dma_wait3A_349, %dma_wait3A_350] : memref<10000x128xf32, #tpu.memory_space<vmem_shared>> -> memref<10000x128xf32, #tpu.memory_space<vmem_shared>>
      tpu.wait_indirect_dma semaphore(%arg15 : memref<!tpu.dma_semaphore, #tpu.memory_space<semaphore_mem>>) src(%dma_wait3A_351 : memref<10000x128xf32, #tpu.memory_space<vmem_shared>>) dst(%dma_wait3A_345 : memref<75x128xf32, #tpu.memory_space<vmem>>)
      %dma_wait3A_352 = arith.constant 1 : i32
      %dma_wait3A_353 = arith.constant 1 : i32
      %dma_wait3A_354 = arith.constant 1 : i32
      %dma_wait3A_355 = arith.constant 0 : i32
      %dma_wait3A_356 = arith.constant 0 : i32
      %dma_wait3A_357 = tpu.memref_slice %arg11[%dma_wait3A_354, %dma_wait3A_355, %dma_wait3A_356] : memref<2x75x128xf32, #tpu.memory_space<vmem>> -> memref<1x75x128xf32, #tpu.memory_space<vmem>>
      %dma_wait3A_358 = tpu.memref_squeeze %dma_wait3A_357 : memref<1x75x128xf32, #tpu.memory_space<vmem>> -> memref<75x128xf32, #tpu.memory_space<vmem>>
      %dma_wait3A_359 = arith.constant 0 : i32
      %dma_wait3A_360 = tpu.memref_slice %arg6[%dma_wait3A_352, %dma_wait3A_353, %dma_wait3A_359] : memref<2x2x80xi32, #tpu.memory_space<vmem>> -> memref<1x1x75xi32, #tpu.memory_space<vmem>>
      %dma_wait3A_361 = tpu.memref_squeeze %dma_wait3A_360 : memref<1x1x75xi32, #tpu.memory_space<vmem>> -> memref<75xi32, #tpu.memory_space<vmem>>
      %dma_wait3A_362 = arith.constant 0 : i32
      %dma_wait3A_363 = arith.constant 0 : i32
      %dma_wait3A_364 = tpu.memref_slice %arg13[%dma_wait3A_362, %dma_wait3A_363] : memref<10000x128xf32, #tpu.memory_space<vmem_shared>> -> memref<10000x128xf32, #tpu.memory_space<vmem_shared>>
      tpu.wait_indirect_dma semaphore(%arg15 : memref<!tpu.dma_semaphore, #tpu.memory_space<semaphore_mem>>) src(%dma_wait3A_364 : memref<10000x128xf32, #tpu.memory_space<vmem_shared>>) dst(%dma_wait3A_358 : memref<75x128xf32, #tpu.memory_space<vmem>>)
      %add3A_365 = arith.constant 1 : i32
      %add3A_366 = arith.addi %mul3A_229, %add3A_365 : i32
      %parallel_loop3A_367 = arith.constant 0 : i32
      %parallel_loop3A_368 = arith.constant 25 : i32
      %parallel_loop3A_369 = arith.constant 1 : i32
      scf.for %parallel_loop3A_571 = %parallel_loop3A_367 to %parallel_loop3A_368 step %parallel_loop3A_369  : i32 {
        %parallel_loop3A_572 = arith.constant 3 : i32
        %parallel_loop3A_573 = arith.muli %parallel_loop3A_571, %parallel_loop3A_572 : i32
        %parallel_loop3A_574 = arith.constant 1 : i32
        %parallel_loop3A_575 = arith.constant 0 : i32
        %parallel_loop3A_576 = arith.index_cast %parallel_loop3A_574 : i32 to index
        %parallel_loop3A_577 = arith.index_cast %parallel_loop3A_575 : i32 to index
        %parallel_loop3A_578 = arith.index_cast %parallel_loop3A_573 : i32 to index
        %parallel_loop3A_579 = tpu.vector_load %arg8[%parallel_loop3A_576, %parallel_loop3A_577, %parallel_loop3A_578] {strides = array<i32>} : memref<2x2x96xf32, #tpu.memory_space<vmem>>, vector<1x1x16xf32>,
        %parallel_loop3A_580 = vector.shape_cast %parallel_loop3A_579 : vector<1x1x16xf32> to vector<16xf32>
        %parallel_loop3A_581 = vector.shape_cast %broadcast_in_dim3A : vector<16x1xi32> to vector<16xi32>
        %parallel_loop3A_582 = tpu.dynamic_gather %parallel_loop3A_580[%parallel_loop3A_581] in [0] : vector<16xf32>, vector<16xi32> -> vector<16xf32>
        %parallel_loop3A_583 = vector.shape_cast %broadcast_in_dim3A_49 : vector<16x1xi32> to vector<16xi32>
        %parallel_loop3A_584 = tpu.dynamic_gather %parallel_loop3A_580[%parallel_loop3A_583] in [0] : vector<16xf32>, vector<16xi32> -> vector<16xf32>
        %parallel_loop3A_585 = vector.shape_cast %broadcast_in_dim3A_75 : vector<16x1xi32> to vector<16xi32>
        %parallel_loop3A_586 = tpu.dynamic_gather %parallel_loop3A_580[%parallel_loop3A_585] in [0] : vector<16xf32>, vector<16xi32> -> vector<16xf32>
        %parallel_loop3A_587 = arith.constant 3 : i32
        %parallel_loop3A_588 = arith.muli %parallel_loop3A_571, %parallel_loop3A_587 : i32
        %parallel_loop3A_589 = arith.constant 0 : i32
        %parallel_loop3A_590 = arith.index_cast %parallel_loop3A_589 : i32 to index
        %parallel_loop3A_591 = arith.index_cast %parallel_loop3A_588 : i32 to index
        %parallel_loop3A_592 = arith.constant 0 : index
        %parallel_loop3A_593 = tpu.vector_load %arg11[%parallel_loop3A_590, %parallel_loop3A_591, %parallel_loop3A_592] {strides = array<i32>} : memref<2x75x128xf32, #tpu.memory_space<vmem>>, vector<1x1x16xf32>,
        %parallel_loop3A_594 = vector.shape_cast %parallel_loop3A_593 : vector<1x1x16xf32> to vector<16xf32>
        %parallel_loop3A_595 = arith.constant 3 : i32
        %parallel_loop3A_596 = arith.muli %parallel_loop3A_571, %parallel_loop3A_595 : i32
        %parallel_loop3A_597 = arith.constant 1 : i32
        %parallel_loop3A_598 = arith.addi %parallel_loop3A_596, %parallel_loop3A_597 : i32
        %parallel_loop3A_599 = arith.constant 0 : i32
        %parallel_loop3A_600 = arith.index_cast %parallel_loop3A_599 : i32 to index
        %parallel_loop3A_601 = arith.index_cast %parallel_loop3A_598 : i32 to index
        %parallel_loop3A_602 = arith.constant 0 : index
        %parallel_loop3A_603 = tpu.vector_load %arg11[%parallel_loop3A_600, %parallel_loop3A_601, %parallel_loop3A_602] {strides = array<i32>} : memref<2x75x128xf32, #tpu.memory_space<vmem>>, vector<1x1x16xf32>,
        %parallel_loop3A_604 = vector.shape_cast %parallel_loop3A_603 : vector<1x1x16xf32> to vector<16xf32>
        %parallel_loop3A_605 = arith.constant 3 : i32
        %parallel_loop3A_606 = arith.muli %parallel_loop3A_571, %parallel_loop3A_605 : i32
        %parallel_loop3A_607 = arith.constant 2 : i32
        %parallel_loop3A_608 = arith.addi %parallel_loop3A_606, %parallel_loop3A_607 : i32
        %parallel_loop3A_609 = arith.constant 0 : i32
        %parallel_loop3A_610 = arith.index_cast %parallel_loop3A_609 : i32 to index
        %parallel_loop3A_611 = arith.index_cast %parallel_loop3A_608 : i32 to index
        %parallel_loop3A_612 = arith.constant 0 : index
        %parallel_loop3A_613 = tpu.vector_load %arg11[%parallel_loop3A_610, %parallel_loop3A_611, %parallel_loop3A_612] {strides = array<i32>} : memref<2x75x128xf32, #tpu.memory_space<vmem>>, vector<1x1x16xf32>,
        %parallel_loop3A_614 = vector.shape_cast %parallel_loop3A_613 : vector<1x1x16xf32> to vector<16xf32>
        %parallel_loop3A_615 = arith.mulf %parallel_loop3A_582, %parallel_loop3A_594 : vector<16xf32>
        %parallel_loop3A_616 = arith.mulf %parallel_loop3A_586, %parallel_loop3A_604 : vector<16xf32>
        %parallel_loop3A_617 = arith.addf %parallel_loop3A_615, %parallel_loop3A_616 : vector<16xf32>
        %parallel_loop3A_618 = arith.mulf %parallel_loop3A_584, %parallel_loop3A_614 : vector<16xf32>
        %parallel_loop3A_619 = arith.addf %parallel_loop3A_617, %parallel_loop3A_618 : vector<16xf32>
        %parallel_loop3A_620 = arith.constant 3 : i32
        %parallel_loop3A_621 = arith.muli %parallel_loop3A_571, %parallel_loop3A_620 : i32
        %parallel_loop3A_622 = arith.constant 0 : i32
        %parallel_loop3A_623 = arith.index_cast %parallel_loop3A_622 : i32 to index
        %parallel_loop3A_624 = arith.index_cast %parallel_loop3A_621 : i32 to index
        %parallel_loop3A_625 = arith.constant 16 : index
        %parallel_loop3A_626 = tpu.vector_load %arg11[%parallel_loop3A_623, %parallel_loop3A_624, %parallel_loop3A_625] {strides = array<i32>} : memref<2x75x128xf32, #tpu.memory_space<vmem>>, vector<1x1x16xf32>,
        %parallel_loop3A_627 = vector.shape_cast %parallel_loop3A_626 : vector<1x1x16xf32> to vector<16xf32>
        %parallel_loop3A_628 = arith.constant 3 : i32
        %parallel_loop3A_629 = arith.muli %parallel_loop3A_571, %parallel_loop3A_628 : i32
        %parallel_loop3A_630 = arith.constant 1 : i32
        %parallel_loop3A_631 = arith.addi %parallel_loop3A_629, %parallel_loop3A_630 : i32
        %parallel_loop3A_632 = arith.constant 0 : i32
        %parallel_loop3A_633 = arith.index_cast %parallel_loop3A_632 : i32 to index
        %parallel_loop3A_634 = arith.index_cast %parallel_loop3A_631 : i32 to index
        %parallel_loop3A_635 = arith.constant 16 : index
        %parallel_loop3A_636 = tpu.vector_load %arg11[%parallel_loop3A_633, %parallel_loop3A_634, %parallel_loop3A_635] {strides = array<i32>} : memref<2x75x128xf32, #tpu.memory_space<vmem>>, vector<1x1x16xf32>,
        %parallel_loop3A_637 = vector.shape_cast %parallel_loop3A_636 : vector<1x1x16xf32> to vector<16xf32>
        %parallel_loop3A_638 = arith.constant 3 : i32
        %parallel_loop3A_639 = arith.muli %parallel_loop3A_571, %parallel_loop3A_638 : i32
        %parallel_loop3A_640 = arith.constant 2 : i32
        %parallel_loop3A_641 = arith.addi %parallel_loop3A_639, %parallel_loop3A_640 : i32
        %parallel_loop3A_642 = arith.constant 0 : i32
        %parallel_loop3A_643 = arith.index_cast %parallel_loop3A_642 : i32 to index
        %parallel_loop3A_644 = arith.index_cast %parallel_loop3A_641 : i32 to index
        %parallel_loop3A_645 = arith.constant 16 : index
        %parallel_loop3A_646 = tpu.vector_load %arg11[%parallel_loop3A_643, %parallel_loop3A_644, %parallel_loop3A_645] {strides = array<i32>} : memref<2x75x128xf32, #tpu.memory_space<vmem>>, vector<1x1x16xf32>,
        %parallel_loop3A_647 = vector.shape_cast %parallel_loop3A_646 : vector<1x1x16xf32> to vector<16xf32>
        %parallel_loop3A_648 = arith.mulf %parallel_loop3A_584, %parallel_loop3A_627 : vector<16xf32>
        %parallel_loop3A_649 = arith.mulf %parallel_loop3A_582, %parallel_loop3A_637 : vector<16xf32>
        %parallel_loop3A_650 = arith.addf %parallel_loop3A_648, %parallel_loop3A_649 : vector<16xf32>
        %parallel_loop3A_651 = arith.mulf %parallel_loop3A_586, %parallel_loop3A_647 : vector<16xf32>
        %parallel_loop3A_652 = arith.addf %parallel_loop3A_650, %parallel_loop3A_651 : vector<16xf32>
        %parallel_loop3A_653 = arith.constant 3 : i32
        %parallel_loop3A_654 = arith.muli %parallel_loop3A_571, %parallel_loop3A_653 : i32
        %parallel_loop3A_655 = arith.constant 0 : i32
        %parallel_loop3A_656 = arith.index_cast %parallel_loop3A_655 : i32 to index
        %parallel_loop3A_657 = arith.index_cast %parallel_loop3A_654 : i32 to index
        %parallel_loop3A_658 = arith.constant 32 : index
        %parallel_loop3A_659 = tpu.vector_load %arg11[%parallel_loop3A_656, %parallel_loop3A_657, %parallel_loop3A_658] {strides = array<i32>} : memref<2x75x128xf32, #tpu.memory_space<vmem>>, vector<1x1x16xf32>,
        %parallel_loop3A_660 = vector.shape_cast %parallel_loop3A_659 : vector<1x1x16xf32> to vector<16xf32>
        %parallel_loop3A_661 = arith.constant 3 : i32
        %parallel_loop3A_662 = arith.muli %parallel_loop3A_571, %parallel_loop3A_661 : i32
        %parallel_loop3A_663 = arith.constant 1 : i32
        %parallel_loop3A_664 = arith.addi %parallel_loop3A_662, %parallel_loop3A_663 : i32
        %parallel_loop3A_665 = arith.constant 0 : i32
        %parallel_loop3A_666 = arith.index_cast %parallel_loop3A_665 : i32 to index
        %parallel_loop3A_667 = arith.index_cast %parallel_loop3A_664 : i32 to index
        %parallel_loop3A_668 = arith.constant 32 : index
        %parallel_loop3A_669 = tpu.vector_load %arg11[%parallel_loop3A_666, %parallel_loop3A_667, %parallel_loop3A_668] {strides = array<i32>} : memref<2x75x128xf32, #tpu.memory_space<vmem>>, vector<1x1x16xf32>,
        %parallel_loop3A_670 = vector.shape_cast %parallel_loop3A_669 : vector<1x1x16xf32> to vector<16xf32>
        %parallel_loop3A_671 = arith.constant 3 : i32
        %parallel_loop3A_672 = arith.muli %parallel_loop3A_571, %parallel_loop3A_671 : i32
        %parallel_loop3A_673 = arith.constant 2 : i32
        %parallel_loop3A_674 = arith.addi %parallel_loop3A_672, %parallel_loop3A_673 : i32
        %parallel_loop3A_675 = arith.constant 0 : i32
        %parallel_loop3A_676 = arith.index_cast %parallel_loop3A_675 : i32 to index
        %parallel_loop3A_677 = arith.index_cast %parallel_loop3A_674 : i32 to index
        %parallel_loop3A_678 = arith.constant 32 : index
        %parallel_loop3A_679 = tpu.vector_load %arg11[%parallel_loop3A_676, %parallel_loop3A_677, %parallel_loop3A_678] {strides = array<i32>} : memref<2x75x128xf32, #tpu.memory_space<vmem>>, vector<1x1x16xf32>,
        %parallel_loop3A_680 = vector.shape_cast %parallel_loop3A_679 : vector<1x1x16xf32> to vector<16xf32>
        %parallel_loop3A_681 = arith.mulf %parallel_loop3A_586, %parallel_loop3A_660 : vector<16xf32>
        %parallel_loop3A_682 = arith.mulf %parallel_loop3A_584, %parallel_loop3A_670 : vector<16xf32>
        %parallel_loop3A_683 = arith.addf %parallel_loop3A_681, %parallel_loop3A_682 : vector<16xf32>
        %parallel_loop3A_684 = arith.mulf %parallel_loop3A_582, %parallel_loop3A_680 : vector<16xf32>
        %parallel_loop3A_685 = arith.addf %parallel_loop3A_683, %parallel_loop3A_684 : vector<16xf32>
        %parallel_loop3A_686 = arith.constant 3 : i32
        %parallel_loop3A_687 = arith.muli %parallel_loop3A_571, %parallel_loop3A_686 : i32
        %parallel_loop3A_688 = arith.constant 0 : i32
        %parallel_loop3A_689 = arith.index_cast %parallel_loop3A_688 : i32 to index
        %parallel_loop3A_690 = arith.index_cast %parallel_loop3A_687 : i32 to index
        %parallel_loop3A_691 = arith.constant 48 : index
        %parallel_loop3A_692 = tpu.vector_load %arg11[%parallel_loop3A_689, %parallel_loop3A_690, %parallel_loop3A_691] {strides = array<i32>} : memref<2x75x128xf32, #tpu.memory_space<vmem>>, vector<1x1x16xf32>,
        %parallel_loop3A_693 = vector.shape_cast %parallel_loop3A_692 : vector<1x1x16xf32> to vector<16xf32>
        %parallel_loop3A_694 = arith.constant 3 : i32
        %parallel_loop3A_695 = arith.muli %parallel_loop3A_571, %parallel_loop3A_694 : i32
        %parallel_loop3A_696 = arith.constant 1 : i32
        %parallel_loop3A_697 = arith.addi %parallel_loop3A_695, %parallel_loop3A_696 : i32
        %parallel_loop3A_698 = arith.constant 0 : i32
        %parallel_loop3A_699 = arith.index_cast %parallel_loop3A_698 : i32 to index
        %parallel_loop3A_700 = arith.index_cast %parallel_loop3A_697 : i32 to index
        %parallel_loop3A_701 = arith.constant 48 : index
        %parallel_loop3A_702 = tpu.vector_load %arg11[%parallel_loop3A_699, %parallel_loop3A_700, %parallel_loop3A_701] {strides = array<i32>} : memref<2x75x128xf32, #tpu.memory_space<vmem>>, vector<1x1x16xf32>,
        %parallel_loop3A_703 = vector.shape_cast %parallel_loop3A_702 : vector<1x1x16xf32> to vector<16xf32>
        %parallel_loop3A_704 = arith.constant 3 : i32
        %parallel_loop3A_705 = arith.muli %parallel_loop3A_571, %parallel_loop3A_704 : i32
        %parallel_loop3A_706 = arith.constant 2 : i32
        %parallel_loop3A_707 = arith.addi %parallel_loop3A_705, %parallel_loop3A_706 : i32
        %parallel_loop3A_708 = arith.constant 0 : i32
        %parallel_loop3A_709 = arith.index_cast %parallel_loop3A_708 : i32 to index
        %parallel_loop3A_710 = arith.index_cast %parallel_loop3A_707 : i32 to index
        %parallel_loop3A_711 = arith.constant 48 : index
        %parallel_loop3A_712 = tpu.vector_load %arg11[%parallel_loop3A_709, %parallel_loop3A_710, %parallel_loop3A_711] {strides = array<i32>} : memref<2x75x128xf32, #tpu.memory_space<vmem>>, vector<1x1x16xf32>,
        %parallel_loop3A_713 = vector.shape_cast %parallel_loop3A_712 : vector<1x1x16xf32> to vector<16xf32>
        %parallel_loop3A_714 = arith.mulf %parallel_loop3A_582, %parallel_loop3A_693 : vector<16xf32>
        %parallel_loop3A_715 = arith.mulf %parallel_loop3A_586, %parallel_loop3A_703 : vector<16xf32>
        %parallel_loop3A_716 = arith.addf %parallel_loop3A_714, %parallel_loop3A_715 : vector<16xf32>
        %parallel_loop3A_717 = arith.mulf %parallel_loop3A_584, %parallel_loop3A_713 : vector<16xf32>
        %parallel_loop3A_718 = arith.addf %parallel_loop3A_716, %parallel_loop3A_717 : vector<16xf32>
        %parallel_loop3A_719 = arith.constant 3 : i32
        %parallel_loop3A_720 = arith.muli %parallel_loop3A_571, %parallel_loop3A_719 : i32
        %parallel_loop3A_721 = arith.constant 0 : i32
        %parallel_loop3A_722 = arith.index_cast %parallel_loop3A_721 : i32 to index
        %parallel_loop3A_723 = arith.index_cast %parallel_loop3A_720 : i32 to index
        %parallel_loop3A_724 = arith.constant 64 : index
        %parallel_loop3A_725 = tpu.vector_load %arg11[%parallel_loop3A_722, %parallel_loop3A_723, %parallel_loop3A_724] {strides = array<i32>} : memref<2x75x128xf32, #tpu.memory_space<vmem>>, vector<1x1x16xf32>,
        %parallel_loop3A_726 = vector.shape_cast %parallel_loop3A_725 : vector<1x1x16xf32> to vector<16xf32>
        %parallel_loop3A_727 = arith.constant 3 : i32
        %parallel_loop3A_728 = arith.muli %parallel_loop3A_571, %parallel_loop3A_727 : i32
        %parallel_loop3A_729 = arith.constant 1 : i32
        %parallel_loop3A_730 = arith.addi %parallel_loop3A_728, %parallel_loop3A_729 : i32
        %parallel_loop3A_731 = arith.constant 0 : i32
        %parallel_loop3A_732 = arith.index_cast %parallel_loop3A_731 : i32 to index
        %parallel_loop3A_733 = arith.index_cast %parallel_loop3A_730 : i32 to index
        %parallel_loop3A_734 = arith.constant 64 : index
        %parallel_loop3A_735 = tpu.vector_load %arg11[%parallel_loop3A_732, %parallel_loop3A_733, %parallel_loop3A_734] {strides = array<i32>} : memref<2x75x128xf32, #tpu.memory_space<vmem>>, vector<1x1x16xf32>,
        %parallel_loop3A_736 = vector.shape_cast %parallel_loop3A_735 : vector<1x1x16xf32> to vector<16xf32>
        %parallel_loop3A_737 = arith.constant 3 : i32
        %parallel_loop3A_738 = arith.muli %parallel_loop3A_571, %parallel_loop3A_737 : i32
        %parallel_loop3A_739 = arith.constant 2 : i32
        %parallel_loop3A_740 = arith.addi %parallel_loop3A_738, %parallel_loop3A_739 : i32
        %parallel_loop3A_741 = arith.constant 0 : i32
        %parallel_loop3A_742 = arith.index_cast %parallel_loop3A_741 : i32 to index
        %parallel_loop3A_743 = arith.index_cast %parallel_loop3A_740 : i32 to index
        %parallel_loop3A_744 = arith.constant 64 : index
        %parallel_loop3A_745 = tpu.vector_load %arg11[%parallel_loop3A_742, %parallel_loop3A_743, %parallel_loop3A_744] {strides = array<i32>} : memref<2x75x128xf32, #tpu.memory_space<vmem>>, vector<1x1x16xf32>,
        %parallel_loop3A_746 = vector.shape_cast %parallel_loop3A_745 : vector<1x1x16xf32> to vector<16xf32>
        %parallel_loop3A_747 = arith.mulf %parallel_loop3A_584, %parallel_loop3A_726 : vector<16xf32>
        %parallel_loop3A_748 = arith.mulf %parallel_loop3A_582, %parallel_loop3A_736 : vector<16xf32>
        %parallel_loop3A_749 = arith.addf %parallel_loop3A_747, %parallel_loop3A_748 : vector<16xf32>
        %parallel_loop3A_750 = arith.mulf %parallel_loop3A_586, %parallel_loop3A_746 : vector<16xf32>
        %parallel_loop3A_751 = arith.addf %parallel_loop3A_749, %parallel_loop3A_750 : vector<16xf32>
        %parallel_loop3A_752 = arith.constant 3 : i32
        %parallel_loop3A_753 = arith.muli %parallel_loop3A_571, %parallel_loop3A_752 : i32
        %parallel_loop3A_754 = arith.constant 0 : i32
        %parallel_loop3A_755 = arith.index_cast %parallel_loop3A_754 : i32 to index
        %parallel_loop3A_756 = arith.index_cast %parallel_loop3A_753 : i32 to index
        %parallel_loop3A_757 = arith.constant 80 : index
        %parallel_loop3A_758 = tpu.vector_load %arg11[%parallel_loop3A_755, %parallel_loop3A_756, %parallel_loop3A_757] {strides = array<i32>} : memref<2x75x128xf32, #tpu.memory_space<vmem>>, vector<1x1x16xf32>,
        %parallel_loop3A_759 = vector.shape_cast %parallel_loop3A_758 : vector<1x1x16xf32> to vector<16xf32>
        %parallel_loop3A_760 = arith.constant 3 : i32
        %parallel_loop3A_761 = arith.muli %parallel_loop3A_571, %parallel_loop3A_760 : i32
        %parallel_loop3A_762 = arith.constant 1 : i32
        %parallel_loop3A_763 = arith.addi %parallel_loop3A_761, %parallel_loop3A_762 : i32
        %parallel_loop3A_764 = arith.constant 0 : i32
        %parallel_loop3A_765 = arith.index_cast %parallel_loop3A_764 : i32 to index
        %parallel_loop3A_766 = arith.index_cast %parallel_loop3A_763 : i32 to index
        %parallel_loop3A_767 = arith.constant 80 : index
        %parallel_loop3A_768 = tpu.vector_load %arg11[%parallel_loop3A_765, %parallel_loop3A_766, %parallel_loop3A_767] {strides = array<i32>} : memref<2x75x128xf32, #tpu.memory_space<vmem>>, vector<1x1x16xf32>,
        %parallel_loop3A_769 = vector.shape_cast %parallel_loop3A_768 : vector<1x1x16xf32> to vector<16xf32>
        %parallel_loop3A_770 = arith.constant 3 : i32
        %parallel_loop3A_771 = arith.muli %parallel_loop3A_571, %parallel_loop3A_770 : i32
        %parallel_loop3A_772 = arith.constant 2 : i32
        %parallel_loop3A_773 = arith.addi %parallel_loop3A_771, %parallel_loop3A_772 : i32
        %parallel_loop3A_774 = arith.constant 0 : i32
        %parallel_loop3A_775 = arith.index_cast %parallel_loop3A_774 : i32 to index
        %parallel_loop3A_776 = arith.index_cast %parallel_loop3A_773 : i32 to index
        %parallel_loop3A_777 = arith.constant 80 : index
        %parallel_loop3A_778 = tpu.vector_load %arg11[%parallel_loop3A_775, %parallel_loop3A_776, %parallel_loop3A_777] {strides = array<i32>} : memref<2x75x128xf32, #tpu.memory_space<vmem>>, vector<1x1x16xf32>,
        %parallel_loop3A_779 = vector.shape_cast %parallel_loop3A_778 : vector<1x1x16xf32> to vector<16xf32>
        %parallel_loop3A_780 = arith.mulf %parallel_loop3A_586, %parallel_loop3A_759 : vector<16xf32>
        %parallel_loop3A_781 = arith.mulf %parallel_loop3A_584, %parallel_loop3A_769 : vector<16xf32>
        %parallel_loop3A_782 = arith.addf %parallel_loop3A_780, %parallel_loop3A_781 : vector<16xf32>
        %parallel_loop3A_783 = arith.mulf %parallel_loop3A_582, %parallel_loop3A_779 : vector<16xf32>
        %parallel_loop3A_784 = arith.addf %parallel_loop3A_782, %parallel_loop3A_783 : vector<16xf32>
        %parallel_loop3A_785 = arith.constant 3 : i32
        %parallel_loop3A_786 = arith.muli %parallel_loop3A_571, %parallel_loop3A_785 : i32
        %parallel_loop3A_787 = arith.constant 0 : i32
        %parallel_loop3A_788 = arith.index_cast %parallel_loop3A_787 : i32 to index
        %parallel_loop3A_789 = arith.index_cast %parallel_loop3A_786 : i32 to index
        %parallel_loop3A_790 = arith.constant 96 : index
        %parallel_loop3A_791 = tpu.vector_load %arg11[%parallel_loop3A_788, %parallel_loop3A_789, %parallel_loop3A_790] {strides = array<i32>} : memref<2x75x128xf32, #tpu.memory_space<vmem>>, vector<1x1x16xf32>,
        %parallel_loop3A_792 = vector.shape_cast %parallel_loop3A_791 : vector<1x1x16xf32> to vector<16xf32>
        %parallel_loop3A_793 = arith.constant 3 : i32
        %parallel_loop3A_794 = arith.muli %parallel_loop3A_571, %parallel_loop3A_793 : i32
        %parallel_loop3A_795 = arith.constant 1 : i32
        %parallel_loop3A_796 = arith.addi %parallel_loop3A_794, %parallel_loop3A_795 : i32
        %parallel_loop3A_797 = arith.constant 0 : i32
        %parallel_loop3A_798 = arith.index_cast %parallel_loop3A_797 : i32 to index
        %parallel_loop3A_799 = arith.index_cast %parallel_loop3A_796 : i32 to index
        %parallel_loop3A_800 = arith.constant 96 : index
        %parallel_loop3A_801 = tpu.vector_load %arg11[%parallel_loop3A_798, %parallel_loop3A_799, %parallel_loop3A_800] {strides = array<i32>} : memref<2x75x128xf32, #tpu.memory_space<vmem>>, vector<1x1x16xf32>,
        %parallel_loop3A_802 = vector.shape_cast %parallel_loop3A_801 : vector<1x1x16xf32> to vector<16xf32>
        %parallel_loop3A_803 = arith.constant 3 : i32
        %parallel_loop3A_804 = arith.muli %parallel_loop3A_571, %parallel_loop3A_803 : i32
        %parallel_loop3A_805 = arith.constant 2 : i32
        %parallel_loop3A_806 = arith.addi %parallel_loop3A_804, %parallel_loop3A_805 : i32
        %parallel_loop3A_807 = arith.constant 0 : i32
        %parallel_loop3A_808 = arith.index_cast %parallel_loop3A_807 : i32 to index
        %parallel_loop3A_809 = arith.index_cast %parallel_loop3A_806 : i32 to index
        %parallel_loop3A_810 = arith.constant 96 : index
        %parallel_loop3A_811 = tpu.vector_load %arg11[%parallel_loop3A_808, %parallel_loop3A_809, %parallel_loop3A_810] {strides = array<i32>} : memref<2x75x128xf32, #tpu.memory_space<vmem>>, vector<1x1x16xf32>,
        %parallel_loop3A_812 = vector.shape_cast %parallel_loop3A_811 : vector<1x1x16xf32> to vector<16xf32>
        %parallel_loop3A_813 = arith.mulf %parallel_loop3A_582, %parallel_loop3A_792 : vector<16xf32>
        %parallel_loop3A_814 = arith.mulf %parallel_loop3A_586, %parallel_loop3A_802 : vector<16xf32>
        %parallel_loop3A_815 = arith.addf %parallel_loop3A_813, %parallel_loop3A_814 : vector<16xf32>
        %parallel_loop3A_816 = arith.mulf %parallel_loop3A_584, %parallel_loop3A_812 : vector<16xf32>
        %parallel_loop3A_817 = arith.addf %parallel_loop3A_815, %parallel_loop3A_816 : vector<16xf32>
        %parallel_loop3A_818 = arith.constant 3 : i32
        %parallel_loop3A_819 = arith.muli %parallel_loop3A_571, %parallel_loop3A_818 : i32
        %parallel_loop3A_820 = arith.constant 0 : i32
        %parallel_loop3A_821 = arith.index_cast %parallel_loop3A_820 : i32 to index
        %parallel_loop3A_822 = arith.index_cast %parallel_loop3A_819 : i32 to index
        %parallel_loop3A_823 = arith.constant 112 : index
        %parallel_loop3A_824 = tpu.vector_load %arg11[%parallel_loop3A_821, %parallel_loop3A_822, %parallel_loop3A_823] {strides = array<i32>} : memref<2x75x128xf32, #tpu.memory_space<vmem>>, vector<1x1x16xf32>,
        %parallel_loop3A_825 = vector.shape_cast %parallel_loop3A_824 : vector<1x1x16xf32> to vector<16xf32>
        %parallel_loop3A_826 = arith.constant 3 : i32
        %parallel_loop3A_827 = arith.muli %parallel_loop3A_571, %parallel_loop3A_826 : i32
        %parallel_loop3A_828 = arith.constant 1 : i32
        %parallel_loop3A_829 = arith.addi %parallel_loop3A_827, %parallel_loop3A_828 : i32
        %parallel_loop3A_830 = arith.constant 0 : i32
        %parallel_loop3A_831 = arith.index_cast %parallel_loop3A_830 : i32 to index
        %parallel_loop3A_832 = arith.index_cast %parallel_loop3A_829 : i32 to index
        %parallel_loop3A_833 = arith.constant 112 : index
        %parallel_loop3A_834 = tpu.vector_load %arg11[%parallel_loop3A_831, %parallel_loop3A_832, %parallel_loop3A_833] {strides = array<i32>} : memref<2x75x128xf32, #tpu.memory_space<vmem>>, vector<1x1x16xf32>,
        %parallel_loop3A_835 = vector.shape_cast %parallel_loop3A_834 : vector<1x1x16xf32> to vector<16xf32>
        %parallel_loop3A_836 = arith.constant 3 : i32
        %parallel_loop3A_837 = arith.muli %parallel_loop3A_571, %parallel_loop3A_836 : i32
        %parallel_loop3A_838 = arith.constant 2 : i32
        %parallel_loop3A_839 = arith.addi %parallel_loop3A_837, %parallel_loop3A_838 : i32
        %parallel_loop3A_840 = arith.constant 0 : i32
        %parallel_loop3A_841 = arith.index_cast %parallel_loop3A_840 : i32 to index
        %parallel_loop3A_842 = arith.index_cast %parallel_loop3A_839 : i32 to index
        %parallel_loop3A_843 = arith.constant 112 : index
        %parallel_loop3A_844 = tpu.vector_load %arg11[%parallel_loop3A_841, %parallel_loop3A_842, %parallel_loop3A_843] {strides = array<i32>} : memref<2x75x128xf32, #tpu.memory_space<vmem>>, vector<1x1x16xf32>,
        %parallel_loop3A_845 = vector.shape_cast %parallel_loop3A_844 : vector<1x1x16xf32> to vector<16xf32>
        %parallel_loop3A_846 = arith.mulf %parallel_loop3A_584, %parallel_loop3A_825 : vector<16xf32>
        %parallel_loop3A_847 = arith.mulf %parallel_loop3A_582, %parallel_loop3A_835 : vector<16xf32>
        %parallel_loop3A_848 = arith.addf %parallel_loop3A_846, %parallel_loop3A_847 : vector<16xf32>
        %parallel_loop3A_849 = arith.mulf %parallel_loop3A_586, %parallel_loop3A_845 : vector<16xf32>
        %parallel_loop3A_850 = arith.addf %parallel_loop3A_848, %parallel_loop3A_849 : vector<16xf32>
        %parallel_loop3A_851 = arith.constant 128 : i32
        %parallel_loop3A_852 = arith.muli %parallel_loop3A_571, %parallel_loop3A_851 : i32
        %parallel_loop3A_853 = arith.constant 0 : i32
        %parallel_loop3A_854 = arith.addi %parallel_loop3A_852, %parallel_loop3A_853 : i32
        %parallel_loop3A_855 = arith.constant 0 : i32
        %parallel_loop3A_856 = arith.index_cast %parallel_loop3A_855 : i32 to index
        %parallel_loop3A_857 = arith.index_cast %parallel_loop3A_854 : i32 to index
        %parallel_loop3A_858 = tpu.vector_load %arg12[%parallel_loop3A_856, %parallel_loop3A_857] {strides = array<i32>} : memref<2x3200xf32, #tpu.memory_space<vmem>>, vector<1x16xf32>,
        %parallel_loop3A_859 = vector.shape_cast %parallel_loop3A_858 : vector<1x16xf32> to vector<16xf32>
        %parallel_loop3A_860 = vector.shape_cast %parallel_loop3A_619 : vector<16xf32> to vector<1x16xf32>
        tpu.vector_store %arg12[%parallel_loop3A_856, %parallel_loop3A_857], %parallel_loop3A_860 {strides = array<i32>} : memref<2x3200xf32, #tpu.memory_space<vmem>>, vector<1x16xf32>,
        %parallel_loop3A_861 = arith.constant 128 : i32
        %parallel_loop3A_862 = arith.muli %parallel_loop3A_571, %parallel_loop3A_861 : i32
        %parallel_loop3A_863 = arith.constant 16 : i32
        %parallel_loop3A_864 = arith.addi %parallel_loop3A_862, %parallel_loop3A_863 : i32
        %parallel_loop3A_865 = arith.constant 0 : i32
        %parallel_loop3A_866 = arith.index_cast %parallel_loop3A_865 : i32 to index
        %parallel_loop3A_867 = arith.index_cast %parallel_loop3A_864 : i32 to index
        %parallel_loop3A_868 = tpu.vector_load %arg12[%parallel_loop3A_866, %parallel_loop3A_867] {strides = array<i32>} : memref<2x3200xf32, #tpu.memory_space<vmem>>, vector<1x16xf32>,
        %parallel_loop3A_869 = vector.shape_cast %parallel_loop3A_868 : vector<1x16xf32> to vector<16xf32>
        %parallel_loop3A_870 = vector.shape_cast %parallel_loop3A_652 : vector<16xf32> to vector<1x16xf32>
        tpu.vector_store %arg12[%parallel_loop3A_866, %parallel_loop3A_867], %parallel_loop3A_870 {strides = array<i32>} : memref<2x3200xf32, #tpu.memory_space<vmem>>, vector<1x16xf32>,
        %parallel_loop3A_871 = arith.constant 128 : i32
        %parallel_loop3A_872 = arith.muli %parallel_loop3A_571, %parallel_loop3A_871 : i32
        %parallel_loop3A_873 = arith.constant 32 : i32
        %parallel_loop3A_874 = arith.addi %parallel_loop3A_872, %parallel_loop3A_873 : i32
        %parallel_loop3A_875 = arith.constant 0 : i32
        %parallel_loop3A_876 = arith.index_cast %parallel_loop3A_875 : i32 to index
        %parallel_loop3A_877 = arith.index_cast %parallel_loop3A_874 : i32 to index
        %parallel_loop3A_878 = tpu.vector_load %arg12[%parallel_loop3A_876, %parallel_loop3A_877] {strides = array<i32>} : memref<2x3200xf32, #tpu.memory_space<vmem>>, vector<1x16xf32>,
        %parallel_loop3A_879 = vector.shape_cast %parallel_loop3A_878 : vector<1x16xf32> to vector<16xf32>
        %parallel_loop3A_880 = vector.shape_cast %parallel_loop3A_685 : vector<16xf32> to vector<1x16xf32>
        tpu.vector_store %arg12[%parallel_loop3A_876, %parallel_loop3A_877], %parallel_loop3A_880 {strides = array<i32>} : memref<2x3200xf32, #tpu.memory_space<vmem>>, vector<1x16xf32>,
        %parallel_loop3A_881 = arith.constant 128 : i32
        %parallel_loop3A_882 = arith.muli %parallel_loop3A_571, %parallel_loop3A_881 : i32
        %parallel_loop3A_883 = arith.constant 48 : i32
        %parallel_loop3A_884 = arith.addi %parallel_loop3A_882, %parallel_loop3A_883 : i32
        %parallel_loop3A_885 = arith.constant 0 : i32
        %parallel_loop3A_886 = arith.index_cast %parallel_loop3A_885 : i32 to index
        %parallel_loop3A_887 = arith.index_cast %parallel_loop3A_884 : i32 to index
        %parallel_loop3A_888 = tpu.vector_load %arg12[%parallel_loop3A_886, %parallel_loop3A_887] {strides = array<i32>} : memref<2x3200xf32, #tpu.memory_space<vmem>>, vector<1x16xf32>,
        %parallel_loop3A_889 = vector.shape_cast %parallel_loop3A_888 : vector<1x16xf32> to vector<16xf32>
        %parallel_loop3A_890 = vector.shape_cast %parallel_loop3A_718 : vector<16xf32> to vector<1x16xf32>
        tpu.vector_store %arg12[%parallel_loop3A_886, %parallel_loop3A_887], %parallel_loop3A_890 {strides = array<i32>} : memref<2x3200xf32, #tpu.memory_space<vmem>>, vector<1x16xf32>,
        %parallel_loop3A_891 = arith.constant 128 : i32
        %parallel_loop3A_892 = arith.muli %parallel_loop3A_571, %parallel_loop3A_891 : i32
        %parallel_loop3A_893 = arith.constant 64 : i32
        %parallel_loop3A_894 = arith.addi %parallel_loop3A_892, %parallel_loop3A_893 : i32
        %parallel_loop3A_895 = arith.constant 0 : i32
        %parallel_loop3A_896 = arith.index_cast %parallel_loop3A_895 : i32 to index
        %parallel_loop3A_897 = arith.index_cast %parallel_loop3A_894 : i32 to index
        %parallel_loop3A_898 = tpu.vector_load %arg12[%parallel_loop3A_896, %parallel_loop3A_897] {strides = array<i32>} : memref<2x3200xf32, #tpu.memory_space<vmem>>, vector<1x16xf32>,
        %parallel_loop3A_899 = vector.shape_cast %parallel_loop3A_898 : vector<1x16xf32> to vector<16xf32>
        %parallel_loop3A_900 = vector.shape_cast %parallel_loop3A_751 : vector<16xf32> to vector<1x16xf32>
        tpu.vector_store %arg12[%parallel_loop3A_896, %parallel_loop3A_897], %parallel_loop3A_900 {strides = array<i32>} : memref<2x3200xf32, #tpu.memory_space<vmem>>, vector<1x16xf32>,
        %parallel_loop3A_901 = arith.constant 128 : i32
        %parallel_loop3A_902 = arith.muli %parallel_loop3A_571, %parallel_loop3A_901 : i32
        %parallel_loop3A_903 = arith.constant 80 : i32
        %parallel_loop3A_904 = arith.addi %parallel_loop3A_902, %parallel_loop3A_903 : i32
        %parallel_loop3A_905 = arith.constant 0 : i32
        %parallel_loop3A_906 = arith.index_cast %parallel_loop3A_905 : i32 to index
        %parallel_loop3A_907 = arith.index_cast %parallel_loop3A_904 : i32 to index
        %parallel_loop3A_908 = tpu.vector_load %arg12[%parallel_loop3A_906, %parallel_loop3A_907] {strides = array<i32>} : memref<2x3200xf32, #tpu.memory_space<vmem>>, vector<1x16xf32>,
        %parallel_loop3A_909 = vector.shape_cast %parallel_loop3A_908 : vector<1x16xf32> to vector<16xf32>
        %parallel_loop3A_910 = vector.shape_cast %parallel_loop3A_784 : vector<16xf32> to vector<1x16xf32>
        tpu.vector_store %arg12[%parallel_loop3A_906, %parallel_loop3A_907], %parallel_loop3A_910 {strides = array<i32>} : memref<2x3200xf32, #tpu.memory_space<vmem>>, vector<1x16xf32>,
        %parallel_loop3A_911 = arith.constant 128 : i32
        %parallel_loop3A_912 = arith.muli %parallel_loop3A_571, %parallel_loop3A_911 : i32
        %parallel_loop3A_913 = arith.constant 96 : i32
        %parallel_loop3A_914 = arith.addi %parallel_loop3A_912, %parallel_loop3A_913 : i32
        %parallel_loop3A_915 = arith.constant 0 : i32
        %parallel_loop3A_916 = arith.index_cast %parallel_loop3A_915 : i32 to index
        %parallel_loop3A_917 = arith.index_cast %parallel_loop3A_914 : i32 to index
        %parallel_loop3A_918 = tpu.vector_load %arg12[%parallel_loop3A_916, %parallel_loop3A_917] {strides = array<i32>} : memref<2x3200xf32, #tpu.memory_space<vmem>>, vector<1x16xf32>,
        %parallel_loop3A_919 = vector.shape_cast %parallel_loop3A_918 : vector<1x16xf32> to vector<16xf32>
        %parallel_loop3A_920 = vector.shape_cast %parallel_loop3A_817 : vector<16xf32> to vector<1x16xf32>
        tpu.vector_store %arg12[%parallel_loop3A_916, %parallel_loop3A_917], %parallel_loop3A_920 {strides = array<i32>} : memref<2x3200xf32, #tpu.memory_space<vmem>>, vector<1x16xf32>,
        %parallel_loop3A_921 = arith.constant 128 : i32
        %parallel_loop3A_922 = arith.muli %parallel_loop3A_571, %parallel_loop3A_921 : i32
        %parallel_loop3A_923 = arith.constant 112 : i32
        %parallel_loop3A_924 = arith.addi %parallel_loop3A_922, %parallel_loop3A_923 : i32
        %parallel_loop3A_925 = arith.constant 0 : i32
        %parallel_loop3A_926 = arith.index_cast %parallel_loop3A_925 : i32 to index
        %parallel_loop3A_927 = arith.index_cast %parallel_loop3A_924 : i32 to index
        %parallel_loop3A_928 = tpu.vector_load %arg12[%parallel_loop3A_926, %parallel_loop3A_927] {strides = array<i32>} : memref<2x3200xf32, #tpu.memory_space<vmem>>, vector<1x16xf32>,
        %parallel_loop3A_929 = vector.shape_cast %parallel_loop3A_928 : vector<1x16xf32> to vector<16xf32>
        %parallel_loop3A_930 = vector.shape_cast %parallel_loop3A_850 : vector<16xf32> to vector<1x16xf32>
        tpu.vector_store %arg12[%parallel_loop3A_926, %parallel_loop3A_927], %parallel_loop3A_930 {strides = array<i32>} : memref<2x3200xf32, #tpu.memory_space<vmem>>, vector<1x16xf32>,
        %parallel_loop3A_931 = arith.constant 3 : i32
        %parallel_loop3A_932 = arith.muli %parallel_loop3A_571, %parallel_loop3A_931 : i32
        %parallel_loop3A_933 = arith.constant 1 : i32
        %parallel_loop3A_934 = arith.constant 1 : i32
        %parallel_loop3A_935 = arith.index_cast %parallel_loop3A_933 : i32 to index
        %parallel_loop3A_936 = arith.index_cast %parallel_loop3A_934 : i32 to index
        %parallel_loop3A_937 = arith.index_cast %parallel_loop3A_932 : i32 to index
        %parallel_loop3A_938 = tpu.vector_load %arg8[%parallel_loop3A_935, %parallel_loop3A_936, %parallel_loop3A_937] {strides = array<i32>} : memref<2x2x96xf32, #tpu.memory_space<vmem>>, vector<1x1x16xf32>,
        %parallel_loop3A_939 = vector.shape_cast %parallel_loop3A_938 : vector<1x1x16xf32> to vector<16xf32>
        %parallel_loop3A_940 = vector.shape_cast %broadcast_in_dim3A : vector<16x1xi32> to vector<16xi32>
        %parallel_loop3A_941 = tpu.dynamic_gather %parallel_loop3A_939[%parallel_loop3A_940] in [0] : vector<16xf32>, vector<16xi32> -> vector<16xf32>
        %parallel_loop3A_942 = vector.shape_cast %broadcast_in_dim3A_49 : vector<16x1xi32> to vector<16xi32>
        %parallel_loop3A_943 = tpu.dynamic_gather %parallel_loop3A_939[%parallel_loop3A_942] in [0] : vector<16xf32>, vector<16xi32> -> vector<16xf32>
        %parallel_loop3A_944 = vector.shape_cast %broadcast_in_dim3A_75 : vector<16x1xi32> to vector<16xi32>
        %parallel_loop3A_945 = tpu.dynamic_gather %parallel_loop3A_939[%parallel_loop3A_944] in [0] : vector<16xf32>, vector<16xi32> -> vector<16xf32>
        %parallel_loop3A_946 = arith.constant 3 : i32
        %parallel_loop3A_947 = arith.muli %parallel_loop3A_571, %parallel_loop3A_946 : i32
        %parallel_loop3A_948 = arith.constant 1 : i32
        %parallel_loop3A_949 = arith.index_cast %parallel_loop3A_948 : i32 to index
        %parallel_loop3A_950 = arith.index_cast %parallel_loop3A_947 : i32 to index
        %parallel_loop3A_951 = arith.constant 0 : index
        %parallel_loop3A_952 = tpu.vector_load %arg11[%parallel_loop3A_949, %parallel_loop3A_950, %parallel_loop3A_951] {strides = array<i32>} : memref<2x75x128xf32, #tpu.memory_space<vmem>>, vector<1x1x16xf32>,
        %parallel_loop3A_953 = vector.shape_cast %parallel_loop3A_952 : vector<1x1x16xf32> to vector<16xf32>
        %parallel_loop3A_954 = arith.constant 3 : i32
        %parallel_loop3A_955 = arith.muli %parallel_loop3A_571, %parallel_loop3A_954 : i32
        %parallel_loop3A_956 = arith.constant 1 : i32
        %parallel_loop3A_957 = arith.addi %parallel_loop3A_955, %parallel_loop3A_956 : i32
        %parallel_loop3A_958 = arith.constant 1 : i32
        %parallel_loop3A_959 = arith.index_cast %parallel_loop3A_958 : i32 to index
        %parallel_loop3A_960 = arith.index_cast %parallel_loop3A_957 : i32 to index
        %parallel_loop3A_961 = arith.constant 0 : index
        %parallel_loop3A_962 = tpu.vector_load %arg11[%parallel_loop3A_959, %parallel_loop3A_960, %parallel_loop3A_961] {strides = array<i32>} : memref<2x75x128xf32, #tpu.memory_space<vmem>>, vector<1x1x16xf32>,
        %parallel_loop3A_963 = vector.shape_cast %parallel_loop3A_962 : vector<1x1x16xf32> to vector<16xf32>
        %parallel_loop3A_964 = arith.constant 3 : i32
        %parallel_loop3A_965 = arith.muli %parallel_loop3A_571, %parallel_loop3A_964 : i32
        %parallel_loop3A_966 = arith.constant 2 : i32
        %parallel_loop3A_967 = arith.addi %parallel_loop3A_965, %parallel_loop3A_966 : i32
        %parallel_loop3A_968 = arith.constant 1 : i32
        %parallel_loop3A_969 = arith.index_cast %parallel_loop3A_968 : i32 to index
        %parallel_loop3A_970 = arith.index_cast %parallel_loop3A_967 : i32 to index
        %parallel_loop3A_971 = arith.constant 0 : index
        %parallel_loop3A_972 = tpu.vector_load %arg11[%parallel_loop3A_969, %parallel_loop3A_970, %parallel_loop3A_971] {strides = array<i32>} : memref<2x75x128xf32, #tpu.memory_space<vmem>>, vector<1x1x16xf32>,
        %parallel_loop3A_973 = vector.shape_cast %parallel_loop3A_972 : vector<1x1x16xf32> to vector<16xf32>
        %parallel_loop3A_974 = arith.mulf %parallel_loop3A_941, %parallel_loop3A_953 : vector<16xf32>
        %parallel_loop3A_975 = arith.mulf %parallel_loop3A_945, %parallel_loop3A_963 : vector<16xf32>
        %parallel_loop3A_976 = arith.addf %parallel_loop3A_974, %parallel_loop3A_975 : vector<16xf32>
        %parallel_loop3A_977 = arith.mulf %parallel_loop3A_943, %parallel_loop3A_973 : vector<16xf32>
        %parallel_loop3A_978 = arith.addf %parallel_loop3A_976, %parallel_loop3A_977 : vector<16xf32>
        %parallel_loop3A_979 = arith.constant 3 : i32
        %parallel_loop3A_980 = arith.muli %parallel_loop3A_571, %parallel_loop3A_979 : i32
        %parallel_loop3A_981 = arith.constant 1 : i32
        %parallel_loop3A_982 = arith.index_cast %parallel_loop3A_981 : i32 to index
        %parallel_loop3A_983 = arith.index_cast %parallel_loop3A_980 : i32 to index
        %parallel_loop3A_984 = arith.constant 16 : index
        %parallel_loop3A_985 = tpu.vector_load %arg11[%parallel_loop3A_982, %parallel_loop3A_983, %parallel_loop3A_984] {strides = array<i32>} : memref<2x75x128xf32, #tpu.memory_space<vmem>>, vector<1x1x16xf32>,
        %parallel_loop3A_986 = vector.shape_cast %parallel_loop3A_985 : vector<1x1x16xf32> to vector<16xf32>
        %parallel_loop3A_987 = arith.constant 3 : i32
        %parallel_loop3A_988 = arith.muli %parallel_loop3A_571, %parallel_loop3A_987 : i32
        %parallel_loop3A_989 = arith.constant 1 : i32
        %parallel_loop3A_990 = arith.addi %parallel_loop3A_988, %parallel_loop3A_989 : i32
        %parallel_loop3A_991 = arith.constant 1 : i32
        %parallel_loop3A_992 = arith.index_cast %parallel_loop3A_991 : i32 to index
        %parallel_loop3A_993 = arith.index_cast %parallel_loop3A_990 : i32 to index
        %parallel_loop3A_994 = arith.constant 16 : index
        %parallel_loop3A_995 = tpu.vector_load %arg11[%parallel_loop3A_992, %parallel_loop3A_993, %parallel_loop3A_994] {strides = array<i32>} : memref<2x75x128xf32, #tpu.memory_space<vmem>>, vector<1x1x16xf32>,
        %parallel_loop3A_996 = vector.shape_cast %parallel_loop3A_995 : vector<1x1x16xf32> to vector<16xf32>
        %parallel_loop3A_997 = arith.constant 3 : i32
        %parallel_loop3A_998 = arith.muli %parallel_loop3A_571, %parallel_loop3A_997 : i32
        %parallel_loop3A_999 = arith.constant 2 : i32
        %parallel_loop3A_1000 = arith.addi %parallel_loop3A_998, %parallel_loop3A_999 : i32
        %parallel_loop3A_1001 = arith.constant 1 : i32
        %parallel_loop3A_1002 = arith.index_cast %parallel_loop3A_1001 : i32 to index
        %parallel_loop3A_1003 = arith.index_cast %parallel_loop3A_1000 : i32 to index
        %parallel_loop3A_1004 = arith.constant 16 : index
        %parallel_loop3A_1005 = tpu.vector_load %arg11[%parallel_loop3A_1002, %parallel_loop3A_1003, %parallel_loop3A_1004] {strides = array<i32>} : memref<2x75x128xf32, #tpu.memory_space<vmem>>, vector<1x1x16xf32>,
        %parallel_loop3A_1006 = vector.shape_cast %parallel_loop3A_1005 : vector<1x1x16xf32> to vector<16xf32>
        %parallel_loop3A_1007 = arith.mulf %parallel_loop3A_943, %parallel_loop3A_986 : vector<16xf32>
        %parallel_loop3A_1008 = arith.mulf %parallel_loop3A_941, %parallel_loop3A_996 : vector<16xf32>
        %parallel_loop3A_1009 = arith.addf %parallel_loop3A_1007, %parallel_loop3A_1008 : vector<16xf32>
        %parallel_loop3A_1010 = arith.mulf %parallel_loop3A_945, %parallel_loop3A_1006 : vector<16xf32>
        %parallel_loop3A_1011 = arith.addf %parallel_loop3A_1009, %parallel_loop3A_1010 : vector<16xf32>
        %parallel_loop3A_1012 = arith.constant 3 : i32
        %parallel_loop3A_1013 = arith.muli %parallel_loop3A_571, %parallel_loop3A_1012 : i32
        %parallel_loop3A_1014 = arith.constant 1 : i32
        %parallel_loop3A_1015 = arith.index_cast %parallel_loop3A_1014 : i32 to index
        %parallel_loop3A_1016 = arith.index_cast %parallel_loop3A_1013 : i32 to index
        %parallel_loop3A_1017 = arith.constant 32 : index
        %parallel_loop3A_1018 = tpu.vector_load %arg11[%parallel_loop3A_1015, %parallel_loop3A_1016, %parallel_loop3A_1017] {strides = array<i32>} : memref<2x75x128xf32, #tpu.memory_space<vmem>>, vector<1x1x16xf32>,
        %parallel_loop3A_1019 = vector.shape_cast %parallel_loop3A_1018 : vector<1x1x16xf32> to vector<16xf32>
        %parallel_loop3A_1020 = arith.constant 3 : i32
        %parallel_loop3A_1021 = arith.muli %parallel_loop3A_571, %parallel_loop3A_1020 : i32
        %parallel_loop3A_1022 = arith.constant 1 : i32
        %parallel_loop3A_1023 = arith.addi %parallel_loop3A_1021, %parallel_loop3A_1022 : i32
        %parallel_loop3A_1024 = arith.constant 1 : i32
        %parallel_loop3A_1025 = arith.index_cast %parallel_loop3A_1024 : i32 to index
        %parallel_loop3A_1026 = arith.index_cast %parallel_loop3A_1023 : i32 to index
        %parallel_loop3A_1027 = arith.constant 32 : index
        %parallel_loop3A_1028 = tpu.vector_load %arg11[%parallel_loop3A_1025, %parallel_loop3A_1026, %parallel_loop3A_1027] {strides = array<i32>} : memref<2x75x128xf32, #tpu.memory_space<vmem>>, vector<1x1x16xf32>,
        %parallel_loop3A_1029 = vector.shape_cast %parallel_loop3A_1028 : vector<1x1x16xf32> to vector<16xf32>
        %parallel_loop3A_1030 = arith.constant 3 : i32
        %parallel_loop3A_1031 = arith.muli %parallel_loop3A_571, %parallel_loop3A_1030 : i32
        %parallel_loop3A_1032 = arith.constant 2 : i32
        %parallel_loop3A_1033 = arith.addi %parallel_loop3A_1031, %parallel_loop3A_1032 : i32
        %parallel_loop3A_1034 = arith.constant 1 : i32
        %parallel_loop3A_1035 = arith.index_cast %parallel_loop3A_1034 : i32 to index
        %parallel_loop3A_1036 = arith.index_cast %parallel_loop3A_1033 : i32 to index
        %parallel_loop3A_1037 = arith.constant 32 : index
        %parallel_loop3A_1038 = tpu.vector_load %arg11[%parallel_loop3A_1035, %parallel_loop3A_1036, %parallel_loop3A_1037] {strides = array<i32>} : memref<2x75x128xf32, #tpu.memory_space<vmem>>, vector<1x1x16xf32>,
        %parallel_loop3A_1039 = vector.shape_cast %parallel_loop3A_1038 : vector<1x1x16xf32> to vector<16xf32>
        %parallel_loop3A_1040 = arith.mulf %parallel_loop3A_945, %parallel_loop3A_1019 : vector<16xf32>
        %parallel_loop3A_1041 = arith.mulf %parallel_loop3A_943, %parallel_loop3A_1029 : vector<16xf32>
        %parallel_loop3A_1042 = arith.addf %parallel_loop3A_1040, %parallel_loop3A_1041 : vector<16xf32>
        %parallel_loop3A_1043 = arith.mulf %parallel_loop3A_941, %parallel_loop3A_1039 : vector<16xf32>
        %parallel_loop3A_1044 = arith.addf %parallel_loop3A_1042, %parallel_loop3A_1043 : vector<16xf32>
        %parallel_loop3A_1045 = arith.constant 3 : i32
        %parallel_loop3A_1046 = arith.muli %parallel_loop3A_571, %parallel_loop3A_1045 : i32
        %parallel_loop3A_1047 = arith.constant 1 : i32
        %parallel_loop3A_1048 = arith.index_cast %parallel_loop3A_1047 : i32 to index
        %parallel_loop3A_1049 = arith.index_cast %parallel_loop3A_1046 : i32 to index
        %parallel_loop3A_1050 = arith.constant 48 : index
        %parallel_loop3A_1051 = tpu.vector_load %arg11[%parallel_loop3A_1048, %parallel_loop3A_1049, %parallel_loop3A_1050] {strides = array<i32>} : memref<2x75x128xf32, #tpu.memory_space<vmem>>, vector<1x1x16xf32>,
        %parallel_loop3A_1052 = vector.shape_cast %parallel_loop3A_1051 : vector<1x1x16xf32> to vector<16xf32>
        %parallel_loop3A_1053 = arith.constant 3 : i32
        %parallel_loop3A_1054 = arith.muli %parallel_loop3A_571, %parallel_loop3A_1053 : i32
        %parallel_loop3A_1055 = arith.constant 1 : i32
        %parallel_loop3A_1056 = arith.addi %parallel_loop3A_1054, %parallel_loop3A_1055 : i32
        %parallel_loop3A_1057 = arith.constant 1 : i32
        %parallel_loop3A_1058 = arith.index_cast %parallel_loop3A_1057 : i32 to index
        %parallel_loop3A_1059 = arith.index_cast %parallel_loop3A_1056 : i32 to index
        %parallel_loop3A_1060 = arith.constant 48 : index
        %parallel_loop3A_1061 = tpu.vector_load %arg11[%parallel_loop3A_1058, %parallel_loop3A_1059, %parallel_loop3A_1060] {strides = array<i32>} : memref<2x75x128xf32, #tpu.memory_space<vmem>>, vector<1x1x16xf32>,
        %parallel_loop3A_1062 = vector.shape_cast %parallel_loop3A_1061 : vector<1x1x16xf32> to vector<16xf32>
        %parallel_loop3A_1063 = arith.constant 3 : i32
        %parallel_loop3A_1064 = arith.muli %parallel_loop3A_571, %parallel_loop3A_1063 : i32
        %parallel_loop3A_1065 = arith.constant 2 : i32
        %parallel_loop3A_1066 = arith.addi %parallel_loop3A_1064, %parallel_loop3A_1065 : i32
        %parallel_loop3A_1067 = arith.constant 1 : i32
        %parallel_loop3A_1068 = arith.index_cast %parallel_loop3A_1067 : i32 to index
        %parallel_loop3A_1069 = arith.index_cast %parallel_loop3A_1066 : i32 to index
        %parallel_loop3A_1070 = arith.constant 48 : index
        %parallel_loop3A_1071 = tpu.vector_load %arg11[%parallel_loop3A_1068, %parallel_loop3A_1069, %parallel_loop3A_1070] {strides = array<i32>} : memref<2x75x128xf32, #tpu.memory_space<vmem>>, vector<1x1x16xf32>,
        %parallel_loop3A_1072 = vector.shape_cast %parallel_loop3A_1071 : vector<1x1x16xf32> to vector<16xf32>
        %parallel_loop3A_1073 = arith.mulf %parallel_loop3A_941, %parallel_loop3A_1052 : vector<16xf32>
        %parallel_loop3A_1074 = arith.mulf %parallel_loop3A_945, %parallel_loop3A_1062 : vector<16xf32>
        %parallel_loop3A_1075 = arith.addf %parallel_loop3A_1073, %parallel_loop3A_1074 : vector<16xf32>
        %parallel_loop3A_1076 = arith.mulf %parallel_loop3A_943, %parallel_loop3A_1072 : vector<16xf32>
        %parallel_loop3A_1077 = arith.addf %parallel_loop3A_1075, %parallel_loop3A_1076 : vector<16xf32>
        %parallel_loop3A_1078 = arith.constant 3 : i32
        %parallel_loop3A_1079 = arith.muli %parallel_loop3A_571, %parallel_loop3A_1078 : i32
        %parallel_loop3A_1080 = arith.constant 1 : i32
        %parallel_loop3A_1081 = arith.index_cast %parallel_loop3A_1080 : i32 to index
        %parallel_loop3A_1082 = arith.index_cast %parallel_loop3A_1079 : i32 to index
        %parallel_loop3A_1083 = arith.constant 64 : index
        %parallel_loop3A_1084 = tpu.vector_load %arg11[%parallel_loop3A_1081, %parallel_loop3A_1082, %parallel_loop3A_1083] {strides = array<i32>} : memref<2x75x128xf32, #tpu.memory_space<vmem>>, vector<1x1x16xf32>,
        %parallel_loop3A_1085 = vector.shape_cast %parallel_loop3A_1084 : vector<1x1x16xf32> to vector<16xf32>
        %parallel_loop3A_1086 = arith.constant 3 : i32
        %parallel_loop3A_1087 = arith.muli %parallel_loop3A_571, %parallel_loop3A_1086 : i32
        %parallel_loop3A_1088 = arith.constant 1 : i32
        %parallel_loop3A_1089 = arith.addi %parallel_loop3A_1087, %parallel_loop3A_1088 : i32
        %parallel_loop3A_1090 = arith.constant 1 : i32
        %parallel_loop3A_1091 = arith.index_cast %parallel_loop3A_1090 : i32 to index
        %parallel_loop3A_1092 = arith.index_cast %parallel_loop3A_1089 : i32 to index
        %parallel_loop3A_1093 = arith.constant 64 : index
        %parallel_loop3A_1094 = tpu.vector_load %arg11[%parallel_loop3A_1091, %parallel_loop3A_1092, %parallel_loop3A_1093] {strides = array<i32>} : memref<2x75x128xf32, #tpu.memory_space<vmem>>, vector<1x1x16xf32>,
        %parallel_loop3A_1095 = vector.shape_cast %parallel_loop3A_1094 : vector<1x1x16xf32> to vector<16xf32>
        %parallel_loop3A_1096 = arith.constant 3 : i32
        %parallel_loop3A_1097 = arith.muli %parallel_loop3A_571, %parallel_loop3A_1096 : i32
        %parallel_loop3A_1098 = arith.constant 2 : i32
        %parallel_loop3A_1099 = arith.addi %parallel_loop3A_1097, %parallel_loop3A_1098 : i32
        %parallel_loop3A_1100 = arith.constant 1 : i32
        %parallel_loop3A_1101 = arith.index_cast %parallel_loop3A_1100 : i32 to index
        %parallel_loop3A_1102 = arith.index_cast %parallel_loop3A_1099 : i32 to index
        %parallel_loop3A_1103 = arith.constant 64 : index
        %parallel_loop3A_1104 = tpu.vector_load %arg11[%parallel_loop3A_1101, %parallel_loop3A_1102, %parallel_loop3A_1103] {strides = array<i32>} : memref<2x75x128xf32, #tpu.memory_space<vmem>>, vector<1x1x16xf32>,
        %parallel_loop3A_1105 = vector.shape_cast %parallel_loop3A_1104 : vector<1x1x16xf32> to vector<16xf32>
        %parallel_loop3A_1106 = arith.mulf %parallel_loop3A_943, %parallel_loop3A_1085 : vector<16xf32>
        %parallel_loop3A_1107 = arith.mulf %parallel_loop3A_941, %parallel_loop3A_1095 : vector<16xf32>
        %parallel_loop3A_1108 = arith.addf %parallel_loop3A_1106, %parallel_loop3A_1107 : vector<16xf32>
        %parallel_loop3A_1109 = arith.mulf %parallel_loop3A_945, %parallel_loop3A_1105 : vector<16xf32>
        %parallel_loop3A_1110 = arith.addf %parallel_loop3A_1108, %parallel_loop3A_1109 : vector<16xf32>
        %parallel_loop3A_1111 = arith.constant 3 : i32
        %parallel_loop3A_1112 = arith.muli %parallel_loop3A_571, %parallel_loop3A_1111 : i32
        %parallel_loop3A_1113 = arith.constant 1 : i32
        %parallel_loop3A_1114 = arith.index_cast %parallel_loop3A_1113 : i32 to index
        %parallel_loop3A_1115 = arith.index_cast %parallel_loop3A_1112 : i32 to index
        %parallel_loop3A_1116 = arith.constant 80 : index
        %parallel_loop3A_1117 = tpu.vector_load %arg11[%parallel_loop3A_1114, %parallel_loop3A_1115, %parallel_loop3A_1116] {strides = array<i32>} : memref<2x75x128xf32, #tpu.memory_space<vmem>>, vector<1x1x16xf32>,
        %parallel_loop3A_1118 = vector.shape_cast %parallel_loop3A_1117 : vector<1x1x16xf32> to vector<16xf32>
        %parallel_loop3A_1119 = arith.constant 3 : i32
        %parallel_loop3A_1120 = arith.muli %parallel_loop3A_571, %parallel_loop3A_1119 : i32
        %parallel_loop3A_1121 = arith.constant 1 : i32
        %parallel_loop3A_1122 = arith.addi %parallel_loop3A_1120, %parallel_loop3A_1121 : i32
        %parallel_loop3A_1123 = arith.constant 1 : i32
        %parallel_loop3A_1124 = arith.index_cast %parallel_loop3A_1123 : i32 to index
        %parallel_loop3A_1125 = arith.index_cast %parallel_loop3A_1122 : i32 to index
        %parallel_loop3A_1126 = arith.constant 80 : index
        %parallel_loop3A_1127 = tpu.vector_load %arg11[%parallel_loop3A_1124, %parallel_loop3A_1125, %parallel_loop3A_1126] {strides = array<i32>} : memref<2x75x128xf32, #tpu.memory_space<vmem>>, vector<1x1x16xf32>,
        %parallel_loop3A_1128 = vector.shape_cast %parallel_loop3A_1127 : vector<1x1x16xf32> to vector<16xf32>
        %parallel_loop3A_1129 = arith.constant 3 : i32
        %parallel_loop3A_1130 = arith.muli %parallel_loop3A_571, %parallel_loop3A_1129 : i32
        %parallel_loop3A_1131 = arith.constant 2 : i32
        %parallel_loop3A_1132 = arith.addi %parallel_loop3A_1130, %parallel_loop3A_1131 : i32
        %parallel_loop3A_1133 = arith.constant 1 : i32
        %parallel_loop3A_1134 = arith.index_cast %parallel_loop3A_1133 : i32 to index
        %parallel_loop3A_1135 = arith.index_cast %parallel_loop3A_1132 : i32 to index
        %parallel_loop3A_1136 = arith.constant 80 : index
        %parallel_loop3A_1137 = tpu.vector_load %arg11[%parallel_loop3A_1134, %parallel_loop3A_1135, %parallel_loop3A_1136] {strides = array<i32>} : memref<2x75x128xf32, #tpu.memory_space<vmem>>, vector<1x1x16xf32>,
        %parallel_loop3A_1138 = vector.shape_cast %parallel_loop3A_1137 : vector<1x1x16xf32> to vector<16xf32>
        %parallel_loop3A_1139 = arith.mulf %parallel_loop3A_945, %parallel_loop3A_1118 : vector<16xf32>
        %parallel_loop3A_1140 = arith.mulf %parallel_loop3A_943, %parallel_loop3A_1128 : vector<16xf32>
        %parallel_loop3A_1141 = arith.addf %parallel_loop3A_1139, %parallel_loop3A_1140 : vector<16xf32>
        %parallel_loop3A_1142 = arith.mulf %parallel_loop3A_941, %parallel_loop3A_1138 : vector<16xf32>
        %parallel_loop3A_1143 = arith.addf %parallel_loop3A_1141, %parallel_loop3A_1142 : vector<16xf32>
        %parallel_loop3A_1144 = arith.constant 3 : i32
        %parallel_loop3A_1145 = arith.muli %parallel_loop3A_571, %parallel_loop3A_1144 : i32
        %parallel_loop3A_1146 = arith.constant 1 : i32
        %parallel_loop3A_1147 = arith.index_cast %parallel_loop3A_1146 : i32 to index
        %parallel_loop3A_1148 = arith.index_cast %parallel_loop3A_1145 : i32 to index
        %parallel_loop3A_1149 = arith.constant 96 : index
        %parallel_loop3A_1150 = tpu.vector_load %arg11[%parallel_loop3A_1147, %parallel_loop3A_1148, %parallel_loop3A_1149] {strides = array<i32>} : memref<2x75x128xf32, #tpu.memory_space<vmem>>, vector<1x1x16xf32>,
        %parallel_loop3A_1151 = vector.shape_cast %parallel_loop3A_1150 : vector<1x1x16xf32> to vector<16xf32>
        %parallel_loop3A_1152 = arith.constant 3 : i32
        %parallel_loop3A_1153 = arith.muli %parallel_loop3A_571, %parallel_loop3A_1152 : i32
        %parallel_loop3A_1154 = arith.constant 1 : i32
        %parallel_loop3A_1155 = arith.addi %parallel_loop3A_1153, %parallel_loop3A_1154 : i32
        %parallel_loop3A_1156 = arith.constant 1 : i32
        %parallel_loop3A_1157 = arith.index_cast %parallel_loop3A_1156 : i32 to index
        %parallel_loop3A_1158 = arith.index_cast %parallel_loop3A_1155 : i32 to index
        %parallel_loop3A_1159 = arith.constant 96 : index
        %parallel_loop3A_1160 = tpu.vector_load %arg11[%parallel_loop3A_1157, %parallel_loop3A_1158, %parallel_loop3A_1159] {strides = array<i32>} : memref<2x75x128xf32, #tpu.memory_space<vmem>>, vector<1x1x16xf32>,
        %parallel_loop3A_1161 = vector.shape_cast %parallel_loop3A_1160 : vector<1x1x16xf32> to vector<16xf32>
        %parallel_loop3A_1162 = arith.constant 3 : i32
        %parallel_loop3A_1163 = arith.muli %parallel_loop3A_571, %parallel_loop3A_1162 : i32
        %parallel_loop3A_1164 = arith.constant 2 : i32
        %parallel_loop3A_1165 = arith.addi %parallel_loop3A_1163, %parallel_loop3A_1164 : i32
        %parallel_loop3A_1166 = arith.constant 1 : i32
        %parallel_loop3A_1167 = arith.index_cast %parallel_loop3A_1166 : i32 to index
        %parallel_loop3A_1168 = arith.index_cast %parallel_loop3A_1165 : i32 to index
        %parallel_loop3A_1169 = arith.constant 96 : index
        %parallel_loop3A_1170 = tpu.vector_load %arg11[%parallel_loop3A_1167, %parallel_loop3A_1168, %parallel_loop3A_1169] {strides = array<i32>} : memref<2x75x128xf32, #tpu.memory_space<vmem>>, vector<1x1x16xf32>,
        %parallel_loop3A_1171 = vector.shape_cast %parallel_loop3A_1170 : vector<1x1x16xf32> to vector<16xf32>
        %parallel_loop3A_1172 = arith.mulf %parallel_loop3A_941, %parallel_loop3A_1151 : vector<16xf32>
        %parallel_loop3A_1173 = arith.mulf %parallel_loop3A_945, %parallel_loop3A_1161 : vector<16xf32>
        %parallel_loop3A_1174 = arith.addf %parallel_loop3A_1172, %parallel_loop3A_1173 : vector<16xf32>
        %parallel_loop3A_1175 = arith.mulf %parallel_loop3A_943, %parallel_loop3A_1171 : vector<16xf32>
        %parallel_loop3A_1176 = arith.addf %parallel_loop3A_1174, %parallel_loop3A_1175 : vector<16xf32>
        %parallel_loop3A_1177 = arith.constant 3 : i32
        %parallel_loop3A_1178 = arith.muli %parallel_loop3A_571, %parallel_loop3A_1177 : i32
        %parallel_loop3A_1179 = arith.constant 1 : i32
        %parallel_loop3A_1180 = arith.index_cast %parallel_loop3A_1179 : i32 to index
        %parallel_loop3A_1181 = arith.index_cast %parallel_loop3A_1178 : i32 to index
        %parallel_loop3A_1182 = arith.constant 112 : index
        %parallel_loop3A_1183 = tpu.vector_load %arg11[%parallel_loop3A_1180, %parallel_loop3A_1181, %parallel_loop3A_1182] {strides = array<i32>} : memref<2x75x128xf32, #tpu.memory_space<vmem>>, vector<1x1x16xf32>,
        %parallel_loop3A_1184 = vector.shape_cast %parallel_loop3A_1183 : vector<1x1x16xf32> to vector<16xf32>
        %parallel_loop3A_1185 = arith.constant 3 : i32
        %parallel_loop3A_1186 = arith.muli %parallel_loop3A_571, %parallel_loop3A_1185 : i32
        %parallel_loop3A_1187 = arith.constant 1 : i32
        %parallel_loop3A_1188 = arith.addi %parallel_loop3A_1186, %parallel_loop3A_1187 : i32
        %parallel_loop3A_1189 = arith.constant 1 : i32
        %parallel_loop3A_1190 = arith.index_cast %parallel_loop3A_1189 : i32 to index
        %parallel_loop3A_1191 = arith.index_cast %parallel_loop3A_1188 : i32 to index
        %parallel_loop3A_1192 = arith.constant 112 : index
        %parallel_loop3A_1193 = tpu.vector_load %arg11[%parallel_loop3A_1190, %parallel_loop3A_1191, %parallel_loop3A_1192] {strides = array<i32>} : memref<2x75x128xf32, #tpu.memory_space<vmem>>, vector<1x1x16xf32>,
        %parallel_loop3A_1194 = vector.shape_cast %parallel_loop3A_1193 : vector<1x1x16xf32> to vector<16xf32>
        %parallel_loop3A_1195 = arith.constant 3 : i32
        %parallel_loop3A_1196 = arith.muli %parallel_loop3A_571, %parallel_loop3A_1195 : i32
        %parallel_loop3A_1197 = arith.constant 2 : i32
        %parallel_loop3A_1198 = arith.addi %parallel_loop3A_1196, %parallel_loop3A_1197 : i32
        %parallel_loop3A_1199 = arith.constant 1 : i32
        %parallel_loop3A_1200 = arith.index_cast %parallel_loop3A_1199 : i32 to index
        %parallel_loop3A_1201 = arith.index_cast %parallel_loop3A_1198 : i32 to index
        %parallel_loop3A_1202 = arith.constant 112 : index
        %parallel_loop3A_1203 = tpu.vector_load %arg11[%parallel_loop3A_1200, %parallel_loop3A_1201, %parallel_loop3A_1202] {strides = array<i32>} : memref<2x75x128xf32, #tpu.memory_space<vmem>>, vector<1x1x16xf32>,
        %parallel_loop3A_1204 = vector.shape_cast %parallel_loop3A_1203 : vector<1x1x16xf32> to vector<16xf32>
        %parallel_loop3A_1205 = arith.mulf %parallel_loop3A_943, %parallel_loop3A_1184 : vector<16xf32>
        %parallel_loop3A_1206 = arith.mulf %parallel_loop3A_941, %parallel_loop3A_1194 : vector<16xf32>
        %parallel_loop3A_1207 = arith.addf %parallel_loop3A_1205, %parallel_loop3A_1206 : vector<16xf32>
        %parallel_loop3A_1208 = arith.mulf %parallel_loop3A_945, %parallel_loop3A_1204 : vector<16xf32>
        %parallel_loop3A_1209 = arith.addf %parallel_loop3A_1207, %parallel_loop3A_1208 : vector<16xf32>
        %parallel_loop3A_1210 = arith.constant 128 : i32
        %parallel_loop3A_1211 = arith.muli %parallel_loop3A_571, %parallel_loop3A_1210 : i32
        %parallel_loop3A_1212 = arith.constant 0 : i32
        %parallel_loop3A_1213 = arith.addi %parallel_loop3A_1211, %parallel_loop3A_1212 : i32
        %parallel_loop3A_1214 = arith.constant 1 : i32
        %parallel_loop3A_1215 = arith.index_cast %parallel_loop3A_1214 : i32 to index
        %parallel_loop3A_1216 = arith.index_cast %parallel_loop3A_1213 : i32 to index
        %parallel_loop3A_1217 = tpu.vector_load %arg12[%parallel_loop3A_1215, %parallel_loop3A_1216] {strides = array<i32>} : memref<2x3200xf32, #tpu.memory_space<vmem>>, vector<1x16xf32>,
        %parallel_loop3A_1218 = vector.shape_cast %parallel_loop3A_1217 : vector<1x16xf32> to vector<16xf32>
        %parallel_loop3A_1219 = vector.shape_cast %parallel_loop3A_978 : vector<16xf32> to vector<1x16xf32>
        tpu.vector_store %arg12[%parallel_loop3A_1215, %parallel_loop3A_1216], %parallel_loop3A_1219 {strides = array<i32>} : memref<2x3200xf32, #tpu.memory_space<vmem>>, vector<1x16xf32>,
        %parallel_loop3A_1220 = arith.constant 128 : i32
        %parallel_loop3A_1221 = arith.muli %parallel_loop3A_571, %parallel_loop3A_1220 : i32
        %parallel_loop3A_1222 = arith.constant 16 : i32
        %parallel_loop3A_1223 = arith.addi %parallel_loop3A_1221, %parallel_loop3A_1222 : i32
        %parallel_loop3A_1224 = arith.constant 1 : i32
        %parallel_loop3A_1225 = arith.index_cast %parallel_loop3A_1224 : i32 to index
        %parallel_loop3A_1226 = arith.index_cast %parallel_loop3A_1223 : i32 to index
        %parallel_loop3A_1227 = tpu.vector_load %arg12[%parallel_loop3A_1225, %parallel_loop3A_1226] {strides = array<i32>} : memref<2x3200xf32, #tpu.memory_space<vmem>>, vector<1x16xf32>,
        %parallel_loop3A_1228 = vector.shape_cast %parallel_loop3A_1227 : vector<1x16xf32> to vector<16xf32>
        %parallel_loop3A_1229 = vector.shape_cast %parallel_loop3A_1011 : vector<16xf32> to vector<1x16xf32>
        tpu.vector_store %arg12[%parallel_loop3A_1225, %parallel_loop3A_1226], %parallel_loop3A_1229 {strides = array<i32>} : memref<2x3200xf32, #tpu.memory_space<vmem>>, vector<1x16xf32>,
        %parallel_loop3A_1230 = arith.constant 128 : i32
        %parallel_loop3A_1231 = arith.muli %parallel_loop3A_571, %parallel_loop3A_1230 : i32
        %parallel_loop3A_1232 = arith.constant 32 : i32
        %parallel_loop3A_1233 = arith.addi %parallel_loop3A_1231, %parallel_loop3A_1232 : i32
        %parallel_loop3A_1234 = arith.constant 1 : i32
        %parallel_loop3A_1235 = arith.index_cast %parallel_loop3A_1234 : i32 to index
        %parallel_loop3A_1236 = arith.index_cast %parallel_loop3A_1233 : i32 to index
        %parallel_loop3A_1237 = tpu.vector_load %arg12[%parallel_loop3A_1235, %parallel_loop3A_1236] {strides = array<i32>} : memref<2x3200xf32, #tpu.memory_space<vmem>>, vector<1x16xf32>,
        %parallel_loop3A_1238 = vector.shape_cast %parallel_loop3A_1237 : vector<1x16xf32> to vector<16xf32>
        %parallel_loop3A_1239 = vector.shape_cast %parallel_loop3A_1044 : vector<16xf32> to vector<1x16xf32>
        tpu.vector_store %arg12[%parallel_loop3A_1235, %parallel_loop3A_1236], %parallel_loop3A_1239 {strides = array<i32>} : memref<2x3200xf32, #tpu.memory_space<vmem>>, vector<1x16xf32>,
        %parallel_loop3A_1240 = arith.constant 128 : i32
        %parallel_loop3A_1241 = arith.muli %parallel_loop3A_571, %parallel_loop3A_1240 : i32
        %parallel_loop3A_1242 = arith.constant 48 : i32
        %parallel_loop3A_1243 = arith.addi %parallel_loop3A_1241, %parallel_loop3A_1242 : i32
        %parallel_loop3A_1244 = arith.constant 1 : i32
        %parallel_loop3A_1245 = arith.index_cast %parallel_loop3A_1244 : i32 to index
        %parallel_loop3A_1246 = arith.index_cast %parallel_loop3A_1243 : i32 to index
        %parallel_loop3A_1247 = tpu.vector_load %arg12[%parallel_loop3A_1245, %parallel_loop3A_1246] {strides = array<i32>} : memref<2x3200xf32, #tpu.memory_space<vmem>>, vector<1x16xf32>,
        %parallel_loop3A_1248 = vector.shape_cast %parallel_loop3A_1247 : vector<1x16xf32> to vector<16xf32>
        %parallel_loop3A_1249 = vector.shape_cast %parallel_loop3A_1077 : vector<16xf32> to vector<1x16xf32>
        tpu.vector_store %arg12[%parallel_loop3A_1245, %parallel_loop3A_1246], %parallel_loop3A_1249 {strides = array<i32>} : memref<2x3200xf32, #tpu.memory_space<vmem>>, vector<1x16xf32>,
        %parallel_loop3A_1250 = arith.constant 128 : i32
        %parallel_loop3A_1251 = arith.muli %parallel_loop3A_571, %parallel_loop3A_1250 : i32
        %parallel_loop3A_1252 = arith.constant 64 : i32
        %parallel_loop3A_1253 = arith.addi %parallel_loop3A_1251, %parallel_loop3A_1252 : i32
        %parallel_loop3A_1254 = arith.constant 1 : i32
        %parallel_loop3A_1255 = arith.index_cast %parallel_loop3A_1254 : i32 to index
        %parallel_loop3A_1256 = arith.index_cast %parallel_loop3A_1253 : i32 to index
        %parallel_loop3A_1257 = tpu.vector_load %arg12[%parallel_loop3A_1255, %parallel_loop3A_1256] {strides = array<i32>} : memref<2x3200xf32, #tpu.memory_space<vmem>>, vector<1x16xf32>,
        %parallel_loop3A_1258 = vector.shape_cast %parallel_loop3A_1257 : vector<1x16xf32> to vector<16xf32>
        %parallel_loop3A_1259 = vector.shape_cast %parallel_loop3A_1110 : vector<16xf32> to vector<1x16xf32>
        tpu.vector_store %arg12[%parallel_loop3A_1255, %parallel_loop3A_1256], %parallel_loop3A_1259 {strides = array<i32>} : memref<2x3200xf32, #tpu.memory_space<vmem>>, vector<1x16xf32>,
        %parallel_loop3A_1260 = arith.constant 128 : i32
        %parallel_loop3A_1261 = arith.muli %parallel_loop3A_571, %parallel_loop3A_1260 : i32
        %parallel_loop3A_1262 = arith.constant 80 : i32
        %parallel_loop3A_1263 = arith.addi %parallel_loop3A_1261, %parallel_loop3A_1262 : i32
        %parallel_loop3A_1264 = arith.constant 1 : i32
        %parallel_loop3A_1265 = arith.index_cast %parallel_loop3A_1264 : i32 to index
        %parallel_loop3A_1266 = arith.index_cast %parallel_loop3A_1263 : i32 to index
        %parallel_loop3A_1267 = tpu.vector_load %arg12[%parallel_loop3A_1265, %parallel_loop3A_1266] {strides = array<i32>} : memref<2x3200xf32, #tpu.memory_space<vmem>>, vector<1x16xf32>,
        %parallel_loop3A_1268 = vector.shape_cast %parallel_loop3A_1267 : vector<1x16xf32> to vector<16xf32>
        %parallel_loop3A_1269 = vector.shape_cast %parallel_loop3A_1143 : vector<16xf32> to vector<1x16xf32>
        tpu.vector_store %arg12[%parallel_loop3A_1265, %parallel_loop3A_1266], %parallel_loop3A_1269 {strides = array<i32>} : memref<2x3200xf32, #tpu.memory_space<vmem>>, vector<1x16xf32>,
        %parallel_loop3A_1270 = arith.constant 128 : i32
        %parallel_loop3A_1271 = arith.muli %parallel_loop3A_571, %parallel_loop3A_1270 : i32
        %parallel_loop3A_1272 = arith.constant 96 : i32
        %parallel_loop3A_1273 = arith.addi %parallel_loop3A_1271, %parallel_loop3A_1272 : i32
        %parallel_loop3A_1274 = arith.constant 1 : i32
        %parallel_loop3A_1275 = arith.index_cast %parallel_loop3A_1274 : i32 to index
        %parallel_loop3A_1276 = arith.index_cast %parallel_loop3A_1273 : i32 to index
        %parallel_loop3A_1277 = tpu.vector_load %arg12[%parallel_loop3A_1275, %parallel_loop3A_1276] {strides = array<i32>} : memref<2x3200xf32, #tpu.memory_space<vmem>>, vector<1x16xf32>,
        %parallel_loop3A_1278 = vector.shape_cast %parallel_loop3A_1277 : vector<1x16xf32> to vector<16xf32>
        %parallel_loop3A_1279 = vector.shape_cast %parallel_loop3A_1176 : vector<16xf32> to vector<1x16xf32>
        tpu.vector_store %arg12[%parallel_loop3A_1275, %parallel_loop3A_1276], %parallel_loop3A_1279 {strides = array<i32>} : memref<2x3200xf32, #tpu.memory_space<vmem>>, vector<1x16xf32>,
        %parallel_loop3A_1280 = arith.constant 128 : i32
        %parallel_loop3A_1281 = arith.muli %parallel_loop3A_571, %parallel_loop3A_1280 : i32
        %parallel_loop3A_1282 = arith.constant 112 : i32
        %parallel_loop3A_1283 = arith.addi %parallel_loop3A_1281, %parallel_loop3A_1282 : i32
        %parallel_loop3A_1284 = arith.constant 1 : i32
        %parallel_loop3A_1285 = arith.index_cast %parallel_loop3A_1284 : i32 to index
        %parallel_loop3A_1286 = arith.index_cast %parallel_loop3A_1283 : i32 to index
        %parallel_loop3A_1287 = tpu.vector_load %arg12[%parallel_loop3A_1285, %parallel_loop3A_1286] {strides = array<i32>} : memref<2x3200xf32, #tpu.memory_space<vmem>>, vector<1x16xf32>,
        %parallel_loop3A_1288 = vector.shape_cast %parallel_loop3A_1287 : vector<1x16xf32> to vector<16xf32>
        %parallel_loop3A_1289 = vector.shape_cast %parallel_loop3A_1209 : vector<16xf32> to vector<1x16xf32>
        tpu.vector_store %arg12[%parallel_loop3A_1285, %parallel_loop3A_1286], %parallel_loop3A_1289 {strides = array<i32>} : memref<2x3200xf32, #tpu.memory_space<vmem>>, vector<1x16xf32>,
      } {sc.loop_unroll_factor = 2 : i64, sc.parallel_access}
      %add3A_370 = arith.addi %mul3A_2, %add3A_366 : i32
      %mul3A_371 = arith.constant 2 : i32
      %mul3A_372 = arith.muli %add3A_370, %mul3A_371 : i32
      "tpu.region"() ({
        %run_scoped3A = tpu.sem_alloc : memref<!tpu.dma_semaphore, #tpu.memory_space<semaphore_mem>>
        %dma_start3A_571 = arith.constant 0 : i32
        %dma_start3A_572 = tpu.memref_slice %arg5[%mul3A_372, %dma_start3A_571] : memref<10240x3200xf32, #tpu.memory_space<hbm>> -> memref<2x3200xf32, #tpu.memory_space<hbm>>
        %dma_start3A_573 = arith.constant 0 : i32
        %dma_start3A_574 = tpu.memref_slice %arg5[%mul3A_372, %dma_start3A_573] : memref<10240x3200xf32, #tpu.memory_space<hbm>> -> memref<2x3200xf32, #tpu.memory_space<hbm>>
        tpu.enqueue_dma source(%arg12 : memref<2x3200xf32, #tpu.memory_space<vmem>>) target(%dma_start3A_574 : memref<2x3200xf32, #tpu.memory_space<hbm>>) target_semaphore(%run_scoped3A : memref<!tpu.dma_semaphore, #tpu.memory_space<semaphore_mem>>)
        %dma_wait3A_575 = arith.constant 0 : i32
        %dma_wait3A_576 = tpu.memref_slice %arg5[%mul3A_372, %dma_wait3A_575] : memref<10240x3200xf32, #tpu.memory_space<hbm>> -> memref<2x3200xf32, #tpu.memory_space<hbm>>
        %dma_wait3A_577 = arith.constant 0 : i32
        %dma_wait3A_578 = tpu.memref_slice %arg5[%mul3A_372, %dma_wait3A_577] : memref<10240x3200xf32, #tpu.memory_space<hbm>> -> memref<2x3200xf32, #tpu.memory_space<hbm>>
        tpu.wait_dma2 semaphore(%run_scoped3A : memref<!tpu.dma_semaphore, #tpu.memory_space<semaphore_mem>>) src(%arg12 : memref<2x3200xf32, #tpu.memory_space<vmem>>) dst(%dma_wait3A_578 : memref<2x3200xf32, #tpu.memory_space<hbm>>)
        tpu.yield
      }) : () -> ()
      %dma_start3A_373 = arith.constant 1 : i32
      %dma_start3A_374 = arith.constant 0 : i32
      %dma_start3A_375 = arith.constant 0 : i32
      %dma_start3A_376 = arith.constant 0 : i32
      %dma_start3A_377 = arith.constant 0 : i32
      %dma_start3A_378 = tpu.memref_slice %arg11[%dma_start3A_375, %dma_start3A_376, %dma_start3A_377] : memref<2x75x128xf32, #tpu.memory_space<vmem>> -> memref<1x75x128xf32, #tpu.memory_space<vmem>>
      %dma_start3A_379 = tpu.memref_squeeze %dma_start3A_378 : memref<1x75x128xf32, #tpu.memory_space<vmem>> -> memref<75x128xf32, #tpu.memory_space<vmem>>
      %dma_start3A_380 = arith.constant 0 : i32
      %dma_start3A_381 = tpu.memref_slice %arg7[%dma_start3A_373, %dma_start3A_374, %dma_start3A_380] : memref<2x2x80xi32, #tpu.memory_space<vmem>> -> memref<1x1x75xi32, #tpu.memory_space<vmem>>
      %dma_start3A_382 = tpu.memref_squeeze %dma_start3A_381 : memref<1x1x75xi32, #tpu.memory_space<vmem>> -> memref<75xi32, #tpu.memory_space<vmem>>
      %dma_start3A_383 = arith.constant 0 : i32
      %dma_start3A_384 = arith.constant 0 : i32
      %dma_start3A_385 = tpu.memref_slice %arg13[%dma_start3A_383, %dma_start3A_384] : memref<10000x128xf32, #tpu.memory_space<vmem_shared>> -> memref<10000x128xf32, #tpu.memory_space<vmem_shared>>
      tpu.enqueue_indirect_dma source(%dma_start3A_385 : memref<10000x128xf32, #tpu.memory_space<vmem_shared>>) target(%dma_start3A_379 : memref<75x128xf32, #tpu.memory_space<vmem>>) offsets(%dma_start3A_382 : memref<75xi32, #tpu.memory_space<vmem>>) semaphore(%arg15 : memref<!tpu.dma_semaphore, #tpu.memory_space<semaphore_mem>>)
      %dma_start3A_386 = arith.constant 1 : i32
      %dma_start3A_387 = arith.constant 1 : i32
      %dma_start3A_388 = arith.constant 1 : i32
      %dma_start3A_389 = arith.constant 0 : i32
      %dma_start3A_390 = arith.constant 0 : i32
      %dma_start3A_391 = tpu.memref_slice %arg11[%dma_start3A_388, %dma_start3A_389, %dma_start3A_390] : memref<2x75x128xf32, #tpu.memory_space<vmem>> -> memref<1x75x128xf32, #tpu.memory_space<vmem>>
      %dma_start3A_392 = tpu.memref_squeeze %dma_start3A_391 : memref<1x75x128xf32, #tpu.memory_space<vmem>> -> memref<75x128xf32, #tpu.memory_space<vmem>>
      %dma_start3A_393 = arith.constant 0 : i32
      %dma_start3A_394 = tpu.memref_slice %arg7[%dma_start3A_386, %dma_start3A_387, %dma_start3A_393] : memref<2x2x80xi32, #tpu.memory_space<vmem>> -> memref<1x1x75xi32, #tpu.memory_space<vmem>>
      %dma_start3A_395 = tpu.memref_squeeze %dma_start3A_394 : memref<1x1x75xi32, #tpu.memory_space<vmem>> -> memref<75xi32, #tpu.memory_space<vmem>>
      %dma_start3A_396 = arith.constant 0 : i32
      %dma_start3A_397 = arith.constant 0 : i32
      %dma_start3A_398 = tpu.memref_slice %arg13[%dma_start3A_396, %dma_start3A_397] : memref<10000x128xf32, #tpu.memory_space<vmem_shared>> -> memref<10000x128xf32, #tpu.memory_space<vmem_shared>>
      tpu.enqueue_indirect_dma source(%dma_start3A_398 : memref<10000x128xf32, #tpu.memory_space<vmem_shared>>) target(%dma_start3A_392 : memref<75x128xf32, #tpu.memory_space<vmem>>) offsets(%dma_start3A_395 : memref<75xi32, #tpu.memory_space<vmem>>) semaphore(%arg15 : memref<!tpu.dma_semaphore, #tpu.memory_space<semaphore_mem>>)
      %mul3A_399 = arith.constant 2 : i32
      %mul3A_400 = arith.muli %mul3A_399, %scan3A_227 : i32
      %add3A_401 = arith.constant 2 : i32
      %add3A_402 = arith.addi %mul3A_400, %add3A_401 : i32
      %jit3A_403 = arith.constant 2 : i32
      %div3A_404 = arith.divsi %mul3A_2, %jit3A_403 : i32
      %sign3A_405 = arith.constant 0 : i32
      %sign3A_406 = arith.cmpi sgt, %mul3A_2, %sign3A_405 : i32
      %sign3A_407 = arith.extui %sign3A_406 : i1 to i32
      %sign3A_408 = arith.constant 0 : i32
      %sign3A_409 = arith.cmpi slt, %mul3A_2, %sign3A_408 : i32
      %sign3A_410 = arith.extui %sign3A_409 : i1 to i32
      %sign3A_411 = arith.subi %sign3A_407, %sign3A_410 : i32
      %sign3A_412 = arith.constant 0 : i32
      %sign3A_413 = arith.cmpi sgt, %jit3A_403, %sign3A_412 : i32
      %sign3A_414 = arith.extui %sign3A_413 : i1 to i32
      %sign3A_415 = arith.constant 0 : i32
      %sign3A_416 = arith.cmpi slt, %jit3A_403, %sign3A_415 : i32
      %sign3A_417 = arith.extui %sign3A_416 : i1 to i32
      %sign3A_418 = arith.subi %sign3A_414, %sign3A_417 : i32
      %ne3A_419 = arith.cmpi ne, %sign3A_411, %sign3A_418 : i32
      %rem3A_420 = arith.remsi %mul3A_2, %jit3A_403 : i32
      %ne3A_421 = arith.constant 0 : i32
      %ne3A_422 = arith.cmpi ne, %rem3A_420, %ne3A_421 : i32
      %and3A_423 = arith.andi %ne3A_419, %ne3A_422 : i1
      %sub3A_424 = arith.constant 1 : i32
      %sub3A_425 = arith.subi %div3A_404, %sub3A_424 : i32
      %select_n3A_426 = arith.select %and3A_423, %sub3A_425, %div3A_404 : i32
      %add3A_427 = arith.addi %select_n3A_426, %add3A_402 : i32
      %min3A_428 = arith.constant 2559 : i32
      %min3A_429 = arith.minsi %add3A_427, %min3A_428 : i32
      "tpu.region"() ({
        %run_scoped3A = tpu.sem_alloc : memref<!tpu.dma_semaphore, #tpu.memory_space<semaphore_mem>>
        %dma_start3A_571 = arith.constant 0 : i32
        %dma_start3A_572 = arith.constant 0 : i32
        %dma_start3A_573 = arith.constant 0 : i32
        %dma_start3A_574 = tpu.memref_slice %arg3[%min3A_429, %dma_start3A_571, %dma_start3A_572, %dma_start3A_573] : memref<2560x2x2x80xi32, #tpu.memory_space<hbm>> -> memref<1x2x2x80xi32, #tpu.memory_space<hbm>>
        %dma_start3A_575 = tpu.memref_squeeze %dma_start3A_574 : memref<1x2x2x80xi32, #tpu.memory_space<hbm>> -> memref<2x2x80xi32, #tpu.memory_space<hbm>>
        %dma_start3A_576 = arith.constant 0 : i32
        %dma_start3A_577 = arith.constant 0 : i32
        %dma_start3A_578 = arith.constant 0 : i32
        %dma_start3A_579 = tpu.memref_slice %arg3[%min3A_429, %dma_start3A_576, %dma_start3A_577, %dma_start3A_578] : memref<2560x2x2x80xi32, #tpu.memory_space<hbm>> -> memref<1x2x2x80xi32, #tpu.memory_space<hbm>>
        %dma_start3A_580 = tpu.memref_squeeze %dma_start3A_579 : memref<1x2x2x80xi32, #tpu.memory_space<hbm>> -> memref<2x2x80xi32, #tpu.memory_space<hbm>>
        tpu.enqueue_dma source(%dma_start3A_580 : memref<2x2x80xi32, #tpu.memory_space<hbm>>) target(%arg6 : memref<2x2x80xi32, #tpu.memory_space<vmem>>) target_semaphore(%run_scoped3A : memref<!tpu.dma_semaphore, #tpu.memory_space<semaphore_mem>>)
        %dma_wait3A_581 = arith.constant 0 : i32
        %dma_wait3A_582 = arith.constant 0 : i32
        %dma_wait3A_583 = arith.constant 0 : i32
        %dma_wait3A_584 = tpu.memref_slice %arg3[%min3A_429, %dma_wait3A_581, %dma_wait3A_582, %dma_wait3A_583] : memref<2560x2x2x80xi32, #tpu.memory_space<hbm>> -> memref<1x2x2x80xi32, #tpu.memory_space<hbm>>
        %dma_wait3A_585 = tpu.memref_squeeze %dma_wait3A_584 : memref<1x2x2x80xi32, #tpu.memory_space<hbm>> -> memref<2x2x80xi32, #tpu.memory_space<hbm>>
        %dma_wait3A_586 = arith.constant 0 : i32
        %dma_wait3A_587 = arith.constant 0 : i32
        %dma_wait3A_588 = arith.constant 0 : i32
        %dma_wait3A_589 = tpu.memref_slice %arg3[%min3A_429, %dma_wait3A_586, %dma_wait3A_587, %dma_wait3A_588] : memref<2560x2x2x80xi32, #tpu.memory_space<hbm>> -> memref<1x2x2x80xi32, #tpu.memory_space<hbm>>
        %dma_wait3A_590 = tpu.memref_squeeze %dma_wait3A_589 : memref<1x2x2x80xi32, #tpu.memory_space<hbm>> -> memref<2x2x80xi32, #tpu.memory_space<hbm>>
        tpu.wait_dma2 semaphore(%run_scoped3A : memref<!tpu.dma_semaphore, #tpu.memory_space<semaphore_mem>>) src(%dma_wait3A_590 : memref<2x2x80xi32, #tpu.memory_space<hbm>>) dst(%arg6 : memref<2x2x80xi32, #tpu.memory_space<vmem>>)
        tpu.yield
      }) : () -> ()
      %dma_start3A_430 = arith.constant 0 : i32
      %dma_start3A_431 = arith.constant 0 : i32
      %dma_start3A_432 = arith.constant 0 : i32
      %dma_start3A_433 = tpu.memref_slice %arg4[%min3A_429, %dma_start3A_430, %dma_start3A_431, %dma_start3A_432] : memref<2560x2x2x96xf32, #tpu.memory_space<hbm>> -> memref<1x2x2x96xf32, #tpu.memory_space<hbm>>
      %dma_start3A_434 = tpu.memref_squeeze %dma_start3A_433 : memref<1x2x2x96xf32, #tpu.memory_space<hbm>> -> memref<2x2x96xf32, #tpu.memory_space<hbm>>
      %dma_start3A_435 = arith.constant 0 : i32
      %dma_start3A_436 = arith.constant 0 : i32
      %dma_start3A_437 = arith.constant 0 : i32
      %dma_start3A_438 = tpu.memref_slice %arg4[%min3A_429, %dma_start3A_435, %dma_start3A_436, %dma_start3A_437] : memref<2560x2x2x96xf32, #tpu.memory_space<hbm>> -> memref<1x2x2x96xf32, #tpu.memory_space<hbm>>
      %dma_start3A_439 = tpu.memref_squeeze %dma_start3A_438 : memref<1x2x2x96xf32, #tpu.memory_space<hbm>> -> memref<2x2x96xf32, #tpu.memory_space<hbm>>
      tpu.enqueue_dma source(%dma_start3A_439 : memref<2x2x96xf32, #tpu.memory_space<hbm>>) target(%arg8 : memref<2x2x96xf32, #tpu.memory_space<vmem>>) target_semaphore(%arg16 : memref<!tpu.dma_semaphore, #tpu.memory_space<semaphore_mem>>)
      %dma_wait3A_440 = arith.constant 0 : i32
      %dma_wait3A_441 = arith.constant 0 : i32
      %dma_wait3A_442 = arith.constant 0 : i32
      %dma_wait3A_443 = arith.constant 0 : i32
      %dma_wait3A_444 = tpu.memref_slice %arg4[%dma_wait3A_440, %dma_wait3A_441, %dma_wait3A_442, %dma_wait3A_443] : memref<2560x2x2x96xf32, #tpu.memory_space<hbm>> -> memref<1x2x2x96xf32, #tpu.memory_space<hbm>>
      %dma_wait3A_445 = tpu.memref_squeeze %dma_wait3A_444 : memref<1x2x2x96xf32, #tpu.memory_space<hbm>> -> memref<2x2x96xf32, #tpu.memory_space<hbm>>
      %dma_wait3A_446 = arith.constant 0 : i32
      %dma_wait3A_447 = arith.constant 0 : i32
      %dma_wait3A_448 = arith.constant 0 : i32
      %dma_wait3A_449 = tpu.memref_slice %arg4[%dma_wait3A_440, %dma_wait3A_446, %dma_wait3A_447, %dma_wait3A_448] : memref<2560x2x2x96xf32, #tpu.memory_space<hbm>> -> memref<1x2x2x96xf32, #tpu.memory_space<hbm>>
      %dma_wait3A_450 = tpu.memref_squeeze %dma_wait3A_449 : memref<1x2x2x96xf32, #tpu.memory_space<hbm>> -> memref<2x2x96xf32, #tpu.memory_space<hbm>>
      tpu.wait_dma2 semaphore(%arg17 : memref<!tpu.dma_semaphore, #tpu.memory_space<semaphore_mem>>) src(%dma_wait3A_450 : memref<2x2x96xf32, #tpu.memory_space<hbm>>) dst(%arg9 : memref<2x2x96xf32, #tpu.memory_space<vmem>>)
      %dma_wait3A_451 = arith.constant 0 : i32
      %dma_wait3A_452 = arith.constant 0 : i32
      %dma_wait3A_453 = arith.constant 0 : i32
      %dma_wait3A_454 = arith.constant 0 : i32
      %dma_wait3A_455 = arith.constant 0 : i32
      %dma_wait3A_456 = tpu.memref_slice %arg10[%dma_wait3A_453, %dma_wait3A_454, %dma_wait3A_455] : memref<2x75x128xf32, #tpu.memory_space<vmem>> -> memref<1x75x128xf32, #tpu.memory_space<vmem>>
      %dma_wait3A_457 = tpu.memref_squeeze %dma_wait3A_456 : memref<1x75x128xf32, #tpu.memory_space<vmem>> -> memref<75x128xf32, #tpu.memory_space<vmem>>
      %dma_wait3A_458 = arith.constant 0 : i32
      %dma_wait3A_459 = tpu.memref_slice %arg7[%dma_wait3A_451, %dma_wait3A_452, %dma_wait3A_458] : memref<2x2x80xi32, #tpu.memory_space<vmem>> -> memref<1x1x75xi32, #tpu.memory_space<vmem>>
      %dma_wait3A_460 = tpu.memref_squeeze %dma_wait3A_459 : memref<1x1x75xi32, #tpu.memory_space<vmem>> -> memref<75xi32, #tpu.memory_space<vmem>>
      %dma_wait3A_461 = arith.constant 0 : i32
      %dma_wait3A_462 = arith.constant 0 : i32
      %dma_wait3A_463 = tpu.memref_slice %arg13[%dma_wait3A_461, %dma_wait3A_462] : memref<10000x128xf32, #tpu.memory_space<vmem_shared>> -> memref<10000x128xf32, #tpu.memory_space<vmem_shared>>
      tpu.wait_indirect_dma semaphore(%arg14 : memref<!tpu.dma_semaphore, #tpu.memory_space<semaphore_mem>>) src(%dma_wait3A_463 : memref<10000x128xf32, #tpu.memory_space<vmem_shared>>) dst(%dma_wait3A_457 : memref<75x128xf32, #tpu.memory_space<vmem>>)
      %dma_wait3A_464 = arith.constant 0 : i32
      %dma_wait3A_465 = arith.constant 1 : i32
      %dma_wait3A_466 = arith.constant 1 : i32
      %dma_wait3A_467 = arith.constant 0 : i32
      %dma_wait3A_468 = arith.constant 0 : i32
      %dma_wait3A_469 = tpu.memref_slice %arg10[%dma_wait3A_466, %dma_wait3A_467, %dma_wait3A_468] : memref<2x75x128xf32, #tpu.memory_space<vmem>> -> memref<1x75x128xf32, #tpu.memory_space<vmem>>
      %dma_wait3A_470 = tpu.memref_squeeze %dma_wait3A_469 : memref<1x75x128xf32, #tpu.memory_space<vmem>> -> memref<75x128xf32, #tpu.memory_space<vmem>>
      %dma_wait3A_471 = arith.constant 0 : i32
      %dma_wait3A_472 = tpu.memref_slice %arg7[%dma_wait3A_464, %dma_wait3A_465, %dma_wait3A_471] : memref<2x2x80xi32, #tpu.memory_space<vmem>> -> memref<1x1x75xi32, #tpu.memory_space<vmem>>
      %dma_wait3A_473 = tpu.memref_squeeze %dma_wait3A_472 : memref<1x1x75xi32, #tpu.memory_space<vmem>> -> memref<75xi32, #tpu.memory_space<vmem>>
      %dma_wait3A_474 = arith.constant 0 : i32
      %dma_wait3A_475 = arith.constant 0 : i32
      %dma_wait3A_476 = tpu.memref_slice %arg13[%dma_wait3A_474, %dma_wait3A_475] : memref<10000x128xf32, #tpu.memory_space<vmem_shared>> -> memref<10000x128xf32, #tpu.memory_space<vmem_shared>>
      tpu.wait_indirect_dma semaphore(%arg14 : memref<!tpu.dma_semaphore, #tpu.memory_space<semaphore_mem>>) src(%dma_wait3A_476 : memref<10000x128xf32, #tpu.memory_space<vmem_shared>>) dst(%dma_wait3A_470 : memref<75x128xf32, #tpu.memory_space<vmem>>)
      %add3A_477 = arith.constant 2 : i32
      %add3A_478 = arith.addi %mul3A_229, %add3A_477 : i32
      %parallel_loop3A_479 = arith.constant 0 : i32
      %parallel_loop3A_480 = arith.constant 25 : i32
      %parallel_loop3A_481 = arith.constant 1 : i32
      scf.for %parallel_loop3A_571 = %parallel_loop3A_479 to %parallel_loop3A_480 step %parallel_loop3A_481  : i32 {
        %parallel_loop3A_572 = arith.constant 3 : i32
        %parallel_loop3A_573 = arith.muli %parallel_loop3A_571, %parallel_loop3A_572 : i32
        %parallel_loop3A_574 = arith.constant 0 : i32
        %parallel_loop3A_575 = arith.constant 0 : i32
        %parallel_loop3A_576 = arith.index_cast %parallel_loop3A_574 : i32 to index
        %parallel_loop3A_577 = arith.index_cast %parallel_loop3A_575 : i32 to index
        %parallel_loop3A_578 = arith.index_cast %parallel_loop3A_573 : i32 to index
        %parallel_loop3A_579 = tpu.vector_load %arg9[%parallel_loop3A_576, %parallel_loop3A_577, %parallel_loop3A_578] {strides = array<i32>} : memref<2x2x96xf32, #tpu.memory_space<vmem>>, vector<1x1x16xf32>,
        %parallel_loop3A_580 = vector.shape_cast %parallel_loop3A_579 : vector<1x1x16xf32> to vector<16xf32>
        %parallel_loop3A_581 = vector.shape_cast %broadcast_in_dim3A : vector<16x1xi32> to vector<16xi32>
        %parallel_loop3A_582 = tpu.dynamic_gather %parallel_loop3A_580[%parallel_loop3A_581] in [0] : vector<16xf32>, vector<16xi32> -> vector<16xf32>
        %parallel_loop3A_583 = vector.shape_cast %broadcast_in_dim3A_49 : vector<16x1xi32> to vector<16xi32>
        %parallel_loop3A_584 = tpu.dynamic_gather %parallel_loop3A_580[%parallel_loop3A_583] in [0] : vector<16xf32>, vector<16xi32> -> vector<16xf32>
        %parallel_loop3A_585 = vector.shape_cast %broadcast_in_dim3A_75 : vector<16x1xi32> to vector<16xi32>
        %parallel_loop3A_586 = tpu.dynamic_gather %parallel_loop3A_580[%parallel_loop3A_585] in [0] : vector<16xf32>, vector<16xi32> -> vector<16xf32>
        %parallel_loop3A_587 = arith.constant 3 : i32
        %parallel_loop3A_588 = arith.muli %parallel_loop3A_571, %parallel_loop3A_587 : i32
        %parallel_loop3A_589 = arith.constant 0 : i32
        %parallel_loop3A_590 = arith.index_cast %parallel_loop3A_589 : i32 to index
        %parallel_loop3A_591 = arith.index_cast %parallel_loop3A_588 : i32 to index
        %parallel_loop3A_592 = arith.constant 0 : index
        %parallel_loop3A_593 = tpu.vector_load %arg10[%parallel_loop3A_590, %parallel_loop3A_591, %parallel_loop3A_592] {strides = array<i32>} : memref<2x75x128xf32, #tpu.memory_space<vmem>>, vector<1x1x16xf32>,
        %parallel_loop3A_594 = vector.shape_cast %parallel_loop3A_593 : vector<1x1x16xf32> to vector<16xf32>
        %parallel_loop3A_595 = arith.constant 3 : i32
        %parallel_loop3A_596 = arith.muli %parallel_loop3A_571, %parallel_loop3A_595 : i32
        %parallel_loop3A_597 = arith.constant 1 : i32
        %parallel_loop3A_598 = arith.addi %parallel_loop3A_596, %parallel_loop3A_597 : i32
        %parallel_loop3A_599 = arith.constant 0 : i32
        %parallel_loop3A_600 = arith.index_cast %parallel_loop3A_599 : i32 to index
        %parallel_loop3A_601 = arith.index_cast %parallel_loop3A_598 : i32 to index
        %parallel_loop3A_602 = arith.constant 0 : index
        %parallel_loop3A_603 = tpu.vector_load %arg10[%parallel_loop3A_600, %parallel_loop3A_601, %parallel_loop3A_602] {strides = array<i32>} : memref<2x75x128xf32, #tpu.memory_space<vmem>>, vector<1x1x16xf32>,
        %parallel_loop3A_604 = vector.shape_cast %parallel_loop3A_603 : vector<1x1x16xf32> to vector<16xf32>
        %parallel_loop3A_605 = arith.constant 3 : i32
        %parallel_loop3A_606 = arith.muli %parallel_loop3A_571, %parallel_loop3A_605 : i32
        %parallel_loop3A_607 = arith.constant 2 : i32
        %parallel_loop3A_608 = arith.addi %parallel_loop3A_606, %parallel_loop3A_607 : i32
        %parallel_loop3A_609 = arith.constant 0 : i32
        %parallel_loop3A_610 = arith.index_cast %parallel_loop3A_609 : i32 to index
        %parallel_loop3A_611 = arith.index_cast %parallel_loop3A_608 : i32 to index
        %parallel_loop3A_612 = arith.constant 0 : index
        %parallel_loop3A_613 = tpu.vector_load %arg10[%parallel_loop3A_610, %parallel_loop3A_611, %parallel_loop3A_612] {strides = array<i32>} : memref<2x75x128xf32, #tpu.memory_space<vmem>>, vector<1x1x16xf32>,
        %parallel_loop3A_614 = vector.shape_cast %parallel_loop3A_613 : vector<1x1x16xf32> to vector<16xf32>
        %parallel_loop3A_615 = arith.mulf %parallel_loop3A_582, %parallel_loop3A_594 : vector<16xf32>
        %parallel_loop3A_616 = arith.mulf %parallel_loop3A_586, %parallel_loop3A_604 : vector<16xf32>
        %parallel_loop3A_617 = arith.addf %parallel_loop3A_615, %parallel_loop3A_616 : vector<16xf32>
        %parallel_loop3A_618 = arith.mulf %parallel_loop3A_584, %parallel_loop3A_614 : vector<16xf32>
        %parallel_loop3A_619 = arith.addf %parallel_loop3A_617, %parallel_loop3A_618 : vector<16xf32>
        %parallel_loop3A_620 = arith.constant 3 : i32
        %parallel_loop3A_621 = arith.muli %parallel_loop3A_571, %parallel_loop3A_620 : i32
        %parallel_loop3A_622 = arith.constant 0 : i32
        %parallel_loop3A_623 = arith.index_cast %parallel_loop3A_622 : i32 to index
        %parallel_loop3A_624 = arith.index_cast %parallel_loop3A_621 : i32 to index
        %parallel_loop3A_625 = arith.constant 16 : index
        %parallel_loop3A_626 = tpu.vector_load %arg10[%parallel_loop3A_623, %parallel_loop3A_624, %parallel_loop3A_625] {strides = array<i32>} : memref<2x75x128xf32, #tpu.memory_space<vmem>>, vector<1x1x16xf32>,
        %parallel_loop3A_627 = vector.shape_cast %parallel_loop3A_626 : vector<1x1x16xf32> to vector<16xf32>
        %parallel_loop3A_628 = arith.constant 3 : i32
        %parallel_loop3A_629 = arith.muli %parallel_loop3A_571, %parallel_loop3A_628 : i32
        %parallel_loop3A_630 = arith.constant 1 : i32
        %parallel_loop3A_631 = arith.addi %parallel_loop3A_629, %parallel_loop3A_630 : i32
        %parallel_loop3A_632 = arith.constant 0 : i32
        %parallel_loop3A_633 = arith.index_cast %parallel_loop3A_632 : i32 to index
        %parallel_loop3A_634 = arith.index_cast %parallel_loop3A_631 : i32 to index
        %parallel_loop3A_635 = arith.constant 16 : index
        %parallel_loop3A_636 = tpu.vector_load %arg10[%parallel_loop3A_633, %parallel_loop3A_634, %parallel_loop3A_635] {strides = array<i32>} : memref<2x75x128xf32, #tpu.memory_space<vmem>>, vector<1x1x16xf32>,
        %parallel_loop3A_637 = vector.shape_cast %parallel_loop3A_636 : vector<1x1x16xf32> to vector<16xf32>
        %parallel_loop3A_638 = arith.constant 3 : i32
        %parallel_loop3A_639 = arith.muli %parallel_loop3A_571, %parallel_loop3A_638 : i32
        %parallel_loop3A_640 = arith.constant 2 : i32
        %parallel_loop3A_641 = arith.addi %parallel_loop3A_639, %parallel_loop3A_640 : i32
        %parallel_loop3A_642 = arith.constant 0 : i32
        %parallel_loop3A_643 = arith.index_cast %parallel_loop3A_642 : i32 to index
        %parallel_loop3A_644 = arith.index_cast %parallel_loop3A_641 : i32 to index
        %parallel_loop3A_645 = arith.constant 16 : index
        %parallel_loop3A_646 = tpu.vector_load %arg10[%parallel_loop3A_643, %parallel_loop3A_644, %parallel_loop3A_645] {strides = array<i32>} : memref<2x75x128xf32, #tpu.memory_space<vmem>>, vector<1x1x16xf32>,
        %parallel_loop3A_647 = vector.shape_cast %parallel_loop3A_646 : vector<1x1x16xf32> to vector<16xf32>
        %parallel_loop3A_648 = arith.mulf %parallel_loop3A_584, %parallel_loop3A_627 : vector<16xf32>
        %parallel_loop3A_649 = arith.mulf %parallel_loop3A_582, %parallel_loop3A_637 : vector<16xf32>
        %parallel_loop3A_650 = arith.addf %parallel_loop3A_648, %parallel_loop3A_649 : vector<16xf32>
        %parallel_loop3A_651 = arith.mulf %parallel_loop3A_586, %parallel_loop3A_647 : vector<16xf32>
        %parallel_loop3A_652 = arith.addf %parallel_loop3A_650, %parallel_loop3A_651 : vector<16xf32>
        %parallel_loop3A_653 = arith.constant 3 : i32
        %parallel_loop3A_654 = arith.muli %parallel_loop3A_571, %parallel_loop3A_653 : i32
        %parallel_loop3A_655 = arith.constant 0 : i32
        %parallel_loop3A_656 = arith.index_cast %parallel_loop3A_655 : i32 to index
        %parallel_loop3A_657 = arith.index_cast %parallel_loop3A_654 : i32 to index
        %parallel_loop3A_658 = arith.constant 32 : index
        %parallel_loop3A_659 = tpu.vector_load %arg10[%parallel_loop3A_656, %parallel_loop3A_657, %parallel_loop3A_658] {strides = array<i32>} : memref<2x75x128xf32, #tpu.memory_space<vmem>>, vector<1x1x16xf32>,
        %parallel_loop3A_660 = vector.shape_cast %parallel_loop3A_659 : vector<1x1x16xf32> to vector<16xf32>
        %parallel_loop3A_661 = arith.constant 3 : i32
        %parallel_loop3A_662 = arith.muli %parallel_loop3A_571, %parallel_loop3A_661 : i32
        %parallel_loop3A_663 = arith.constant 1 : i32
        %parallel_loop3A_664 = arith.addi %parallel_loop3A_662, %parallel_loop3A_663 : i32
        %parallel_loop3A_665 = arith.constant 0 : i32
        %parallel_loop3A_666 = arith.index_cast %parallel_loop3A_665 : i32 to index
        %parallel_loop3A_667 = arith.index_cast %parallel_loop3A_664 : i32 to index
        %parallel_loop3A_668 = arith.constant 32 : index
        %parallel_loop3A_669 = tpu.vector_load %arg10[%parallel_loop3A_666, %parallel_loop3A_667, %parallel_loop3A_668] {strides = array<i32>} : memref<2x75x128xf32, #tpu.memory_space<vmem>>, vector<1x1x16xf32>,
        %parallel_loop3A_670 = vector.shape_cast %parallel_loop3A_669 : vector<1x1x16xf32> to vector<16xf32>
        %parallel_loop3A_671 = arith.constant 3 : i32
        %parallel_loop3A_672 = arith.muli %parallel_loop3A_571, %parallel_loop3A_671 : i32
        %parallel_loop3A_673 = arith.constant 2 : i32
        %parallel_loop3A_674 = arith.addi %parallel_loop3A_672, %parallel_loop3A_673 : i32
        %parallel_loop3A_675 = arith.constant 0 : i32
        %parallel_loop3A_676 = arith.index_cast %parallel_loop3A_675 : i32 to index
        %parallel_loop3A_677 = arith.index_cast %parallel_loop3A_674 : i32 to index
        %parallel_loop3A_678 = arith.constant 32 : index
        %parallel_loop3A_679 = tpu.vector_load %arg10[%parallel_loop3A_676, %parallel_loop3A_677, %parallel_loop3A_678] {strides = array<i32>} : memref<2x75x128xf32, #tpu.memory_space<vmem>>, vector<1x1x16xf32>,
        %parallel_loop3A_680 = vector.shape_cast %parallel_loop3A_679 : vector<1x1x16xf32> to vector<16xf32>
        %parallel_loop3A_681 = arith.mulf %parallel_loop3A_586, %parallel_loop3A_660 : vector<16xf32>
        %parallel_loop3A_682 = arith.mulf %parallel_loop3A_584, %parallel_loop3A_670 : vector<16xf32>
        %parallel_loop3A_683 = arith.addf %parallel_loop3A_681, %parallel_loop3A_682 : vector<16xf32>
        %parallel_loop3A_684 = arith.mulf %parallel_loop3A_582, %parallel_loop3A_680 : vector<16xf32>
        %parallel_loop3A_685 = arith.addf %parallel_loop3A_683, %parallel_loop3A_684 : vector<16xf32>
        %parallel_loop3A_686 = arith.constant 3 : i32
        %parallel_loop3A_687 = arith.muli %parallel_loop3A_571, %parallel_loop3A_686 : i32
        %parallel_loop3A_688 = arith.constant 0 : i32
        %parallel_loop3A_689 = arith.index_cast %parallel_loop3A_688 : i32 to index
        %parallel_loop3A_690 = arith.index_cast %parallel_loop3A_687 : i32 to index
        %parallel_loop3A_691 = arith.constant 48 : index
        %parallel_loop3A_692 = tpu.vector_load %arg10[%parallel_loop3A_689, %parallel_loop3A_690, %parallel_loop3A_691] {strides = array<i32>} : memref<2x75x128xf32, #tpu.memory_space<vmem>>, vector<1x1x16xf32>,
        %parallel_loop3A_693 = vector.shape_cast %parallel_loop3A_692 : vector<1x1x16xf32> to vector<16xf32>
        %parallel_loop3A_694 = arith.constant 3 : i32
        %parallel_loop3A_695 = arith.muli %parallel_loop3A_571, %parallel_loop3A_694 : i32
        %parallel_loop3A_696 = arith.constant 1 : i32
        %parallel_loop3A_697 = arith.addi %parallel_loop3A_695, %parallel_loop3A_696 : i32
        %parallel_loop3A_698 = arith.constant 0 : i32
        %parallel_loop3A_699 = arith.index_cast %parallel_loop3A_698 : i32 to index
        %parallel_loop3A_700 = arith.index_cast %parallel_loop3A_697 : i32 to index
        %parallel_loop3A_701 = arith.constant 48 : index
        %parallel_loop3A_702 = tpu.vector_load %arg10[%parallel_loop3A_699, %parallel_loop3A_700, %parallel_loop3A_701] {strides = array<i32>} : memref<2x75x128xf32, #tpu.memory_space<vmem>>, vector<1x1x16xf32>,
        %parallel_loop3A_703 = vector.shape_cast %parallel_loop3A_702 : vector<1x1x16xf32> to vector<16xf32>
        %parallel_loop3A_704 = arith.constant 3 : i32
        %parallel_loop3A_705 = arith.muli %parallel_loop3A_571, %parallel_loop3A_704 : i32
        %parallel_loop3A_706 = arith.constant 2 : i32
        %parallel_loop3A_707 = arith.addi %parallel_loop3A_705, %parallel_loop3A_706 : i32
        %parallel_loop3A_708 = arith.constant 0 : i32
        %parallel_loop3A_709 = arith.index_cast %parallel_loop3A_708 : i32 to index
        %parallel_loop3A_710 = arith.index_cast %parallel_loop3A_707 : i32 to index
        %parallel_loop3A_711 = arith.constant 48 : index
        %parallel_loop3A_712 = tpu.vector_load %arg10[%parallel_loop3A_709, %parallel_loop3A_710, %parallel_loop3A_711] {strides = array<i32>} : memref<2x75x128xf32, #tpu.memory_space<vmem>>, vector<1x1x16xf32>,
        %parallel_loop3A_713 = vector.shape_cast %parallel_loop3A_712 : vector<1x1x16xf32> to vector<16xf32>
        %parallel_loop3A_714 = arith.mulf %parallel_loop3A_582, %parallel_loop3A_693 : vector<16xf32>
        %parallel_loop3A_715 = arith.mulf %parallel_loop3A_586, %parallel_loop3A_703 : vector<16xf32>
        %parallel_loop3A_716 = arith.addf %parallel_loop3A_714, %parallel_loop3A_715 : vector<16xf32>
        %parallel_loop3A_717 = arith.mulf %parallel_loop3A_584, %parallel_loop3A_713 : vector<16xf32>
        %parallel_loop3A_718 = arith.addf %parallel_loop3A_716, %parallel_loop3A_717 : vector<16xf32>
        %parallel_loop3A_719 = arith.constant 3 : i32
        %parallel_loop3A_720 = arith.muli %parallel_loop3A_571, %parallel_loop3A_719 : i32
        %parallel_loop3A_721 = arith.constant 0 : i32
        %parallel_loop3A_722 = arith.index_cast %parallel_loop3A_721 : i32 to index
        %parallel_loop3A_723 = arith.index_cast %parallel_loop3A_720 : i32 to index
        %parallel_loop3A_724 = arith.constant 64 : index
        %parallel_loop3A_725 = tpu.vector_load %arg10[%parallel_loop3A_722, %parallel_loop3A_723, %parallel_loop3A_724] {strides = array<i32>} : memref<2x75x128xf32, #tpu.memory_space<vmem>>, vector<1x1x16xf32>,
        %parallel_loop3A_726 = vector.shape_cast %parallel_loop3A_725 : vector<1x1x16xf32> to vector<16xf32>
        %parallel_loop3A_727 = arith.constant 3 : i32
        %parallel_loop3A_728 = arith.muli %parallel_loop3A_571, %parallel_loop3A_727 : i32
        %parallel_loop3A_729 = arith.constant 1 : i32
        %parallel_loop3A_730 = arith.addi %parallel_loop3A_728, %parallel_loop3A_729 : i32
        %parallel_loop3A_731 = arith.constant 0 : i32
        %parallel_loop3A_732 = arith.index_cast %parallel_loop3A_731 : i32 to index
        %parallel_loop3A_733 = arith.index_cast %parallel_loop3A_730 : i32 to index
        %parallel_loop3A_734 = arith.constant 64 : index
        %parallel_loop3A_735 = tpu.vector_load %arg10[%parallel_loop3A_732, %parallel_loop3A_733, %parallel_loop3A_734] {strides = array<i32>} : memref<2x75x128xf32, #tpu.memory_space<vmem>>, vector<1x1x16xf32>,
        %parallel_loop3A_736 = vector.shape_cast %parallel_loop3A_735 : vector<1x1x16xf32> to vector<16xf32>
        %parallel_loop3A_737 = arith.constant 3 : i32
        %parallel_loop3A_738 = arith.muli %parallel_loop3A_571, %parallel_loop3A_737 : i32
        %parallel_loop3A_739 = arith.constant 2 : i32
        %parallel_loop3A_740 = arith.addi %parallel_loop3A_738, %parallel_loop3A_739 : i32
        %parallel_loop3A_741 = arith.constant 0 : i32
        %parallel_loop3A_742 = arith.index_cast %parallel_loop3A_741 : i32 to index
        %parallel_loop3A_743 = arith.index_cast %parallel_loop3A_740 : i32 to index
        %parallel_loop3A_744 = arith.constant 64 : index
        %parallel_loop3A_745 = tpu.vector_load %arg10[%parallel_loop3A_742, %parallel_loop3A_743, %parallel_loop3A_744] {strides = array<i32>} : memref<2x75x128xf32, #tpu.memory_space<vmem>>, vector<1x1x16xf32>,
        %parallel_loop3A_746 = vector.shape_cast %parallel_loop3A_745 : vector<1x1x16xf32> to vector<16xf32>
        %parallel_loop3A_747 = arith.mulf %parallel_loop3A_584, %parallel_loop3A_726 : vector<16xf32>
        %parallel_loop3A_748 = arith.mulf %parallel_loop3A_582, %parallel_loop3A_736 : vector<16xf32>
        %parallel_loop3A_749 = arith.addf %parallel_loop3A_747, %parallel_loop3A_748 : vector<16xf32>
        %parallel_loop3A_750 = arith.mulf %parallel_loop3A_586, %parallel_loop3A_746 : vector<16xf32>
        %parallel_loop3A_751 = arith.addf %parallel_loop3A_749, %parallel_loop3A_750 : vector<16xf32>
        %parallel_loop3A_752 = arith.constant 3 : i32
        %parallel_loop3A_753 = arith.muli %parallel_loop3A_571, %parallel_loop3A_752 : i32
        %parallel_loop3A_754 = arith.constant 0 : i32
        %parallel_loop3A_755 = arith.index_cast %parallel_loop3A_754 : i32 to index
        %parallel_loop3A_756 = arith.index_cast %parallel_loop3A_753 : i32 to index
        %parallel_loop3A_757 = arith.constant 80 : index
        %parallel_loop3A_758 = tpu.vector_load %arg10[%parallel_loop3A_755, %parallel_loop3A_756, %parallel_loop3A_757] {strides = array<i32>} : memref<2x75x128xf32, #tpu.memory_space<vmem>>, vector<1x1x16xf32>,
        %parallel_loop3A_759 = vector.shape_cast %parallel_loop3A_758 : vector<1x1x16xf32> to vector<16xf32>
        %parallel_loop3A_760 = arith.constant 3 : i32
        %parallel_loop3A_761 = arith.muli %parallel_loop3A_571, %parallel_loop3A_760 : i32
        %parallel_loop3A_762 = arith.constant 1 : i32
        %parallel_loop3A_763 = arith.addi %parallel_loop3A_761, %parallel_loop3A_762 : i32
        %parallel_loop3A_764 = arith.constant 0 : i32
        %parallel_loop3A_765 = arith.index_cast %parallel_loop3A_764 : i32 to index
        %parallel_loop3A_766 = arith.index_cast %parallel_loop3A_763 : i32 to index
        %parallel_loop3A_767 = arith.constant 80 : index
        %parallel_loop3A_768 = tpu.vector_load %arg10[%parallel_loop3A_765, %parallel_loop3A_766, %parallel_loop3A_767] {strides = array<i32>} : memref<2x75x128xf32, #tpu.memory_space<vmem>>, vector<1x1x16xf32>,
        %parallel_loop3A_769 = vector.shape_cast %parallel_loop3A_768 : vector<1x1x16xf32> to vector<16xf32>
        %parallel_loop3A_770 = arith.constant 3 : i32
        %parallel_loop3A_771 = arith.muli %parallel_loop3A_571, %parallel_loop3A_770 : i32
        %parallel_loop3A_772 = arith.constant 2 : i32
        %parallel_loop3A_773 = arith.addi %parallel_loop3A_771, %parallel_loop3A_772 : i32
        %parallel_loop3A_774 = arith.constant 0 : i32
        %parallel_loop3A_775 = arith.index_cast %parallel_loop3A_774 : i32 to index
        %parallel_loop3A_776 = arith.index_cast %parallel_loop3A_773 : i32 to index
        %parallel_loop3A_777 = arith.constant 80 : index
        %parallel_loop3A_778 = tpu.vector_load %arg10[%parallel_loop3A_775, %parallel_loop3A_776, %parallel_loop3A_777] {strides = array<i32>} : memref<2x75x128xf32, #tpu.memory_space<vmem>>, vector<1x1x16xf32>,
        %parallel_loop3A_779 = vector.shape_cast %parallel_loop3A_778 : vector<1x1x16xf32> to vector<16xf32>
        %parallel_loop3A_780 = arith.mulf %parallel_loop3A_586, %parallel_loop3A_759 : vector<16xf32>
        %parallel_loop3A_781 = arith.mulf %parallel_loop3A_584, %parallel_loop3A_769 : vector<16xf32>
        %parallel_loop3A_782 = arith.addf %parallel_loop3A_780, %parallel_loop3A_781 : vector<16xf32>
        %parallel_loop3A_783 = arith.mulf %parallel_loop3A_582, %parallel_loop3A_779 : vector<16xf32>
        %parallel_loop3A_784 = arith.addf %parallel_loop3A_782, %parallel_loop3A_783 : vector<16xf32>
        %parallel_loop3A_785 = arith.constant 3 : i32
        %parallel_loop3A_786 = arith.muli %parallel_loop3A_571, %parallel_loop3A_785 : i32
        %parallel_loop3A_787 = arith.constant 0 : i32
        %parallel_loop3A_788 = arith.index_cast %parallel_loop3A_787 : i32 to index
        %parallel_loop3A_789 = arith.index_cast %parallel_loop3A_786 : i32 to index
        %parallel_loop3A_790 = arith.constant 96 : index
        %parallel_loop3A_791 = tpu.vector_load %arg10[%parallel_loop3A_788, %parallel_loop3A_789, %parallel_loop3A_790] {strides = array<i32>} : memref<2x75x128xf32, #tpu.memory_space<vmem>>, vector<1x1x16xf32>,
        %parallel_loop3A_792 = vector.shape_cast %parallel_loop3A_791 : vector<1x1x16xf32> to vector<16xf32>
        %parallel_loop3A_793 = arith.constant 3 : i32
        %parallel_loop3A_794 = arith.muli %parallel_loop3A_571, %parallel_loop3A_793 : i32
        %parallel_loop3A_795 = arith.constant 1 : i32
        %parallel_loop3A_796 = arith.addi %parallel_loop3A_794, %parallel_loop3A_795 : i32
        %parallel_loop3A_797 = arith.constant 0 : i32
        %parallel_loop3A_798 = arith.index_cast %parallel_loop3A_797 : i32 to index
        %parallel_loop3A_799 = arith.index_cast %parallel_loop3A_796 : i32 to index
        %parallel_loop3A_800 = arith.constant 96 : index
        %parallel_loop3A_801 = tpu.vector_load %arg10[%parallel_loop3A_798, %parallel_loop3A_799, %parallel_loop3A_800] {strides = array<i32>} : memref<2x75x128xf32, #tpu.memory_space<vmem>>, vector<1x1x16xf32>,
        %parallel_loop3A_802 = vector.shape_cast %parallel_loop3A_801 : vector<1x1x16xf32> to vector<16xf32>
        %parallel_loop3A_803 = arith.constant 3 : i32
        %parallel_loop3A_804 = arith.muli %parallel_loop3A_571, %parallel_loop3A_803 : i32
        %parallel_loop3A_805 = arith.constant 2 : i32
        %parallel_loop3A_806 = arith.addi %parallel_loop3A_804, %parallel_loop3A_805 : i32
        %parallel_loop3A_807 = arith.constant 0 : i32
        %parallel_loop3A_808 = arith.index_cast %parallel_loop3A_807 : i32 to index
        %parallel_loop3A_809 = arith.index_cast %parallel_loop3A_806 : i32 to index
        %parallel_loop3A_810 = arith.constant 96 : index
        %parallel_loop3A_811 = tpu.vector_load %arg10[%parallel_loop3A_808, %parallel_loop3A_809, %parallel_loop3A_810] {strides = array<i32>} : memref<2x75x128xf32, #tpu.memory_space<vmem>>, vector<1x1x16xf32>,
        %parallel_loop3A_812 = vector.shape_cast %parallel_loop3A_811 : vector<1x1x16xf32> to vector<16xf32>
        %parallel_loop3A_813 = arith.mulf %parallel_loop3A_582, %parallel_loop3A_792 : vector<16xf32>
        %parallel_loop3A_814 = arith.mulf %parallel_loop3A_586, %parallel_loop3A_802 : vector<16xf32>
        %parallel_loop3A_815 = arith.addf %parallel_loop3A_813, %parallel_loop3A_814 : vector<16xf32>
        %parallel_loop3A_816 = arith.mulf %parallel_loop3A_584, %parallel_loop3A_812 : vector<16xf32>
        %parallel_loop3A_817 = arith.addf %parallel_loop3A_815, %parallel_loop3A_816 : vector<16xf32>
        %parallel_loop3A_818 = arith.constant 3 : i32
        %parallel_loop3A_819 = arith.muli %parallel_loop3A_571, %parallel_loop3A_818 : i32
        %parallel_loop3A_820 = arith.constant 0 : i32
        %parallel_loop3A_821 = arith.index_cast %parallel_loop3A_820 : i32 to index
        %parallel_loop3A_822 = arith.index_cast %parallel_loop3A_819 : i32 to index
        %parallel_loop3A_823 = arith.constant 112 : index
        %parallel_loop3A_824 = tpu.vector_load %arg10[%parallel_loop3A_821, %parallel_loop3A_822, %parallel_loop3A_823] {strides = array<i32>} : memref<2x75x128xf32, #tpu.memory_space<vmem>>, vector<1x1x16xf32>,
        %parallel_loop3A_825 = vector.shape_cast %parallel_loop3A_824 : vector<1x1x16xf32> to vector<16xf32>
        %parallel_loop3A_826 = arith.constant 3 : i32
        %parallel_loop3A_827 = arith.muli %parallel_loop3A_571, %parallel_loop3A_826 : i32
        %parallel_loop3A_828 = arith.constant 1 : i32
        %parallel_loop3A_829 = arith.addi %parallel_loop3A_827, %parallel_loop3A_828 : i32
        %parallel_loop3A_830 = arith.constant 0 : i32
        %parallel_loop3A_831 = arith.index_cast %parallel_loop3A_830 : i32 to index
        %parallel_loop3A_832 = arith.index_cast %parallel_loop3A_829 : i32 to index
        %parallel_loop3A_833 = arith.constant 112 : index
        %parallel_loop3A_834 = tpu.vector_load %arg10[%parallel_loop3A_831, %parallel_loop3A_832, %parallel_loop3A_833] {strides = array<i32>} : memref<2x75x128xf32, #tpu.memory_space<vmem>>, vector<1x1x16xf32>,
        %parallel_loop3A_835 = vector.shape_cast %parallel_loop3A_834 : vector<1x1x16xf32> to vector<16xf32>
        %parallel_loop3A_836 = arith.constant 3 : i32
        %parallel_loop3A_837 = arith.muli %parallel_loop3A_571, %parallel_loop3A_836 : i32
        %parallel_loop3A_838 = arith.constant 2 : i32
        %parallel_loop3A_839 = arith.addi %parallel_loop3A_837, %parallel_loop3A_838 : i32
        %parallel_loop3A_840 = arith.constant 0 : i32
        %parallel_loop3A_841 = arith.index_cast %parallel_loop3A_840 : i32 to index
        %parallel_loop3A_842 = arith.index_cast %parallel_loop3A_839 : i32 to index
        %parallel_loop3A_843 = arith.constant 112 : index
        %parallel_loop3A_844 = tpu.vector_load %arg10[%parallel_loop3A_841, %parallel_loop3A_842, %parallel_loop3A_843] {strides = array<i32>} : memref<2x75x128xf32, #tpu.memory_space<vmem>>, vector<1x1x16xf32>,
        %parallel_loop3A_845 = vector.shape_cast %parallel_loop3A_844 : vector<1x1x16xf32> to vector<16xf32>
        %parallel_loop3A_846 = arith.mulf %parallel_loop3A_584, %parallel_loop3A_825 : vector<16xf32>
        %parallel_loop3A_847 = arith.mulf %parallel_loop3A_582, %parallel_loop3A_835 : vector<16xf32>
        %parallel_loop3A_848 = arith.addf %parallel_loop3A_846, %parallel_loop3A_847 : vector<16xf32>
        %parallel_loop3A_849 = arith.mulf %parallel_loop3A_586, %parallel_loop3A_845 : vector<16xf32>
        %parallel_loop3A_850 = arith.addf %parallel_loop3A_848, %parallel_loop3A_849 : vector<16xf32>
        %parallel_loop3A_851 = arith.constant 128 : i32
        %parallel_loop3A_852 = arith.muli %parallel_loop3A_571, %parallel_loop3A_851 : i32
        %parallel_loop3A_853 = arith.constant 0 : i32
        %parallel_loop3A_854 = arith.addi %parallel_loop3A_852, %parallel_loop3A_853 : i32
        %parallel_loop3A_855 = arith.constant 0 : i32
        %parallel_loop3A_856 = arith.index_cast %parallel_loop3A_855 : i32 to index
        %parallel_loop3A_857 = arith.index_cast %parallel_loop3A_854 : i32 to index
        %parallel_loop3A_858 = tpu.vector_load %arg12[%parallel_loop3A_856, %parallel_loop3A_857] {strides = array<i32>} : memref<2x3200xf32, #tpu.memory_space<vmem>>, vector<1x16xf32>,
        %parallel_loop3A_859 = vector.shape_cast %parallel_loop3A_858 : vector<1x16xf32> to vector<16xf32>
        %parallel_loop3A_860 = vector.shape_cast %parallel_loop3A_619 : vector<16xf32> to vector<1x16xf32>
        tpu.vector_store %arg12[%parallel_loop3A_856, %parallel_loop3A_857], %parallel_loop3A_860 {strides = array<i32>} : memref<2x3200xf32, #tpu.memory_space<vmem>>, vector<1x16xf32>,
        %parallel_loop3A_861 = arith.constant 128 : i32
        %parallel_loop3A_862 = arith.muli %parallel_loop3A_571, %parallel_loop3A_861 : i32
        %parallel_loop3A_863 = arith.constant 16 : i32
        %parallel_loop3A_864 = arith.addi %parallel_loop3A_862, %parallel_loop3A_863 : i32
        %parallel_loop3A_865 = arith.constant 0 : i32
        %parallel_loop3A_866 = arith.index_cast %parallel_loop3A_865 : i32 to index
        %parallel_loop3A_867 = arith.index_cast %parallel_loop3A_864 : i32 to index
        %parallel_loop3A_868 = tpu.vector_load %arg12[%parallel_loop3A_866, %parallel_loop3A_867] {strides = array<i32>} : memref<2x3200xf32, #tpu.memory_space<vmem>>, vector<1x16xf32>,
        %parallel_loop3A_869 = vector.shape_cast %parallel_loop3A_868 : vector<1x16xf32> to vector<16xf32>
        %parallel_loop3A_870 = vector.shape_cast %parallel_loop3A_652 : vector<16xf32> to vector<1x16xf32>
        tpu.vector_store %arg12[%parallel_loop3A_866, %parallel_loop3A_867], %parallel_loop3A_870 {strides = array<i32>} : memref<2x3200xf32, #tpu.memory_space<vmem>>, vector<1x16xf32>,
        %parallel_loop3A_871 = arith.constant 128 : i32
        %parallel_loop3A_872 = arith.muli %parallel_loop3A_571, %parallel_loop3A_871 : i32
        %parallel_loop3A_873 = arith.constant 32 : i32
        %parallel_loop3A_874 = arith.addi %parallel_loop3A_872, %parallel_loop3A_873 : i32
        %parallel_loop3A_875 = arith.constant 0 : i32
        %parallel_loop3A_876 = arith.index_cast %parallel_loop3A_875 : i32 to index
        %parallel_loop3A_877 = arith.index_cast %parallel_loop3A_874 : i32 to index
        %parallel_loop3A_878 = tpu.vector_load %arg12[%parallel_loop3A_876, %parallel_loop3A_877] {strides = array<i32>} : memref<2x3200xf32, #tpu.memory_space<vmem>>, vector<1x16xf32>,
        %parallel_loop3A_879 = vector.shape_cast %parallel_loop3A_878 : vector<1x16xf32> to vector<16xf32>
        %parallel_loop3A_880 = vector.shape_cast %parallel_loop3A_685 : vector<16xf32> to vector<1x16xf32>
        tpu.vector_store %arg12[%parallel_loop3A_876, %parallel_loop3A_877], %parallel_loop3A_880 {strides = array<i32>} : memref<2x3200xf32, #tpu.memory_space<vmem>>, vector<1x16xf32>,
        %parallel_loop3A_881 = arith.constant 128 : i32
        %parallel_loop3A_882 = arith.muli %parallel_loop3A_571, %parallel_loop3A_881 : i32
        %parallel_loop3A_883 = arith.constant 48 : i32
        %parallel_loop3A_884 = arith.addi %parallel_loop3A_882, %parallel_loop3A_883 : i32
        %parallel_loop3A_885 = arith.constant 0 : i32
        %parallel_loop3A_886 = arith.index_cast %parallel_loop3A_885 : i32 to index
        %parallel_loop3A_887 = arith.index_cast %parallel_loop3A_884 : i32 to index
        %parallel_loop3A_888 = tpu.vector_load %arg12[%parallel_loop3A_886, %parallel_loop3A_887] {strides = array<i32>} : memref<2x3200xf32, #tpu.memory_space<vmem>>, vector<1x16xf32>,
        %parallel_loop3A_889 = vector.shape_cast %parallel_loop3A_888 : vector<1x16xf32> to vector<16xf32>
        %parallel_loop3A_890 = vector.shape_cast %parallel_loop3A_718 : vector<16xf32> to vector<1x16xf32>
        tpu.vector_store %arg12[%parallel_loop3A_886, %parallel_loop3A_887], %parallel_loop3A_890 {strides = array<i32>} : memref<2x3200xf32, #tpu.memory_space<vmem>>, vector<1x16xf32>,
        %parallel_loop3A_891 = arith.constant 128 : i32
        %parallel_loop3A_892 = arith.muli %parallel_loop3A_571, %parallel_loop3A_891 : i32
        %parallel_loop3A_893 = arith.constant 64 : i32
        %parallel_loop3A_894 = arith.addi %parallel_loop3A_892, %parallel_loop3A_893 : i32
        %parallel_loop3A_895 = arith.constant 0 : i32
        %parallel_loop3A_896 = arith.index_cast %parallel_loop3A_895 : i32 to index
        %parallel_loop3A_897 = arith.index_cast %parallel_loop3A_894 : i32 to index
        %parallel_loop3A_898 = tpu.vector_load %arg12[%parallel_loop3A_896, %parallel_loop3A_897] {strides = array<i32>} : memref<2x3200xf32, #tpu.memory_space<vmem>>, vector<1x16xf32>,
        %parallel_loop3A_899 = vector.shape_cast %parallel_loop3A_898 : vector<1x16xf32> to vector<16xf32>
        %parallel_loop3A_900 = vector.shape_cast %parallel_loop3A_751 : vector<16xf32> to vector<1x16xf32>
        tpu.vector_store %arg12[%parallel_loop3A_896, %parallel_loop3A_897], %parallel_loop3A_900 {strides = array<i32>} : memref<2x3200xf32, #tpu.memory_space<vmem>>, vector<1x16xf32>,
        %parallel_loop3A_901 = arith.constant 128 : i32
        %parallel_loop3A_902 = arith.muli %parallel_loop3A_571, %parallel_loop3A_901 : i32
        %parallel_loop3A_903 = arith.constant 80 : i32
        %parallel_loop3A_904 = arith.addi %parallel_loop3A_902, %parallel_loop3A_903 : i32
        %parallel_loop3A_905 = arith.constant 0 : i32
        %parallel_loop3A_906 = arith.index_cast %parallel_loop3A_905 : i32 to index
        %parallel_loop3A_907 = arith.index_cast %parallel_loop3A_904 : i32 to index
        %parallel_loop3A_908 = tpu.vector_load %arg12[%parallel_loop3A_906, %parallel_loop3A_907] {strides = array<i32>} : memref<2x3200xf32, #tpu.memory_space<vmem>>, vector<1x16xf32>,
        %parallel_loop3A_909 = vector.shape_cast %parallel_loop3A_908 : vector<1x16xf32> to vector<16xf32>
        %parallel_loop3A_910 = vector.shape_cast %parallel_loop3A_784 : vector<16xf32> to vector<1x16xf32>
        tpu.vector_store %arg12[%parallel_loop3A_906, %parallel_loop3A_907], %parallel_loop3A_910 {strides = array<i32>} : memref<2x3200xf32, #tpu.memory_space<vmem>>, vector<1x16xf32>,
        %parallel_loop3A_911 = arith.constant 128 : i32
        %parallel_loop3A_912 = arith.muli %parallel_loop3A_571, %parallel_loop3A_911 : i32
        %parallel_loop3A_913 = arith.constant 96 : i32
        %parallel_loop3A_914 = arith.addi %parallel_loop3A_912, %parallel_loop3A_913 : i32
        %parallel_loop3A_915 = arith.constant 0 : i32
        %parallel_loop3A_916 = arith.index_cast %parallel_loop3A_915 : i32 to index
        %parallel_loop3A_917 = arith.index_cast %parallel_loop3A_914 : i32 to index
        %parallel_loop3A_918 = tpu.vector_load %arg12[%parallel_loop3A_916, %parallel_loop3A_917] {strides = array<i32>} : memref<2x3200xf32, #tpu.memory_space<vmem>>, vector<1x16xf32>,
        %parallel_loop3A_919 = vector.shape_cast %parallel_loop3A_918 : vector<1x16xf32> to vector<16xf32>
        %parallel_loop3A_920 = vector.shape_cast %parallel_loop3A_817 : vector<16xf32> to vector<1x16xf32>
        tpu.vector_store %arg12[%parallel_loop3A_916, %parallel_loop3A_917], %parallel_loop3A_920 {strides = array<i32>} : memref<2x3200xf32, #tpu.memory_space<vmem>>, vector<1x16xf32>,
        %parallel_loop3A_921 = arith.constant 128 : i32
        %parallel_loop3A_922 = arith.muli %parallel_loop3A_571, %parallel_loop3A_921 : i32
        %parallel_loop3A_923 = arith.constant 112 : i32
        %parallel_loop3A_924 = arith.addi %parallel_loop3A_922, %parallel_loop3A_923 : i32
        %parallel_loop3A_925 = arith.constant 0 : i32
        %parallel_loop3A_926 = arith.index_cast %parallel_loop3A_925 : i32 to index
        %parallel_loop3A_927 = arith.index_cast %parallel_loop3A_924 : i32 to index
        %parallel_loop3A_928 = tpu.vector_load %arg12[%parallel_loop3A_926, %parallel_loop3A_927] {strides = array<i32>} : memref<2x3200xf32, #tpu.memory_space<vmem>>, vector<1x16xf32>,
        %parallel_loop3A_929 = vector.shape_cast %parallel_loop3A_928 : vector<1x16xf32> to vector<16xf32>
        %parallel_loop3A_930 = vector.shape_cast %parallel_loop3A_850 : vector<16xf32> to vector<1x16xf32>
        tpu.vector_store %arg12[%parallel_loop3A_926, %parallel_loop3A_927], %parallel_loop3A_930 {strides = array<i32>} : memref<2x3200xf32, #tpu.memory_space<vmem>>, vector<1x16xf32>,
        %parallel_loop3A_931 = arith.constant 3 : i32
        %parallel_loop3A_932 = arith.muli %parallel_loop3A_571, %parallel_loop3A_931 : i32
        %parallel_loop3A_933 = arith.constant 0 : i32
        %parallel_loop3A_934 = arith.constant 1 : i32
        %parallel_loop3A_935 = arith.index_cast %parallel_loop3A_933 : i32 to index
        %parallel_loop3A_936 = arith.index_cast %parallel_loop3A_934 : i32 to index
        %parallel_loop3A_937 = arith.index_cast %parallel_loop3A_932 : i32 to index
        %parallel_loop3A_938 = tpu.vector_load %arg9[%parallel_loop3A_935, %parallel_loop3A_936, %parallel_loop3A_937] {strides = array<i32>} : memref<2x2x96xf32, #tpu.memory_space<vmem>>, vector<1x1x16xf32>,
        %parallel_loop3A_939 = vector.shape_cast %parallel_loop3A_938 : vector<1x1x16xf32> to vector<16xf32>
        %parallel_loop3A_940 = vector.shape_cast %broadcast_in_dim3A : vector<16x1xi32> to vector<16xi32>
        %parallel_loop3A_941 = tpu.dynamic_gather %parallel_loop3A_939[%parallel_loop3A_940] in [0] : vector<16xf32>, vector<16xi32> -> vector<16xf32>
        %parallel_loop3A_942 = vector.shape_cast %broadcast_in_dim3A_49 : vector<16x1xi32> to vector<16xi32>
        %parallel_loop3A_943 = tpu.dynamic_gather %parallel_loop3A_939[%parallel_loop3A_942] in [0] : vector<16xf32>, vector<16xi32> -> vector<16xf32>
        %parallel_loop3A_944 = vector.shape_cast %broadcast_in_dim3A_75 : vector<16x1xi32> to vector<16xi32>
        %parallel_loop3A_945 = tpu.dynamic_gather %parallel_loop3A_939[%parallel_loop3A_944] in [0] : vector<16xf32>, vector<16xi32> -> vector<16xf32>
        %parallel_loop3A_946 = arith.constant 3 : i32
        %parallel_loop3A_947 = arith.muli %parallel_loop3A_571, %parallel_loop3A_946 : i32
        %parallel_loop3A_948 = arith.constant 1 : i32
        %parallel_loop3A_949 = arith.index_cast %parallel_loop3A_948 : i32 to index
        %parallel_loop3A_950 = arith.index_cast %parallel_loop3A_947 : i32 to index
        %parallel_loop3A_951 = arith.constant 0 : index
        %parallel_loop3A_952 = tpu.vector_load %arg10[%parallel_loop3A_949, %parallel_loop3A_950, %parallel_loop3A_951] {strides = array<i32>} : memref<2x75x128xf32, #tpu.memory_space<vmem>>, vector<1x1x16xf32>,
        %parallel_loop3A_953 = vector.shape_cast %parallel_loop3A_952 : vector<1x1x16xf32> to vector<16xf32>
        %parallel_loop3A_954 = arith.constant 3 : i32
        %parallel_loop3A_955 = arith.muli %parallel_loop3A_571, %parallel_loop3A_954 : i32
        %parallel_loop3A_956 = arith.constant 1 : i32
        %parallel_loop3A_957 = arith.addi %parallel_loop3A_955, %parallel_loop3A_956 : i32
        %parallel_loop3A_958 = arith.constant 1 : i32
        %parallel_loop3A_959 = arith.index_cast %parallel_loop3A_958 : i32 to index
        %parallel_loop3A_960 = arith.index_cast %parallel_loop3A_957 : i32 to index
        %parallel_loop3A_961 = arith.constant 0 : index
        %parallel_loop3A_962 = tpu.vector_load %arg10[%parallel_loop3A_959, %parallel_loop3A_960, %parallel_loop3A_961] {strides = array<i32>} : memref<2x75x128xf32, #tpu.memory_space<vmem>>, vector<1x1x16xf32>,
        %parallel_loop3A_963 = vector.shape_cast %parallel_loop3A_962 : vector<1x1x16xf32> to vector<16xf32>
        %parallel_loop3A_964 = arith.constant 3 : i32
        %parallel_loop3A_965 = arith.muli %parallel_loop3A_571, %parallel_loop3A_964 : i32
        %parallel_loop3A_966 = arith.constant 2 : i32
        %parallel_loop3A_967 = arith.addi %parallel_loop3A_965, %parallel_loop3A_966 : i32
        %parallel_loop3A_968 = arith.constant 1 : i32
        %parallel_loop3A_969 = arith.index_cast %parallel_loop3A_968 : i32 to index
        %parallel_loop3A_970 = arith.index_cast %parallel_loop3A_967 : i32 to index
        %parallel_loop3A_971 = arith.constant 0 : index
        %parallel_loop3A_972 = tpu.vector_load %arg10[%parallel_loop3A_969, %parallel_loop3A_970, %parallel_loop3A_971] {strides = array<i32>} : memref<2x75x128xf32, #tpu.memory_space<vmem>>, vector<1x1x16xf32>,
        %parallel_loop3A_973 = vector.shape_cast %parallel_loop3A_972 : vector<1x1x16xf32> to vector<16xf32>
        %parallel_loop3A_974 = arith.mulf %parallel_loop3A_941, %parallel_loop3A_953 : vector<16xf32>
        %parallel_loop3A_975 = arith.mulf %parallel_loop3A_945, %parallel_loop3A_963 : vector<16xf32>
        %parallel_loop3A_976 = arith.addf %parallel_loop3A_974, %parallel_loop3A_975 : vector<16xf32>
        %parallel_loop3A_977 = arith.mulf %parallel_loop3A_943, %parallel_loop3A_973 : vector<16xf32>
        %parallel_loop3A_978 = arith.addf %parallel_loop3A_976, %parallel_loop3A_977 : vector<16xf32>
        %parallel_loop3A_979 = arith.constant 3 : i32
        %parallel_loop3A_980 = arith.muli %parallel_loop3A_571, %parallel_loop3A_979 : i32
        %parallel_loop3A_981 = arith.constant 1 : i32
        %parallel_loop3A_982 = arith.index_cast %parallel_loop3A_981 : i32 to index
        %parallel_loop3A_983 = arith.index_cast %parallel_loop3A_980 : i32 to index
        %parallel_loop3A_984 = arith.constant 16 : index
        %parallel_loop3A_985 = tpu.vector_load %arg10[%parallel_loop3A_982, %parallel_loop3A_983, %parallel_loop3A_984] {strides = array<i32>} : memref<2x75x128xf32, #tpu.memory_space<vmem>>, vector<1x1x16xf32>,
        %parallel_loop3A_986 = vector.shape_cast %parallel_loop3A_985 : vector<1x1x16xf32> to vector<16xf32>
        %parallel_loop3A_987 = arith.constant 3 : i32
        %parallel_loop3A_988 = arith.muli %parallel_loop3A_571, %parallel_loop3A_987 : i32
        %parallel_loop3A_989 = arith.constant 1 : i32
        %parallel_loop3A_990 = arith.addi %parallel_loop3A_988, %parallel_loop3A_989 : i32
        %parallel_loop3A_991 = arith.constant 1 : i32
        %parallel_loop3A_992 = arith.index_cast %parallel_loop3A_991 : i32 to index
        %parallel_loop3A_993 = arith.index_cast %parallel_loop3A_990 : i32 to index
        %parallel_loop3A_994 = arith.constant 16 : index
        %parallel_loop3A_995 = tpu.vector_load %arg10[%parallel_loop3A_992, %parallel_loop3A_993, %parallel_loop3A_994] {strides = array<i32>} : memref<2x75x128xf32, #tpu.memory_space<vmem>>, vector<1x1x16xf32>,
        %parallel_loop3A_996 = vector.shape_cast %parallel_loop3A_995 : vector<1x1x16xf32> to vector<16xf32>
        %parallel_loop3A_997 = arith.constant 3 : i32
        %parallel_loop3A_998 = arith.muli %parallel_loop3A_571, %parallel_loop3A_997 : i32
        %parallel_loop3A_999 = arith.constant 2 : i32
        %parallel_loop3A_1000 = arith.addi %parallel_loop3A_998, %parallel_loop3A_999 : i32
        %parallel_loop3A_1001 = arith.constant 1 : i32
        %parallel_loop3A_1002 = arith.index_cast %parallel_loop3A_1001 : i32 to index
        %parallel_loop3A_1003 = arith.index_cast %parallel_loop3A_1000 : i32 to index
        %parallel_loop3A_1004 = arith.constant 16 : index
        %parallel_loop3A_1005 = tpu.vector_load %arg10[%parallel_loop3A_1002, %parallel_loop3A_1003, %parallel_loop3A_1004] {strides = array<i32>} : memref<2x75x128xf32, #tpu.memory_space<vmem>>, vector<1x1x16xf32>,
        %parallel_loop3A_1006 = vector.shape_cast %parallel_loop3A_1005 : vector<1x1x16xf32> to vector<16xf32>
        %parallel_loop3A_1007 = arith.mulf %parallel_loop3A_943, %parallel_loop3A_986 : vector<16xf32>
        %parallel_loop3A_1008 = arith.mulf %parallel_loop3A_941, %parallel_loop3A_996 : vector<16xf32>
        %parallel_loop3A_1009 = arith.addf %parallel_loop3A_1007, %parallel_loop3A_1008 : vector<16xf32>
        %parallel_loop3A_1010 = arith.mulf %parallel_loop3A_945, %parallel_loop3A_1006 : vector<16xf32>
        %parallel_loop3A_1011 = arith.addf %parallel_loop3A_1009, %parallel_loop3A_1010 : vector<16xf32>
        %parallel_loop3A_1012 = arith.constant 3 : i32
        %parallel_loop3A_1013 = arith.muli %parallel_loop3A_571, %parallel_loop3A_1012 : i32
        %parallel_loop3A_1014 = arith.constant 1 : i32
        %parallel_loop3A_1015 = arith.index_cast %parallel_loop3A_1014 : i32 to index
        %parallel_loop3A_1016 = arith.index_cast %parallel_loop3A_1013 : i32 to index
        %parallel_loop3A_1017 = arith.constant 32 : index
        %parallel_loop3A_1018 = tpu.vector_load %arg10[%parallel_loop3A_1015, %parallel_loop3A_1016, %parallel_loop3A_1017] {strides = array<i32>} : memref<2x75x128xf32, #tpu.memory_space<vmem>>, vector<1x1x16xf32>,
        %parallel_loop3A_1019 = vector.shape_cast %parallel_loop3A_1018 : vector<1x1x16xf32> to vector<16xf32>
        %parallel_loop3A_1020 = arith.constant 3 : i32
        %parallel_loop3A_1021 = arith.muli %parallel_loop3A_571, %parallel_loop3A_1020 : i32
        %parallel_loop3A_1022 = arith.constant 1 : i32
        %parallel_loop3A_1023 = arith.addi %parallel_loop3A_1021, %parallel_loop3A_1022 : i32
        %parallel_loop3A_1024 = arith.constant 1 : i32
        %parallel_loop3A_1025 = arith.index_cast %parallel_loop3A_1024 : i32 to index
        %parallel_loop3A_1026 = arith.index_cast %parallel_loop3A_1023 : i32 to index
        %parallel_loop3A_1027 = arith.constant 32 : index
        %parallel_loop3A_1028 = tpu.vector_load %arg10[%parallel_loop3A_1025, %parallel_loop3A_1026, %parallel_loop3A_1027] {strides = array<i32>} : memref<2x75x128xf32, #tpu.memory_space<vmem>>, vector<1x1x16xf32>,
        %parallel_loop3A_1029 = vector.shape_cast %parallel_loop3A_1028 : vector<1x1x16xf32> to vector<16xf32>
        %parallel_loop3A_1030 = arith.constant 3 : i32
        %parallel_loop3A_1031 = arith.muli %parallel_loop3A_571, %parallel_loop3A_1030 : i32
        %parallel_loop3A_1032 = arith.constant 2 : i32
        %parallel_loop3A_1033 = arith.addi %parallel_loop3A_1031, %parallel_loop3A_1032 : i32
        %parallel_loop3A_1034 = arith.constant 1 : i32
        %parallel_loop3A_1035 = arith.index_cast %parallel_loop3A_1034 : i32 to index
        %parallel_loop3A_1036 = arith.index_cast %parallel_loop3A_1033 : i32 to index
        %parallel_loop3A_1037 = arith.constant 32 : index
        %parallel_loop3A_1038 = tpu.vector_load %arg10[%parallel_loop3A_1035, %parallel_loop3A_1036, %parallel_loop3A_1037] {strides = array<i32>} : memref<2x75x128xf32, #tpu.memory_space<vmem>>, vector<1x1x16xf32>,
        %parallel_loop3A_1039 = vector.shape_cast %parallel_loop3A_1038 : vector<1x1x16xf32> to vector<16xf32>
        %parallel_loop3A_1040 = arith.mulf %parallel_loop3A_945, %parallel_loop3A_1019 : vector<16xf32>
        %parallel_loop3A_1041 = arith.mulf %parallel_loop3A_943, %parallel_loop3A_1029 : vector<16xf32>
        %parallel_loop3A_1042 = arith.addf %parallel_loop3A_1040, %parallel_loop3A_1041 : vector<16xf32>
        %parallel_loop3A_1043 = arith.mulf %parallel_loop3A_941, %parallel_loop3A_1039 : vector<16xf32>
        %parallel_loop3A_1044 = arith.addf %parallel_loop3A_1042, %parallel_loop3A_1043 : vector<16xf32>
        %parallel_loop3A_1045 = arith.constant 3 : i32
        %parallel_loop3A_1046 = arith.muli %parallel_loop3A_571, %parallel_loop3A_1045 : i32
        %parallel_loop3A_1047 = arith.constant 1 : i32
        %parallel_loop3A_1048 = arith.index_cast %parallel_loop3A_1047 : i32 to index
        %parallel_loop3A_1049 = arith.index_cast %parallel_loop3A_1046 : i32 to index
        %parallel_loop3A_1050 = arith.constant 48 : index
        %parallel_loop3A_1051 = tpu.vector_load %arg10[%parallel_loop3A_1048, %parallel_loop3A_1049, %parallel_loop3A_1050] {strides = array<i32>} : memref<2x75x128xf32, #tpu.memory_space<vmem>>, vector<1x1x16xf32>,
        %parallel_loop3A_1052 = vector.shape_cast %parallel_loop3A_1051 : vector<1x1x16xf32> to vector<16xf32>
        %parallel_loop3A_1053 = arith.constant 3 : i32
        %parallel_loop3A_1054 = arith.muli %parallel_loop3A_571, %parallel_loop3A_1053 : i32
        %parallel_loop3A_1055 = arith.constant 1 : i32
        %parallel_loop3A_1056 = arith.addi %parallel_loop3A_1054, %parallel_loop3A_1055 : i32
        %parallel_loop3A_1057 = arith.constant 1 : i32
        %parallel_loop3A_1058 = arith.index_cast %parallel_loop3A_1057 : i32 to index
        %parallel_loop3A_1059 = arith.index_cast %parallel_loop3A_1056 : i32 to index
        %parallel_loop3A_1060 = arith.constant 48 : index
        %parallel_loop3A_1061 = tpu.vector_load %arg10[%parallel_loop3A_1058, %parallel_loop3A_1059, %parallel_loop3A_1060] {strides = array<i32>} : memref<2x75x128xf32, #tpu.memory_space<vmem>>, vector<1x1x16xf32>,
        %parallel_loop3A_1062 = vector.shape_cast %parallel_loop3A_1061 : vector<1x1x16xf32> to vector<16xf32>
        %parallel_loop3A_1063 = arith.constant 3 : i32
        %parallel_loop3A_1064 = arith.muli %parallel_loop3A_571, %parallel_loop3A_1063 : i32
        %parallel_loop3A_1065 = arith.constant 2 : i32
        %parallel_loop3A_1066 = arith.addi %parallel_loop3A_1064, %parallel_loop3A_1065 : i32
        %parallel_loop3A_1067 = arith.constant 1 : i32
        %parallel_loop3A_1068 = arith.index_cast %parallel_loop3A_1067 : i32 to index
        %parallel_loop3A_1069 = arith.index_cast %parallel_loop3A_1066 : i32 to index
        %parallel_loop3A_1070 = arith.constant 48 : index
        %parallel_loop3A_1071 = tpu.vector_load %arg10[%parallel_loop3A_1068, %parallel_loop3A_1069, %parallel_loop3A_1070] {strides = array<i32>} : memref<2x75x128xf32, #tpu.memory_space<vmem>>, vector<1x1x16xf32>,
        %parallel_loop3A_1072 = vector.shape_cast %parallel_loop3A_1071 : vector<1x1x16xf32> to vector<16xf32>
        %parallel_loop3A_1073 = arith.mulf %parallel_loop3A_941, %parallel_loop3A_1052 : vector<16xf32>
        %parallel_loop3A_1074 = arith.mulf %parallel_loop3A_945, %parallel_loop3A_1062 : vector<16xf32>
        %parallel_loop3A_1075 = arith.addf %parallel_loop3A_1073, %parallel_loop3A_1074 : vector<16xf32>
        %parallel_loop3A_1076 = arith.mulf %parallel_loop3A_943, %parallel_loop3A_1072 : vector<16xf32>
        %parallel_loop3A_1077 = arith.addf %parallel_loop3A_1075, %parallel_loop3A_1076 : vector<16xf32>
        %parallel_loop3A_1078 = arith.constant 3 : i32
        %parallel_loop3A_1079 = arith.muli %parallel_loop3A_571, %parallel_loop3A_1078 : i32
        %parallel_loop3A_1080 = arith.constant 1 : i32
        %parallel_loop3A_1081 = arith.index_cast %parallel_loop3A_1080 : i32 to index
        %parallel_loop3A_1082 = arith.index_cast %parallel_loop3A_1079 : i32 to index
        %parallel_loop3A_1083 = arith.constant 64 : index
        %parallel_loop3A_1084 = tpu.vector_load %arg10[%parallel_loop3A_1081, %parallel_loop3A_1082, %parallel_loop3A_1083] {strides = array<i32>} : memref<2x75x128xf32, #tpu.memory_space<vmem>>, vector<1x1x16xf32>,
        %parallel_loop3A_1085 = vector.shape_cast %parallel_loop3A_1084 : vector<1x1x16xf32> to vector<16xf32>
        %parallel_loop3A_1086 = arith.constant 3 : i32
        %parallel_loop3A_1087 = arith.muli %parallel_loop3A_571, %parallel_loop3A_1086 : i32
        %parallel_loop3A_1088 = arith.constant 1 : i32
        %parallel_loop3A_1089 = arith.addi %parallel_loop3A_1087, %parallel_loop3A_1088 : i32
        %parallel_loop3A_1090 = arith.constant 1 : i32
        %parallel_loop3A_1091 = arith.index_cast %parallel_loop3A_1090 : i32 to index
        %parallel_loop3A_1092 = arith.index_cast %parallel_loop3A_1089 : i32 to index
        %parallel_loop3A_1093 = arith.constant 64 : index
        %parallel_loop3A_1094 = tpu.vector_load %arg10[%parallel_loop3A_1091, %parallel_loop3A_1092, %parallel_loop3A_1093] {strides = array<i32>} : memref<2x75x128xf32, #tpu.memory_space<vmem>>, vector<1x1x16xf32>,
        %parallel_loop3A_1095 = vector.shape_cast %parallel_loop3A_1094 : vector<1x1x16xf32> to vector<16xf32>
        %parallel_loop3A_1096 = arith.constant 3 : i32
        %parallel_loop3A_1097 = arith.muli %parallel_loop3A_571, %parallel_loop3A_1096 : i32
        %parallel_loop3A_1098 = arith.constant 2 : i32
        %parallel_loop3A_1099 = arith.addi %parallel_loop3A_1097, %parallel_loop3A_1098 : i32
        %parallel_loop3A_1100 = arith.constant 1 : i32
        %parallel_loop3A_1101 = arith.index_cast %parallel_loop3A_1100 : i32 to index
        %parallel_loop3A_1102 = arith.index_cast %parallel_loop3A_1099 : i32 to index
        %parallel_loop3A_1103 = arith.constant 64 : index
        %parallel_loop3A_1104 = tpu.vector_load %arg10[%parallel_loop3A_1101, %parallel_loop3A_1102, %parallel_loop3A_1103] {strides = array<i32>} : memref<2x75x128xf32, #tpu.memory_space<vmem>>, vector<1x1x16xf32>,
        %parallel_loop3A_1105 = vector.shape_cast %parallel_loop3A_1104 : vector<1x1x16xf32> to vector<16xf32>
        %parallel_loop3A_1106 = arith.mulf %parallel_loop3A_943, %parallel_loop3A_1085 : vector<16xf32>
        %parallel_loop3A_1107 = arith.mulf %parallel_loop3A_941, %parallel_loop3A_1095 : vector<16xf32>
        %parallel_loop3A_1108 = arith.addf %parallel_loop3A_1106, %parallel_loop3A_1107 : vector<16xf32>
        %parallel_loop3A_1109 = arith.mulf %parallel_loop3A_945, %parallel_loop3A_1105 : vector<16xf32>
        %parallel_loop3A_1110 = arith.addf %parallel_loop3A_1108, %parallel_loop3A_1109 : vector<16xf32>
        %parallel_loop3A_1111 = arith.constant 3 : i32
        %parallel_loop3A_1112 = arith.muli %parallel_loop3A_571, %parallel_loop3A_1111 : i32
        %parallel_loop3A_1113 = arith.constant 1 : i32
        %parallel_loop3A_1114 = arith.index_cast %parallel_loop3A_1113 : i32 to index
        %parallel_loop3A_1115 = arith.index_cast %parallel_loop3A_1112 : i32 to index
        %parallel_loop3A_1116 = arith.constant 80 : index
        %parallel_loop3A_1117 = tpu.vector_load %arg10[%parallel_loop3A_1114, %parallel_loop3A_1115, %parallel_loop3A_1116] {strides = array<i32>} : memref<2x75x128xf32, #tpu.memory_space<vmem>>, vector<1x1x16xf32>,
        %parallel_loop3A_1118 = vector.shape_cast %parallel_loop3A_1117 : vector<1x1x16xf32> to vector<16xf32>
        %parallel_loop3A_1119 = arith.constant 3 : i32
        %parallel_loop3A_1120 = arith.muli %parallel_loop3A_571, %parallel_loop3A_1119 : i32
        %parallel_loop3A_1121 = arith.constant 1 : i32
        %parallel_loop3A_1122 = arith.addi %parallel_loop3A_1120, %parallel_loop3A_1121 : i32
        %parallel_loop3A_1123 = arith.constant 1 : i32
        %parallel_loop3A_1124 = arith.index_cast %parallel_loop3A_1123 : i32 to index
        %parallel_loop3A_1125 = arith.index_cast %parallel_loop3A_1122 : i32 to index
        %parallel_loop3A_1126 = arith.constant 80 : index
        %parallel_loop3A_1127 = tpu.vector_load %arg10[%parallel_loop3A_1124, %parallel_loop3A_1125, %parallel_loop3A_1126] {strides = array<i32>} : memref<2x75x128xf32, #tpu.memory_space<vmem>>, vector<1x1x16xf32>,
        %parallel_loop3A_1128 = vector.shape_cast %parallel_loop3A_1127 : vector<1x1x16xf32> to vector<16xf32>
        %parallel_loop3A_1129 = arith.constant 3 : i32
        %parallel_loop3A_1130 = arith.muli %parallel_loop3A_571, %parallel_loop3A_1129 : i32
        %parallel_loop3A_1131 = arith.constant 2 : i32
        %parallel_loop3A_1132 = arith.addi %parallel_loop3A_1130, %parallel_loop3A_1131 : i32
        %parallel_loop3A_1133 = arith.constant 1 : i32
        %parallel_loop3A_1134 = arith.index_cast %parallel_loop3A_1133 : i32 to index
        %parallel_loop3A_1135 = arith.index_cast %parallel_loop3A_1132 : i32 to index
        %parallel_loop3A_1136 = arith.constant 80 : index
        %parallel_loop3A_1137 = tpu.vector_load %arg10[%parallel_loop3A_1134, %parallel_loop3A_1135, %parallel_loop3A_1136] {strides = array<i32>} : memref<2x75x128xf32, #tpu.memory_space<vmem>>, vector<1x1x16xf32>,
        %parallel_loop3A_1138 = vector.shape_cast %parallel_loop3A_1137 : vector<1x1x16xf32> to vector<16xf32>
        %parallel_loop3A_1139 = arith.mulf %parallel_loop3A_945, %parallel_loop3A_1118 : vector<16xf32>
        %parallel_loop3A_1140 = arith.mulf %parallel_loop3A_943, %parallel_loop3A_1128 : vector<16xf32>
        %parallel_loop3A_1141 = arith.addf %parallel_loop3A_1139, %parallel_loop3A_1140 : vector<16xf32>
        %parallel_loop3A_1142 = arith.mulf %parallel_loop3A_941, %parallel_loop3A_1138 : vector<16xf32>
        %parallel_loop3A_1143 = arith.addf %parallel_loop3A_1141, %parallel_loop3A_1142 : vector<16xf32>
        %parallel_loop3A_1144 = arith.constant 3 : i32
        %parallel_loop3A_1145 = arith.muli %parallel_loop3A_571, %parallel_loop3A_1144 : i32
        %parallel_loop3A_1146 = arith.constant 1 : i32
        %parallel_loop3A_1147 = arith.index_cast %parallel_loop3A_1146 : i32 to index
        %parallel_loop3A_1148 = arith.index_cast %parallel_loop3A_1145 : i32 to index
        %parallel_loop3A_1149 = arith.constant 96 : index
        %parallel_loop3A_1150 = tpu.vector_load %arg10[%parallel_loop3A_1147, %parallel_loop3A_1148, %parallel_loop3A_1149] {strides = array<i32>} : memref<2x75x128xf32, #tpu.memory_space<vmem>>, vector<1x1x16xf32>,
        %parallel_loop3A_1151 = vector.shape_cast %parallel_loop3A_1150 : vector<1x1x16xf32> to vector<16xf32>
        %parallel_loop3A_1152 = arith.constant 3 : i32
        %parallel_loop3A_1153 = arith.muli %parallel_loop3A_571, %parallel_loop3A_1152 : i32
        %parallel_loop3A_1154 = arith.constant 1 : i32
        %parallel_loop3A_1155 = arith.addi %parallel_loop3A_1153, %parallel_loop3A_1154 : i32
        %parallel_loop3A_1156 = arith.constant 1 : i32
        %parallel_loop3A_1157 = arith.index_cast %parallel_loop3A_1156 : i32 to index
        %parallel_loop3A_1158 = arith.index_cast %parallel_loop3A_1155 : i32 to index
        %parallel_loop3A_1159 = arith.constant 96 : index
        %parallel_loop3A_1160 = tpu.vector_load %arg10[%parallel_loop3A_1157, %parallel_loop3A_1158, %parallel_loop3A_1159] {strides = array<i32>} : memref<2x75x128xf32, #tpu.memory_space<vmem>>, vector<1x1x16xf32>,
        %parallel_loop3A_1161 = vector.shape_cast %parallel_loop3A_1160 : vector<1x1x16xf32> to vector<16xf32>
        %parallel_loop3A_1162 = arith.constant 3 : i32
        %parallel_loop3A_1163 = arith.muli %parallel_loop3A_571, %parallel_loop3A_1162 : i32
        %parallel_loop3A_1164 = arith.constant 2 : i32
        %parallel_loop3A_1165 = arith.addi %parallel_loop3A_1163, %parallel_loop3A_1164 : i32
        %parallel_loop3A_1166 = arith.constant 1 : i32
        %parallel_loop3A_1167 = arith.index_cast %parallel_loop3A_1166 : i32 to index
        %parallel_loop3A_1168 = arith.index_cast %parallel_loop3A_1165 : i32 to index
        %parallel_loop3A_1169 = arith.constant 96 : index
        %parallel_loop3A_1170 = tpu.vector_load %arg10[%parallel_loop3A_1167, %parallel_loop3A_1168, %parallel_loop3A_1169] {strides = array<i32>} : memref<2x75x128xf32, #tpu.memory_space<vmem>>, vector<1x1x16xf32>,
        %parallel_loop3A_1171 = vector.shape_cast %parallel_loop3A_1170 : vector<1x1x16xf32> to vector<16xf32>
        %parallel_loop3A_1172 = arith.mulf %parallel_loop3A_941, %parallel_loop3A_1151 : vector<16xf32>
        %parallel_loop3A_1173 = arith.mulf %parallel_loop3A_945, %parallel_loop3A_1161 : vector<16xf32>
        %parallel_loop3A_1174 = arith.addf %parallel_loop3A_1172, %parallel_loop3A_1173 : vector<16xf32>
        %parallel_loop3A_1175 = arith.mulf %parallel_loop3A_943, %parallel_loop3A_1171 : vector<16xf32>
        %parallel_loop3A_1176 = arith.addf %parallel_loop3A_1174, %parallel_loop3A_1175 : vector<16xf32>
        %parallel_loop3A_1177 = arith.constant 3 : i32
        %parallel_loop3A_1178 = arith.muli %parallel_loop3A_571, %parallel_loop3A_1177 : i32
        %parallel_loop3A_1179 = arith.constant 1 : i32
        %parallel_loop3A_1180 = arith.index_cast %parallel_loop3A_1179 : i32 to index
        %parallel_loop3A_1181 = arith.index_cast %parallel_loop3A_1178 : i32 to index
        %parallel_loop3A_1182 = arith.constant 112 : index
        %parallel_loop3A_1183 = tpu.vector_load %arg10[%parallel_loop3A_1180, %parallel_loop3A_1181, %parallel_loop3A_1182] {strides = array<i32>} : memref<2x75x128xf32, #tpu.memory_space<vmem>>, vector<1x1x16xf32>,
        %parallel_loop3A_1184 = vector.shape_cast %parallel_loop3A_1183 : vector<1x1x16xf32> to vector<16xf32>
        %parallel_loop3A_1185 = arith.constant 3 : i32
        %parallel_loop3A_1186 = arith.muli %parallel_loop3A_571, %parallel_loop3A_1185 : i32
        %parallel_loop3A_1187 = arith.constant 1 : i32
        %parallel_loop3A_1188 = arith.addi %parallel_loop3A_1186, %parallel_loop3A_1187 : i32
        %parallel_loop3A_1189 = arith.constant 1 : i32
        %parallel_loop3A_1190 = arith.index_cast %parallel_loop3A_1189 : i32 to index
        %parallel_loop3A_1191 = arith.index_cast %parallel_loop3A_1188 : i32 to index
        %parallel_loop3A_1192 = arith.constant 112 : index
        %parallel_loop3A_1193 = tpu.vector_load %arg10[%parallel_loop3A_1190, %parallel_loop3A_1191, %parallel_loop3A_1192] {strides = array<i32>} : memref<2x75x128xf32, #tpu.memory_space<vmem>>, vector<1x1x16xf32>,
        %parallel_loop3A_1194 = vector.shape_cast %parallel_loop3A_1193 : vector<1x1x16xf32> to vector<16xf32>
        %parallel_loop3A_1195 = arith.constant 3 : i32
        %parallel_loop3A_1196 = arith.muli %parallel_loop3A_571, %parallel_loop3A_1195 : i32
        %parallel_loop3A_1197 = arith.constant 2 : i32
        %parallel_loop3A_1198 = arith.addi %parallel_loop3A_1196, %parallel_loop3A_1197 : i32
        %parallel_loop3A_1199 = arith.constant 1 : i32
        %parallel_loop3A_1200 = arith.index_cast %parallel_loop3A_1199 : i32 to index
        %parallel_loop3A_1201 = arith.index_cast %parallel_loop3A_1198 : i32 to index
        %parallel_loop3A_1202 = arith.constant 112 : index
        %parallel_loop3A_1203 = tpu.vector_load %arg10[%parallel_loop3A_1200, %parallel_loop3A_1201, %parallel_loop3A_1202] {strides = array<i32>} : memref<2x75x128xf32, #tpu.memory_space<vmem>>, vector<1x1x16xf32>,
        %parallel_loop3A_1204 = vector.shape_cast %parallel_loop3A_1203 : vector<1x1x16xf32> to vector<16xf32>
        %parallel_loop3A_1205 = arith.mulf %parallel_loop3A_943, %parallel_loop3A_1184 : vector<16xf32>
        %parallel_loop3A_1206 = arith.mulf %parallel_loop3A_941, %parallel_loop3A_1194 : vector<16xf32>
        %parallel_loop3A_1207 = arith.addf %parallel_loop3A_1205, %parallel_loop3A_1206 : vector<16xf32>
        %parallel_loop3A_1208 = arith.mulf %parallel_loop3A_945, %parallel_loop3A_1204 : vector<16xf32>
        %parallel_loop3A_1209 = arith.addf %parallel_loop3A_1207, %parallel_loop3A_1208 : vector<16xf32>
        %parallel_loop3A_1210 = arith.constant 128 : i32
        %parallel_loop3A_1211 = arith.muli %parallel_loop3A_571, %parallel_loop3A_1210 : i32
        %parallel_loop3A_1212 = arith.constant 0 : i32
        %parallel_loop3A_1213 = arith.addi %parallel_loop3A_1211, %parallel_loop3A_1212 : i32
        %parallel_loop3A_1214 = arith.constant 1 : i32
        %parallel_loop3A_1215 = arith.index_cast %parallel_loop3A_1214 : i32 to index
        %parallel_loop3A_1216 = arith.index_cast %parallel_loop3A_1213 : i32 to index
        %parallel_loop3A_1217 = tpu.vector_load %arg12[%parallel_loop3A_1215, %parallel_loop3A_1216] {strides = array<i32>} : memref<2x3200xf32, #tpu.memory_space<vmem>>, vector<1x16xf32>,
        %parallel_loop3A_1218 = vector.shape_cast %parallel_loop3A_1217 : vector<1x16xf32> to vector<16xf32>
        %parallel_loop3A_1219 = vector.shape_cast %parallel_loop3A_978 : vector<16xf32> to vector<1x16xf32>
        tpu.vector_store %arg12[%parallel_loop3A_1215, %parallel_loop3A_1216], %parallel_loop3A_1219 {strides = array<i32>} : memref<2x3200xf32, #tpu.memory_space<vmem>>, vector<1x16xf32>,
        %parallel_loop3A_1220 = arith.constant 128 : i32
        %parallel_loop3A_1221 = arith.muli %parallel_loop3A_571, %parallel_loop3A_1220 : i32
        %parallel_loop3A_1222 = arith.constant 16 : i32
        %parallel_loop3A_1223 = arith.addi %parallel_loop3A_1221, %parallel_loop3A_1222 : i32
        %parallel_loop3A_1224 = arith.constant 1 : i32
        %parallel_loop3A_1225 = arith.index_cast %parallel_loop3A_1224 : i32 to index
        %parallel_loop3A_1226 = arith.index_cast %parallel_loop3A_1223 : i32 to index
        %parallel_loop3A_1227 = tpu.vector_load %arg12[%parallel_loop3A_1225, %parallel_loop3A_1226] {strides = array<i32>} : memref<2x3200xf32, #tpu.memory_space<vmem>>, vector<1x16xf32>,
        %parallel_loop3A_1228 = vector.shape_cast %parallel_loop3A_1227 : vector<1x16xf32> to vector<16xf32>
        %parallel_loop3A_1229 = vector.shape_cast %parallel_loop3A_1011 : vector<16xf32> to vector<1x16xf32>
        tpu.vector_store %arg12[%parallel_loop3A_1225, %parallel_loop3A_1226], %parallel_loop3A_1229 {strides = array<i32>} : memref<2x3200xf32, #tpu.memory_space<vmem>>, vector<1x16xf32>,
        %parallel_loop3A_1230 = arith.constant 128 : i32
        %parallel_loop3A_1231 = arith.muli %parallel_loop3A_571, %parallel_loop3A_1230 : i32
        %parallel_loop3A_1232 = arith.constant 32 : i32
        %parallel_loop3A_1233 = arith.addi %parallel_loop3A_1231, %parallel_loop3A_1232 : i32
        %parallel_loop3A_1234 = arith.constant 1 : i32
        %parallel_loop3A_1235 = arith.index_cast %parallel_loop3A_1234 : i32 to index
        %parallel_loop3A_1236 = arith.index_cast %parallel_loop3A_1233 : i32 to index
        %parallel_loop3A_1237 = tpu.vector_load %arg12[%parallel_loop3A_1235, %parallel_loop3A_1236] {strides = array<i32>} : memref<2x3200xf32, #tpu.memory_space<vmem>>, vector<1x16xf32>,
        %parallel_loop3A_1238 = vector.shape_cast %parallel_loop3A_1237 : vector<1x16xf32> to vector<16xf32>
        %parallel_loop3A_1239 = vector.shape_cast %parallel_loop3A_1044 : vector<16xf32> to vector<1x16xf32>
        tpu.vector_store %arg12[%parallel_loop3A_1235, %parallel_loop3A_1236], %parallel_loop3A_1239 {strides = array<i32>} : memref<2x3200xf32, #tpu.memory_space<vmem>>, vector<1x16xf32>,
        %parallel_loop3A_1240 = arith.constant 128 : i32
        %parallel_loop3A_1241 = arith.muli %parallel_loop3A_571, %parallel_loop3A_1240 : i32
        %parallel_loop3A_1242 = arith.constant 48 : i32
        %parallel_loop3A_1243 = arith.addi %parallel_loop3A_1241, %parallel_loop3A_1242 : i32
        %parallel_loop3A_1244 = arith.constant 1 : i32
        %parallel_loop3A_1245 = arith.index_cast %parallel_loop3A_1244 : i32 to index
        %parallel_loop3A_1246 = arith.index_cast %parallel_loop3A_1243 : i32 to index
        %parallel_loop3A_1247 = tpu.vector_load %arg12[%parallel_loop3A_1245, %parallel_loop3A_1246] {strides = array<i32>} : memref<2x3200xf32, #tpu.memory_space<vmem>>, vector<1x16xf32>,
        %parallel_loop3A_1248 = vector.shape_cast %parallel_loop3A_1247 : vector<1x16xf32> to vector<16xf32>
        %parallel_loop3A_1249 = vector.shape_cast %parallel_loop3A_1077 : vector<16xf32> to vector<1x16xf32>
        tpu.vector_store %arg12[%parallel_loop3A_1245, %parallel_loop3A_1246], %parallel_loop3A_1249 {strides = array<i32>} : memref<2x3200xf32, #tpu.memory_space<vmem>>, vector<1x16xf32>,
        %parallel_loop3A_1250 = arith.constant 128 : i32
        %parallel_loop3A_1251 = arith.muli %parallel_loop3A_571, %parallel_loop3A_1250 : i32
        %parallel_loop3A_1252 = arith.constant 64 : i32
        %parallel_loop3A_1253 = arith.addi %parallel_loop3A_1251, %parallel_loop3A_1252 : i32
        %parallel_loop3A_1254 = arith.constant 1 : i32
        %parallel_loop3A_1255 = arith.index_cast %parallel_loop3A_1254 : i32 to index
        %parallel_loop3A_1256 = arith.index_cast %parallel_loop3A_1253 : i32 to index
        %parallel_loop3A_1257 = tpu.vector_load %arg12[%parallel_loop3A_1255, %parallel_loop3A_1256] {strides = array<i32>} : memref<2x3200xf32, #tpu.memory_space<vmem>>, vector<1x16xf32>,
        %parallel_loop3A_1258 = vector.shape_cast %parallel_loop3A_1257 : vector<1x16xf32> to vector<16xf32>
        %parallel_loop3A_1259 = vector.shape_cast %parallel_loop3A_1110 : vector<16xf32> to vector<1x16xf32>
        tpu.vector_store %arg12[%parallel_loop3A_1255, %parallel_loop3A_1256], %parallel_loop3A_1259 {strides = array<i32>} : memref<2x3200xf32, #tpu.memory_space<vmem>>, vector<1x16xf32>,
        %parallel_loop3A_1260 = arith.constant 128 : i32
        %parallel_loop3A_1261 = arith.muli %parallel_loop3A_571, %parallel_loop3A_1260 : i32
        %parallel_loop3A_1262 = arith.constant 80 : i32
        %parallel_loop3A_1263 = arith.addi %parallel_loop3A_1261, %parallel_loop3A_1262 : i32
        %parallel_loop3A_1264 = arith.constant 1 : i32
        %parallel_loop3A_1265 = arith.index_cast %parallel_loop3A_1264 : i32 to index
        %parallel_loop3A_1266 = arith.index_cast %parallel_loop3A_1263 : i32 to index
        %parallel_loop3A_1267 = tpu.vector_load %arg12[%parallel_loop3A_1265, %parallel_loop3A_1266] {strides = array<i32>} : memref<2x3200xf32, #tpu.memory_space<vmem>>, vector<1x16xf32>,
        %parallel_loop3A_1268 = vector.shape_cast %parallel_loop3A_1267 : vector<1x16xf32> to vector<16xf32>
        %parallel_loop3A_1269 = vector.shape_cast %parallel_loop3A_1143 : vector<16xf32> to vector<1x16xf32>
        tpu.vector_store %arg12[%parallel_loop3A_1265, %parallel_loop3A_1266], %parallel_loop3A_1269 {strides = array<i32>} : memref<2x3200xf32, #tpu.memory_space<vmem>>, vector<1x16xf32>,
        %parallel_loop3A_1270 = arith.constant 128 : i32
        %parallel_loop3A_1271 = arith.muli %parallel_loop3A_571, %parallel_loop3A_1270 : i32
        %parallel_loop3A_1272 = arith.constant 96 : i32
        %parallel_loop3A_1273 = arith.addi %parallel_loop3A_1271, %parallel_loop3A_1272 : i32
        %parallel_loop3A_1274 = arith.constant 1 : i32
        %parallel_loop3A_1275 = arith.index_cast %parallel_loop3A_1274 : i32 to index
        %parallel_loop3A_1276 = arith.index_cast %parallel_loop3A_1273 : i32 to index
        %parallel_loop3A_1277 = tpu.vector_load %arg12[%parallel_loop3A_1275, %parallel_loop3A_1276] {strides = array<i32>} : memref<2x3200xf32, #tpu.memory_space<vmem>>, vector<1x16xf32>,
        %parallel_loop3A_1278 = vector.shape_cast %parallel_loop3A_1277 : vector<1x16xf32> to vector<16xf32>
        %parallel_loop3A_1279 = vector.shape_cast %parallel_loop3A_1176 : vector<16xf32> to vector<1x16xf32>
        tpu.vector_store %arg12[%parallel_loop3A_1275, %parallel_loop3A_1276], %parallel_loop3A_1279 {strides = array<i32>} : memref<2x3200xf32, #tpu.memory_space<vmem>>, vector<1x16xf32>,
        %parallel_loop3A_1280 = arith.constant 128 : i32
        %parallel_loop3A_1281 = arith.muli %parallel_loop3A_571, %parallel_loop3A_1280 : i32
        %parallel_loop3A_1282 = arith.constant 112 : i32
        %parallel_loop3A_1283 = arith.addi %parallel_loop3A_1281, %parallel_loop3A_1282 : i32
        %parallel_loop3A_1284 = arith.constant 1 : i32
        %parallel_loop3A_1285 = arith.index_cast %parallel_loop3A_1284 : i32 to index
        %parallel_loop3A_1286 = arith.index_cast %parallel_loop3A_1283 : i32 to index
        %parallel_loop3A_1287 = tpu.vector_load %arg12[%parallel_loop3A_1285, %parallel_loop3A_1286] {strides = array<i32>} : memref<2x3200xf32, #tpu.memory_space<vmem>>, vector<1x16xf32>,
        %parallel_loop3A_1288 = vector.shape_cast %parallel_loop3A_1287 : vector<1x16xf32> to vector<16xf32>
        %parallel_loop3A_1289 = vector.shape_cast %parallel_loop3A_1209 : vector<16xf32> to vector<1x16xf32>
        tpu.vector_store %arg12[%parallel_loop3A_1285, %parallel_loop3A_1286], %parallel_loop3A_1289 {strides = array<i32>} : memref<2x3200xf32, #tpu.memory_space<vmem>>, vector<1x16xf32>,
      } {sc.loop_unroll_factor = 2 : i64, sc.parallel_access}
      %add3A_482 = arith.addi %mul3A_2, %add3A_478 : i32
      %mul3A_483 = arith.constant 2 : i32
      %mul3A_484 = arith.muli %add3A_482, %mul3A_483 : i32
      "tpu.region"() ({
        %run_scoped3A = tpu.sem_alloc : memref<!tpu.dma_semaphore, #tpu.memory_space<semaphore_mem>>
        %dma_start3A_571 = arith.constant 0 : i32
        %dma_start3A_572 = tpu.memref_slice %arg5[%mul3A_484, %dma_start3A_571] : memref<10240x3200xf32, #tpu.memory_space<hbm>> -> memref<2x3200xf32, #tpu.memory_space<hbm>>
        %dma_start3A_573 = arith.constant 0 : i32
        %dma_start3A_574 = tpu.memref_slice %arg5[%mul3A_484, %dma_start3A_573] : memref<10240x3200xf32, #tpu.memory_space<hbm>> -> memref<2x3200xf32, #tpu.memory_space<hbm>>
        tpu.enqueue_dma source(%arg12 : memref<2x3200xf32, #tpu.memory_space<vmem>>) target(%dma_start3A_574 : memref<2x3200xf32, #tpu.memory_space<hbm>>) target_semaphore(%run_scoped3A : memref<!tpu.dma_semaphore, #tpu.memory_space<semaphore_mem>>)
        %dma_wait3A_575 = arith.constant 0 : i32
        %dma_wait3A_576 = tpu.memref_slice %arg5[%mul3A_484, %dma_wait3A_575] : memref<10240x3200xf32, #tpu.memory_space<hbm>> -> memref<2x3200xf32, #tpu.memory_space<hbm>>
        %dma_wait3A_577 = arith.constant 0 : i32
        %dma_wait3A_578 = tpu.memref_slice %arg5[%mul3A_484, %dma_wait3A_577] : memref<10240x3200xf32, #tpu.memory_space<hbm>> -> memref<2x3200xf32, #tpu.memory_space<hbm>>
        tpu.wait_dma2 semaphore(%run_scoped3A : memref<!tpu.dma_semaphore, #tpu.memory_space<semaphore_mem>>) src(%arg12 : memref<2x3200xf32, #tpu.memory_space<vmem>>) dst(%dma_wait3A_578 : memref<2x3200xf32, #tpu.memory_space<hbm>>)
        tpu.yield
      }) : () -> ()
      %dma_start3A_485 = arith.constant 0 : i32
      %dma_start3A_486 = arith.constant 0 : i32
      %dma_start3A_487 = arith.constant 0 : i32
      %dma_start3A_488 = arith.constant 0 : i32
      %dma_start3A_489 = arith.constant 0 : i32
      %dma_start3A_490 = tpu.memref_slice %arg10[%dma_start3A_487, %dma_start3A_488, %dma_start3A_489] : memref<2x75x128xf32, #tpu.memory_space<vmem>> -> memref<1x75x128xf32, #tpu.memory_space<vmem>>
      %dma_start3A_491 = tpu.memref_squeeze %dma_start3A_490 : memref<1x75x128xf32, #tpu.memory_space<vmem>> -> memref<75x128xf32, #tpu.memory_space<vmem>>
      %dma_start3A_492 = arith.constant 0 : i32
      %dma_start3A_493 = tpu.memref_slice %arg6[%dma_start3A_485, %dma_start3A_486, %dma_start3A_492] : memref<2x2x80xi32, #tpu.memory_space<vmem>> -> memref<1x1x75xi32, #tpu.memory_space<vmem>>
      %dma_start3A_494 = tpu.memref_squeeze %dma_start3A_493 : memref<1x1x75xi32, #tpu.memory_space<vmem>> -> memref<75xi32, #tpu.memory_space<vmem>>
      %dma_start3A_495 = arith.constant 0 : i32
      %dma_start3A_496 = arith.constant 0 : i32
      %dma_start3A_497 = tpu.memref_slice %arg13[%dma_start3A_495, %dma_start3A_496] : memref<10000x128xf32, #tpu.memory_space<vmem_shared>> -> memref<10000x128xf32, #tpu.memory_space<vmem_shared>>
      tpu.enqueue_indirect_dma source(%dma_start3A_497 : memref<10000x128xf32, #tpu.memory_space<vmem_shared>>) target(%dma_start3A_491 : memref<75x128xf32, #tpu.memory_space<vmem>>) offsets(%dma_start3A_494 : memref<75xi32, #tpu.memory_space<vmem>>) semaphore(%arg14 : memref<!tpu.dma_semaphore, #tpu.memory_space<semaphore_mem>>)
      %dma_start3A_498 = arith.constant 0 : i32
      %dma_start3A_499 = arith.constant 1 : i32
      %dma_start3A_500 = arith.constant 1 : i32
      %dma_start3A_501 = arith.constant 0 : i32
      %dma_start3A_502 = arith.constant 0 : i32
      %dma_start3A_503 = tpu.memref_slice %arg10[%dma_start3A_500, %dma_start3A_501, %dma_start3A_502] : memref<2x75x128xf32, #tpu.memory_space<vmem>> -> memref<1x75x128xf32, #tpu.memory_space<vmem>>
      %dma_start3A_504 = tpu.memref_squeeze %dma_start3A_503 : memref<1x75x128xf32, #tpu.memory_space<vmem>> -> memref<75x128xf32, #tpu.memory_space<vmem>>
      %dma_start3A_505 = arith.constant 0 : i32
      %dma_start3A_506 = tpu.memref_slice %arg6[%dma_start3A_498, %dma_start3A_499, %dma_start3A_505] : memref<2x2x80xi32, #tpu.memory_space<vmem>> -> memref<1x1x75xi32, #tpu.memory_space<vmem>>
      %dma_start3A_507 = tpu.memref_squeeze %dma_start3A_506 : memref<1x1x75xi32, #tpu.memory_space<vmem>> -> memref<75xi32, #tpu.memory_space<vmem>>
      %dma_start3A_508 = arith.constant 0 : i32
      %dma_start3A_509 = arith.constant 0 : i32
      %dma_start3A_510 = tpu.memref_slice %arg13[%dma_start3A_508, %dma_start3A_509] : memref<10000x128xf32, #tpu.memory_space<vmem_shared>> -> memref<10000x128xf32, #tpu.memory_space<vmem_shared>>
      tpu.enqueue_indirect_dma source(%dma_start3A_510 : memref<10000x128xf32, #tpu.memory_space<vmem_shared>>) target(%dma_start3A_504 : memref<75x128xf32, #tpu.memory_space<vmem>>) offsets(%dma_start3A_507 : memref<75xi32, #tpu.memory_space<vmem>>) semaphore(%arg14 : memref<!tpu.dma_semaphore, #tpu.memory_space<semaphore_mem>>)
      %dma_wait3A_511 = arith.constant 1 : i32
      %dma_wait3A_512 = arith.constant 0 : i32
      %dma_wait3A_513 = arith.constant 0 : i32
      %dma_wait3A_514 = arith.constant 0 : i32
      %dma_wait3A_515 = arith.constant 0 : i32
      %dma_wait3A_516 = tpu.memref_slice %arg11[%dma_wait3A_513, %dma_wait3A_514, %dma_wait3A_515] : memref<2x75x128xf32, #tpu.memory_space<vmem>> -> memref<1x75x128xf32, #tpu.memory_space<vmem>>
      %dma_wait3A_517 = tpu.memref_squeeze %dma_wait3A_516 : memref<1x75x128xf32, #tpu.memory_space<vmem>> -> memref<75x128xf32, #tpu.memory_space<vmem>>
      %dma_wait3A_518 = arith.constant 0 : i32
      %dma_wait3A_519 = tpu.memref_slice %arg7[%dma_wait3A_511, %dma_wait3A_512, %dma_wait3A_518] : memref<2x2x80xi32, #tpu.memory_space<vmem>> -> memref<1x1x75xi32, #tpu.memory_space<vmem>>
      %dma_wait3A_520 = tpu.memref_squeeze %dma_wait3A_519 : memref<1x1x75xi32, #tpu.memory_space<vmem>> -> memref<75xi32, #tpu.memory_space<vmem>>
      %dma_wait3A_521 = arith.constant 0 : i32
      %dma_wait3A_522 = arith.constant 0 : i32
      %dma_wait3A_523 = tpu.memref_slice %arg13[%dma_wait3A_521, %dma_wait3A_522] : memref<10000x128xf32, #tpu.memory_space<vmem_shared>> -> memref<10000x128xf32, #tpu.memory_space<vmem_shared>>
      tpu.wait_indirect_dma semaphore(%arg15 : memref<!tpu.dma_semaphore, #tpu.memory_space<semaphore_mem>>) src(%dma_wait3A_523 : memref<10000x128xf32, #tpu.memory_space<vmem_shared>>) dst(%dma_wait3A_517 : memref<75x128xf32, #tpu.memory_space<vmem>>)
      %dma_wait3A_524 = arith.constant 1 : i32
      %dma_wait3A_525 = arith.constant 1 : i32
      %dma_wait3A_526 = arith.constant 1 : i32
      %dma_wait3A_527 = arith.constant 0 : i32
      %dma_wait3A_528 = arith.constant 0 : i32
      %dma_wait3A_529 = tpu.memref_slice %arg11[%dma_wait3A_526, %dma_wait3A_527, %dma_wait3A_528] : memref<2x75x128xf32, #tpu.memory_space<vmem>> -> memref<1x75x128xf32, #tpu.memory_space<vmem>>
      %dma_wait3A_530 = tpu.memref_squeeze %dma_wait3A_529 : memref<1x75x128xf32, #tpu.memory_space<vmem>> -> memref<75x128xf32, #tpu.memory_space<vmem>>
      %dma_wait3A_531 = arith.constant 0 : i32
      %dma_wait3A_532 = tpu.memref_slice %arg7[%dma_wait3A_524, %dma_wait3A_525, %dma_wait3A_531] : memref<2x2x80xi32, #tpu.memory_space<vmem>> -> memref<1x1x75xi32, #tpu.memory_space<vmem>>
      %dma_wait3A_533 = tpu.memref_squeeze %dma_wait3A_532 : memref<1x1x75xi32, #tpu.memory_space<vmem>> -> memref<75xi32, #tpu.memory_space<vmem>>
      %dma_wait3A_534 = arith.constant 0 : i32
      %dma_wait3A_535 = arith.constant 0 : i32
      %dma_wait3A_536 = tpu.memref_slice %arg13[%dma_wait3A_534, %dma_wait3A_535] : memref<10000x128xf32, #tpu.memory_space<vmem_shared>> -> memref<10000x128xf32, #tpu.memory_space<vmem_shared>>
      tpu.wait_indirect_dma semaphore(%arg15 : memref<!tpu.dma_semaphore, #tpu.memory_space<semaphore_mem>>) src(%dma_wait3A_536 : memref<10000x128xf32, #tpu.memory_space<vmem_shared>>) dst(%dma_wait3A_530 : memref<75x128xf32, #tpu.memory_space<vmem>>)
      %add3A_537 = arith.constant 3 : i32
      %add3A_538 = arith.addi %mul3A_229, %add3A_537 : i32
      %parallel_loop3A_539 = arith.constant 0 : i32
      %parallel_loop3A_540 = arith.constant 25 : i32
      %parallel_loop3A_541 = arith.constant 1 : i32
      scf.for %parallel_loop3A_571 = %parallel_loop3A_539 to %parallel_loop3A_540 step %parallel_loop3A_541  : i32 {
        %parallel_loop3A_572 = arith.constant 3 : i32
        %parallel_loop3A_573 = arith.muli %parallel_loop3A_571, %parallel_loop3A_572 : i32
        %parallel_loop3A_574 = arith.constant 1 : i32
        %parallel_loop3A_575 = arith.constant 0 : i32
        %parallel_loop3A_576 = arith.index_cast %parallel_loop3A_574 : i32 to index
        %parallel_loop3A_577 = arith.index_cast %parallel_loop3A_575 : i32 to index
        %parallel_loop3A_578 = arith.index_cast %parallel_loop3A_573 : i32 to index
        %parallel_loop3A_579 = tpu.vector_load %arg9[%parallel_loop3A_576, %parallel_loop3A_577, %parallel_loop3A_578] {strides = array<i32>} : memref<2x2x96xf32, #tpu.memory_space<vmem>>, vector<1x1x16xf32>,
        %parallel_loop3A_580 = vector.shape_cast %parallel_loop3A_579 : vector<1x1x16xf32> to vector<16xf32>
        %parallel_loop3A_581 = vector.shape_cast %broadcast_in_dim3A : vector<16x1xi32> to vector<16xi32>
        %parallel_loop3A_582 = tpu.dynamic_gather %parallel_loop3A_580[%parallel_loop3A_581] in [0] : vector<16xf32>, vector<16xi32> -> vector<16xf32>
        %parallel_loop3A_583 = vector.shape_cast %broadcast_in_dim3A_49 : vector<16x1xi32> to vector<16xi32>
        %parallel_loop3A_584 = tpu.dynamic_gather %parallel_loop3A_580[%parallel_loop3A_583] in [0] : vector<16xf32>, vector<16xi32> -> vector<16xf32>
        %parallel_loop3A_585 = vector.shape_cast %broadcast_in_dim3A_75 : vector<16x1xi32> to vector<16xi32>
        %parallel_loop3A_586 = tpu.dynamic_gather %parallel_loop3A_580[%parallel_loop3A_585] in [0] : vector<16xf32>, vector<16xi32> -> vector<16xf32>
        %parallel_loop3A_587 = arith.constant 3 : i32
        %parallel_loop3A_588 = arith.muli %parallel_loop3A_571, %parallel_loop3A_587 : i32
        %parallel_loop3A_589 = arith.constant 0 : i32
        %parallel_loop3A_590 = arith.index_cast %parallel_loop3A_589 : i32 to index
        %parallel_loop3A_591 = arith.index_cast %parallel_loop3A_588 : i32 to index
        %parallel_loop3A_592 = arith.constant 0 : index
        %parallel_loop3A_593 = tpu.vector_load %arg11[%parallel_loop3A_590, %parallel_loop3A_591, %parallel_loop3A_592] {strides = array<i32>} : memref<2x75x128xf32, #tpu.memory_space<vmem>>, vector<1x1x16xf32>,
        %parallel_loop3A_594 = vector.shape_cast %parallel_loop3A_593 : vector<1x1x16xf32> to vector<16xf32>
        %parallel_loop3A_595 = arith.constant 3 : i32
        %parallel_loop3A_596 = arith.muli %parallel_loop3A_571, %parallel_loop3A_595 : i32
        %parallel_loop3A_597 = arith.constant 1 : i32
        %parallel_loop3A_598 = arith.addi %parallel_loop3A_596, %parallel_loop3A_597 : i32
        %parallel_loop3A_599 = arith.constant 0 : i32
        %parallel_loop3A_600 = arith.index_cast %parallel_loop3A_599 : i32 to index
        %parallel_loop3A_601 = arith.index_cast %parallel_loop3A_598 : i32 to index
        %parallel_loop3A_602 = arith.constant 0 : index
        %parallel_loop3A_603 = tpu.vector_load %arg11[%parallel_loop3A_600, %parallel_loop3A_601, %parallel_loop3A_602] {strides = array<i32>} : memref<2x75x128xf32, #tpu.memory_space<vmem>>, vector<1x1x16xf32>,
        %parallel_loop3A_604 = vector.shape_cast %parallel_loop3A_603 : vector<1x1x16xf32> to vector<16xf32>
        %parallel_loop3A_605 = arith.constant 3 : i32
        %parallel_loop3A_606 = arith.muli %parallel_loop3A_571, %parallel_loop3A_605 : i32
        %parallel_loop3A_607 = arith.constant 2 : i32
        %parallel_loop3A_608 = arith.addi %parallel_loop3A_606, %parallel_loop3A_607 : i32
        %parallel_loop3A_609 = arith.constant 0 : i32
        %parallel_loop3A_610 = arith.index_cast %parallel_loop3A_609 : i32 to index
        %parallel_loop3A_611 = arith.index_cast %parallel_loop3A_608 : i32 to index
        %parallel_loop3A_612 = arith.constant 0 : index
        %parallel_loop3A_613 = tpu.vector_load %arg11[%parallel_loop3A_610, %parallel_loop3A_611, %parallel_loop3A_612] {strides = array<i32>} : memref<2x75x128xf32, #tpu.memory_space<vmem>>, vector<1x1x16xf32>,
        %parallel_loop3A_614 = vector.shape_cast %parallel_loop3A_613 : vector<1x1x16xf32> to vector<16xf32>
        %parallel_loop3A_615 = arith.mulf %parallel_loop3A_582, %parallel_loop3A_594 : vector<16xf32>
        %parallel_loop3A_616 = arith.mulf %parallel_loop3A_586, %parallel_loop3A_604 : vector<16xf32>
        %parallel_loop3A_617 = arith.addf %parallel_loop3A_615, %parallel_loop3A_616 : vector<16xf32>
        %parallel_loop3A_618 = arith.mulf %parallel_loop3A_584, %parallel_loop3A_614 : vector<16xf32>
        %parallel_loop3A_619 = arith.addf %parallel_loop3A_617, %parallel_loop3A_618 : vector<16xf32>
        %parallel_loop3A_620 = arith.constant 3 : i32
        %parallel_loop3A_621 = arith.muli %parallel_loop3A_571, %parallel_loop3A_620 : i32
        %parallel_loop3A_622 = arith.constant 0 : i32
        %parallel_loop3A_623 = arith.index_cast %parallel_loop3A_622 : i32 to index
        %parallel_loop3A_624 = arith.index_cast %parallel_loop3A_621 : i32 to index
        %parallel_loop3A_625 = arith.constant 16 : index
        %parallel_loop3A_626 = tpu.vector_load %arg11[%parallel_loop3A_623, %parallel_loop3A_624, %parallel_loop3A_625] {strides = array<i32>} : memref<2x75x128xf32, #tpu.memory_space<vmem>>, vector<1x1x16xf32>,
        %parallel_loop3A_627 = vector.shape_cast %parallel_loop3A_626 : vector<1x1x16xf32> to vector<16xf32>
        %parallel_loop3A_628 = arith.constant 3 : i32
        %parallel_loop3A_629 = arith.muli %parallel_loop3A_571, %parallel_loop3A_628 : i32
        %parallel_loop3A_630 = arith.constant 1 : i32
        %parallel_loop3A_631 = arith.addi %parallel_loop3A_629, %parallel_loop3A_630 : i32
        %parallel_loop3A_632 = arith.constant 0 : i32
        %parallel_loop3A_633 = arith.index_cast %parallel_loop3A_632 : i32 to index
        %parallel_loop3A_634 = arith.index_cast %parallel_loop3A_631 : i32 to index
        %parallel_loop3A_635 = arith.constant 16 : index
        %parallel_loop3A_636 = tpu.vector_load %arg11[%parallel_loop3A_633, %parallel_loop3A_634, %parallel_loop3A_635] {strides = array<i32>} : memref<2x75x128xf32, #tpu.memory_space<vmem>>, vector<1x1x16xf32>,
        %parallel_loop3A_637 = vector.shape_cast %parallel_loop3A_636 : vector<1x1x16xf32> to vector<16xf32>
        %parallel_loop3A_638 = arith.constant 3 : i32
        %parallel_loop3A_639 = arith.muli %parallel_loop3A_571, %parallel_loop3A_638 : i32
        %parallel_loop3A_640 = arith.constant 2 : i32
        %parallel_loop3A_641 = arith.addi %parallel_loop3A_639, %parallel_loop3A_640 : i32
        %parallel_loop3A_642 = arith.constant 0 : i32
        %parallel_loop3A_643 = arith.index_cast %parallel_loop3A_642 : i32 to index
        %parallel_loop3A_644 = arith.index_cast %parallel_loop3A_641 : i32 to index
        %parallel_loop3A_645 = arith.constant 16 : index
        %parallel_loop3A_646 = tpu.vector_load %arg11[%parallel_loop3A_643, %parallel_loop3A_644, %parallel_loop3A_645] {strides = array<i32>} : memref<2x75x128xf32, #tpu.memory_space<vmem>>, vector<1x1x16xf32>,
        %parallel_loop3A_647 = vector.shape_cast %parallel_loop3A_646 : vector<1x1x16xf32> to vector<16xf32>
        %parallel_loop3A_648 = arith.mulf %parallel_loop3A_584, %parallel_loop3A_627 : vector<16xf32>
        %parallel_loop3A_649 = arith.mulf %parallel_loop3A_582, %parallel_loop3A_637 : vector<16xf32>
        %parallel_loop3A_650 = arith.addf %parallel_loop3A_648, %parallel_loop3A_649 : vector<16xf32>
        %parallel_loop3A_651 = arith.mulf %parallel_loop3A_586, %parallel_loop3A_647 : vector<16xf32>
        %parallel_loop3A_652 = arith.addf %parallel_loop3A_650, %parallel_loop3A_651 : vector<16xf32>
        %parallel_loop3A_653 = arith.constant 3 : i32
        %parallel_loop3A_654 = arith.muli %parallel_loop3A_571, %parallel_loop3A_653 : i32
        %parallel_loop3A_655 = arith.constant 0 : i32
        %parallel_loop3A_656 = arith.index_cast %parallel_loop3A_655 : i32 to index
        %parallel_loop3A_657 = arith.index_cast %parallel_loop3A_654 : i32 to index
        %parallel_loop3A_658 = arith.constant 32 : index
        %parallel_loop3A_659 = tpu.vector_load %arg11[%parallel_loop3A_656, %parallel_loop3A_657, %parallel_loop3A_658] {strides = array<i32>} : memref<2x75x128xf32, #tpu.memory_space<vmem>>, vector<1x1x16xf32>,
        %parallel_loop3A_660 = vector.shape_cast %parallel_loop3A_659 : vector<1x1x16xf32> to vector<16xf32>
        %parallel_loop3A_661 = arith.constant 3 : i32
        %parallel_loop3A_662 = arith.muli %parallel_loop3A_571, %parallel_loop3A_661 : i32
        %parallel_loop3A_663 = arith.constant 1 : i32
        %parallel_loop3A_664 = arith.addi %parallel_loop3A_662, %parallel_loop3A_663 : i32
        %parallel_loop3A_665 = arith.constant 0 : i32
        %parallel_loop3A_666 = arith.index_cast %parallel_loop3A_665 : i32 to index
        %parallel_loop3A_667 = arith.index_cast %parallel_loop3A_664 : i32 to index
        %parallel_loop3A_668 = arith.constant 32 : index
        %parallel_loop3A_669 = tpu.vector_load %arg11[%parallel_loop3A_666, %parallel_loop3A_667, %parallel_loop3A_668] {strides = array<i32>} : memref<2x75x128xf32, #tpu.memory_space<vmem>>, vector<1x1x16xf32>,
        %parallel_loop3A_670 = vector.shape_cast %parallel_loop3A_669 : vector<1x1x16xf32> to vector<16xf32>
        %parallel_loop3A_671 = arith.constant 3 : i32
        %parallel_loop3A_672 = arith.muli %parallel_loop3A_571, %parallel_loop3A_671 : i32
        %parallel_loop3A_673 = arith.constant 2 : i32
        %parallel_loop3A_674 = arith.addi %parallel_loop3A_672, %parallel_loop3A_673 : i32
        %parallel_loop3A_675 = arith.constant 0 : i32
        %parallel_loop3A_676 = arith.index_cast %parallel_loop3A_675 : i32 to index
        %parallel_loop3A_677 = arith.index_cast %parallel_loop3A_674 : i32 to index
        %parallel_loop3A_678 = arith.constant 32 : index
        %parallel_loop3A_679 = tpu.vector_load %arg11[%parallel_loop3A_676, %parallel_loop3A_677, %parallel_loop3A_678] {strides = array<i32>} : memref<2x75x128xf32, #tpu.memory_space<vmem>>, vector<1x1x16xf32>,
        %parallel_loop3A_680 = vector.shape_cast %parallel_loop3A_679 : vector<1x1x16xf32> to vector<16xf32>
        %parallel_loop3A_681 = arith.mulf %parallel_loop3A_586, %parallel_loop3A_660 : vector<16xf32>
        %parallel_loop3A_682 = arith.mulf %parallel_loop3A_584, %parallel_loop3A_670 : vector<16xf32>
        %parallel_loop3A_683 = arith.addf %parallel_loop3A_681, %parallel_loop3A_682 : vector<16xf32>
        %parallel_loop3A_684 = arith.mulf %parallel_loop3A_582, %parallel_loop3A_680 : vector<16xf32>
        %parallel_loop3A_685 = arith.addf %parallel_loop3A_683, %parallel_loop3A_684 : vector<16xf32>
        %parallel_loop3A_686 = arith.constant 3 : i32
        %parallel_loop3A_687 = arith.muli %parallel_loop3A_571, %parallel_loop3A_686 : i32
        %parallel_loop3A_688 = arith.constant 0 : i32
        %parallel_loop3A_689 = arith.index_cast %parallel_loop3A_688 : i32 to index
        %parallel_loop3A_690 = arith.index_cast %parallel_loop3A_687 : i32 to index
        %parallel_loop3A_691 = arith.constant 48 : index
        %parallel_loop3A_692 = tpu.vector_load %arg11[%parallel_loop3A_689, %parallel_loop3A_690, %parallel_loop3A_691] {strides = array<i32>} : memref<2x75x128xf32, #tpu.memory_space<vmem>>, vector<1x1x16xf32>,
        %parallel_loop3A_693 = vector.shape_cast %parallel_loop3A_692 : vector<1x1x16xf32> to vector<16xf32>
        %parallel_loop3A_694 = arith.constant 3 : i32
        %parallel_loop3A_695 = arith.muli %parallel_loop3A_571, %parallel_loop3A_694 : i32
        %parallel_loop3A_696 = arith.constant 1 : i32
        %parallel_loop3A_697 = arith.addi %parallel_loop3A_695, %parallel_loop3A_696 : i32
        %parallel_loop3A_698 = arith.constant 0 : i32
        %parallel_loop3A_699 = arith.index_cast %parallel_loop3A_698 : i32 to index
        %parallel_loop3A_700 = arith.index_cast %parallel_loop3A_697 : i32 to index
        %parallel_loop3A_701 = arith.constant 48 : index
        %parallel_loop3A_702 = tpu.vector_load %arg11[%parallel_loop3A_699, %parallel_loop3A_700, %parallel_loop3A_701] {strides = array<i32>} : memref<2x75x128xf32, #tpu.memory_space<vmem>>, vector<1x1x16xf32>,
        %parallel_loop3A_703 = vector.shape_cast %parallel_loop3A_702 : vector<1x1x16xf32> to vector<16xf32>
        %parallel_loop3A_704 = arith.constant 3 : i32
        %parallel_loop3A_705 = arith.muli %parallel_loop3A_571, %parallel_loop3A_704 : i32
        %parallel_loop3A_706 = arith.constant 2 : i32
        %parallel_loop3A_707 = arith.addi %parallel_loop3A_705, %parallel_loop3A_706 : i32
        %parallel_loop3A_708 = arith.constant 0 : i32
        %parallel_loop3A_709 = arith.index_cast %parallel_loop3A_708 : i32 to index
        %parallel_loop3A_710 = arith.index_cast %parallel_loop3A_707 : i32 to index
        %parallel_loop3A_711 = arith.constant 48 : index
        %parallel_loop3A_712 = tpu.vector_load %arg11[%parallel_loop3A_709, %parallel_loop3A_710, %parallel_loop3A_711] {strides = array<i32>} : memref<2x75x128xf32, #tpu.memory_space<vmem>>, vector<1x1x16xf32>,
        %parallel_loop3A_713 = vector.shape_cast %parallel_loop3A_712 : vector<1x1x16xf32> to vector<16xf32>
        %parallel_loop3A_714 = arith.mulf %parallel_loop3A_582, %parallel_loop3A_693 : vector<16xf32>
        %parallel_loop3A_715 = arith.mulf %parallel_loop3A_586, %parallel_loop3A_703 : vector<16xf32>
        %parallel_loop3A_716 = arith.addf %parallel_loop3A_714, %parallel_loop3A_715 : vector<16xf32>
        %parallel_loop3A_717 = arith.mulf %parallel_loop3A_584, %parallel_loop3A_713 : vector<16xf32>
        %parallel_loop3A_718 = arith.addf %parallel_loop3A_716, %parallel_loop3A_717 : vector<16xf32>
        %parallel_loop3A_719 = arith.constant 3 : i32
        %parallel_loop3A_720 = arith.muli %parallel_loop3A_571, %parallel_loop3A_719 : i32
        %parallel_loop3A_721 = arith.constant 0 : i32
        %parallel_loop3A_722 = arith.index_cast %parallel_loop3A_721 : i32 to index
        %parallel_loop3A_723 = arith.index_cast %parallel_loop3A_720 : i32 to index
        %parallel_loop3A_724 = arith.constant 64 : index
        %parallel_loop3A_725 = tpu.vector_load %arg11[%parallel_loop3A_722, %parallel_loop3A_723, %parallel_loop3A_724] {strides = array<i32>} : memref<2x75x128xf32, #tpu.memory_space<vmem>>, vector<1x1x16xf32>,
        %parallel_loop3A_726 = vector.shape_cast %parallel_loop3A_725 : vector<1x1x16xf32> to vector<16xf32>
        %parallel_loop3A_727 = arith.constant 3 : i32
        %parallel_loop3A_728 = arith.muli %parallel_loop3A_571, %parallel_loop3A_727 : i32
        %parallel_loop3A_729 = arith.constant 1 : i32
        %parallel_loop3A_730 = arith.addi %parallel_loop3A_728, %parallel_loop3A_729 : i32
        %parallel_loop3A_731 = arith.constant 0 : i32
        %parallel_loop3A_732 = arith.index_cast %parallel_loop3A_731 : i32 to index
        %parallel_loop3A_733 = arith.index_cast %parallel_loop3A_730 : i32 to index
        %parallel_loop3A_734 = arith.constant 64 : index
        %parallel_loop3A_735 = tpu.vector_load %arg11[%parallel_loop3A_732, %parallel_loop3A_733, %parallel_loop3A_734] {strides = array<i32>} : memref<2x75x128xf32, #tpu.memory_space<vmem>>, vector<1x1x16xf32>,
        %parallel_loop3A_736 = vector.shape_cast %parallel_loop3A_735 : vector<1x1x16xf32> to vector<16xf32>
        %parallel_loop3A_737 = arith.constant 3 : i32
        %parallel_loop3A_738 = arith.muli %parallel_loop3A_571, %parallel_loop3A_737 : i32
        %parallel_loop3A_739 = arith.constant 2 : i32
        %parallel_loop3A_740 = arith.addi %parallel_loop3A_738, %parallel_loop3A_739 : i32
        %parallel_loop3A_741 = arith.constant 0 : i32
        %parallel_loop3A_742 = arith.index_cast %parallel_loop3A_741 : i32 to index
        %parallel_loop3A_743 = arith.index_cast %parallel_loop3A_740 : i32 to index
        %parallel_loop3A_744 = arith.constant 64 : index
        %parallel_loop3A_745 = tpu.vector_load %arg11[%parallel_loop3A_742, %parallel_loop3A_743, %parallel_loop3A_744] {strides = array<i32>} : memref<2x75x128xf32, #tpu.memory_space<vmem>>, vector<1x1x16xf32>,
        %parallel_loop3A_746 = vector.shape_cast %parallel_loop3A_745 : vector<1x1x16xf32> to vector<16xf32>
        %parallel_loop3A_747 = arith.mulf %parallel_loop3A_584, %parallel_loop3A_726 : vector<16xf32>
        %parallel_loop3A_748 = arith.mulf %parallel_loop3A_582, %parallel_loop3A_736 : vector<16xf32>
        %parallel_loop3A_749 = arith.addf %parallel_loop3A_747, %parallel_loop3A_748 : vector<16xf32>
        %parallel_loop3A_750 = arith.mulf %parallel_loop3A_586, %parallel_loop3A_746 : vector<16xf32>
        %parallel_loop3A_751 = arith.addf %parallel_loop3A_749, %parallel_loop3A_750 : vector<16xf32>
        %parallel_loop3A_752 = arith.constant 3 : i32
        %parallel_loop3A_753 = arith.muli %parallel_loop3A_571, %parallel_loop3A_752 : i32
        %parallel_loop3A_754 = arith.constant 0 : i32
        %parallel_loop3A_755 = arith.index_cast %parallel_loop3A_754 : i32 to index
        %parallel_loop3A_756 = arith.index_cast %parallel_loop3A_753 : i32 to index
        %parallel_loop3A_757 = arith.constant 80 : index
        %parallel_loop3A_758 = tpu.vector_load %arg11[%parallel_loop3A_755, %parallel_loop3A_756, %parallel_loop3A_757] {strides = array<i32>} : memref<2x75x128xf32, #tpu.memory_space<vmem>>, vector<1x1x16xf32>,
        %parallel_loop3A_759 = vector.shape_cast %parallel_loop3A_758 : vector<1x1x16xf32> to vector<16xf32>
        %parallel_loop3A_760 = arith.constant 3 : i32
        %parallel_loop3A_761 = arith.muli %parallel_loop3A_571, %parallel_loop3A_760 : i32
        %parallel_loop3A_762 = arith.constant 1 : i32
        %parallel_loop3A_763 = arith.addi %parallel_loop3A_761, %parallel_loop3A_762 : i32
        %parallel_loop3A_764 = arith.constant 0 : i32
        %parallel_loop3A_765 = arith.index_cast %parallel_loop3A_764 : i32 to index
        %parallel_loop3A_766 = arith.index_cast %parallel_loop3A_763 : i32 to index
        %parallel_loop3A_767 = arith.constant 80 : index
        %parallel_loop3A_768 = tpu.vector_load %arg11[%parallel_loop3A_765, %parallel_loop3A_766, %parallel_loop3A_767] {strides = array<i32>} : memref<2x75x128xf32, #tpu.memory_space<vmem>>, vector<1x1x16xf32>,
        %parallel_loop3A_769 = vector.shape_cast %parallel_loop3A_768 : vector<1x1x16xf32> to vector<16xf32>
        %parallel_loop3A_770 = arith.constant 3 : i32
        %parallel_loop3A_771 = arith.muli %parallel_loop3A_571, %parallel_loop3A_770 : i32
        %parallel_loop3A_772 = arith.constant 2 : i32
        %parallel_loop3A_773 = arith.addi %parallel_loop3A_771, %parallel_loop3A_772 : i32
        %parallel_loop3A_774 = arith.constant 0 : i32
        %parallel_loop3A_775 = arith.index_cast %parallel_loop3A_774 : i32 to index
        %parallel_loop3A_776 = arith.index_cast %parallel_loop3A_773 : i32 to index
        %parallel_loop3A_777 = arith.constant 80 : index
        %parallel_loop3A_778 = tpu.vector_load %arg11[%parallel_loop3A_775, %parallel_loop3A_776, %parallel_loop3A_777] {strides = array<i32>} : memref<2x75x128xf32, #tpu.memory_space<vmem>>, vector<1x1x16xf32>,
        %parallel_loop3A_779 = vector.shape_cast %parallel_loop3A_778 : vector<1x1x16xf32> to vector<16xf32>
        %parallel_loop3A_780 = arith.mulf %parallel_loop3A_586, %parallel_loop3A_759 : vector<16xf32>
        %parallel_loop3A_781 = arith.mulf %parallel_loop3A_584, %parallel_loop3A_769 : vector<16xf32>
        %parallel_loop3A_782 = arith.addf %parallel_loop3A_780, %parallel_loop3A_781 : vector<16xf32>
        %parallel_loop3A_783 = arith.mulf %parallel_loop3A_582, %parallel_loop3A_779 : vector<16xf32>
        %parallel_loop3A_784 = arith.addf %parallel_loop3A_782, %parallel_loop3A_783 : vector<16xf32>
        %parallel_loop3A_785 = arith.constant 3 : i32
        %parallel_loop3A_786 = arith.muli %parallel_loop3A_571, %parallel_loop3A_785 : i32
        %parallel_loop3A_787 = arith.constant 0 : i32
        %parallel_loop3A_788 = arith.index_cast %parallel_loop3A_787 : i32 to index
        %parallel_loop3A_789 = arith.index_cast %parallel_loop3A_786 : i32 to index
        %parallel_loop3A_790 = arith.constant 96 : index
        %parallel_loop3A_791 = tpu.vector_load %arg11[%parallel_loop3A_788, %parallel_loop3A_789, %parallel_loop3A_790] {strides = array<i32>} : memref<2x75x128xf32, #tpu.memory_space<vmem>>, vector<1x1x16xf32>,
        %parallel_loop3A_792 = vector.shape_cast %parallel_loop3A_791 : vector<1x1x16xf32> to vector<16xf32>
        %parallel_loop3A_793 = arith.constant 3 : i32
        %parallel_loop3A_794 = arith.muli %parallel_loop3A_571, %parallel_loop3A_793 : i32
        %parallel_loop3A_795 = arith.constant 1 : i32
        %parallel_loop3A_796 = arith.addi %parallel_loop3A_794, %parallel_loop3A_795 : i32
        %parallel_loop3A_797 = arith.constant 0 : i32
        %parallel_loop3A_798 = arith.index_cast %parallel_loop3A_797 : i32 to index
        %parallel_loop3A_799 = arith.index_cast %parallel_loop3A_796 : i32 to index
        %parallel_loop3A_800 = arith.constant 96 : index
        %parallel_loop3A_801 = tpu.vector_load %arg11[%parallel_loop3A_798, %parallel_loop3A_799, %parallel_loop3A_800] {strides = array<i32>} : memref<2x75x128xf32, #tpu.memory_space<vmem>>, vector<1x1x16xf32>,
        %parallel_loop3A_802 = vector.shape_cast %parallel_loop3A_801 : vector<1x1x16xf32> to vector<16xf32>
        %parallel_loop3A_803 = arith.constant 3 : i32
        %parallel_loop3A_804 = arith.muli %parallel_loop3A_571, %parallel_loop3A_803 : i32
        %parallel_loop3A_805 = arith.constant 2 : i32
        %parallel_loop3A_806 = arith.addi %parallel_loop3A_804, %parallel_loop3A_805 : i32
        %parallel_loop3A_807 = arith.constant 0 : i32
        %parallel_loop3A_808 = arith.index_cast %parallel_loop3A_807 : i32 to index
        %parallel_loop3A_809 = arith.index_cast %parallel_loop3A_806 : i32 to index
        %parallel_loop3A_810 = arith.constant 96 : index
        %parallel_loop3A_811 = tpu.vector_load %arg11[%parallel_loop3A_808, %parallel_loop3A_809, %parallel_loop3A_810] {strides = array<i32>} : memref<2x75x128xf32, #tpu.memory_space<vmem>>, vector<1x1x16xf32>,
        %parallel_loop3A_812 = vector.shape_cast %parallel_loop3A_811 : vector<1x1x16xf32> to vector<16xf32>
        %parallel_loop3A_813 = arith.mulf %parallel_loop3A_582, %parallel_loop3A_792 : vector<16xf32>
        %parallel_loop3A_814 = arith.mulf %parallel_loop3A_586, %parallel_loop3A_802 : vector<16xf32>
        %parallel_loop3A_815 = arith.addf %parallel_loop3A_813, %parallel_loop3A_814 : vector<16xf32>
        %parallel_loop3A_816 = arith.mulf %parallel_loop3A_584, %parallel_loop3A_812 : vector<16xf32>
        %parallel_loop3A_817 = arith.addf %parallel_loop3A_815, %parallel_loop3A_816 : vector<16xf32>
        %parallel_loop3A_818 = arith.constant 3 : i32
        %parallel_loop3A_819 = arith.muli %parallel_loop3A_571, %parallel_loop3A_818 : i32
        %parallel_loop3A_820 = arith.constant 0 : i32
        %parallel_loop3A_821 = arith.index_cast %parallel_loop3A_820 : i32 to index
        %parallel_loop3A_822 = arith.index_cast %parallel_loop3A_819 : i32 to index
        %parallel_loop3A_823 = arith.constant 112 : index
        %parallel_loop3A_824 = tpu.vector_load %arg11[%parallel_loop3A_821, %parallel_loop3A_822, %parallel_loop3A_823] {strides = array<i32>} : memref<2x75x128xf32, #tpu.memory_space<vmem>>, vector<1x1x16xf32>,
        %parallel_loop3A_825 = vector.shape_cast %parallel_loop3A_824 : vector<1x1x16xf32> to vector<16xf32>
        %parallel_loop3A_826 = arith.constant 3 : i32
        %parallel_loop3A_827 = arith.muli %parallel_loop3A_571, %parallel_loop3A_826 : i32
        %parallel_loop3A_828 = arith.constant 1 : i32
        %parallel_loop3A_829 = arith.addi %parallel_loop3A_827, %parallel_loop3A_828 : i32
        %parallel_loop3A_830 = arith.constant 0 : i32
        %parallel_loop3A_831 = arith.index_cast %parallel_loop3A_830 : i32 to index
        %parallel_loop3A_832 = arith.index_cast %parallel_loop3A_829 : i32 to index
        %parallel_loop3A_833 = arith.constant 112 : index
        %parallel_loop3A_834 = tpu.vector_load %arg11[%parallel_loop3A_831, %parallel_loop3A_832, %parallel_loop3A_833] {strides = array<i32>} : memref<2x75x128xf32, #tpu.memory_space<vmem>>, vector<1x1x16xf32>,
        %parallel_loop3A_835 = vector.shape_cast %parallel_loop3A_834 : vector<1x1x16xf32> to vector<16xf32>
        %parallel_loop3A_836 = arith.constant 3 : i32
        %parallel_loop3A_837 = arith.muli %parallel_loop3A_571, %parallel_loop3A_836 : i32
        %parallel_loop3A_838 = arith.constant 2 : i32
        %parallel_loop3A_839 = arith.addi %parallel_loop3A_837, %parallel_loop3A_838 : i32
        %parallel_loop3A_840 = arith.constant 0 : i32
        %parallel_loop3A_841 = arith.index_cast %parallel_loop3A_840 : i32 to index
        %parallel_loop3A_842 = arith.index_cast %parallel_loop3A_839 : i32 to index
        %parallel_loop3A_843 = arith.constant 112 : index
        %parallel_loop3A_844 = tpu.vector_load %arg11[%parallel_loop3A_841, %parallel_loop3A_842, %parallel_loop3A_843] {strides = array<i32>} : memref<2x75x128xf32, #tpu.memory_space<vmem>>, vector<1x1x16xf32>,
        %parallel_loop3A_845 = vector.shape_cast %parallel_loop3A_844 : vector<1x1x16xf32> to vector<16xf32>
        %parallel_loop3A_846 = arith.mulf %parallel_loop3A_584, %parallel_loop3A_825 : vector<16xf32>
        %parallel_loop3A_847 = arith.mulf %parallel_loop3A_582, %parallel_loop3A_835 : vector<16xf32>
        %parallel_loop3A_848 = arith.addf %parallel_loop3A_846, %parallel_loop3A_847 : vector<16xf32>
        %parallel_loop3A_849 = arith.mulf %parallel_loop3A_586, %parallel_loop3A_845 : vector<16xf32>
        %parallel_loop3A_850 = arith.addf %parallel_loop3A_848, %parallel_loop3A_849 : vector<16xf32>
        %parallel_loop3A_851 = arith.constant 128 : i32
        %parallel_loop3A_852 = arith.muli %parallel_loop3A_571, %parallel_loop3A_851 : i32
        %parallel_loop3A_853 = arith.constant 0 : i32
        %parallel_loop3A_854 = arith.addi %parallel_loop3A_852, %parallel_loop3A_853 : i32
        %parallel_loop3A_855 = arith.constant 0 : i32
        %parallel_loop3A_856 = arith.index_cast %parallel_loop3A_855 : i32 to index
        %parallel_loop3A_857 = arith.index_cast %parallel_loop3A_854 : i32 to index
        %parallel_loop3A_858 = tpu.vector_load %arg12[%parallel_loop3A_856, %parallel_loop3A_857] {strides = array<i32>} : memref<2x3200xf32, #tpu.memory_space<vmem>>, vector<1x16xf32>,
        %parallel_loop3A_859 = vector.shape_cast %parallel_loop3A_858 : vector<1x16xf32> to vector<16xf32>
        %parallel_loop3A_860 = vector.shape_cast %parallel_loop3A_619 : vector<16xf32> to vector<1x16xf32>
        tpu.vector_store %arg12[%parallel_loop3A_856, %parallel_loop3A_857], %parallel_loop3A_860 {strides = array<i32>} : memref<2x3200xf32, #tpu.memory_space<vmem>>, vector<1x16xf32>,
        %parallel_loop3A_861 = arith.constant 128 : i32
        %parallel_loop3A_862 = arith.muli %parallel_loop3A_571, %parallel_loop3A_861 : i32
        %parallel_loop3A_863 = arith.constant 16 : i32
        %parallel_loop3A_864 = arith.addi %parallel_loop3A_862, %parallel_loop3A_863 : i32
        %parallel_loop3A_865 = arith.constant 0 : i32
        %parallel_loop3A_866 = arith.index_cast %parallel_loop3A_865 : i32 to index
        %parallel_loop3A_867 = arith.index_cast %parallel_loop3A_864 : i32 to index
        %parallel_loop3A_868 = tpu.vector_load %arg12[%parallel_loop3A_866, %parallel_loop3A_867] {strides = array<i32>} : memref<2x3200xf32, #tpu.memory_space<vmem>>, vector<1x16xf32>,
        %parallel_loop3A_869 = vector.shape_cast %parallel_loop3A_868 : vector<1x16xf32> to vector<16xf32>
        %parallel_loop3A_870 = vector.shape_cast %parallel_loop3A_652 : vector<16xf32> to vector<1x16xf32>
        tpu.vector_store %arg12[%parallel_loop3A_866, %parallel_loop3A_867], %parallel_loop3A_870 {strides = array<i32>} : memref<2x3200xf32, #tpu.memory_space<vmem>>, vector<1x16xf32>,
        %parallel_loop3A_871 = arith.constant 128 : i32
        %parallel_loop3A_872 = arith.muli %parallel_loop3A_571, %parallel_loop3A_871 : i32
        %parallel_loop3A_873 = arith.constant 32 : i32
        %parallel_loop3A_874 = arith.addi %parallel_loop3A_872, %parallel_loop3A_873 : i32
        %parallel_loop3A_875 = arith.constant 0 : i32
        %parallel_loop3A_876 = arith.index_cast %parallel_loop3A_875 : i32 to index
        %parallel_loop3A_877 = arith.index_cast %parallel_loop3A_874 : i32 to index
        %parallel_loop3A_878 = tpu.vector_load %arg12[%parallel_loop3A_876, %parallel_loop3A_877] {strides = array<i32>} : memref<2x3200xf32, #tpu.memory_space<vmem>>, vector<1x16xf32>,
        %parallel_loop3A_879 = vector.shape_cast %parallel_loop3A_878 : vector<1x16xf32> to vector<16xf32>
        %parallel_loop3A_880 = vector.shape_cast %parallel_loop3A_685 : vector<16xf32> to vector<1x16xf32>
        tpu.vector_store %arg12[%parallel_loop3A_876, %parallel_loop3A_877], %parallel_loop3A_880 {strides = array<i32>} : memref<2x3200xf32, #tpu.memory_space<vmem>>, vector<1x16xf32>,
        %parallel_loop3A_881 = arith.constant 128 : i32
        %parallel_loop3A_882 = arith.muli %parallel_loop3A_571, %parallel_loop3A_881 : i32
        %parallel_loop3A_883 = arith.constant 48 : i32
        %parallel_loop3A_884 = arith.addi %parallel_loop3A_882, %parallel_loop3A_883 : i32
        %parallel_loop3A_885 = arith.constant 0 : i32
        %parallel_loop3A_886 = arith.index_cast %parallel_loop3A_885 : i32 to index
        %parallel_loop3A_887 = arith.index_cast %parallel_loop3A_884 : i32 to index
        %parallel_loop3A_888 = tpu.vector_load %arg12[%parallel_loop3A_886, %parallel_loop3A_887] {strides = array<i32>} : memref<2x3200xf32, #tpu.memory_space<vmem>>, vector<1x16xf32>,
        %parallel_loop3A_889 = vector.shape_cast %parallel_loop3A_888 : vector<1x16xf32> to vector<16xf32>
        %parallel_loop3A_890 = vector.shape_cast %parallel_loop3A_718 : vector<16xf32> to vector<1x16xf32>
        tpu.vector_store %arg12[%parallel_loop3A_886, %parallel_loop3A_887], %parallel_loop3A_890 {strides = array<i32>} : memref<2x3200xf32, #tpu.memory_space<vmem>>, vector<1x16xf32>,
        %parallel_loop3A_891 = arith.constant 128 : i32
        %parallel_loop3A_892 = arith.muli %parallel_loop3A_571, %parallel_loop3A_891 : i32
        %parallel_loop3A_893 = arith.constant 64 : i32
        %parallel_loop3A_894 = arith.addi %parallel_loop3A_892, %parallel_loop3A_893 : i32
        %parallel_loop3A_895 = arith.constant 0 : i32
        %parallel_loop3A_896 = arith.index_cast %parallel_loop3A_895 : i32 to index
        %parallel_loop3A_897 = arith.index_cast %parallel_loop3A_894 : i32 to index
        %parallel_loop3A_898 = tpu.vector_load %arg12[%parallel_loop3A_896, %parallel_loop3A_897] {strides = array<i32>} : memref<2x3200xf32, #tpu.memory_space<vmem>>, vector<1x16xf32>,
        %parallel_loop3A_899 = vector.shape_cast %parallel_loop3A_898 : vector<1x16xf32> to vector<16xf32>
        %parallel_loop3A_900 = vector.shape_cast %parallel_loop3A_751 : vector<16xf32> to vector<1x16xf32>
        tpu.vector_store %arg12[%parallel_loop3A_896, %parallel_loop3A_897], %parallel_loop3A_900 {strides = array<i32>} : memref<2x3200xf32, #tpu.memory_space<vmem>>, vector<1x16xf32>,
        %parallel_loop3A_901 = arith.constant 128 : i32
        %parallel_loop3A_902 = arith.muli %parallel_loop3A_571, %parallel_loop3A_901 : i32
        %parallel_loop3A_903 = arith.constant 80 : i32
        %parallel_loop3A_904 = arith.addi %parallel_loop3A_902, %parallel_loop3A_903 : i32
        %parallel_loop3A_905 = arith.constant 0 : i32
        %parallel_loop3A_906 = arith.index_cast %parallel_loop3A_905 : i32 to index
        %parallel_loop3A_907 = arith.index_cast %parallel_loop3A_904 : i32 to index
        %parallel_loop3A_908 = tpu.vector_load %arg12[%parallel_loop3A_906, %parallel_loop3A_907] {strides = array<i32>} : memref<2x3200xf32, #tpu.memory_space<vmem>>, vector<1x16xf32>,
        %parallel_loop3A_909 = vector.shape_cast %parallel_loop3A_908 : vector<1x16xf32> to vector<16xf32>
        %parallel_loop3A_910 = vector.shape_cast %parallel_loop3A_784 : vector<16xf32> to vector<1x16xf32>
        tpu.vector_store %arg12[%parallel_loop3A_906, %parallel_loop3A_907], %parallel_loop3A_910 {strides = array<i32>} : memref<2x3200xf32, #tpu.memory_space<vmem>>, vector<1x16xf32>,
        %parallel_loop3A_911 = arith.constant 128 : i32
        %parallel_loop3A_912 = arith.muli %parallel_loop3A_571, %parallel_loop3A_911 : i32
        %parallel_loop3A_913 = arith.constant 96 : i32
        %parallel_loop3A_914 = arith.addi %parallel_loop3A_912, %parallel_loop3A_913 : i32
        %parallel_loop3A_915 = arith.constant 0 : i32
        %parallel_loop3A_916 = arith.index_cast %parallel_loop3A_915 : i32 to index
        %parallel_loop3A_917 = arith.index_cast %parallel_loop3A_914 : i32 to index
        %parallel_loop3A_918 = tpu.vector_load %arg12[%parallel_loop3A_916, %parallel_loop3A_917] {strides = array<i32>} : memref<2x3200xf32, #tpu.memory_space<vmem>>, vector<1x16xf32>,
        %parallel_loop3A_919 = vector.shape_cast %parallel_loop3A_918 : vector<1x16xf32> to vector<16xf32>
        %parallel_loop3A_920 = vector.shape_cast %parallel_loop3A_817 : vector<16xf32> to vector<1x16xf32>
        tpu.vector_store %arg12[%parallel_loop3A_916, %parallel_loop3A_917], %parallel_loop3A_920 {strides = array<i32>} : memref<2x3200xf32, #tpu.memory_space<vmem>>, vector<1x16xf32>,
        %parallel_loop3A_921 = arith.constant 128 : i32
        %parallel_loop3A_922 = arith.muli %parallel_loop3A_571, %parallel_loop3A_921 : i32
        %parallel_loop3A_923 = arith.constant 112 : i32
        %parallel_loop3A_924 = arith.addi %parallel_loop3A_922, %parallel_loop3A_923 : i32
        %parallel_loop3A_925 = arith.constant 0 : i32
        %parallel_loop3A_926 = arith.index_cast %parallel_loop3A_925 : i32 to index
        %parallel_loop3A_927 = arith.index_cast %parallel_loop3A_924 : i32 to index
        %parallel_loop3A_928 = tpu.vector_load %arg12[%parallel_loop3A_926, %parallel_loop3A_927] {strides = array<i32>} : memref<2x3200xf32, #tpu.memory_space<vmem>>, vector<1x16xf32>,
        %parallel_loop3A_929 = vector.shape_cast %parallel_loop3A_928 : vector<1x16xf32> to vector<16xf32>
        %parallel_loop3A_930 = vector.shape_cast %parallel_loop3A_850 : vector<16xf32> to vector<1x16xf32>
        tpu.vector_store %arg12[%parallel_loop3A_926, %parallel_loop3A_927], %parallel_loop3A_930 {strides = array<i32>} : memref<2x3200xf32, #tpu.memory_space<vmem>>, vector<1x16xf32>,
        %parallel_loop3A_931 = arith.constant 3 : i32
        %parallel_loop3A_932 = arith.muli %parallel_loop3A_571, %parallel_loop3A_931 : i32
        %parallel_loop3A_933 = arith.constant 1 : i32
        %parallel_loop3A_934 = arith.constant 1 : i32
        %parallel_loop3A_935 = arith.index_cast %parallel_loop3A_933 : i32 to index
        %parallel_loop3A_936 = arith.index_cast %parallel_loop3A_934 : i32 to index
        %parallel_loop3A_937 = arith.index_cast %parallel_loop3A_932 : i32 to index
        %parallel_loop3A_938 = tpu.vector_load %arg9[%parallel_loop3A_935, %parallel_loop3A_936, %parallel_loop3A_937] {strides = array<i32>} : memref<2x2x96xf32, #tpu.memory_space<vmem>>, vector<1x1x16xf32>,
        %parallel_loop3A_939 = vector.shape_cast %parallel_loop3A_938 : vector<1x1x16xf32> to vector<16xf32>
        %parallel_loop3A_940 = vector.shape_cast %broadcast_in_dim3A : vector<16x1xi32> to vector<16xi32>
        %parallel_loop3A_941 = tpu.dynamic_gather %parallel_loop3A_939[%parallel_loop3A_940] in [0] : vector<16xf32>, vector<16xi32> -> vector<16xf32>
        %parallel_loop3A_942 = vector.shape_cast %broadcast_in_dim3A_49 : vector<16x1xi32> to vector<16xi32>
        %parallel_loop3A_943 = tpu.dynamic_gather %parallel_loop3A_939[%parallel_loop3A_942] in [0] : vector<16xf32>, vector<16xi32> -> vector<16xf32>
        %parallel_loop3A_944 = vector.shape_cast %broadcast_in_dim3A_75 : vector<16x1xi32> to vector<16xi32>
        %parallel_loop3A_945 = tpu.dynamic_gather %parallel_loop3A_939[%parallel_loop3A_944] in [0] : vector<16xf32>, vector<16xi32> -> vector<16xf32>
        %parallel_loop3A_946 = arith.constant 3 : i32
        %parallel_loop3A_947 = arith.muli %parallel_loop3A_571, %parallel_loop3A_946 : i32
        %parallel_loop3A_948 = arith.constant 1 : i32
        %parallel_loop3A_949 = arith.index_cast %parallel_loop3A_948 : i32 to index
        %parallel_loop3A_950 = arith.index_cast %parallel_loop3A_947 : i32 to index
        %parallel_loop3A_951 = arith.constant 0 : index
        %parallel_loop3A_952 = tpu.vector_load %arg11[%parallel_loop3A_949, %parallel_loop3A_950, %parallel_loop3A_951] {strides = array<i32>} : memref<2x75x128xf32, #tpu.memory_space<vmem>>, vector<1x1x16xf32>,
        %parallel_loop3A_953 = vector.shape_cast %parallel_loop3A_952 : vector<1x1x16xf32> to vector<16xf32>
        %parallel_loop3A_954 = arith.constant 3 : i32
        %parallel_loop3A_955 = arith.muli %parallel_loop3A_571, %parallel_loop3A_954 : i32
        %parallel_loop3A_956 = arith.constant 1 : i32
        %parallel_loop3A_957 = arith.addi %parallel_loop3A_955, %parallel_loop3A_956 : i32
        %parallel_loop3A_958 = arith.constant 1 : i32
        %parallel_loop3A_959 = arith.index_cast %parallel_loop3A_958 : i32 to index
        %parallel_loop3A_960 = arith.index_cast %parallel_loop3A_957 : i32 to index
        %parallel_loop3A_961 = arith.constant 0 : index
        %parallel_loop3A_962 = tpu.vector_load %arg11[%parallel_loop3A_959, %parallel_loop3A_960, %parallel_loop3A_961] {strides = array<i32>} : memref<2x75x128xf32, #tpu.memory_space<vmem>>, vector<1x1x16xf32>,
        %parallel_loop3A_963 = vector.shape_cast %parallel_loop3A_962 : vector<1x1x16xf32> to vector<16xf32>
        %parallel_loop3A_964 = arith.constant 3 : i32
        %parallel_loop3A_965 = arith.muli %parallel_loop3A_571, %parallel_loop3A_964 : i32
        %parallel_loop3A_966 = arith.constant 2 : i32
        %parallel_loop3A_967 = arith.addi %parallel_loop3A_965, %parallel_loop3A_966 : i32
        %parallel_loop3A_968 = arith.constant 1 : i32
        %parallel_loop3A_969 = arith.index_cast %parallel_loop3A_968 : i32 to index
        %parallel_loop3A_970 = arith.index_cast %parallel_loop3A_967 : i32 to index
        %parallel_loop3A_971 = arith.constant 0 : index
        %parallel_loop3A_972 = tpu.vector_load %arg11[%parallel_loop3A_969, %parallel_loop3A_970, %parallel_loop3A_971] {strides = array<i32>} : memref<2x75x128xf32, #tpu.memory_space<vmem>>, vector<1x1x16xf32>,
        %parallel_loop3A_973 = vector.shape_cast %parallel_loop3A_972 : vector<1x1x16xf32> to vector<16xf32>
        %parallel_loop3A_974 = arith.mulf %parallel_loop3A_941, %parallel_loop3A_953 : vector<16xf32>
        %parallel_loop3A_975 = arith.mulf %parallel_loop3A_945, %parallel_loop3A_963 : vector<16xf32>
        %parallel_loop3A_976 = arith.addf %parallel_loop3A_974, %parallel_loop3A_975 : vector<16xf32>
        %parallel_loop3A_977 = arith.mulf %parallel_loop3A_943, %parallel_loop3A_973 : vector<16xf32>
        %parallel_loop3A_978 = arith.addf %parallel_loop3A_976, %parallel_loop3A_977 : vector<16xf32>
        %parallel_loop3A_979 = arith.constant 3 : i32
        %parallel_loop3A_980 = arith.muli %parallel_loop3A_571, %parallel_loop3A_979 : i32
        %parallel_loop3A_981 = arith.constant 1 : i32
        %parallel_loop3A_982 = arith.index_cast %parallel_loop3A_981 : i32 to index
        %parallel_loop3A_983 = arith.index_cast %parallel_loop3A_980 : i32 to index
        %parallel_loop3A_984 = arith.constant 16 : index
        %parallel_loop3A_985 = tpu.vector_load %arg11[%parallel_loop3A_982, %parallel_loop3A_983, %parallel_loop3A_984] {strides = array<i32>} : memref<2x75x128xf32, #tpu.memory_space<vmem>>, vector<1x1x16xf32>,
        %parallel_loop3A_986 = vector.shape_cast %parallel_loop3A_985 : vector<1x1x16xf32> to vector<16xf32>
        %parallel_loop3A_987 = arith.constant 3 : i32
        %parallel_loop3A_988 = arith.muli %parallel_loop3A_571, %parallel_loop3A_987 : i32
        %parallel_loop3A_989 = arith.constant 1 : i32
        %parallel_loop3A_990 = arith.addi %parallel_loop3A_988, %parallel_loop3A_989 : i32
        %parallel_loop3A_991 = arith.constant 1 : i32
        %parallel_loop3A_992 = arith.index_cast %parallel_loop3A_991 : i32 to index
        %parallel_loop3A_993 = arith.index_cast %parallel_loop3A_990 : i32 to index
        %parallel_loop3A_994 = arith.constant 16 : index
        %parallel_loop3A_995 = tpu.vector_load %arg11[%parallel_loop3A_992, %parallel_loop3A_993, %parallel_loop3A_994] {strides = array<i32>} : memref<2x75x128xf32, #tpu.memory_space<vmem>>, vector<1x1x16xf32>,
        %parallel_loop3A_996 = vector.shape_cast %parallel_loop3A_995 : vector<1x1x16xf32> to vector<16xf32>
        %parallel_loop3A_997 = arith.constant 3 : i32
        %parallel_loop3A_998 = arith.muli %parallel_loop3A_571, %parallel_loop3A_997 : i32
        %parallel_loop3A_999 = arith.constant 2 : i32
        %parallel_loop3A_1000 = arith.addi %parallel_loop3A_998, %parallel_loop3A_999 : i32
        %parallel_loop3A_1001 = arith.constant 1 : i32
        %parallel_loop3A_1002 = arith.index_cast %parallel_loop3A_1001 : i32 to index
        %parallel_loop3A_1003 = arith.index_cast %parallel_loop3A_1000 : i32 to index
        %parallel_loop3A_1004 = arith.constant 16 : index
        %parallel_loop3A_1005 = tpu.vector_load %arg11[%parallel_loop3A_1002, %parallel_loop3A_1003, %parallel_loop3A_1004] {strides = array<i32>} : memref<2x75x128xf32, #tpu.memory_space<vmem>>, vector<1x1x16xf32>,
        %parallel_loop3A_1006 = vector.shape_cast %parallel_loop3A_1005 : vector<1x1x16xf32> to vector<16xf32>
        %parallel_loop3A_1007 = arith.mulf %parallel_loop3A_943, %parallel_loop3A_986 : vector<16xf32>
        %parallel_loop3A_1008 = arith.mulf %parallel_loop3A_941, %parallel_loop3A_996 : vector<16xf32>
        %parallel_loop3A_1009 = arith.addf %parallel_loop3A_1007, %parallel_loop3A_1008 : vector<16xf32>
        %parallel_loop3A_1010 = arith.mulf %parallel_loop3A_945, %parallel_loop3A_1006 : vector<16xf32>
        %parallel_loop3A_1011 = arith.addf %parallel_loop3A_1009, %parallel_loop3A_1010 : vector<16xf32>
        %parallel_loop3A_1012 = arith.constant 3 : i32
        %parallel_loop3A_1013 = arith.muli %parallel_loop3A_571, %parallel_loop3A_1012 : i32
        %parallel_loop3A_1014 = arith.constant 1 : i32
        %parallel_loop3A_1015 = arith.index_cast %parallel_loop3A_1014 : i32 to index
        %parallel_loop3A_1016 = arith.index_cast %parallel_loop3A_1013 : i32 to index
        %parallel_loop3A_1017 = arith.constant 32 : index
        %parallel_loop3A_1018 = tpu.vector_load %arg11[%parallel_loop3A_1015, %parallel_loop3A_1016, %parallel_loop3A_1017] {strides = array<i32>} : memref<2x75x128xf32, #tpu.memory_space<vmem>>, vector<1x1x16xf32>,
        %parallel_loop3A_1019 = vector.shape_cast %parallel_loop3A_1018 : vector<1x1x16xf32> to vector<16xf32>
        %parallel_loop3A_1020 = arith.constant 3 : i32
        %parallel_loop3A_1021 = arith.muli %parallel_loop3A_571, %parallel_loop3A_1020 : i32
        %parallel_loop3A_1022 = arith.constant 1 : i32
        %parallel_loop3A_1023 = arith.addi %parallel_loop3A_1021, %parallel_loop3A_1022 : i32
        %parallel_loop3A_1024 = arith.constant 1 : i32
        %parallel_loop3A_1025 = arith.index_cast %parallel_loop3A_1024 : i32 to index
        %parallel_loop3A_1026 = arith.index_cast %parallel_loop3A_1023 : i32 to index
        %parallel_loop3A_1027 = arith.constant 32 : index
        %parallel_loop3A_1028 = tpu.vector_load %arg11[%parallel_loop3A_1025, %parallel_loop3A_1026, %parallel_loop3A_1027] {strides = array<i32>} : memref<2x75x128xf32, #tpu.memory_space<vmem>>, vector<1x1x16xf32>,
        %parallel_loop3A_1029 = vector.shape_cast %parallel_loop3A_1028 : vector<1x1x16xf32> to vector<16xf32>
        %parallel_loop3A_1030 = arith.constant 3 : i32
        %parallel_loop3A_1031 = arith.muli %parallel_loop3A_571, %parallel_loop3A_1030 : i32
        %parallel_loop3A_1032 = arith.constant 2 : i32
        %parallel_loop3A_1033 = arith.addi %parallel_loop3A_1031, %parallel_loop3A_1032 : i32
        %parallel_loop3A_1034 = arith.constant 1 : i32
        %parallel_loop3A_1035 = arith.index_cast %parallel_loop3A_1034 : i32 to index
        %parallel_loop3A_1036 = arith.index_cast %parallel_loop3A_1033 : i32 to index
        %parallel_loop3A_1037 = arith.constant 32 : index
        %parallel_loop3A_1038 = tpu.vector_load %arg11[%parallel_loop3A_1035, %parallel_loop3A_1036, %parallel_loop3A_1037] {strides = array<i32>} : memref<2x75x128xf32, #tpu.memory_space<vmem>>, vector<1x1x16xf32>,
        %parallel_loop3A_1039 = vector.shape_cast %parallel_loop3A_1038 : vector<1x1x16xf32> to vector<16xf32>
        %parallel_loop3A_1040 = arith.mulf %parallel_loop3A_945, %parallel_loop3A_1019 : vector<16xf32>
        %parallel_loop3A_1041 = arith.mulf %parallel_loop3A_943, %parallel_loop3A_1029 : vector<16xf32>
        %parallel_loop3A_1042 = arith.addf %parallel_loop3A_1040, %parallel_loop3A_1041 : vector<16xf32>
        %parallel_loop3A_1043 = arith.mulf %parallel_loop3A_941, %parallel_loop3A_1039 : vector<16xf32>
        %parallel_loop3A_1044 = arith.addf %parallel_loop3A_1042, %parallel_loop3A_1043 : vector<16xf32>
        %parallel_loop3A_1045 = arith.constant 3 : i32
        %parallel_loop3A_1046 = arith.muli %parallel_loop3A_571, %parallel_loop3A_1045 : i32
        %parallel_loop3A_1047 = arith.constant 1 : i32
        %parallel_loop3A_1048 = arith.index_cast %parallel_loop3A_1047 : i32 to index
        %parallel_loop3A_1049 = arith.index_cast %parallel_loop3A_1046 : i32 to index
        %parallel_loop3A_1050 = arith.constant 48 : index
        %parallel_loop3A_1051 = tpu.vector_load %arg11[%parallel_loop3A_1048, %parallel_loop3A_1049, %parallel_loop3A_1050] {strides = array<i32>} : memref<2x75x128xf32, #tpu.memory_space<vmem>>, vector<1x1x16xf32>,
        %parallel_loop3A_1052 = vector.shape_cast %parallel_loop3A_1051 : vector<1x1x16xf32> to vector<16xf32>
        %parallel_loop3A_1053 = arith.constant 3 : i32
        %parallel_loop3A_1054 = arith.muli %parallel_loop3A_571, %parallel_loop3A_1053 : i32
        %parallel_loop3A_1055 = arith.constant 1 : i32
        %parallel_loop3A_1056 = arith.addi %parallel_loop3A_1054, %parallel_loop3A_1055 : i32
        %parallel_loop3A_1057 = arith.constant 1 : i32
        %parallel_loop3A_1058 = arith.index_cast %parallel_loop3A_1057 : i32 to index
        %parallel_loop3A_1059 = arith.index_cast %parallel_loop3A_1056 : i32 to index
        %parallel_loop3A_1060 = arith.constant 48 : index
        %parallel_loop3A_1061 = tpu.vector_load %arg11[%parallel_loop3A_1058, %parallel_loop3A_1059, %parallel_loop3A_1060] {strides = array<i32>} : memref<2x75x128xf32, #tpu.memory_space<vmem>>, vector<1x1x16xf32>,
        %parallel_loop3A_1062 = vector.shape_cast %parallel_loop3A_1061 : vector<1x1x16xf32> to vector<16xf32>
        %parallel_loop3A_1063 = arith.constant 3 : i32
        %parallel_loop3A_1064 = arith.muli %parallel_loop3A_571, %parallel_loop3A_1063 : i32
        %parallel_loop3A_1065 = arith.constant 2 : i32
        %parallel_loop3A_1066 = arith.addi %parallel_loop3A_1064, %parallel_loop3A_1065 : i32
        %parallel_loop3A_1067 = arith.constant 1 : i32
        %parallel_loop3A_1068 = arith.index_cast %parallel_loop3A_1067 : i32 to index
        %parallel_loop3A_1069 = arith.index_cast %parallel_loop3A_1066 : i32 to index
        %parallel_loop3A_1070 = arith.constant 48 : index
        %parallel_loop3A_1071 = tpu.vector_load %arg11[%parallel_loop3A_1068, %parallel_loop3A_1069, %parallel_loop3A_1070] {strides = array<i32>} : memref<2x75x128xf32, #tpu.memory_space<vmem>>, vector<1x1x16xf32>,
        %parallel_loop3A_1072 = vector.shape_cast %parallel_loop3A_1071 : vector<1x1x16xf32> to vector<16xf32>
        %parallel_loop3A_1073 = arith.mulf %parallel_loop3A_941, %parallel_loop3A_1052 : vector<16xf32>
        %parallel_loop3A_1074 = arith.mulf %parallel_loop3A_945, %parallel_loop3A_1062 : vector<16xf32>
        %parallel_loop3A_1075 = arith.addf %parallel_loop3A_1073, %parallel_loop3A_1074 : vector<16xf32>
        %parallel_loop3A_1076 = arith.mulf %parallel_loop3A_943, %parallel_loop3A_1072 : vector<16xf32>
        %parallel_loop3A_1077 = arith.addf %parallel_loop3A_1075, %parallel_loop3A_1076 : vector<16xf32>
        %parallel_loop3A_1078 = arith.constant 3 : i32
        %parallel_loop3A_1079 = arith.muli %parallel_loop3A_571, %parallel_loop3A_1078 : i32
        %parallel_loop3A_1080 = arith.constant 1 : i32
        %parallel_loop3A_1081 = arith.index_cast %parallel_loop3A_1080 : i32 to index
        %parallel_loop3A_1082 = arith.index_cast %parallel_loop3A_1079 : i32 to index
        %parallel_loop3A_1083 = arith.constant 64 : index
        %parallel_loop3A_1084 = tpu.vector_load %arg11[%parallel_loop3A_1081, %parallel_loop3A_1082, %parallel_loop3A_1083] {strides = array<i32>} : memref<2x75x128xf32, #tpu.memory_space<vmem>>, vector<1x1x16xf32>,
        %parallel_loop3A_1085 = vector.shape_cast %parallel_loop3A_1084 : vector<1x1x16xf32> to vector<16xf32>
        %parallel_loop3A_1086 = arith.constant 3 : i32
        %parallel_loop3A_1087 = arith.muli %parallel_loop3A_571, %parallel_loop3A_1086 : i32
        %parallel_loop3A_1088 = arith.constant 1 : i32
        %parallel_loop3A_1089 = arith.addi %parallel_loop3A_1087, %parallel_loop3A_1088 : i32
        %parallel_loop3A_1090 = arith.constant 1 : i32
        %parallel_loop3A_1091 = arith.index_cast %parallel_loop3A_1090 : i32 to index
        %parallel_loop3A_1092 = arith.index_cast %parallel_loop3A_1089 : i32 to index
        %parallel_loop3A_1093 = arith.constant 64 : index
        %parallel_loop3A_1094 = tpu.vector_load %arg11[%parallel_loop3A_1091, %parallel_loop3A_1092, %parallel_loop3A_1093] {strides = array<i32>} : memref<2x75x128xf32, #tpu.memory_space<vmem>>, vector<1x1x16xf32>,
        %parallel_loop3A_1095 = vector.shape_cast %parallel_loop3A_1094 : vector<1x1x16xf32> to vector<16xf32>
        %parallel_loop3A_1096 = arith.constant 3 : i32
        %parallel_loop3A_1097 = arith.muli %parallel_loop3A_571, %parallel_loop3A_1096 : i32
        %parallel_loop3A_1098 = arith.constant 2 : i32
        %parallel_loop3A_1099 = arith.addi %parallel_loop3A_1097, %parallel_loop3A_1098 : i32
        %parallel_loop3A_1100 = arith.constant 1 : i32
        %parallel_loop3A_1101 = arith.index_cast %parallel_loop3A_1100 : i32 to index
        %parallel_loop3A_1102 = arith.index_cast %parallel_loop3A_1099 : i32 to index
        %parallel_loop3A_1103 = arith.constant 64 : index
        %parallel_loop3A_1104 = tpu.vector_load %arg11[%parallel_loop3A_1101, %parallel_loop3A_1102, %parallel_loop3A_1103] {strides = array<i32>} : memref<2x75x128xf32, #tpu.memory_space<vmem>>, vector<1x1x16xf32>,
        %parallel_loop3A_1105 = vector.shape_cast %parallel_loop3A_1104 : vector<1x1x16xf32> to vector<16xf32>
        %parallel_loop3A_1106 = arith.mulf %parallel_loop3A_943, %parallel_loop3A_1085 : vector<16xf32>
        %parallel_loop3A_1107 = arith.mulf %parallel_loop3A_941, %parallel_loop3A_1095 : vector<16xf32>
        %parallel_loop3A_1108 = arith.addf %parallel_loop3A_1106, %parallel_loop3A_1107 : vector<16xf32>
        %parallel_loop3A_1109 = arith.mulf %parallel_loop3A_945, %parallel_loop3A_1105 : vector<16xf32>
        %parallel_loop3A_1110 = arith.addf %parallel_loop3A_1108, %parallel_loop3A_1109 : vector<16xf32>
        %parallel_loop3A_1111 = arith.constant 3 : i32
        %parallel_loop3A_1112 = arith.muli %parallel_loop3A_571, %parallel_loop3A_1111 : i32
        %parallel_loop3A_1113 = arith.constant 1 : i32
        %parallel_loop3A_1114 = arith.index_cast %parallel_loop3A_1113 : i32 to index
        %parallel_loop3A_1115 = arith.index_cast %parallel_loop3A_1112 : i32 to index
        %parallel_loop3A_1116 = arith.constant 80 : index
        %parallel_loop3A_1117 = tpu.vector_load %arg11[%parallel_loop3A_1114, %parallel_loop3A_1115, %parallel_loop3A_1116] {strides = array<i32>} : memref<2x75x128xf32, #tpu.memory_space<vmem>>, vector<1x1x16xf32>,
        %parallel_loop3A_1118 = vector.shape_cast %parallel_loop3A_1117 : vector<1x1x16xf32> to vector<16xf32>
        %parallel_loop3A_1119 = arith.constant 3 : i32
        %parallel_loop3A_1120 = arith.muli %parallel_loop3A_571, %parallel_loop3A_1119 : i32
        %parallel_loop3A_1121 = arith.constant 1 : i32
        %parallel_loop3A_1122 = arith.addi %parallel_loop3A_1120, %parallel_loop3A_1121 : i32
        %parallel_loop3A_1123 = arith.constant 1 : i32
        %parallel_loop3A_1124 = arith.index_cast %parallel_loop3A_1123 : i32 to index
        %parallel_loop3A_1125 = arith.index_cast %parallel_loop3A_1122 : i32 to index
        %parallel_loop3A_1126 = arith.constant 80 : index
        %parallel_loop3A_1127 = tpu.vector_load %arg11[%parallel_loop3A_1124, %parallel_loop3A_1125, %parallel_loop3A_1126] {strides = array<i32>} : memref<2x75x128xf32, #tpu.memory_space<vmem>>, vector<1x1x16xf32>,
        %parallel_loop3A_1128 = vector.shape_cast %parallel_loop3A_1127 : vector<1x1x16xf32> to vector<16xf32>
        %parallel_loop3A_1129 = arith.constant 3 : i32
        %parallel_loop3A_1130 = arith.muli %parallel_loop3A_571, %parallel_loop3A_1129 : i32
        %parallel_loop3A_1131 = arith.constant 2 : i32
        %parallel_loop3A_1132 = arith.addi %parallel_loop3A_1130, %parallel_loop3A_1131 : i32
        %parallel_loop3A_1133 = arith.constant 1 : i32
        %parallel_loop3A_1134 = arith.index_cast %parallel_loop3A_1133 : i32 to index
        %parallel_loop3A_1135 = arith.index_cast %parallel_loop3A_1132 : i32 to index
        %parallel_loop3A_1136 = arith.constant 80 : index
        %parallel_loop3A_1137 = tpu.vector_load %arg11[%parallel_loop3A_1134, %parallel_loop3A_1135, %parallel_loop3A_1136] {strides = array<i32>} : memref<2x75x128xf32, #tpu.memory_space<vmem>>, vector<1x1x16xf32>,
        %parallel_loop3A_1138 = vector.shape_cast %parallel_loop3A_1137 : vector<1x1x16xf32> to vector<16xf32>
        %parallel_loop3A_1139 = arith.mulf %parallel_loop3A_945, %parallel_loop3A_1118 : vector<16xf32>
        %parallel_loop3A_1140 = arith.mulf %parallel_loop3A_943, %parallel_loop3A_1128 : vector<16xf32>
        %parallel_loop3A_1141 = arith.addf %parallel_loop3A_1139, %parallel_loop3A_1140 : vector<16xf32>
        %parallel_loop3A_1142 = arith.mulf %parallel_loop3A_941, %parallel_loop3A_1138 : vector<16xf32>
        %parallel_loop3A_1143 = arith.addf %parallel_loop3A_1141, %parallel_loop3A_1142 : vector<16xf32>
        %parallel_loop3A_1144 = arith.constant 3 : i32
        %parallel_loop3A_1145 = arith.muli %parallel_loop3A_571, %parallel_loop3A_1144 : i32
        %parallel_loop3A_1146 = arith.constant 1 : i32
        %parallel_loop3A_1147 = arith.index_cast %parallel_loop3A_1146 : i32 to index
        %parallel_loop3A_1148 = arith.index_cast %parallel_loop3A_1145 : i32 to index
        %parallel_loop3A_1149 = arith.constant 96 : index
        %parallel_loop3A_1150 = tpu.vector_load %arg11[%parallel_loop3A_1147, %parallel_loop3A_1148, %parallel_loop3A_1149] {strides = array<i32>} : memref<2x75x128xf32, #tpu.memory_space<vmem>>, vector<1x1x16xf32>,
        %parallel_loop3A_1151 = vector.shape_cast %parallel_loop3A_1150 : vector<1x1x16xf32> to vector<16xf32>
        %parallel_loop3A_1152 = arith.constant 3 : i32
        %parallel_loop3A_1153 = arith.muli %parallel_loop3A_571, %parallel_loop3A_1152 : i32
        %parallel_loop3A_1154 = arith.constant 1 : i32
        %parallel_loop3A_1155 = arith.addi %parallel_loop3A_1153, %parallel_loop3A_1154 : i32
        %parallel_loop3A_1156 = arith.constant 1 : i32
        %parallel_loop3A_1157 = arith.index_cast %parallel_loop3A_1156 : i32 to index
        %parallel_loop3A_1158 = arith.index_cast %parallel_loop3A_1155 : i32 to index
        %parallel_loop3A_1159 = arith.constant 96 : index
        %parallel_loop3A_1160 = tpu.vector_load %arg11[%parallel_loop3A_1157, %parallel_loop3A_1158, %parallel_loop3A_1159] {strides = array<i32>} : memref<2x75x128xf32, #tpu.memory_space<vmem>>, vector<1x1x16xf32>,
        %parallel_loop3A_1161 = vector.shape_cast %parallel_loop3A_1160 : vector<1x1x16xf32> to vector<16xf32>
        %parallel_loop3A_1162 = arith.constant 3 : i32
        %parallel_loop3A_1163 = arith.muli %parallel_loop3A_571, %parallel_loop3A_1162 : i32
        %parallel_loop3A_1164 = arith.constant 2 : i32
        %parallel_loop3A_1165 = arith.addi %parallel_loop3A_1163, %parallel_loop3A_1164 : i32
        %parallel_loop3A_1166 = arith.constant 1 : i32
        %parallel_loop3A_1167 = arith.index_cast %parallel_loop3A_1166 : i32 to index
        %parallel_loop3A_1168 = arith.index_cast %parallel_loop3A_1165 : i32 to index
        %parallel_loop3A_1169 = arith.constant 96 : index
        %parallel_loop3A_1170 = tpu.vector_load %arg11[%parallel_loop3A_1167, %parallel_loop3A_1168, %parallel_loop3A_1169] {strides = array<i32>} : memref<2x75x128xf32, #tpu.memory_space<vmem>>, vector<1x1x16xf32>,
        %parallel_loop3A_1171 = vector.shape_cast %parallel_loop3A_1170 : vector<1x1x16xf32> to vector<16xf32>
        %parallel_loop3A_1172 = arith.mulf %parallel_loop3A_941, %parallel_loop3A_1151 : vector<16xf32>
        %parallel_loop3A_1173 = arith.mulf %parallel_loop3A_945, %parallel_loop3A_1161 : vector<16xf32>
        %parallel_loop3A_1174 = arith.addf %parallel_loop3A_1172, %parallel_loop3A_1173 : vector<16xf32>
        %parallel_loop3A_1175 = arith.mulf %parallel_loop3A_943, %parallel_loop3A_1171 : vector<16xf32>
        %parallel_loop3A_1176 = arith.addf %parallel_loop3A_1174, %parallel_loop3A_1175 : vector<16xf32>
        %parallel_loop3A_1177 = arith.constant 3 : i32
        %parallel_loop3A_1178 = arith.muli %parallel_loop3A_571, %parallel_loop3A_1177 : i32
        %parallel_loop3A_1179 = arith.constant 1 : i32
        %parallel_loop3A_1180 = arith.index_cast %parallel_loop3A_1179 : i32 to index
        %parallel_loop3A_1181 = arith.index_cast %parallel_loop3A_1178 : i32 to index
        %parallel_loop3A_1182 = arith.constant 112 : index
        %parallel_loop3A_1183 = tpu.vector_load %arg11[%parallel_loop3A_1180, %parallel_loop3A_1181, %parallel_loop3A_1182] {strides = array<i32>} : memref<2x75x128xf32, #tpu.memory_space<vmem>>, vector<1x1x16xf32>,
        %parallel_loop3A_1184 = vector.shape_cast %parallel_loop3A_1183 : vector<1x1x16xf32> to vector<16xf32>
        %parallel_loop3A_1185 = arith.constant 3 : i32
        %parallel_loop3A_1186 = arith.muli %parallel_loop3A_571, %parallel_loop3A_1185 : i32
        %parallel_loop3A_1187 = arith.constant 1 : i32
        %parallel_loop3A_1188 = arith.addi %parallel_loop3A_1186, %parallel_loop3A_1187 : i32
        %parallel_loop3A_1189 = arith.constant 1 : i32
        %parallel_loop3A_1190 = arith.index_cast %parallel_loop3A_1189 : i32 to index
        %parallel_loop3A_1191 = arith.index_cast %parallel_loop3A_1188 : i32 to index
        %parallel_loop3A_1192 = arith.constant 112 : index
        %parallel_loop3A_1193 = tpu.vector_load %arg11[%parallel_loop3A_1190, %parallel_loop3A_1191, %parallel_loop3A_1192] {strides = array<i32>} : memref<2x75x128xf32, #tpu.memory_space<vmem>>, vector<1x1x16xf32>,
        %parallel_loop3A_1194 = vector.shape_cast %parallel_loop3A_1193 : vector<1x1x16xf32> to vector<16xf32>
        %parallel_loop3A_1195 = arith.constant 3 : i32
        %parallel_loop3A_1196 = arith.muli %parallel_loop3A_571, %parallel_loop3A_1195 : i32
        %parallel_loop3A_1197 = arith.constant 2 : i32
        %parallel_loop3A_1198 = arith.addi %parallel_loop3A_1196, %parallel_loop3A_1197 : i32
        %parallel_loop3A_1199 = arith.constant 1 : i32
        %parallel_loop3A_1200 = arith.index_cast %parallel_loop3A_1199 : i32 to index
        %parallel_loop3A_1201 = arith.index_cast %parallel_loop3A_1198 : i32 to index
        %parallel_loop3A_1202 = arith.constant 112 : index
        %parallel_loop3A_1203 = tpu.vector_load %arg11[%parallel_loop3A_1200, %parallel_loop3A_1201, %parallel_loop3A_1202] {strides = array<i32>} : memref<2x75x128xf32, #tpu.memory_space<vmem>>, vector<1x1x16xf32>,
        %parallel_loop3A_1204 = vector.shape_cast %parallel_loop3A_1203 : vector<1x1x16xf32> to vector<16xf32>
        %parallel_loop3A_1205 = arith.mulf %parallel_loop3A_943, %parallel_loop3A_1184 : vector<16xf32>
        %parallel_loop3A_1206 = arith.mulf %parallel_loop3A_941, %parallel_loop3A_1194 : vector<16xf32>
        %parallel_loop3A_1207 = arith.addf %parallel_loop3A_1205, %parallel_loop3A_1206 : vector<16xf32>
        %parallel_loop3A_1208 = arith.mulf %parallel_loop3A_945, %parallel_loop3A_1204 : vector<16xf32>
        %parallel_loop3A_1209 = arith.addf %parallel_loop3A_1207, %parallel_loop3A_1208 : vector<16xf32>
        %parallel_loop3A_1210 = arith.constant 128 : i32
        %parallel_loop3A_1211 = arith.muli %parallel_loop3A_571, %parallel_loop3A_1210 : i32
        %parallel_loop3A_1212 = arith.constant 0 : i32
        %parallel_loop3A_1213 = arith.addi %parallel_loop3A_1211, %parallel_loop3A_1212 : i32
        %parallel_loop3A_1214 = arith.constant 1 : i32
        %parallel_loop3A_1215 = arith.index_cast %parallel_loop3A_1214 : i32 to index
        %parallel_loop3A_1216 = arith.index_cast %parallel_loop3A_1213 : i32 to index
        %parallel_loop3A_1217 = tpu.vector_load %arg12[%parallel_loop3A_1215, %parallel_loop3A_1216] {strides = array<i32>} : memref<2x3200xf32, #tpu.memory_space<vmem>>, vector<1x16xf32>,
        %parallel_loop3A_1218 = vector.shape_cast %parallel_loop3A_1217 : vector<1x16xf32> to vector<16xf32>
        %parallel_loop3A_1219 = vector.shape_cast %parallel_loop3A_978 : vector<16xf32> to vector<1x16xf32>
        tpu.vector_store %arg12[%parallel_loop3A_1215, %parallel_loop3A_1216], %parallel_loop3A_1219 {strides = array<i32>} : memref<2x3200xf32, #tpu.memory_space<vmem>>, vector<1x16xf32>,
        %parallel_loop3A_1220 = arith.constant 128 : i32
        %parallel_loop3A_1221 = arith.muli %parallel_loop3A_571, %parallel_loop3A_1220 : i32
        %parallel_loop3A_1222 = arith.constant 16 : i32
        %parallel_loop3A_1223 = arith.addi %parallel_loop3A_1221, %parallel_loop3A_1222 : i32
        %parallel_loop3A_1224 = arith.constant 1 : i32
        %parallel_loop3A_1225 = arith.index_cast %parallel_loop3A_1224 : i32 to index
        %parallel_loop3A_1226 = arith.index_cast %parallel_loop3A_1223 : i32 to index
        %parallel_loop3A_1227 = tpu.vector_load %arg12[%parallel_loop3A_1225, %parallel_loop3A_1226] {strides = array<i32>} : memref<2x3200xf32, #tpu.memory_space<vmem>>, vector<1x16xf32>,
        %parallel_loop3A_1228 = vector.shape_cast %parallel_loop3A_1227 : vector<1x16xf32> to vector<16xf32>
        %parallel_loop3A_1229 = vector.shape_cast %parallel_loop3A_1011 : vector<16xf32> to vector<1x16xf32>
        tpu.vector_store %arg12[%parallel_loop3A_1225, %parallel_loop3A_1226], %parallel_loop3A_1229 {strides = array<i32>} : memref<2x3200xf32, #tpu.memory_space<vmem>>, vector<1x16xf32>,
        %parallel_loop3A_1230 = arith.constant 128 : i32
        %parallel_loop3A_1231 = arith.muli %parallel_loop3A_571, %parallel_loop3A_1230 : i32
        %parallel_loop3A_1232 = arith.constant 32 : i32
        %parallel_loop3A_1233 = arith.addi %parallel_loop3A_1231, %parallel_loop3A_1232 : i32
        %parallel_loop3A_1234 = arith.constant 1 : i32
        %parallel_loop3A_1235 = arith.index_cast %parallel_loop3A_1234 : i32 to index
        %parallel_loop3A_1236 = arith.index_cast %parallel_loop3A_1233 : i32 to index
        %parallel_loop3A_1237 = tpu.vector_load %arg12[%parallel_loop3A_1235, %parallel_loop3A_1236] {strides = array<i32>} : memref<2x3200xf32, #tpu.memory_space<vmem>>, vector<1x16xf32>,
        %parallel_loop3A_1238 = vector.shape_cast %parallel_loop3A_1237 : vector<1x16xf32> to vector<16xf32>
        %parallel_loop3A_1239 = vector.shape_cast %parallel_loop3A_1044 : vector<16xf32> to vector<1x16xf32>
        tpu.vector_store %arg12[%parallel_loop3A_1235, %parallel_loop3A_1236], %parallel_loop3A_1239 {strides = array<i32>} : memref<2x3200xf32, #tpu.memory_space<vmem>>, vector<1x16xf32>,
        %parallel_loop3A_1240 = arith.constant 128 : i32
        %parallel_loop3A_1241 = arith.muli %parallel_loop3A_571, %parallel_loop3A_1240 : i32
        %parallel_loop3A_1242 = arith.constant 48 : i32
        %parallel_loop3A_1243 = arith.addi %parallel_loop3A_1241, %parallel_loop3A_1242 : i32
        %parallel_loop3A_1244 = arith.constant 1 : i32
        %parallel_loop3A_1245 = arith.index_cast %parallel_loop3A_1244 : i32 to index
        %parallel_loop3A_1246 = arith.index_cast %parallel_loop3A_1243 : i32 to index
        %parallel_loop3A_1247 = tpu.vector_load %arg12[%parallel_loop3A_1245, %parallel_loop3A_1246] {strides = array<i32>} : memref<2x3200xf32, #tpu.memory_space<vmem>>, vector<1x16xf32>,
        %parallel_loop3A_1248 = vector.shape_cast %parallel_loop3A_1247 : vector<1x16xf32> to vector<16xf32>
        %parallel_loop3A_1249 = vector.shape_cast %parallel_loop3A_1077 : vector<16xf32> to vector<1x16xf32>
        tpu.vector_store %arg12[%parallel_loop3A_1245, %parallel_loop3A_1246], %parallel_loop3A_1249 {strides = array<i32>} : memref<2x3200xf32, #tpu.memory_space<vmem>>, vector<1x16xf32>,
        %parallel_loop3A_1250 = arith.constant 128 : i32
        %parallel_loop3A_1251 = arith.muli %parallel_loop3A_571, %parallel_loop3A_1250 : i32
        %parallel_loop3A_1252 = arith.constant 64 : i32
        %parallel_loop3A_1253 = arith.addi %parallel_loop3A_1251, %parallel_loop3A_1252 : i32
        %parallel_loop3A_1254 = arith.constant 1 : i32
        %parallel_loop3A_1255 = arith.index_cast %parallel_loop3A_1254 : i32 to index
        %parallel_loop3A_1256 = arith.index_cast %parallel_loop3A_1253 : i32 to index
        %parallel_loop3A_1257 = tpu.vector_load %arg12[%parallel_loop3A_1255, %parallel_loop3A_1256] {strides = array<i32>} : memref<2x3200xf32, #tpu.memory_space<vmem>>, vector<1x16xf32>,
        %parallel_loop3A_1258 = vector.shape_cast %parallel_loop3A_1257 : vector<1x16xf32> to vector<16xf32>
        %parallel_loop3A_1259 = vector.shape_cast %parallel_loop3A_1110 : vector<16xf32> to vector<1x16xf32>
        tpu.vector_store %arg12[%parallel_loop3A_1255, %parallel_loop3A_1256], %parallel_loop3A_1259 {strides = array<i32>} : memref<2x3200xf32, #tpu.memory_space<vmem>>, vector<1x16xf32>,
        %parallel_loop3A_1260 = arith.constant 128 : i32
        %parallel_loop3A_1261 = arith.muli %parallel_loop3A_571, %parallel_loop3A_1260 : i32
        %parallel_loop3A_1262 = arith.constant 80 : i32
        %parallel_loop3A_1263 = arith.addi %parallel_loop3A_1261, %parallel_loop3A_1262 : i32
        %parallel_loop3A_1264 = arith.constant 1 : i32
        %parallel_loop3A_1265 = arith.index_cast %parallel_loop3A_1264 : i32 to index
        %parallel_loop3A_1266 = arith.index_cast %parallel_loop3A_1263 : i32 to index
        %parallel_loop3A_1267 = tpu.vector_load %arg12[%parallel_loop3A_1265, %parallel_loop3A_1266] {strides = array<i32>} : memref<2x3200xf32, #tpu.memory_space<vmem>>, vector<1x16xf32>,
        %parallel_loop3A_1268 = vector.shape_cast %parallel_loop3A_1267 : vector<1x16xf32> to vector<16xf32>
        %parallel_loop3A_1269 = vector.shape_cast %parallel_loop3A_1143 : vector<16xf32> to vector<1x16xf32>
        tpu.vector_store %arg12[%parallel_loop3A_1265, %parallel_loop3A_1266], %parallel_loop3A_1269 {strides = array<i32>} : memref<2x3200xf32, #tpu.memory_space<vmem>>, vector<1x16xf32>,
        %parallel_loop3A_1270 = arith.constant 128 : i32
        %parallel_loop3A_1271 = arith.muli %parallel_loop3A_571, %parallel_loop3A_1270 : i32
        %parallel_loop3A_1272 = arith.constant 96 : i32
        %parallel_loop3A_1273 = arith.addi %parallel_loop3A_1271, %parallel_loop3A_1272 : i32
        %parallel_loop3A_1274 = arith.constant 1 : i32
        %parallel_loop3A_1275 = arith.index_cast %parallel_loop3A_1274 : i32 to index
        %parallel_loop3A_1276 = arith.index_cast %parallel_loop3A_1273 : i32 to index
        %parallel_loop3A_1277 = tpu.vector_load %arg12[%parallel_loop3A_1275, %parallel_loop3A_1276] {strides = array<i32>} : memref<2x3200xf32, #tpu.memory_space<vmem>>, vector<1x16xf32>,
        %parallel_loop3A_1278 = vector.shape_cast %parallel_loop3A_1277 : vector<1x16xf32> to vector<16xf32>
        %parallel_loop3A_1279 = vector.shape_cast %parallel_loop3A_1176 : vector<16xf32> to vector<1x16xf32>
        tpu.vector_store %arg12[%parallel_loop3A_1275, %parallel_loop3A_1276], %parallel_loop3A_1279 {strides = array<i32>} : memref<2x3200xf32, #tpu.memory_space<vmem>>, vector<1x16xf32>,
        %parallel_loop3A_1280 = arith.constant 128 : i32
        %parallel_loop3A_1281 = arith.muli %parallel_loop3A_571, %parallel_loop3A_1280 : i32
        %parallel_loop3A_1282 = arith.constant 112 : i32
        %parallel_loop3A_1283 = arith.addi %parallel_loop3A_1281, %parallel_loop3A_1282 : i32
        %parallel_loop3A_1284 = arith.constant 1 : i32
        %parallel_loop3A_1285 = arith.index_cast %parallel_loop3A_1284 : i32 to index
        %parallel_loop3A_1286 = arith.index_cast %parallel_loop3A_1283 : i32 to index
        %parallel_loop3A_1287 = tpu.vector_load %arg12[%parallel_loop3A_1285, %parallel_loop3A_1286] {strides = array<i32>} : memref<2x3200xf32, #tpu.memory_space<vmem>>, vector<1x16xf32>,
        %parallel_loop3A_1288 = vector.shape_cast %parallel_loop3A_1287 : vector<1x16xf32> to vector<16xf32>
        %parallel_loop3A_1289 = vector.shape_cast %parallel_loop3A_1209 : vector<16xf32> to vector<1x16xf32>
        tpu.vector_store %arg12[%parallel_loop3A_1285, %parallel_loop3A_1286], %parallel_loop3A_1289 {strides = array<i32>} : memref<2x3200xf32, #tpu.memory_space<vmem>>, vector<1x16xf32>,
      } {sc.loop_unroll_factor = 2 : i64, sc.parallel_access}
      %add3A_542 = arith.addi %mul3A_2, %add3A_538 : i32
      %mul3A_543 = arith.constant 2 : i32
      %mul3A_544 = arith.muli %add3A_542, %mul3A_543 : i32
      "tpu.region"() ({
        %run_scoped3A = tpu.sem_alloc : memref<!tpu.dma_semaphore, #tpu.memory_space<semaphore_mem>>
        %dma_start3A_571 = arith.constant 0 : i32
        %dma_start3A_572 = tpu.memref_slice %arg5[%mul3A_544, %dma_start3A_571] : memref<10240x3200xf32, #tpu.memory_space<hbm>> -> memref<2x3200xf32, #tpu.memory_space<hbm>>
        %dma_start3A_573 = arith.constant 0 : i32
        %dma_start3A_574 = tpu.memref_slice %arg5[%mul3A_544, %dma_start3A_573] : memref<10240x3200xf32, #tpu.memory_space<hbm>> -> memref<2x3200xf32, #tpu.memory_space<hbm>>
        tpu.enqueue_dma source(%arg12 : memref<2x3200xf32, #tpu.memory_space<vmem>>) target(%dma_start3A_574 : memref<2x3200xf32, #tpu.memory_space<hbm>>) target_semaphore(%run_scoped3A : memref<!tpu.dma_semaphore, #tpu.memory_space<semaphore_mem>>)
        %dma_wait3A_575 = arith.constant 0 : i32
        %dma_wait3A_576 = tpu.memref_slice %arg5[%mul3A_544, %dma_wait3A_575] : memref<10240x3200xf32, #tpu.memory_space<hbm>> -> memref<2x3200xf32, #tpu.memory_space<hbm>>
        %dma_wait3A_577 = arith.constant 0 : i32
        %dma_wait3A_578 = tpu.memref_slice %arg5[%mul3A_544, %dma_wait3A_577] : memref<10240x3200xf32, #tpu.memory_space<hbm>> -> memref<2x3200xf32, #tpu.memory_space<hbm>>
        tpu.wait_dma2 semaphore(%run_scoped3A : memref<!tpu.dma_semaphore, #tpu.memory_space<semaphore_mem>>) src(%arg12 : memref<2x3200xf32, #tpu.memory_space<vmem>>) dst(%dma_wait3A_578 : memref<2x3200xf32, #tpu.memory_space<hbm>>)
        tpu.yield
      }) : () -> ()
      %dma_start3A_545 = arith.constant 1 : i32
      %dma_start3A_546 = arith.constant 0 : i32
      %dma_start3A_547 = arith.constant 0 : i32
      %dma_start3A_548 = arith.constant 0 : i32
      %dma_start3A_549 = arith.constant 0 : i32
      %dma_start3A_550 = tpu.memref_slice %arg11[%dma_start3A_547, %dma_start3A_548, %dma_start3A_549] : memref<2x75x128xf32, #tpu.memory_space<vmem>> -> memref<1x75x128xf32, #tpu.memory_space<vmem>>
      %dma_start3A_551 = tpu.memref_squeeze %dma_start3A_550 : memref<1x75x128xf32, #tpu.memory_space<vmem>> -> memref<75x128xf32, #tpu.memory_space<vmem>>
      %dma_start3A_552 = arith.constant 0 : i32
      %dma_start3A_553 = tpu.memref_slice %arg6[%dma_start3A_545, %dma_start3A_546, %dma_start3A_552] : memref<2x2x80xi32, #tpu.memory_space<vmem>> -> memref<1x1x75xi32, #tpu.memory_space<vmem>>
      %dma_start3A_554 = tpu.memref_squeeze %dma_start3A_553 : memref<1x1x75xi32, #tpu.memory_space<vmem>> -> memref<75xi32, #tpu.memory_space<vmem>>
      %dma_start3A_555 = arith.constant 0 : i32
      %dma_start3A_556 = arith.constant 0 : i32
      %dma_start3A_557 = tpu.memref_slice %arg13[%dma_start3A_555, %dma_start3A_556] : memref<10000x128xf32, #tpu.memory_space<vmem_shared>> -> memref<10000x128xf32, #tpu.memory_space<vmem_shared>>
      tpu.enqueue_indirect_dma source(%dma_start3A_557 : memref<10000x128xf32, #tpu.memory_space<vmem_shared>>) target(%dma_start3A_551 : memref<75x128xf32, #tpu.memory_space<vmem>>) offsets(%dma_start3A_554 : memref<75xi32, #tpu.memory_space<vmem>>) semaphore(%arg15 : memref<!tpu.dma_semaphore, #tpu.memory_space<semaphore_mem>>)
      %dma_start3A_558 = arith.constant 1 : i32
      %dma_start3A_559 = arith.constant 1 : i32
      %dma_start3A_560 = arith.constant 1 : i32
      %dma_start3A_561 = arith.constant 0 : i32
      %dma_start3A_562 = arith.constant 0 : i32
      %dma_start3A_563 = tpu.memref_slice %arg11[%dma_start3A_560, %dma_start3A_561, %dma_start3A_562] : memref<2x75x128xf32, #tpu.memory_space<vmem>> -> memref<1x75x128xf32, #tpu.memory_space<vmem>>
      %dma_start3A_564 = tpu.memref_squeeze %dma_start3A_563 : memref<1x75x128xf32, #tpu.memory_space<vmem>> -> memref<75x128xf32, #tpu.memory_space<vmem>>
      %dma_start3A_565 = arith.constant 0 : i32
      %dma_start3A_566 = tpu.memref_slice %arg6[%dma_start3A_558, %dma_start3A_559, %dma_start3A_565] : memref<2x2x80xi32, #tpu.memory_space<vmem>> -> memref<1x1x75xi32, #tpu.memory_space<vmem>>
      %dma_start3A_567 = tpu.memref_squeeze %dma_start3A_566 : memref<1x1x75xi32, #tpu.memory_space<vmem>> -> memref<75xi32, #tpu.memory_space<vmem>>
      %dma_start3A_568 = arith.constant 0 : i32
      %dma_start3A_569 = arith.constant 0 : i32
      %dma_start3A_570 = tpu.memref_slice %arg13[%dma_start3A_568, %dma_start3A_569] : memref<10000x128xf32, #tpu.memory_space<vmem_shared>> -> memref<10000x128xf32, #tpu.memory_space<vmem_shared>>
      tpu.enqueue_indirect_dma source(%dma_start3A_570 : memref<10000x128xf32, #tpu.memory_space<vmem_shared>>) target(%dma_start3A_564 : memref<75x128xf32, #tpu.memory_space<vmem>>) offsets(%dma_start3A_567 : memref<75xi32, #tpu.memory_space<vmem>>) semaphore(%arg15 : memref<!tpu.dma_semaphore, #tpu.memory_space<semaphore_mem>>)
    }
    %scan3A_164 = arith.constant 40 : i32
    %dma_wait3A = arith.constant 0 : i32
    %dma_wait3A_165 = arith.constant 0 : i32
    %dma_wait3A_166 = arith.constant 0 : i32
    %dma_wait3A_167 = arith.constant 0 : i32
    %dma_wait3A_168 = tpu.memref_slice %arg4[%dma_wait3A, %dma_wait3A_165, %dma_wait3A_166, %dma_wait3A_167] : memref<2560x2x2x96xf32, #tpu.memory_space<hbm>> -> memref<1x2x2x96xf32, #tpu.memory_space<hbm>>
    %dma_wait3A_169 = tpu.memref_squeeze %dma_wait3A_168 : memref<1x2x2x96xf32, #tpu.memory_space<hbm>> -> memref<2x2x96xf32, #tpu.memory_space<hbm>>
    %dma_wait3A_170 = arith.constant 0 : i32
    %dma_wait3A_171 = arith.constant 0 : i32
    %dma_wait3A_172 = arith.constant 0 : i32
    %dma_wait3A_173 = tpu.memref_slice %arg4[%dma_wait3A, %dma_wait3A_170, %dma_wait3A_171, %dma_wait3A_172] : memref<2560x2x2x96xf32, #tpu.memory_space<hbm>> -> memref<1x2x2x96xf32, #tpu.memory_space<hbm>>
    %dma_wait3A_174 = tpu.memref_squeeze %dma_wait3A_173 : memref<1x2x2x96xf32, #tpu.memory_space<hbm>> -> memref<2x2x96xf32, #tpu.memory_space<hbm>>
    tpu.wait_dma2 semaphore(%arg16 : memref<!tpu.dma_semaphore, #tpu.memory_space<semaphore_mem>>) src(%dma_wait3A_174 : memref<2x2x96xf32, #tpu.memory_space<hbm>>) dst(%arg8 : memref<2x2x96xf32, #tpu.memory_space<vmem>>)
    %dma_wait3A_175 = arith.constant 0 : i32
    %dma_wait3A_176 = arith.constant 0 : i32
    %dma_wait3A_177 = arith.constant 0 : i32
    %dma_wait3A_178 = arith.constant 0 : i32
    %dma_wait3A_179 = arith.constant 0 : i32
    %dma_wait3A_180 = tpu.memref_slice %arg10[%dma_wait3A_177, %dma_wait3A_178, %dma_wait3A_179] : memref<2x75x128xf32, #tpu.memory_space<vmem>> -> memref<1x75x128xf32, #tpu.memory_space<vmem>>
    %dma_wait3A_181 = tpu.memref_squeeze %dma_wait3A_180 : memref<1x75x128xf32, #tpu.memory_space<vmem>> -> memref<75x128xf32, #tpu.memory_space<vmem>>
    %dma_wait3A_182 = arith.constant 0 : i32
    %dma_wait3A_183 = tpu.memref_slice %arg6[%dma_wait3A_175, %dma_wait3A_176, %dma_wait3A_182] : memref<2x2x80xi32, #tpu.memory_space<vmem>> -> memref<1x1x75xi32, #tpu.memory_space<vmem>>
    %dma_wait3A_184 = tpu.memref_squeeze %dma_wait3A_183 : memref<1x1x75xi32, #tpu.memory_space<vmem>> -> memref<75xi32, #tpu.memory_space<vmem>>
    %dma_wait3A_185 = arith.constant 0 : i32
    %dma_wait3A_186 = arith.constant 0 : i32
    %dma_wait3A_187 = tpu.memref_slice %arg13[%dma_wait3A_185, %dma_wait3A_186] : memref<10000x128xf32, #tpu.memory_space<vmem_shared>> -> memref<10000x128xf32, #tpu.memory_space<vmem_shared>>
    tpu.wait_indirect_dma semaphore(%arg14 : memref<!tpu.dma_semaphore, #tpu.memory_space<semaphore_mem>>) src(%dma_wait3A_187 : memref<10000x128xf32, #tpu.memory_space<vmem_shared>>) dst(%dma_wait3A_181 : memref<75x128xf32, #tpu.memory_space<vmem>>)
    %dma_wait3A_188 = arith.constant 0 : i32
    %dma_wait3A_189 = arith.constant 1 : i32
    %dma_wait3A_190 = arith.constant 1 : i32
    %dma_wait3A_191 = arith.constant 0 : i32
    %dma_wait3A_192 = arith.constant 0 : i32
    %dma_wait3A_193 = tpu.memref_slice %arg10[%dma_wait3A_190, %dma_wait3A_191, %dma_wait3A_192] : memref<2x75x128xf32, #tpu.memory_space<vmem>> -> memref<1x75x128xf32, #tpu.memory_space<vmem>>
    %dma_wait3A_194 = tpu.memref_squeeze %dma_wait3A_193 : memref<1x75x128xf32, #tpu.memory_space<vmem>> -> memref<75x128xf32, #tpu.memory_space<vmem>>
    %dma_wait3A_195 = arith.constant 0 : i32
    %dma_wait3A_196 = tpu.memref_slice %arg6[%dma_wait3A_188, %dma_wait3A_189, %dma_wait3A_195] : memref<2x2x80xi32, #tpu.memory_space<vmem>> -> memref<1x1x75xi32, #tpu.memory_space<vmem>>
    %dma_wait3A_197 = tpu.memref_squeeze %dma_wait3A_196 : memref<1x1x75xi32, #tpu.memory_space<vmem>> -> memref<75xi32, #tpu.memory_space<vmem>>
    %dma_wait3A_198 = arith.constant 0 : i32
    %dma_wait3A_199 = arith.constant 0 : i32
    %dma_wait3A_200 = tpu.memref_slice %arg13[%dma_wait3A_198, %dma_wait3A_199] : memref<10000x128xf32, #tpu.memory_space<vmem_shared>> -> memref<10000x128xf32, #tpu.memory_space<vmem_shared>>
    tpu.wait_indirect_dma semaphore(%arg14 : memref<!tpu.dma_semaphore, #tpu.memory_space<semaphore_mem>>) src(%dma_wait3A_200 : memref<10000x128xf32, #tpu.memory_space<vmem_shared>>) dst(%dma_wait3A_194 : memref<75x128xf32, #tpu.memory_space<vmem>>)
    %dma_wait3A_201 = arith.constant 1 : i32
    %dma_wait3A_202 = arith.constant 0 : i32
    %dma_wait3A_203 = arith.constant 0 : i32
    %dma_wait3A_204 = arith.constant 0 : i32
    %dma_wait3A_205 = arith.constant 0 : i32
    %dma_wait3A_206 = tpu.memref_slice %arg11[%dma_wait3A_203, %dma_wait3A_204, %dma_wait3A_205] : memref<2x75x128xf32, #tpu.memory_space<vmem>> -> memref<1x75x128xf32, #tpu.memory_space<vmem>>
    %dma_wait3A_207 = tpu.memref_squeeze %dma_wait3A_206 : memref<1x75x128xf32, #tpu.memory_space<vmem>> -> memref<75x128xf32, #tpu.memory_space<vmem>>
    %dma_wait3A_208 = arith.constant 0 : i32
    %dma_wait3A_209 = tpu.memref_slice %arg6[%dma_wait3A_201, %dma_wait3A_202, %dma_wait3A_208] : memref<2x2x80xi32, #tpu.memory_space<vmem>> -> memref<1x1x75xi32, #tpu.memory_space<vmem>>
    %dma_wait3A_210 = tpu.memref_squeeze %dma_wait3A_209 : memref<1x1x75xi32, #tpu.memory_space<vmem>> -> memref<75xi32, #tpu.memory_space<vmem>>
    %dma_wait3A_211 = arith.constant 0 : i32
    %dma_wait3A_212 = arith.constant 0 : i32
    %dma_wait3A_213 = tpu.memref_slice %arg13[%dma_wait3A_211, %dma_wait3A_212] : memref<10000x128xf32, #tpu.memory_space<vmem_shared>> -> memref<10000x128xf32, #tpu.memory_space<vmem_shared>>
    tpu.wait_indirect_dma semaphore(%arg15 : memref<!tpu.dma_semaphore, #tpu.memory_space<semaphore_mem>>) src(%dma_wait3A_213 : memref<10000x128xf32, #tpu.memory_space<vmem_shared>>) dst(%dma_wait3A_207 : memref<75x128xf32, #tpu.memory_space<vmem>>)
    %dma_wait3A_214 = arith.constant 1 : i32
    %dma_wait3A_215 = arith.constant 1 : i32
    %dma_wait3A_216 = arith.constant 1 : i32
    %dma_wait3A_217 = arith.constant 0 : i32
    %dma_wait3A_218 = arith.constant 0 : i32
    %dma_wait3A_219 = tpu.memref_slice %arg11[%dma_wait3A_216, %dma_wait3A_217, %dma_wait3A_218] : memref<2x75x128xf32, #tpu.memory_space<vmem>> -> memref<1x75x128xf32, #tpu.memory_space<vmem>>
    %dma_wait3A_220 = tpu.memref_squeeze %dma_wait3A_219 : memref<1x75x128xf32, #tpu.memory_space<vmem>> -> memref<75x128xf32, #tpu.memory_space<vmem>>
    %dma_wait3A_221 = arith.constant 0 : i32
    %dma_wait3A_222 = tpu.memref_slice %arg6[%dma_wait3A_214, %dma_wait3A_215, %dma_wait3A_221] : memref<2x2x80xi32, #tpu.memory_space<vmem>> -> memref<1x1x75xi32, #tpu.memory_space<vmem>>
    %dma_wait3A_223 = tpu.memref_squeeze %dma_wait3A_222 : memref<1x1x75xi32, #tpu.memory_space<vmem>> -> memref<75xi32, #tpu.memory_space<vmem>>
    %dma_wait3A_224 = arith.constant 0 : i32
    %dma_wait3A_225 = arith.constant 0 : i32
    %dma_wait3A_226 = tpu.memref_slice %arg13[%dma_wait3A_224, %dma_wait3A_225] : memref<10000x128xf32, #tpu.memory_space<vmem_shared>> -> memref<10000x128xf32, #tpu.memory_space<vmem_shared>>
    tpu.wait_indirect_dma semaphore(%arg15 : memref<!tpu.dma_semaphore, #tpu.memory_space<semaphore_mem>>) src(%dma_wait3A_226 : memref<10000x128xf32, #tpu.memory_space<vmem_shared>>) dst(%dma_wait3A_220 : memref<75x128xf32, #tpu.memory_space<vmem>>)
    return
  }
}

module attributes {stable_mosaic.version = 14 : i64} {
  func.func @_mm_body(%arg0: i32, %arg1: memref<1000x3200xf32, #tpu.memory_space<vmem>>, %arg2: memref<3200x128xf32, #tpu.memory_space<vmem>>, %arg3: memref<1x128xf32, #tpu.memory_space<vmem>>, %arg4: memref<1000x128xf32, #tpu.memory_space<vmem>>) attributes {dimension_semantics = [#tpu.dimension_semantics<arbitrary>], iteration_bounds = array<i64: 10>, scalar_prefetch = 0 : i64, scratch_operands = 0 : i64, tpu.core_type = #tpu.core_type<tc>, window_params = [{transform_indices = @transform_0, window_bounds = array<i64: 1000, 3200>}, {pipeline_mode = #tpu.pipeline_mode<synchronous>, transform_indices = @transform_1, window_bounds = array<i64: 3200, 128>}, {pipeline_mode = #tpu.pipeline_mode<synchronous>, transform_indices = @transform_2, window_bounds = array<i64: 1, 128>}, {transform_indices = @transform_3, window_bounds = array<i64: 1000, 128>}]} {
    %get3A = arith.constant 0 : index
    %get3A_0 = arith.constant 0 : index
    %get3A_1 = vector.load %arg1[%get3A, %get3A_0] : memref<1000x3200xf32, #tpu.memory_space<vmem>>, vector<1000x3200xf32>
    %get3A_2 = arith.constant 0 : index
    %get3A_3 = arith.constant 0 : index
    %get3A_4 = vector.load %arg2[%get3A_2, %get3A_3] : memref<3200x128xf32, #tpu.memory_space<vmem>>, vector<3200x128xf32>
    %dot_general3A = arith.constant dense<0.000000e+00> : vector<1000x128xf32>
    %dot_general3A_5 = tpu.matmul %get3A_1, %get3A_4, %dot_general3A {dimension_numbers = #tpu.dot_dimension_numbers<[1], [0], [0], [1], [0, 0, 1, 1], [], []>, transpose_lhs_hint = false} : vector<1000x3200xf32>, vector<3200x128xf32>, vector<1000x128xf32> -> vector<1000x128xf32>
    %get3A_6 = arith.constant 0 : index
    %get3A_7 = arith.constant 0 : index
    %get3A_8 = vector.load %arg3[%get3A_6, %get3A_7] : memref<1x128xf32, #tpu.memory_space<vmem>>, vector<1x128xf32>
    %add3A = vector.broadcast %get3A_8 : vector<1x128xf32> to vector<1000x128xf32>
    %add3A_9 = arith.addf %dot_general3A_5, %add3A : vector<1000x128xf32>
    %swap3A = arith.constant 0 : index
    %swap3A_10 = arith.constant 0 : index
    %swap3A_11 = vector.load %arg4[%swap3A, %swap3A_10] : memref<1000x128xf32, #tpu.memory_space<vmem>>, vector<1000x128xf32>
    tpu.vector_store %arg4[%swap3A, %swap3A_10], %add3A_9 {strides = array<i32>} : memref<1000x128xf32, #tpu.memory_space<vmem>>, vector<1000x128xf32>,
    return
  }
  func.func @transform_0(%arg0: i32) -> (i32, i32) {
    %c0_i32 = arith.constant 0 : i32
    %c0_i32_0 = arith.constant 0 : i32
    return %arg0, %c0_i32 : i32, i32
  }
  func.func @transform_1(%arg0: i32) -> (i32, i32) {
    %c0_i32 = arith.constant 0 : i32
    %c0_i32_0 = arith.constant 0 : i32
    %c0_i32_1 = arith.constant 0 : i32
    return %c0_i32, %c0_i32_0 : i32, i32
  }
  func.func @transform_2(%arg0: i32) -> (i32, i32) {
    %c0_i32 = arith.constant 0 : i32
    %c0_i32_0 = arith.constant 0 : i32
    %c0_i32_1 = arith.constant 0 : i32
    return %c0_i32, %c0_i32_0 : i32, i32
  }
  func.func @transform_3(%arg0: i32) -> (i32, i32) {
    %c0_i32 = arith.constant 0 : i32
    %c0_i32_0 = arith.constant 0 : i32
    return %arg0, %c0_i32 : i32, i32
  }
}

</mosaic_0001>

<sc_bundles>
// kernel: kernel.4.cloned.1.call-start
scs
__scs_entry_jumppad:
0x0: {  	(pc) =	sbr.rel $0x88, $3  }
0x1: {  	(tag) =	ssettag $0x0;
	lr =	simm.s32 $0x1  }
0x2: {  	[smem:$0x3F9C] =	sst lr;
	_ =	strace $0xD0000000  }
0x3: {  	_ = 	snop  }
0x4: {  	_ = 	snop  }
0x5: {  	_ = 	snop  }
0x6: {  	_ = 	snop  }
0x7: {  	_ = 	snop  }
__scs_overlays_trampoline_lowered:
0x8: {  	[smem:$0x3FAB] =	sst s0  }
0x9: {  	[smem:$0x3FAC] =	sst s1  }
0xa: {  	[smem:$0x3FAD] =	sst s2  }
0xb: {  	[smem:$0x3FAE] =	sst s3  }
0xc: {  	[smem:$0x3FAF] =	sst s4  }
0xd: {  	[smem:$0x3FB0] =	sst s5  }
0xe: {  	[smem:$0x3FB1] =	sst s6  }
0xf: {  	[smem:$0x3FB2] =	sst s7  }
0x10: {  	[smem:$0x3FB3] =	sst s8  }
0x11: {  	[smem:$0x3FB4] =	sst s9;
	s0 =	simm.s32 @!p0 $0x0  }
0x12: {  	s1 =	sld [smem:$0x3F9A];
	s0 =	simm.s32 @p0 $0x1  }
0x13: {  	[smem:$0x3FB5] =	sst s0;
	s0 =	simm.s32 @!p1 $0x0  }
0x14: {  	s2 =	sld [smem:$0x3F99];
	s0 =	simm.s32 @p1 $0x1  }
0x15: {  	[smem:$0x3FB6] =	sst s0;
	s0 =	simm.s32 @!p2 $0x0  }
0x16: {  	s3 =	sld [smem:$0x3FDB];
	s0 =	simm.s32 @p2 $0x1  }
0x17: {  	s4 =	simm.s32 $0x1BF5;
	[smem:$0x3FB8] =	sst s0  }
0x18: {  	s0 =	sld [smem:$0x3F9B];
	_ =	swait.ge [sflag:s4], $0x0  }
0x19: {  	s7 =	sld [smem:$0x3F9C]  }
0x1a: {  	s8 =	sadd.s32 $0xFFFFE003, lr  }
0x1b: {  	s9 =	sadd.s32 $0xFFFFFEF7, lr;
	s5 =	simm.s32 $0xFFFFFFFF;
	p2 =	slt.u32 s8, $0xFFFFF086  }
0x1c: {  	p1 =	slt.u32 s9, $0xF7A;
	s5 =	simm.s32 @!p2 $0x0  }
0x1d: {  	s5 =	simm.s32 @p1 $0x1;
	p0 =	seq.s32 s7, s2  }
0x1e: {  	s7 =	smul.u32 @!p0 $0xF7A, s2;
	p2 =	seq.s32 @!p0 s5, $0x0  }
0x1f: {  	s9 =	smul.u32 $0xF7A, s1;
	s8 =	simm.s32 @!p0 $0x1BF5;
	p2 =	por !p2, p0  }
0x20: {  	[sflag:s8] =	ssyncset.s32 @!p0 $0xFFFFF086;
	s6 =	sadd.s32 @!p0 s3, s7;
	s7 =	simm.s32 @!p0 $0x108  }
0x21: {  	s3 =	sadd.s32 s3, s9;
	s6 =	sadd.s32 @!p0 $0x88, s6;
	s7 =	simm.s32 @p2 $0x1082  }
0x22: {  	[simem:s7], [sflag:s8] =	dma.local @!p0 [hbm:s6], $0xF7A  }
0x23: {  	s9 =	sor.u32 $0xD0000000, s2;
	s6 =	simm.s32 $0x108;
	_ =	swait.ge @!p0 [sflag:s8], $0x0  }
0x24: {  	s3 =	sadd.s32 $0x88, s3;
	s6 =	simm.s32 @!p1 $0x1082;
	[sflag:s4] =	ssyncset.s32 $0xFFFFF086  }
0x25: {  	[simem:s6], [sflag:s4] =	dma.local [hbm:s3], $0xF7A  }
0x26: {  	[smem:$0x3F9C] =	sst s1;
	(tag) =	ssettag s2;
	_ =	strace s9  }
0x27: {  	s1 =	sld [smem:$0x3FAC]  }
0x28: {  	s2 =	sld [smem:$0x3FAD]  }
0x29: {  	s4 =	sld [smem:$0x3FAF]  }
0x2a: {  	p0 =	seq.s32 s5, $0x0;
	s5 =	sld [smem:$0x3FB0]  }
0x2b: {  	s6 =	sld [smem:$0x3FB1]  }
0x2c: {  	s7 =	sld [smem:$0x3FB2]  }
0x2d: {  	s3 =	simm.s32 $0x108;
	s8 =	sld [smem:$0x3FB3]  }
0x2e: {  	s3 =	simm.s32 @!p0 $0x1082;
	s9 =	sld [smem:$0x3FB4]  }
0x2f: {  	lr =	sadd.s32 s0, s3;
	s0 =	sld [smem:$0x3FAB]  }
0x30: {  	s3 =	sld [smem:$0x3FAE]  }
0x31: {  	[smem:$0x3FB7] =	sst s10  }
0x32: {  	s10 =	sld [smem:$0x3FB5];
	_ =	sdelay $0x3  }
0x33: {  	p0 =	seq.s32 s10, $0x1;
	s10 =	sld [smem:$0x3FB7];
	_ =	sdelay $0x3  }
0x34: {  	[smem:$0x3FB7] =	sst s10  }
0x35: {  	s10 =	sld [smem:$0x3FB6];
	_ =	sdelay $0x3  }
0x36: {  	p1 =	seq.s32 s10, $0x1;
	s10 =	sld [smem:$0x3FB7];
	_ =	sdelay $0x3  }
0x37: {  	[smem:$0x3FB7] =	sst s10  }
0x38: {  	s10 =	sld [smem:$0x3FB8]  }
0x39: {  	_ = 	snop;
	(pc) =	sbr.ind lr, $3  }
0x3a: {  	_ = 	snop  }
0x3b: {  	_ = 	snop  }
0x3c: {  	p2 =	seq.s32 s10, $0x1;
	s10 =	sld [smem:$0x3FB7]  }
0x3d: {  	_ =	shalt  }
0x3e: {  	_ =	shalt  }
0x3f: {  	_ =	shalt  }
0x40: {  	_ =	shalt  }
0x41: {  	_ =	shalt  }
0x42: {  	_ =	shalt  }
0x43: {  	_ =	shalt  }
0x44: {  	_ =	shalt  }
0x45: {  	_ =	shalt  }
0x46: {  	_ =	shalt  }
0x47: {  	_ =	shalt  }
0x48: {  	_ =	shalt  }
0x49: {  	_ =	shalt  }
0x4a: {  	_ =	shalt  }
0x4b: {  	_ =	shalt  }
0x4c: {  	_ =	shalt  }
0x4d: {  	_ =	shalt  }
0x4e: {  	_ =	shalt  }
0x4f: {  	_ =	shalt  }
0x50: {  	_ =	shalt  }
0x51: {  	_ =	shalt  }
0x52: {  	_ =	shalt  }
0x53: {  	_ =	shalt  }
0x54: {  	_ =	shalt  }
0x55: {  	_ =	shalt  }
0x56: {  	_ =	shalt  }
0x57: {  	_ =	shalt  }
0x58: {  	_ =	shalt  }
0x59: {  	_ =	shalt  }
0x5a: {  	_ =	shalt  }
0x5b: {  	_ =	shalt  }
0x5c: {  	_ =	shalt  }
0x5d: {  	_ =	shalt  }
0x5e: {  	_ =	shalt  }
0x5f: {  	_ =	shalt  }
0x60: {  	_ =	shalt  }
0x61: {  	_ =	shalt  }
0x62: {  	_ =	shalt  }
0x63: {  	_ =	shalt  }
0x64: {  	_ =	shalt  }
0x65: {  	_ =	shalt  }
0x66: {  	_ =	shalt  }
0x67: {  	_ =	shalt  }
0x68: {  	_ =	shalt  }
0x69: {  	_ =	shalt  }
0x6a: {  	_ =	shalt  }
0x6b: {  	_ =	shalt  }
0x6c: {  	_ =	shalt  }
0x6d: {  	_ =	shalt  }
0x6e: {  	_ =	shalt  }
0x6f: {  	_ =	shalt  }
0x70: {  	_ =	shalt  }
0x71: {  	_ =	shalt  }
0x72: {  	_ =	shalt  }
0x73: {  	_ =	shalt  }
0x74: {  	_ =	shalt  }
0x75: {  	_ =	shalt  }
0x76: {  	_ =	shalt  }
0x77: {  	_ =	shalt  }
0x78: {  	_ =	shalt  }
0x79: {  	_ =	shalt  }
0x7a: {  	_ =	shalt  }
0x7b: {  	_ =	shalt  }
0x7c: {  	_ =	shalt  }
0x7d: {  	_ =	shalt  }
0x7e: {  	_ =	shalt  }
0x7f: {  	_ =	shalt  }
0x80: {  	_ =	shalt  }
0x81: {  	_ =	shalt  }
0x82: {  	_ =	shalt  }
0x83: {  	_ =	shalt  }
0x84: {  	_ =	shalt  }
0x85: {  	_ =	shalt  }
0x86: {  	_ =	shalt  }
0x87: {  	_ =	shalt  }
.Lfunc_end0:
.L_simem_size_0:
called_computation_lowered:
.L_overlay_start_0:
0x88: {  	s2 =	sld [smem:$0x3FD9]  }
0x89: {  	s3 =	sld [smem:$0x3FFE];
	_ =	sdelay $0x1  }
0x8a: {  	s1 =	srdreg.scid  }
0x8b: {  	s0 =	sand.u32 $0x1, s1  }
0x8c: {  	s17 =	sshll.u32 s0, $0xA;
	s2 =	sadd.s32 s3, s2  }
0x8d: {  	s2 =	sadd.s32 s2, s17  }
0x8e: {  	[smem:$0x3FC3] =	sst s2  }
0x8f: {  	_ = 	snop  }
0x90: {  	s2 =	sld [smem:$0x3FC9];
	(tm) =	ssettm $0x1  }
0x91: {  	s18 =	sld [smem:$0x3FFB];
	_ =	sdelay $0x3  }
0x92: {  	_ =	strace s18  }
0x93: {  	s3 =	sld [smem:$0x3FFC];
	_ =	sdelay $0x3  }
0x94: {  	_ =	strace s3  }
0x95: {  	s3 =	sld [smem:$0x3FFD];
	_ =	sdelay $0x3  }
0x96: {  	_ =	strace s3  }
0x97: {  	_ =	strace $0x8FFFFFFF  }
0x98: {  	s19 =	sld [smem:$0x3FDB];
	_ =	sdelay $0x1  }
0x99: {  	s4 =	simm.s32 $_scs_section_size  }
0x9a: {  	s5 =	simm.s32 $_size__tile_overlayer_lowered;
	s6 =	simm.s32 $_tile_overlayer_lowered  }
0x9b: {  	s22 =	simm.s32 $0x1BFF;
	s21 =	sshll.u32 s6, $0x1;
	s3 =	sadd.s32 s4, s19  }
0x9c: {  	s7 =	simm.s32 $0x0;
	s20 =	sshll.u32 s5, $0x1;
	s5 =	sadd.s32 s21, s3  }
0x9d: {  	[timem:s7], [sflag:s22] =	dma.local [hbm:s5], s20  }
0x9e: {  	_ =	swait.ge [sflag:s22], s20  }
0x9f: {  	s4 =	ssub.s32 $0x0, s20;
	[sflag:s22] =	ssyncset.done $0x0  }
0xa0: {  	[sflag:s22] =	ssyncadd.s32 s4;
	_ =	sdelay $0x1  }
0xa1: {  	s23 =	simm.s32 $0x1B8B  }
0xa2: {  	_ =	swait.ge [sflag:s23], $0x1  }
0xa3: {  	[sflag:s23] =	ssyncset.done $0x0  }
0xa4: {  	s25 =	simm.s32 $0x1B8E;
	s24 =	sld [smem:$0x3FFE];
	[sflag:s23] =	ssyncadd.s32 $0xFFFFFFFF  }
0xa5: {  	s26 =	simm.s32 $execute0_lowered;
	[smem:$0x3FD2] =	sst s25  }
0xa6: {  	s5 =	sshll.u32 s26, $0x1;
	_ =	strace $0x80000046;
	[dreg:$0x1] =	wrdreg $0xFFFFFFFF  }
0xa7: {  	s28 =	simm.s32 $_size_execute0_lowered;
	s3 =	sadd.s32 s3, s5;
	[dreg:$0x0] =	wrdreg $0x0  }
0xa8: {  	s5 =	sshll.u32 s28, $0x1;
	[dreg:$0x2] =	wrdreg s3  }
0xa9: {  	[dreg:$0x3] =	wrdreg s5  }
0xaa: {  	[dreg:$0x4] =	wrdreg $0xC0  }
0xab: {  	_ =	task [dreg:s7], $0x5FFFF  }
0xac: {  	[dreg:$0x1] =	wrdreg $0xFFFFFFFF  }
0xad: {  	[dreg:$0x0] =	wrdreg $0x60  }
0xae: {  	[dreg:$0x2] =	wrdreg s2  }
0xaf: {  	[dreg:$0x3] =	wrdreg s24  }
0xb0: {  	[dreg:$0x4] =	wrdreg $0xC1000  }
0xb1: {  	[dreg:$0x5] =	wrdreg $0x9  }
0xb2: {  	_ =	task.clear_ibuf [dreg:s7], $0x6FFFF;
	_ =	strace $0x90000046  }
0xb3: {  	s29 =	simm.s32 $0x9;
	_ =	strace $0x80000048  }
0xb4: {  	_ =	swait.ge [sflag:s29], $0x1  }
0xb5: {  	[sflag:s29] =	ssyncadd.s32 $0xFFFFFFFF  }
0xb6: {  	_ =	strace $0x90000048  }
0xb7: {  	_ =	sfence  }
0xb8: {  	s30 =	sld [smem:$0x0];
	_ =	sdelay $0x2  }
0xb9: {  	s31 =	sshll.u32 s1, $0xD;
	s1 =	sshrl.u32 s1, $0x2  }
0xba: {  	s3 =	sand.u32 $0x4000, s31;
	s1 =	sadd.s32 s1, s30  }
0xbb: {  	s0 =	sor.u32 s3, s0;
	s1 =	sshll.u32 s1, $0x11  }
0xbc: {  	s0 =	sor.u32 s1, s0  }
0xbd: {  	s0 =	sadd.s32 $0x8F2B, s0  }
0xbe: {  	[sflag:s0] =	ssyncadd.remote.s32 $0x1  }
0xbf: {  	_ =	sfence.sel $0xFFFF  }
0xc0: {  	[dreg:$0x0] =	wrdreg $0xFFFFFFFF;
	(pc) =	sbr.abs _section_cstart, $3  }
0xc1: {  	[dreg:$0x1] =	wrdreg $0xFFFFFFFF  }
0xc2: {  	_ =	task.clear_ibuf [dreg:s7], $0x2FFFF;
	_ =	strace $0x9FFFFFFF  }
0xc3: {  	(tm) =	ssettm $0x7FFFFFFF  }
tec
execute0_lowered:
.L_overlay_start_1:
0x0: {  	(tag) =	ssettag $0x1  }
0x1: {  	s0 =	rddreg [dreg:$0x1]  }
0x2: {  	s2 =	rddreg [dreg:$0x2]  }
0x3: {  	s1 =	srdreg.scid;
	s6 =	stileid.u32  }
0x4: {  	s3 =	simm.s32 $0x0;
	s17 =	simm.s32 $0x5;
	s18 =	simm.s32 $0x400  }
0x5: {  	s19 =	simm.s32 $0x4B;
	s20 =	simm.s32 $0x800;
	s22 =	simm.s32 $0x3000  }
0x6: {  	s23 =	simm.s32 $0x100;
	s28 =	simm.s32 $0x200;
	s30 =	simm.s32 $0x3  }
0x7: {  	s31 =	simm.s32 $0x1;
	s16 =	simm.s32 $0x4;
	s1 =	sand.u32 $0x1, s1  }
0x8: {  	s4 =	sshll.u32 s6, $0x1;
	[smem:$0x7FF] =	sst s3;
	s10 =	sadd.s32 $0x50A00, s0  }
0x9: {  	s11 =	sadd.s32 $0x50A20, s0;
	s12 =	sadd.s32 $0x50A40, s0;
	s13 =	sadd.s32 $0x50A60, s0  }
0xa: {  	p0 =	sne.s32 s6, $0x0;
	s6 =	simm.s32 $0x0;
	s5 =	sor.u32 s1, s4  }
0xb: {  	v0 =	vimm.s32 $0x24924924;
	_ =	strace $0x80000047;
	s1 =	ssub.s32 $0x2, s1;
	s7 =	smul.u32 $0xA0, s5  }
0xc: {  	v1 =	vimm.s32 $0x49249249;
	v2 =	vimm.s32 $0x92492492;
	s4 =	sadd.s32 $0x28A00, s0;
	[dreg:$0x4] =	wrdreg s10;
	s9 =	smul.u32 $0x1400, s5  }
0xd: {  	v0 =	vunpack.c.l.s2.s4 v0;
	v1 =	vunpack.c.l.s2.s4 v1;
	v2 =	vunpack.c.l.s2.s4 v2;
	s8 =	sshrl.u32 s1, $0x1;
	s5 =	sadd.s32 $0xA00, s0;
	s0 =	sshrl.u32 @!p0 s2, $0x3  }
0xe: {  	s1 =	ssub.s32 s1, s8;
	[dreg:$0xa] =	wrdreg s0;
	s25 =	sadd.s32 s4, s9  }
0xf: {  	v0 =	vunpack.c.l.s4.s8 v0;
	v1 =	vunpack.c.l.s4.s8 v1;
	v2 =	vunpack.c.l.s4.s8 v2;
	s0 =	simm.s32 $0xA800;
	s9 =	sadd.s32 s5, s9;
	[dreg:$0x5] =	wrdreg s25  }
0x10: {  	s24 =	sshrl.u32 s7, $0x1;
	s7 =	sshrl.u32 s7, $0x2;
	[dreg:$0x6] =	wrdreg s9  }
0x11: {  	s29 =	smax.u32 s1, $0x1;
	v0 =	vunpack.c.0.s8.s32 v0;
	v1 =	vunpack.c.0.s8.s32 v1;
	v2 =	vunpack.c.0.s8.s32 v2;
	s26 =	sor.u32 $0x1, s24;
	[dreg:$0x8] =	wrdreg s7  }
0x12: {  	s14 =	sor.u32 $0x2, s24;
	[dreg:$0x9] =	wrdreg s29;
	s24 =	simm.s32 $0x5800  }
0x13: {  	s7 =	simm.s32 $0x2;
	[dreg:$0x7] =	wrdreg s26;
	s26 =	simm.s32 $0x8000;
	v0 =	vand.u32 $0x3, v0;
	v1 =	vand.u32 $0x3, v1;
	v2 =	vand.u32 $0x3, v2  }
.LBB2_1:
0x14: {  	[dreg:$0xb] =	wrdreg s6  }
0x15: {  	s6 =	rddreg [dreg:$0x0]  }
0x16: {  	s1 =	simm.s32 @!p0 $0x1C05;
	s8 =	rddreg [dreg:$0xa]  }
0x17: {  	[spmem:s8], [sflag:s1] =	dma.local @!p0 [hbm:s6], $0x27100  }
0x18: {  	s1 =	simm.s32 @!p0 $0x5  }
0x19: {  	_ =	swait.ge @!p0 [sflag:s1], $0x27100  }
0x1a: {  	[sflag:s1] =	ssyncset.done @!p0 $0x0  }
0x1b: {  	[sflag:s1] =	ssyncadd.s32 @!p0 $0xFFFD8F00  }
0x1c: {  	[bflag:$0x0] =	sbarrier.arrive $0xFFFF  }
0x1d: {  	s10 =	rddreg [dreg:$0x5]  }
0x1e: {  	[tilespmem:s3], [sflag:$0x5] =	stream.linear.gather [hbm4b:s10+s3], $0x200, $0x38;
	[tilespmem:$0x1F980] =	vst v63  }
0x1f: {  	_ =	swait.ge [sflag:s17], $0x200  }
0x20: {  	[sflag:s17] =	ssyncset.done $0x0  }
0x21: {  	s15 =	rddreg [dreg:$0x6];
	[sflag:s17] =	ssyncadd.s32 $0xFFFFFE00  }
0x22: {  	[tilespmem:s18], [sflag:$0x3] =	stream.linear.gather [hbm4b:s15+s3], $0x200, $0x38;
	[tilespmem:$0x1F980] =	vst v63  }
0x23: {  	_ = 	snop  }
0x24: {  	[tilespmem:s20], [sflag:$0x1] =	stream.indirect.gather [spmem:s2], $0x80, s3, s19, $0xb8;
	[tilespmem:$0x1F980] =	vst v63  }
0x25: {  	s21 =	simm.s32 $0x80  }
0x26: {  	[tilespmem:s22], [sflag:$0x1] =	stream.indirect.gather [spmem:s2], $0x80, s21, s19, $0xb8;
	[tilespmem:$0x1F980] =	vst v63  }
0x27: {  	_ = 	snop  }
0x28: {  	[tilespmem:s24], [sflag:$0x2] =	stream.indirect.gather [spmem:s2], $0x80, s23, s19, $0xb8;
	[tilespmem:$0x1F980] =	vst v63  }
0x29: {  	s25 =	simm.s32 $0x180;
	s29 =	simm.s32 $0x0  }
0x2a: {  	[tilespmem:s26], [sflag:$0x2] =	stream.indirect.gather [spmem:s2], $0x80, s25, s19, $0xb8;
	[tilespmem:$0x1F980] =	vst v63  }
.LBB2_2:
0x2b: {  	s8 =	sshll.u32 s29, $0x1;
	s1 =	rddreg [dreg:$0x7]  }
0x2c: {  	s1 =	sadd.s32 s8, s1  }
0x2d: {  	s1 =	sshll.u32 s1, $0x6  }
0x2e: {  	s6 =	sadd.s32 s4, s1  }
0x2f: {  	[tilespmem:s28], [sflag:$0x5] =	stream.linear.gather [hbm4b:s6+s3], $0x200, $0x38;
	[tilespmem:$0x1F980] =	vst v63  }
0x30: {  	_ =	swait.ge [sflag:s17], $0x200  }
0x31: {  	[sflag:s17] =	ssyncset.done $0x0  }
0x32: {  	s25 =	simm.s32 $0x600;
	s1 =	sadd.s32 s5, s1;
	[sflag:s17] =	ssyncadd.s32 $0xFFFFFE00  }
0x33: {  	[tilespmem:s25], [sflag:$0x4] =	stream.linear.gather [hbm4b:s1+s3], $0x200, $0x38;
	[tilespmem:$0x1F980] =	vst v63  }
0x34: {  	_ =	swait.ge [sflag:s30], $0x200  }
0x35: {  	[sflag:s30] =	ssyncset.done $0x0  }
0x36: {  	[sflag:s30] =	ssyncadd.s32 $0xFFFFFE00  }
0x37: {  	_ =	swait.ge [sflag:s31], $0x2580  }
0x38: {  	[sflag:s31] =	ssyncset.done $0x0  }
0x39: {  	[sflag:s31] =	ssyncadd.s32 $0xFFFFDA80  }
0x3a: {  	_ =	swait.ge [sflag:s31], $0x2580  }
0x3b: {  	[sflag:s31] =	ssyncset.done $0x0  }
0x3c: {  	s1 =	simm.s32 $0x32F0;
	[sflag:s31] =	ssyncadd.s32 $0xFFFFDA80  }
0x3d: {  	v3 =	vld [tilespmem:s1+$0xFFFFD790]  }
0x3e: {  	v4 =	vld [tilespmem:s1+$0xFFFFD7A0]  }
0x3f: {  	v5 =	vld [tilespmem:s1+$0xFFFFD7B0]  }
0x40: {  	v6 =	vld [tilespmem:s1+$0xFFFFD7C0]  }
0x41: {  	v7 =	vld [tilespmem:s1+$0xFFFFD7D0]  }
0x42: {  	v8 =	vld [tilespmem:s1+$0xFFFFD7E0]  }
0x43: {  	v9 =	vld [tilespmem:s1+$0xFFFFD690]  }
0x44: {  	s15 =	simm.s32 $0x480;
	v10 =	vld [tilespmem:s1+$0xFFFFD710]  }
0x45: {  	v11 =	vld [tilespmem:s15+$0xFFFFFF83]  }
0x46: {  	v12 =	vld [tilespmem:s1+$0xFFFFD6A0]  }
0x47: {  	v13 =	vld [tilespmem:s1+$0xFFFFD720]  }
0x48: {  	v14 =	vld [tilespmem:s1+$0xFFFFD6B0]  }
0x49: {  	v15 =	vld [tilespmem:s1+$0xFFFFD730]  }
0x4a: {  	v18 =	vld [tilespmem:s1+$0xFFFFD6C0]  }
0x4b: {  	v19 =	vld [tilespmem:s1+$0xFFFFD740]  }
0x4c: {  	v20 =	vld [tilespmem:s1+$0xFFFFD6D0]  }
0x4d: {  	v21 =	vld [tilespmem:s1+$0xFFFFD750]  }
0x4e: {  	v22 =	vld [tilespmem:s1+$0xFFFFD6E0]  }
0x4f: {  	v23 =	vld [tilespmem:s1+$0xFFFFD760]  }
0x50: {  	v24 =	vld [tilespmem:s1+$0xFFFFD6F0]  }
0x51: {  	v25 =	vld [tilespmem:s1+$0xFFFFD770]  }
0x52: {  	v26 =	vld [tilespmem:s1+$0xFFFFD700]  }
0x53: {  	v51 =	vld [tilespmem:s1+$0xFFFFD780]  }
0x54: {  	v53 =	vld [tilespmem:s1+$0xFFFFD7F0]  }
0x55: {  	v54 =	vld [tilespmem:s15+$0xFFFFFF80]  }
0x56: {  	v55 =	vld [tilespmem:s1+$0xFFFFD590]  }
0x57: {  	v28 =	vld [tilespmem:s1+$0xFFFFD550]  }
0x58: {  	v29 =	vld [tilespmem:s1+$0xFFFFD5D0]  }
0x59: {  	v30 =	vld [tilespmem:s1+$0xFFFFD560]  }
0x5a: {  	v31 =	vld [tilespmem:s1+$0xFFFFD5E0];
	v16 =	vperm.xlane v11, v1;
	v17 =	vperm.xlane v11, v2  }
0x5b: {  	v33 =	vld [tilespmem:s1+$0xFFFFD570];
	v11 =	vperm.xlane v11, v0  }
0x5c: {  	v35 =	vld [tilespmem:s1+$0xFFFFD5F0];
	v3 =	vmul.f32 v3, v16;
	v4 =	vmul.f32 v4, v17  }
0x5d: {  	v36 =	vld [tilespmem:s1+$0xFFFFD580];
	v5 =	vmul.f32 v5, v11;
	v6 =	vmul.f32 v6, v16  }
0x5e: {  	v37 =	vld [tilespmem:s1+$0xFFFFD600];
	v7 =	vmul.f32 v7, v17;
	v8 =	vmul.f32 v8, v11  }
0x5f: {  	v38 =	vld [tilespmem:s1+$0xFFFFD610];
	v9 =	vmul.f32 v9, v11;
	v10 =	vmul.f32 v10, v17  }
0x60: {  	v60 =	vld [tilespmem:s1+$0xFFFFD620];
	v12 =	vmul.f32 v12, v16;
	v13 =	vmul.f32 v13, v11  }
0x61: {  	v61 =	vld [tilespmem:s1+$0xFFFFD630];
	v14 =	vmul.f32 v14, v17;
	v15 =	vmul.f32 v15, v16  }
0x62: {  	v63 =	vld [tilespmem:s1+$0xFFFFD640];
	v18 =	vmul.f32 v18, v11;
	v19 =	vmul.f32 v19, v17  }
0x63: {  	v41 =	vld [tilespmem:s1+$0xFFFFD650];
	v50 =	vmul.f32 v21, v11;
	v52 =	vmul.f32 v23, v16;
	v9 =	vadd.f32 v10, v9  }
0x64: {  	v43 =	vld [tilespmem:s1+$0xFFFFD660];
	v10 =	vmul.f32 v20, v16;
	v12 =	vadd.f32 v13, v12;
	v13 =	vmul.f32 v22, v17  }
0x65: {  	v3 =	vadd.f32 v3, v9;
	v9 =	vadd.f32 v15, v14;
	v14 =	vmul.f32 v24, v11;
	v15 =	vld [tilespmem:s1+$0xFFFFD800]  }
0x66: {  	s21 =	simm.s32 $0xA900;
	v45 =	vld [tilespmem:s1+$0xFFFFD670];
	v4 =	vadd.f32 v4, v12;
	v12 =	vadd.f32 v19, v18;
	v18 =	vmul.f32 v25, v17  }
0x67: {  	v46 =	vld [tilespmem:s1+$0xFFFFD680];
	v11 =	vmul.f32 v51, v11;
	v5 =	vadd.f32 v5, v9;
	v9 =	vadd.f32 v50, v10;
	[tilespmem:s21+$0x0] =	vst v3  }
0x68: {  	v19 =	vld [tilespmem:s1+$0xFFFFD510];
	v10 =	vmul.f32 v26, v16;
	v3 =	vadd.f32 v6, v12;
	v6 =	vadd.f32 v52, v13;
	[tilespmem:s21+$0x10] =	vst v4  }
0x69: {  	v4 =	vld [tilespmem:s1+$0xFFFFD520];
	v12 =	vmul.f32 v53, v16;
	v7 =	vadd.f32 v7, v9;
	v9 =	vadd.f32 v18, v14;
	[tilespmem:s21+$0x20] =	vst v5  }
0x6a: {  	v5 =	vld [tilespmem:s1+$0xFFFFD5A0];
	v6 =	vadd.f32 v8, v6;
	v8 =	vadd.f32 v11, v10;
	[tilespmem:s21+$0x30] =	vst v3;
	v10 =	vmul.f32 v15, v17  }
0x6b: {  	v11 =	vld [tilespmem:s1+$0xFFFFD530];
	v3 =	vadd.f32 v12, v9;
	[tilespmem:s21+$0x40] =	vst v7  }
0x6c: {  	v7 =	vld [tilespmem:s1+$0xFFFFD5B0];
	[tilespmem:s21+$0x50] =	vst v6;
	v8 =	vadd.f32 v10, v8  }
0x6d: {  	v6 =	vld [tilespmem:s1+$0xFFFFD540];
	[tilespmem:s21+$0x60] =	vst v3  }
0x6e: {  	v9 =	vld [tilespmem:s1+$0xFFFFD5C0];
	[tilespmem:s21+$0x70] =	vst v8  }
0x6f: {  	v8 =	vld [tilespmem:s1+$0xFFFFFF90]  }
0x70: {  	v10 =	vld [tilespmem:s1+$0xFFFFFFA0]  }
0x71: {  	v32 =	vperm.xlane v54, v0;
	v34 =	vperm.xlane v54, v1;
	v12 =	vld [tilespmem:s1+$0xFFFFFFB0]  }
0x72: {  	v13 =	vld [tilespmem:s1+$0xFFFFFFC0]  }
0x73: {  	v40 =	vmul.f32 v33, v32;
	v42 =	vmul.f32 v38, v34;
	v14 =	vld [tilespmem:s1+$0xFFFFFFD0]  }
0x74: {  	v44 =	vmul.f32 v36, v34;
	v24 =	vperm.xlane v54, v2;
	v15 =	vld [tilespmem:s1+$0xFFFFFFE0]  }
0x75: {  	v37 =	vmul.f32 v37, v32;
	v49 =	vmul.f32 v43, v32;
	v3 =	vld [tilespmem:s1+$0xFFFFFFF0]  }
0x76: {  	v51 =	vmul.f32 v45, v34;
	v20 =	vmul.f32 v55, v24;
	v16 =	vld [tilespmem:s1+$0x0]  }
0x77: {  	v62 =	vmul.f32 v30, v24;
	v19 =	vmul.f32 v19, v32;
	v17 =	vld [tilespmem:s1+$0xFFFFFE90]  }
0x78: {  	v30 =	vmul.f32 v63, v34;
	v48 =	vmul.f32 v41, v24;
	v18 =	vld [tilespmem:s1+$0xFFFFFF10]  }
0x79: {  	v4 =	vmul.f32 v4, v34;
	v19 =	vadd.f32 v20, v19;
	v20 =	vmul.f32 v60, v24;
	v21 =	vld [tilespmem:s1+$0xFFFFFEA0]  }
0x7a: {  	v5 =	vmul.f32 v5, v32;
	v11 =	vmul.f32 v11, v24;
	v56 =	vld [tilespmem:s15+$0x3]  }
0x7b: {  	v19 =	vadd.f32 v42, v19;
	v57 =	vld [tilespmem:s1+$0xFFFFFF00];
	v7 =	vmul.f32 v7, v34;
	v6 =	vmul.f32 v6, v32  }
0x7c: {  	v58 =	vld [tilespmem:s1+$0xFFFFFF80];
	v4 =	vadd.f32 v5, v4;
	v5 =	vmul.f32 v9, v24;
	v9 =	vmul.f32 v28, v34  }
0x7d: {  	v59 =	vld [tilespmem:s1+$0xFFFFFF20];
	v28 =	vmul.f32 v61, v32;
	v7 =	vadd.f32 v7, v11;
	v11 =	vmul.f32 v29, v32  }
0x7e: {  	v27 =	vld [tilespmem:s1+$0xFFFFFEB0];
	v5 =	vadd.f32 v5, v6;
	v6 =	vmul.f32 v31, v34;
	v4 =	vadd.f32 v20, v4  }
0x7f: {  	v47 =	vld [tilespmem:s1+$0xFFFFFF30];
	v29 =	vadd.f32 v37, v44;
	v9 =	vadd.f32 v11, v9;
	v11 =	vmul.f32 v35, v24  }
0x80: {  	[tilespmem:s21+$0xFFFFFF00] =	vst v19;
	v19 =	vld [tilespmem:s1+$0xFFFFFEC0];
	v6 =	vadd.f32 v6, v62;
	v7 =	vadd.f32 v28, v7;
	v50 =	vperm.xlane v56, v0  }
0x81: {  	v53 =	vld [tilespmem:s1+$0xFFFFFF50];
	v5 =	vadd.f32 v30, v5;
	[tilespmem:s21+$0xFFFFFF10] =	vst v4;
	v52 =	vperm.xlane v56, v1;
	v22 =	vperm.xlane v56, v2  }
0x82: {  	v55 =	vld [tilespmem:s1+$0xFFFFFEE0];
	v24 =	vmul.f32 v46, v24;
	v11 =	vadd.f32 v11, v40;
	v9 =	vadd.f32 v48, v9;
	[tilespmem:s21+$0xFFFFFF20] =	vst v7  }
0x83: {  	v4 =	vld [tilespmem:s1+$0xFFFFFF40];
	v6 =	vadd.f32 v49, v6;
	[tilespmem:s21+$0xFFFFFF30] =	vst v5;
	v5 =	vmul.f32 v57, v52;
	v54 =	vmul.f32 v58, v50  }
0x84: {  	v56 =	vld [tilespmem:s1+$0xFFFFFEF0];
	v24 =	vadd.f32 v24, v29;
	v16 =	vmul.f32 v16, v22;
	v20 =	vmul.f32 v47, v52;
	[tilespmem:s21+$0xFFFFFF40] =	vst v9  }
0x85: {  	v7 =	vld [tilespmem:s1+$0xFFFFFED0];
	v19 =	vmul.f32 v19, v50;
	v8 =	vmul.f32 v8, v52;
	v11 =	vadd.f32 v51, v11;
	[tilespmem:s21+$0xFFFFFF50] =	vst v6  }
0x86: {  	v57 =	vld [tilespmem:s1+$0xFFFFFF70];
	v10 =	vmul.f32 v10, v22;
	v12 =	vmul.f32 v12, v50;
	v5 =	vadd.f32 v54, v5;
	[tilespmem:s21+$0xFFFFFF70] =	vst v24  }
0x87: {  	v9 =	vmul.f32 v17, v50;
	v17 =	vmul.f32 v18, v22;
	v18 =	vld [tilespmem:s1+$0xFFFFFF60];
	[tilespmem:s21+$0xFFFFFF60] =	vst v11  }
0x88: {  	v14 =	vmul.f32 v14, v22;
	v61 =	vmul.f32 v3, v52;
	v5 =	vadd.f32 v16, v5;
	v16 =	vld [tilespmem:s15+$0x0]  }
0x89: {  	v6 =	vmul.f32 v21, v52;
	v4 =	vmul.f32 v4, v22;
	v58 =	vld [tilespmem:s1+$0xFFFFFD90]  }
0x8a: {  	v9 =	vadd.f32 v17, v9;
	v11 =	vmul.f32 v59, v50;
	v17 =	vmul.f32 v27, v22;
	v24 =	vld [tilespmem:s1+$0xFFFFFD20]  }
0x8b: {  	v7 =	vmul.f32 v7, v52;
	v4 =	vadd.f32 v4, v19;
	v19 =	vmul.f32 v53, v50;
	v59 =	vld [tilespmem:s1+$0xFFFFFDA0]  }
0x8c: {  	v60 =	vld [tilespmem:s1+$0xFFFFFDB0];
	v6 =	vadd.f32 v11, v6;
	v8 =	vadd.f32 v8, v9;
	v9 =	vmul.f32 v13, v52  }
0x8d: {  	v11 =	vld [tilespmem:s1+$0xFFFFFD10];
	v17 =	vadd.f32 v20, v17;
	v13 =	vmul.f32 v55, v22;
	v18 =	vmul.f32 v18, v52  }
0x8e: {  	v62 =	vld [tilespmem:s1+$0xFFFFFD40];
	v7 =	vadd.f32 v19, v7;
	v6 =	vadd.f32 v10, v6;
	v10 =	vmul.f32 v15, v50  }
0x8f: {  	v19 =	vld [tilespmem:s1+$0xFFFFFD30];
	v15 =	vmul.f32 v56, v50;
	v13 =	vadd.f32 v18, v13;
	v18 =	vmul.f32 v57, v22  }
0x90: {  	[tilespmem:s21+$0xF0] =	vst v5;
	v12 =	vadd.f32 v12, v17;
	v17 =	vld [tilespmem:s1+$0xFFFFFDC0];
	v5 =	vperm.xlane v16, v0;
	v3 =	vperm.xlane v16, v2  }
0x91: {  	[tilespmem:s21+$0x80] =	vst v8;
	v8 =	vadd.f32 v9, v4;
	v9 =	vld [tilespmem:s1+$0xFFFFFD50];
	v7 =	vadd.f32 v14, v7;
	v4 =	vperm.xlane v16, v1  }
0x92: {  	[tilespmem:s21+$0x90] =	vst v6;
	v16 =	vld [tilespmem:s1+$0xFFFFFDD0];
	v6 =	vadd.f32 v18, v15;
	v14 =	vmul.f32 v11, v5;
	v15 =	vmul.f32 v58, v3  }
0x93: {  	[tilespmem:s21+$0xA0] =	vst v12;
	v18 =	vadd.f32 v10, v13;
	v10 =	vld [tilespmem:s1+$0xFFFFFD60];
	v12 =	vmul.f32 v24, v4;
	v63 =	vmul.f32 v59, v5  }
0x94: {  	[tilespmem:s21+$0xB0] =	vst v8;
	v8 =	vmul.f32 v19, v3;
	v19 =	vmul.f32 v60, v4;
	v11 =	vld [tilespmem:s1+$0xFFFFFDE0];
	v22 =	vadd.f32 v61, v6  }
0x95: {  	[tilespmem:s21+$0xC0] =	vst v7;
	v13 =	vld [tilespmem:s1+$0xFFFFFD70];
	v17 =	vmul.f32 v17, v3;
	v7 =	vadd.f32 v15, v14;
	v14 =	vmul.f32 v62, v5  }
0x96: {  	[tilespmem:s21+$0xD0] =	vst v18;
	v6 =	vadd.f32 v63, v12;
	v8 =	vadd.f32 v19, v8;
	v12 =	vld [tilespmem:s1+$0xFFFFFDF0]  }
0x97: {  	s9 =	simm.s32 $0x35F0;
	s6 =	simm.s32 $0x0;
	s25 =	simm.s32 $0xA900;
	v15 =	vmul.f32 v9, v4;
	[tilespmem:s21+$0xE0] =	vst v22;
	v16 =	vmul.f32 v16, v5;
	v9 =	vadd.f32 v17, v14;
	v14 =	vld [tilespmem:s1+$0xFFFFFD80]  }
.LBB2_3:
0x98: {  	v17 =	vld [tilespmem:s9+$0xFFFFD790];
	v18 =	vmul.f32 v10, v3  }
0x99: {  	v19 =	vld [tilespmem:s9+$0xFFFFD7A0];
	v10 =	vadd.f32 v16, v15;
	v11 =	vmul.f32 v11, v4  }
0x9a: {  	v15 =	vld [tilespmem:s9+$0xFFFFD7B0];
	v16 =	vmul.f32 v13, v5  }
0x9b: {  	v20 =	vld [tilespmem:s9+$0xFFFFD7C0];
	v11 =	vadd.f32 v11, v18;
	v12 =	vmul.f32 v12, v3  }
0x9c: {  	v18 =	vld [tilespmem:s9+$0xFFFFD7D0];
	v13 =	vmul.f32 v14, v4  }
0x9d: {  	v14 =	vld [tilespmem:s9+$0xFFFFD7E0];
	v12 =	vadd.f32 v12, v16  }
0x9e: {  	v16 =	vld [tilespmem:s9+$0xFFFFD690]  }
0x9f: {  	s15 =	sadd.s32 $0x6, s15;
	v21 =	vld [tilespmem:s9+$0xFFFFD710]  }
0xa0: {  	v22 =	vld [tilespmem:s15+$0xFFFFFF83]  }
0xa1: {  	v23 =	vld [tilespmem:s9+$0xFFFFD6A0]  }
0xa2: {  	v24 =	vld [tilespmem:s9+$0xFFFFD720]  }
0xa3: {  	v25 =	vld [tilespmem:s9+$0xFFFFD6B0]  }
0xa4: {  	v26 =	vld [tilespmem:s9+$0xFFFFD730]  }
0xa5: {  	v27 =	vperm.xlane v22, v1;
	v28 =	vperm.xlane v22, v2;
	v29 =	vld [tilespmem:s9+$0xFFFFD6C0]  }
0xa6: {  	v22 =	vperm.xlane v22, v0;
	v30 =	vld [tilespmem:s9+$0xFFFFD740]  }
0xa7: {  	v17 =	vmul.f32 v17, v27;
	v19 =	vmul.f32 v19, v28;
	v31 =	vld [tilespmem:s9+$0xFFFFD6D0]  }
0xa8: {  	v15 =	vmul.f32 v15, v22;
	v20 =	vmul.f32 v20, v27;
	v32 =	vld [tilespmem:s9+$0xFFFFD750]  }
0xa9: {  	v18 =	vmul.f32 v18, v28;
	v14 =	vmul.f32 v14, v22;
	v33 =	vld [tilespmem:s9+$0xFFFFD6E0]  }
0xaa: {  	v16 =	vmul.f32 v16, v22;
	v21 =	vmul.f32 v21, v28;
	v34 =	vld [tilespmem:s9+$0xFFFFD760]  }
0xab: {  	v23 =	vmul.f32 v23, v27;
	v24 =	vmul.f32 v24, v22;
	v35 =	vld [tilespmem:s9+$0xFFFFD6F0]  }
0xac: {  	v25 =	vmul.f32 v25, v28;
	v26 =	vmul.f32 v26, v27;
	v36 =	vld [tilespmem:s9+$0xFFFFD770]  }
0xad: {  	v29 =	vmul.f32 v29, v22;
	v30 =	vmul.f32 v30, v28;
	v37 =	vld [tilespmem:s9+$0xFFFFD700]  }
0xae: {  	v16 =	vadd.f32 v21, v16;
	v21 =	vmul.f32 v31, v27;
	v31 =	vmul.f32 v32, v22;
	v32 =	vld [tilespmem:s9+$0xFFFFD780]  }
0xaf: {  	v23 =	vadd.f32 v24, v23;
	v24 =	vmul.f32 v33, v28;
	v33 =	vmul.f32 v34, v27;
	v34 =	vld [tilespmem:s9+$0xFFFFD7F0]  }
0xb0: {  	v16 =	vadd.f32 v17, v16;
	v17 =	vadd.f32 v26, v25;
	v25 =	vmul.f32 v35, v22;
	v26 =	vld [tilespmem:s9+$0xFFFFD800]  }
0xb1: {  	s21 =	sadd.s32 $0x200, s21;
	v19 =	vadd.f32 v19, v23;
	v23 =	vadd.f32 v30, v29;
	v35 =	vld [tilespmem:s15+$0xFFFFFF80];
	v29 =	vmul.f32 v36, v28  }
0xb2: {  	v15 =	vadd.f32 v15, v17;
	v17 =	vadd.f32 v31, v21;
	v30 =	vld [tilespmem:s9+$0xFFFFD510];
	v21 =	vmul.f32 v37, v27;
	[tilespmem:s21+$0x0] =	vst v16  }
0xb3: {  	v16 =	vadd.f32 v20, v23;
	v20 =	vadd.f32 v33, v24;
	v31 =	vld [tilespmem:s9+$0xFFFFD590];
	v22 =	vmul.f32 v32, v22;
	[tilespmem:s21+$0x10] =	vst v19  }
0xb4: {  	v17 =	vadd.f32 v18, v17;
	v18 =	vadd.f32 v29, v25;
	v19 =	vld [tilespmem:s9+$0xFFFFD520];
	v23 =	vmul.f32 v34, v27;
	[tilespmem:s21+$0x20] =	vst v15  }
0xb5: {  	v20 =	vadd.f32 v14, v20;
	v24 =	vld [tilespmem:s9+$0xFFFFD5A0];
	v21 =	vadd.f32 v22, v21;
	v22 =	vmul.f32 v26, v28;
	[tilespmem:s21+$0x30] =	vst v16  }
0xb6: {  	v16 =	vperm.xlane v35, v0;
	v14 =	vperm.xlane v35, v1;
	v25 =	vld [tilespmem:s9+$0xFFFFD530];
	v18 =	vadd.f32 v23, v18;
	[tilespmem:s21+$0x40] =	vst v17  }
0xb7: {  	s6 =	sadd.s32 $0x2, s6;
	v15 =	vperm.xlane v35, v2;
	v23 =	vld [tilespmem:s9+$0xFFFFD5B0];
	v17 =	vadd.f32 v22, v21;
	[tilespmem:s21+$0x50] =	vst v20  }
0xb8: {  	p1 =	slt.u32 s6, $0x16;
	v20 =	vmul.f32 v30, v16;
	v21 =	vld [tilespmem:s9+$0xFFFFD540];
	[tilespmem:s21+$0x60] =	vst v18  }
0xb9: {  	v18 =	vmul.f32 v31, v15;
	v19 =	vmul.f32 v19, v14;
	v22 =	vld [tilespmem:s9+$0xFFFFD5C0];
	[tilespmem:s21+$0x70] =	vst v17  }
0xba: {  	v24 =	vmul.f32 v24, v16;
	v26 =	vld [tilespmem:s9+$0xFFFFFF90]  }
0xbb: {  	v17 =	vadd.f32 v18, v20;
	v20 =	vmul.f32 v25, v15;
	v25 =	vld [tilespmem:s9+$0xFFFFFFA0]  }
0xbc: {  	v18 =	vadd.f32 v24, v19;
	v19 =	vmul.f32 v23, v14;
	v23 =	vld [tilespmem:s9+$0xFFFFFFB0]  }
0xbd: {  	v21 =	vmul.f32 v21, v16;
	v24 =	vld [tilespmem:s9+$0xFFFFFFC0]  }
0xbe: {  	v19 =	vadd.f32 v19, v20;
	v20 =	vmul.f32 v22, v15;
	v22 =	vld [tilespmem:s9+$0xFFFFFFD0]  }
0xbf: {  	v27 =	vld [tilespmem:s9+$0xFFFFFFE0]  }
0xc0: {  	v20 =	vadd.f32 v20, v21;
	v21 =	vld [tilespmem:s9+$0xFFFFFFF0]  }
0xc1: {  	v28 =	vld [tilespmem:s9+$0x0]  }
0xc2: {  	v29 =	vld [tilespmem:s9+$0xFFFFFE90]  }
0xc3: {  	v30 =	vld [tilespmem:s9+$0xFFFFFF10]  }
0xc4: {  	v31 =	vld [tilespmem:s9+$0xFFFFFEA0]  }
0xc5: {  	v32 =	vld [tilespmem:s15+$0x3]  }
0xc6: {  	v33 =	vld [tilespmem:s9+$0xFFFFFF00]  }
0xc7: {  	v34 =	vld [tilespmem:s9+$0xFFFFFF80]  }
0xc8: {  	v35 =	vld [tilespmem:s9+$0xFFFFFF20]  }
0xc9: {  	v36 =	vld [tilespmem:s9+$0xFFFFFEB0]  }
0xca: {  	v37 =	vperm.xlane v32, v0;
	v38 =	vperm.xlane v32, v1;
	v39 =	vld [tilespmem:s9+$0xFFFFFF30]  }
0xcb: {  	v32 =	vperm.xlane v32, v2;
	v40 =	vld [tilespmem:s9+$0xFFFFFEC0]  }
0xcc: {  	v41 =	vld [tilespmem:s9+$0xFFFFFF40];
	v33 =	vmul.f32 v33, v38;
	v34 =	vmul.f32 v34, v37  }
0xcd: {  	v29 =	vmul.f32 v29, v37;
	v30 =	vmul.f32 v30, v32;
	v42 =	vld [tilespmem:s9+$0xFFFFFED0]  }
0xce: {  	v31 =	vmul.f32 v31, v38;
	v28 =	vmul.f32 v28, v32;
	v43 =	vld [tilespmem:s9+$0xFFFFFF50];
	v33 =	vadd.f32 v34, v33  }
0xcf: {  	v29 =	vadd.f32 v30, v29;
	v30 =	vmul.f32 v35, v37;
	v34 =	vmul.f32 v36, v32;
	v35 =	vld [tilespmem:s9+$0xFFFFFEE0]  }
0xd0: {  	v36 =	vmul.f32 v39, v38;
	v39 =	vmul.f32 v40, v37;
	v40 =	vld [tilespmem:s9+$0xFFFFFF60];
	v28 =	vadd.f32 v28, v33  }
0xd1: {  	v26 =	vmul.f32 v26, v38;
	v30 =	vadd.f32 v30, v31;
	v31 =	vmul.f32 v41, v32;
	v33 =	vld [tilespmem:s9+$0xFFFFFEF0]  }
0xd2: {  	v25 =	vmul.f32 v25, v32;
	v34 =	vadd.f32 v36, v34;
	v36 =	vmul.f32 v42, v38;
	v41 =	vld [tilespmem:s9+$0xFFFFFF70];
	[tilespmem:s21+$0xF0] =	vst v28  }
0xd3: {  	v23 =	vmul.f32 v23, v37;
	v28 =	vld [tilespmem:s9+$0xFFFFD550];
	v31 =	vadd.f32 v31, v39;
	v39 =	vmul.f32 v43, v37  }
0xd4: {  	v24 =	vmul.f32 v24, v38;
	v26 =	vadd.f32 v26, v29;
	v42 =	vld [tilespmem:s9+$0xFFFFD5D0];
	v29 =	vmul.f32 v35, v32  }
0xd5: {  	v22 =	vmul.f32 v22, v32;
	v35 =	vld [tilespmem:s9+$0xFFFFD560];
	v36 =	vadd.f32 v39, v36;
	v39 =	vmul.f32 v40, v38  }
0xd6: {  	v27 =	vmul.f32 v27, v37;
	v25 =	vadd.f32 v25, v30;
	v40 =	vld [tilespmem:s9+$0xFFFFD5E0];
	v30 =	vmul.f32 v33, v37;
	[tilespmem:s21+$0x80] =	vst v26  }
0xd7: {  	v21 =	vmul.f32 v21, v38;
	v26 =	vld [tilespmem:s9+$0xFFFFD570];
	v29 =	vadd.f32 v39, v29;
	v32 =	vmul.f32 v41, v32  }
0xd8: {  	v23 =	vadd.f32 v23, v34;
	v24 =	vadd.f32 v24, v31;
	v28 =	vmul.f32 v28, v14;
	v33 =	vld [tilespmem:s9+$0xFFFFD5F0];
	[tilespmem:s21+$0x90] =	vst v25  }
0xd9: {  	v22 =	vadd.f32 v22, v36;
	v25 =	vmul.f32 v42, v16;
	v31 =	vld [tilespmem:s9+$0xFFFFD580];
	v30 =	vadd.f32 v32, v30  }
0xda: {  	v27 =	vadd.f32 v27, v29;
	v32 =	vmul.f32 v35, v15;
	v34 =	vld [tilespmem:s9+$0xFFFFD600];
	[tilespmem:s21+$0xA0] =	vst v23  }
0xdb: {  	v23 =	vld [tilespmem:s9+$0xFFFFD610];
	v25 =	vadd.f32 v25, v28;
	v28 =	vmul.f32 v40, v14;
	v21 =	vadd.f32 v21, v30;
	[tilespmem:s21+$0xB0] =	vst v24  }
0xdc: {  	v24 =	vld [tilespmem:s9+$0xFFFFD620];
	v26 =	vmul.f32 v26, v16;
	[tilespmem:s21+$0xC0] =	vst v22  }
0xdd: {  	v22 =	vld [tilespmem:s9+$0xFFFFD630];
	v28 =	vadd.f32 v28, v32;
	v29 =	vmul.f32 v33, v15;
	[tilespmem:s21+$0xD0] =	vst v27  }
0xde: {  	v27 =	vld [tilespmem:s9+$0xFFFFD640];
	v30 =	vmul.f32 v31, v14;
	[tilespmem:s21+$0xE0] =	vst v21  }
0xdf: {  	v21 =	vld [tilespmem:s9+$0xFFFFD650];
	v26 =	vadd.f32 v29, v26;
	v29 =	vmul.f32 v34, v16  }
0xe0: {  	v23 =	vmul.f32 v23, v14;
	v31 =	vld [tilespmem:s9+$0xFFFFD660]  }
0xe1: {  	v24 =	vmul.f32 v24, v15;
	v32 =	vld [tilespmem:s9+$0xFFFFD670];
	v29 =	vadd.f32 v29, v30  }
0xe2: {  	v17 =	vadd.f32 v23, v17;
	v22 =	vmul.f32 v22, v16;
	v23 =	vld [tilespmem:s9+$0xFFFFD680]  }
0xe3: {  	v18 =	vadd.f32 v24, v18;
	v24 =	vmul.f32 v27, v14;
	v27 =	vld [tilespmem:s1+$0xFFFFFE00]  }
0xe4: {  	v19 =	vadd.f32 v22, v19;
	v21 =	vmul.f32 v21, v15;
	[tilespmem:s21+$0xFFFFFF00] =	vst v17;
	v17 =	vld [tilespmem:s1+$0xFFFFFE10]  }
0xe5: {  	v20 =	vadd.f32 v24, v20;
	v16 =	vmul.f32 v31, v16;
	[tilespmem:s21+$0xFFFFFF10] =	vst v18;
	v18 =	vld [tilespmem:s1+$0xFFFFFE20]  }
0xe6: {  	v21 =	vadd.f32 v21, v25;
	v14 =	vmul.f32 v32, v14;
	[tilespmem:s21+$0xFFFFFF20] =	vst v19;
	v19 =	vld [tilespmem:s1+$0xFFFFFE30]  }
0xe7: {  	v16 =	vadd.f32 v16, v28;
	v15 =	vmul.f32 v23, v15;
	[tilespmem:s21+$0xFFFFFF30] =	vst v20;
	v20 =	vld [tilespmem:s1+$0xFFFFFE40]  }
0xe8: {  	v14 =	vadd.f32 v14, v26;
	[tilespmem:s21+$0xFFFFFF40] =	vst v21;
	v21 =	vld [tilespmem:s1+$0xFFFFFE50];
	v22 =	vmul.f32 v27, v5  }
0xe9: {  	v15 =	vadd.f32 v15, v29;
	[tilespmem:s21+$0xFFFFFF50] =	vst v16;
	v16 =	vmul.f32 v17, v4;
	v17 =	vld [tilespmem:s1+$0xFFFFFE60]  }
0xea: {  	[tilespmem:s21+$0xFFFFFF60] =	vst v14;
	v14 =	vmul.f32 v18, v3;
	v18 =	vld [tilespmem:s1+$0xFFFFFE70];
	v13 =	vadd.f32 v22, v13  }
0xeb: {  	[tilespmem:s21+$0xFFFFFF70] =	vst v15;
	v7 =	vadd.f32 v16, v7;
	v15 =	vmul.f32 v19, v5;
	v16 =	vld [tilespmem:s1+$0xFFFFFE80];
	s1 =	smov.u32 s9  }
0xec: {  	v19 =	vld [tilespmem:s15+$0x0];
	v6 =	vadd.f32 v14, v6;
	v14 =	vmul.f32 v20, v4  }
0xed: {  	v20 =	vld [tilespmem:s9+$0xFFFFFD10];
	v8 =	vadd.f32 v15, v8;
	v15 =	vmul.f32 v21, v3;
	[tilespmem:s25+$0xFFFFFF80] =	vst v7  }
0xee: {  	v7 =	vld [tilespmem:s9+$0xFFFFFD90];
	v9 =	vadd.f32 v14, v9;
	v5 =	vmul.f32 v17, v5;
	[tilespmem:s25+$0xFFFFFF90] =	vst v6  }
0xef: {  	v6 =	vld [tilespmem:s9+$0xFFFFFD20];
	v10 =	vadd.f32 v15, v10;
	v14 =	vmul.f32 v18, v4;
	[tilespmem:s25+$0xFFFFFFA0] =	vst v8  }
0xf0: {  	v8 =	vld [tilespmem:s9+$0xFFFFFDA0];
	v11 =	vadd.f32 v5, v11;
	v15 =	vmul.f32 v16, v3;
	[tilespmem:s25+$0xFFFFFFB0] =	vst v9  }
0xf1: {  	v5 =	vperm.xlane v19, v0;
	v4 =	vperm.xlane v19, v1;
	v9 =	vld [tilespmem:s9+$0xFFFFFD30];
	v12 =	vadd.f32 v14, v12;
	[tilespmem:s25+$0xFFFFFFC0] =	vst v10  }
0xf2: {  	v3 =	vperm.xlane v19, v2;
	v10 =	vld [tilespmem:s9+$0xFFFFFDB0];
	v13 =	vadd.f32 v15, v13;
	[tilespmem:s25+$0xFFFFFFD0] =	vst v11  }
0xf3: {  	v11 =	vmul.f32 v20, v5;
	v14 =	vld [tilespmem:s9+$0xFFFFFD40];
	[tilespmem:s25+$0xFFFFFFE0] =	vst v12  }
0xf4: {  	v7 =	vmul.f32 v7, v3;
	v6 =	vmul.f32 v6, v4;
	v12 =	vld [tilespmem:s9+$0xFFFFFDC0];
	[tilespmem:s25+$0xFFFFFFF0] =	vst v13;
	s25 =	smov.u32 s21  }
0xf5: {  	v8 =	vmul.f32 v8, v5;
	v15 =	vld [tilespmem:s9+$0xFFFFFD50]  }
0xf6: {  	v7 =	vadd.f32 v7, v11;
	v9 =	vmul.f32 v9, v3;
	v16 =	vld [tilespmem:s9+$0xFFFFFDD0]  }
.Ltmp0:
0xf7: {  	v6 =	vadd.f32 v8, v6;
	v8 =	vmul.f32 v10, v4;
	v10 =	vld [tilespmem:s9+$0xFFFFFD60];
	(pc) =	sbr.rel @p1 .LBB2_3-.Ltmp0, $4  }
0xf8: {  	v14 =	vmul.f32 v14, v5;
	v11 =	vld [tilespmem:s9+$0xFFFFFDE0]  }
0xf9: {  	v8 =	vadd.f32 v8, v9;
	v9 =	vmul.f32 v12, v3;
	v13 =	vld [tilespmem:s9+$0xFFFFFD70]  }
0xfa: {  	v15 =	vmul.f32 v15, v4;
	v12 =	vld [tilespmem:s9+$0xFFFFFDF0]  }
0xfb: {  	s9 =	sadd.s32 $0x300, s9;
	v9 =	vadd.f32 v9, v14;
	v16 =	vmul.f32 v16, v5;
	v14 =	vld [tilespmem:s1+$0xFFFFFD80]  }
0xfc: {  	v17 =	vld [tilespmem:s1+$0xFFFFFE00]  }
0xfd: {  	v18 =	vld [tilespmem:s1+$0xFFFFFE10]  }
0xfe: {  	v19 =	vld [tilespmem:s1+$0xFFFFFE20]  }
0xff: {  	v20 =	vld [tilespmem:s1+$0xFFFFFE30]  }
0x100: {  	v21 =	vld [tilespmem:s1+$0xFFFFFE40]  }
0x101: {  	v10 =	vmul.f32 v10, v3;
	v22 =	vld [tilespmem:s1+$0xFFFFFE50]  }
0x102: {  	v23 =	vld [tilespmem:s1+$0xFFFFFE60];
	v11 =	vmul.f32 v11, v4;
	v18 =	vmul.f32 v18, v4  }
0x103: {  	v15 =	vadd.f32 v16, v15;
	v13 =	vmul.f32 v13, v5;
	v16 =	vmul.f32 v19, v3;
	v19 =	vld [tilespmem:s1+$0xFFFFFE70]  }
0x104: {  	v10 =	vadd.f32 v11, v10;
	v11 =	vmul.f32 v20, v5;
	v7 =	vadd.f32 v18, v7;
	v18 =	vld [tilespmem:s1+$0xFFFFFE80]  }
0x105: {  	v12 =	vmul.f32 v12, v3;
	v6 =	vadd.f32 v16, v6;
	v16 =	vmul.f32 v21, v4  }
0x106: {  	v14 =	vmul.f32 v14, v4;
	v8 =	vadd.f32 v11, v8;
	v11 =	vmul.f32 v22, v3;
	[tilespmem:s25+$0xFFFFFF80] =	vst v7  }
0x107: {  	v7 =	vmul.f32 v17, v5;
	v9 =	vadd.f32 v16, v9;
	v5 =	vmul.f32 v23, v5;
	[tilespmem:s25+$0xFFFFFF90] =	vst v6  }
0x108: {  	v6 =	vadd.f32 v12, v13;
	v11 =	vadd.f32 v11, v15;
	[tilespmem:s25+$0xFFFFFFA0] =	vst v8;
	v4 =	vmul.f32 v19, v4  }
0x109: {  	v7 =	vadd.f32 v7, v14;
	v5 =	vadd.f32 v5, v10;
	[tilespmem:s25+$0xFFFFFFB0] =	vst v9;
	v3 =	vmul.f32 v18, v3  }
0x10a: {  	[tilespmem:s25+$0xFFFFFFC0] =	vst v11;
	v4 =	vadd.f32 v4, v6  }
0x10b: {  	[tilespmem:s25+$0xFFFFFFD0] =	vst v5;
	v3 =	vadd.f32 v3, v7  }
0x10c: {  	[tilespmem:s25+$0xFFFFFFE0] =	vst v4  }
0x10d: {  	[tilespmem:s25+$0xFFFFFFF0] =	vst v3  }
0x10e: {  	v3 =	vld [tilespmem:$0x448]  }
0x10f: {  	v4 =	vld [tilespmem:$0x2C00]  }
0x110: {  	v5 =	vld [tilespmem:$0x2C80]  }
0x111: {  	v6 =	vld [tilespmem:$0x2D00]  }
0x112: {  	v7 =	vld [tilespmem:$0x2C10]  }
0x113: {  	v8 =	vld [tilespmem:$0x2C90]  }
0x114: {  	v9 =	vld [tilespmem:$0x2D10]  }
0x115: {  	v10 =	vld [tilespmem:$0x2C20]  }
0x116: {  	v11 =	vld [tilespmem:$0x2CA0]  }
0x117: {  	v12 =	vld [tilespmem:$0x2D20]  }
0x118: {  	v13 =	vld [tilespmem:$0x2C30]  }
0x119: {  	v14 =	vld [tilespmem:$0x2CB0]  }
0x11a: {  	v15 =	vld [tilespmem:$0x2D30]  }
0x11b: {  	v16 =	vld [tilespmem:$0x2C40]  }
0x11c: {  	v17 =	vld [tilespmem:$0x2CC0]  }
0x11d: {  	v18 =	vld [tilespmem:$0x2D40]  }
0x11e: {  	v19 =	vld [tilespmem:$0x2C50]  }
0x11f: {  	v50 =	vld [tilespmem:$0x2CD0]  }
0x120: {  	v51 =	vld [tilespmem:$0x2D50]  }
0x121: {  	v52 =	vld [tilespmem:$0x2C60]  }
0x122: {  	v53 =	vld [tilespmem:$0x2CE0]  }
0x123: {  	v30 =	vld [tilespmem:$0x4C8]  }
0x124: {  	v24 =	vld [tilespmem:$0x2D60]  }
0x125: {  	v25 =	vld [tilespmem:$0x2C70]  }
0x126: {  	v26 =	vld [tilespmem:$0x2CF0];
	v28 =	vperm.xlane v3, v0  }
0x127: {  	v32 =	vld [tilespmem:$0x5480];
	v29 =	vperm.xlane v3, v2;
	v3 =	vperm.xlane v3, v1  }
0x128: {  	v33 =	vld [tilespmem:$0x5500];
	v60 =	vperm.xlane v30, v2;
	v62 =	vperm.xlane v30, v1  }
0x129: {  	v27 =	vld [tilespmem:$0x2D70];
	v4 =	vmul.f32 v4, v28;
	v5 =	vmul.f32 v5, v29  }
0x12a: {  	v31 =	vld [tilespmem:$0x5400];
	v7 =	vmul.f32 v7, v3;
	v8 =	vmul.f32 v8, v28  }
0x12b: {  	v54 =	vld [tilespmem:$0x5430];
	v55 =	vmul.f32 v52, v28;
	v57 =	vmul.f32 v24, v3  }
0x12c: {  	v56 =	vld [tilespmem:$0x54B0];
	v35 =	vmul.f32 v32, v60;
	v4 =	vadd.f32 v5, v4;
	v5 =	vmul.f32 v6, v3  }
0x12d: {  	v37 =	vmul.f32 v33, v62;
	v6 =	vld [tilespmem:$0x5410];
	v7 =	vadd.f32 v8, v7;
	v8 =	vmul.f32 v9, v29  }
0x12e: {  	v58 =	vld [tilespmem:$0x5530];
	v9 =	vmul.f32 v10, v29;
	v4 =	vadd.f32 v5, v4;
	v5 =	vmul.f32 v11, v3  }
0x12f: {  	v59 =	vld [tilespmem:$0x5440];
	v7 =	vadd.f32 v8, v7;
	v8 =	vmul.f32 v13, v28;
	v13 =	vmul.f32 v14, v29  }
0x130: {  	v61 =	vld [tilespmem:$0x54C0];
	v11 =	vmul.f32 v12, v28;
	v5 =	vadd.f32 v5, v9;
	v9 =	vmul.f32 v15, v3  }
0x131: {  	v12 =	vld [tilespmem:$0x5510];
	v15 =	vmul.f32 v16, v3;
	v8 =	vadd.f32 v13, v8;
	v13 =	vmul.f32 v17, v28  }
0x132: {  	v14 =	vld [tilespmem:$0x5420];
	v17 =	vmul.f32 v18, v29;
	v6 =	vmul.f32 v6, v62  }
0x133: {  	v10 =	vld [tilespmem:$0x5490];
	v5 =	vadd.f32 v11, v5;
	v11 =	vmul.f32 v19, v29;
	v19 =	vmul.f32 v50, v3  }
0x134: {  	v63 =	vld [tilespmem:$0x5540];
	v8 =	vadd.f32 v9, v8;
	v9 =	vmul.f32 v51, v28;
	v13 =	vadd.f32 v13, v15  }
0x135: {  	v36 =	vld [tilespmem:$0x5450];
	v15 =	vmul.f32 v53, v29;
	v3 =	vmul.f32 v25, v3  }
0x136: {  	v16 =	vld [tilespmem:$0x54A0];
	[tilespmem:$0xC010] =	vst v7;
	v7 =	vmul.f32 v12, v60;
	v13 =	vadd.f32 v17, v13;
	v17 =	vperm.xlane v30, v0  }
0x137: {  	v38 =	vld [tilespmem:$0x5550];
	v11 =	vadd.f32 v19, v11;
	v19 =	vmul.f32 v26, v28;
	[tilespmem:$0xC020] =	vst v5;
	v5 =	vmul.f32 v14, v60  }
0x138: {  	v18 =	vld [tilespmem:$0x5520];
	v15 =	vadd.f32 v15, v55;
	[tilespmem:$0xC030] =	vst v8;
	v8 =	vmul.f32 v56, v60;
	v10 =	vmul.f32 v10, v17  }
0x139: {  	v12 =	vld [tilespmem:$0x54E0];
	v9 =	vadd.f32 v9, v11;
	v11 =	vmul.f32 v27, v29;
	v3 =	vadd.f32 v19, v3  }
0x13a: {  	v14 =	vld [tilespmem:$0x5470];
	v34 =	vmul.f32 v31, v17;
	v15 =	vadd.f32 v57, v15;
	v6 =	vadd.f32 v10, v6  }
0x13b: {  	v19 =	vld [tilespmem:$0x54D0];
	[tilespmem:$0xC040] =	vst v13;
	v13 =	vmul.f32 v58, v62;
	v3 =	vadd.f32 v11, v3;
	v11 =	vmul.f32 v16, v62  }
0x13c: {  	[tilespmem:$0xC000] =	vst v4;
	v4 =	vadd.f32 v35, v34;
	v10 =	vld [tilespmem:$0x5460];
	v6 =	vadd.f32 v7, v6;
	v7 =	vmul.f32 v54, v17  }
0x13d: {  	v16 =	vld [tilespmem:$0x54F0];
	[tilespmem:$0xC050] =	vst v9;
	v9 =	vmul.f32 v61, v17;
	v5 =	vadd.f32 v11, v5;
	v11 =	vmul.f32 v18, v17  }
0x13e: {  	[tilespmem:$0xC060] =	vst v15;
	v15 =	vmul.f32 v36, v60;
	v4 =	vadd.f32 v37, v4;
	v18 =	vld [tilespmem:$0x5560];
	v7 =	vadd.f32 v8, v7  }
0x13f: {  	v39 =	vld [tilespmem:$0x5570];
	v8 =	vmul.f32 v59, v62;
	v5 =	vadd.f32 v11, v5;
	v11 =	vmul.f32 v63, v60  }
0x140: {  	[tilespmem:$0xC070] =	vst v3;
	v3 =	vadd.f32 v13, v7;
	v7 =	vmul.f32 v19, v62;
	v13 =	vmul.f32 v38, v17  }
0x141: {  	[tilespmem:$0xC080] =	vst v4;
	v8 =	vadd.f32 v9, v8;
	v9 =	vmul.f32 v10, v17;
	v10 =	vmul.f32 v12, v60  }
0x142: {  	[tilespmem:$0xC090] =	vst v6;
	v12 =	vmul.f32 v16, v17;
	v4 =	vadd.f32 v7, v15;
	v7 =	vmul.f32 v14, v62  }
0x143: {  	[tilespmem:$0xC0A0] =	vst v5;
	v6 =	vadd.f32 v11, v8;
	v8 =	vadd.f32 v10, v9;
	v9 =	vmul.f32 v18, v62  }
0x144: {  	s21 =	rddreg [dreg:$0x8];
	[tilespmem:$0xC0B0] =	vst v3;
	v4 =	vadd.f32 v13, v4;
	v5 =	vadd.f32 v12, v7;
	v7 =	vmul.f32 v39, v60  }
0x145: {  	s1 =	sadd.s32 s21, s29;
	v3 =	vadd.f32 v9, v8;
	[tilespmem:$0xC0C0] =	vst v6  }
0x146: {  	s1 =	smul.u32 $0xC80, s1;
	v5 =	vadd.f32 v7, v5;
	[tilespmem:$0xC0D0] =	vst v4  }
0x147: {  	s6 =	rddreg [dreg:$0x4];
	[tilespmem:$0xC0E0] =	vst v3  }
0x148: {  	s6 =	sadd.s32 s6, s1;
	[tilespmem:$0xC0F0] =	vst v5  }
0x149: {  	[hbm4b:s6+s23] =	stream.strided.scatter [tilespmem:s0], [sflag:$0x5], $0x1900, s18, s23, $0x38;
	[tilespmem:$0x1F980] =	vst v63  }
0x14a: {  	_ =	swait.ge [sflag:s17], $0x1900  }
0x14b: {  	[sflag:s17] =	ssyncset.done $0x0  }
0x14c: {  	[sflag:s17] =	ssyncadd.s32 $0xFFFFE700  }
0x14d: {  	[tilespmem:s20], [sflag:$0x1] =	stream.indirect.gather [spmem:s2], $0x80, s28, s19, $0xb8;
	[tilespmem:$0x1F980] =	vst v63  }
0x14e: {  	s25 =	simm.s32 $0x280  }
0x14f: {  	[tilespmem:s22], [sflag:$0x1] =	stream.indirect.gather [spmem:s2], $0x80, s25, s19, $0xb8;
	[tilespmem:$0x1F980] =	vst v63  }
0x150: {  	_ =	swait.ge [sflag:s7], $0x2580  }
0x151: {  	[sflag:s7] =	ssyncset.done $0x0  }
0x152: {  	[sflag:s7] =	ssyncadd.s32 $0xFFFFDA80  }
0x153: {  	_ =	swait.ge [sflag:s7], $0x2580  }
0x154: {  	[sflag:s7] =	ssyncset.done $0x0  }
0x155: {  	s15 =	simm.s32 $0x82F0;
	[sflag:s7] =	ssyncadd.s32 $0xFFFFDA80  }
0x156: {  	v3 =	vld [tilespmem:s15+$0xFFFFD790]  }
0x157: {  	v4 =	vld [tilespmem:s15+$0xFFFFD7A0]  }
0x158: {  	v5 =	vld [tilespmem:s15+$0xFFFFD7B0]  }
0x159: {  	v6 =	vld [tilespmem:s15+$0xFFFFD7C0]  }
0x15a: {  	v7 =	vld [tilespmem:s15+$0xFFFFD7D0]  }
0x15b: {  	v8 =	vld [tilespmem:s15+$0xFFFFD7E0]  }
0x15c: {  	v9 =	vld [tilespmem:s15+$0xFFFFD690]  }
0x15d: {  	s21 =	simm.s32 $0x583;
	v10 =	vld [tilespmem:s15+$0xFFFFD710]  }
0x15e: {  	v11 =	vld [tilespmem:s21+$0xFFFFFF80]  }
0x15f: {  	v12 =	vld [tilespmem:s15+$0xFFFFD6A0]  }
0x160: {  	v13 =	vld [tilespmem:s15+$0xFFFFD720]  }
0x161: {  	v14 =	vld [tilespmem:s15+$0xFFFFD6B0]  }
0x162: {  	v15 =	vld [tilespmem:s15+$0xFFFFD730]  }
0x163: {  	v18 =	vld [tilespmem:s15+$0xFFFFD6C0]  }
0x164: {  	v19 =	vld [tilespmem:s15+$0xFFFFD740]  }
0x165: {  	v40 =	vld [tilespmem:s15+$0xFFFFD6D0]  }
0x166: {  	v41 =	vld [tilespmem:s15+$0xFFFFD750]  }
0x167: {  	v42 =	vld [tilespmem:s15+$0xFFFFD6E0]  }
0x168: {  	v43 =	vld [tilespmem:s15+$0xFFFFD760]  }
0x169: {  	v44 =	vld [tilespmem:s15+$0xFFFFD6F0]  }
0x16a: {  	v45 =	vld [tilespmem:s15+$0xFFFFD770]  }
0x16b: {  	v46 =	vld [tilespmem:s15+$0xFFFFD700]  }
0x16c: {  	v48 =	vld [tilespmem:s15+$0xFFFFD780]  }
0x16d: {  	v50 =	vld [tilespmem:s15+$0xFFFFD7F0]  }
0x16e: {  	v51 =	vld [tilespmem:s21+$0xFFFFFF7D]  }
0x16f: {  	v52 =	vld [tilespmem:s15+$0xFFFFD590]  }
0x170: {  	v54 =	vld [tilespmem:s15+$0xFFFFD550]  }
0x171: {  	v55 =	vld [tilespmem:s15+$0xFFFFD5D0]  }
0x172: {  	v56 =	vld [tilespmem:s15+$0xFFFFD560]  }
0x173: {  	v57 =	vld [tilespmem:s15+$0xFFFFD5E0];
	v16 =	vperm.xlane v11, v1;
	v17 =	vperm.xlane v11, v2  }
0x174: {  	v59 =	vld [tilespmem:s15+$0xFFFFD570];
	v11 =	vperm.xlane v11, v0  }
0x175: {  	v35 =	vld [tilespmem:s15+$0xFFFFD5F0];
	v3 =	vmul.f32 v3, v16;
	v4 =	vmul.f32 v4, v17  }
0x176: {  	v36 =	vld [tilespmem:s15+$0xFFFFD580];
	v5 =	vmul.f32 v5, v11;
	v6 =	vmul.f32 v6, v16  }
0x177: {  	v37 =	vld [tilespmem:s15+$0xFFFFD600];
	v7 =	vmul.f32 v7, v17;
	v8 =	vmul.f32 v8, v11  }
0x178: {  	v38 =	vld [tilespmem:s15+$0xFFFFD610];
	v9 =	vmul.f32 v9, v11;
	v10 =	vmul.f32 v10, v17  }
0x179: {  	v60 =	vld [tilespmem:s15+$0xFFFFD620];
	v12 =	vmul.f32 v12, v16;
	v13 =	vmul.f32 v13, v11  }
0x17a: {  	v61 =	vld [tilespmem:s15+$0xFFFFD630];
	v14 =	vmul.f32 v14, v17;
	v15 =	vmul.f32 v15, v16  }
0x17b: {  	v63 =	vld [tilespmem:s15+$0xFFFFD640];
	v18 =	vmul.f32 v18, v11;
	v19 =	vmul.f32 v19, v17  }
0x17c: {  	v47 =	vmul.f32 v41, v11;
	v49 =	vmul.f32 v43, v16;
	v41 =	vld [tilespmem:s15+$0xFFFFD650];
	v9 =	vadd.f32 v10, v9  }
0x17d: {  	v43 =	vld [tilespmem:s15+$0xFFFFD660];
	v10 =	vmul.f32 v40, v16;
	v12 =	vadd.f32 v13, v12;
	v13 =	vmul.f32 v42, v17  }
0x17e: {  	v3 =	vadd.f32 v3, v9;
	v9 =	vadd.f32 v15, v14;
	v14 =	vmul.f32 v44, v11;
	v15 =	vld [tilespmem:s15+$0xFFFFD800]  }
0x17f: {  	s25 =	simm.s32 $0xA900;
	v4 =	vadd.f32 v4, v12;
	v12 =	vadd.f32 v19, v18;
	v18 =	vmul.f32 v45, v17;
	v19 =	vld [tilespmem:s15+$0xFFFFD510]  }
0x180: {  	v11 =	vmul.f32 v48, v11;
	v45 =	vld [tilespmem:s15+$0xFFFFD670];
	v5 =	vadd.f32 v5, v9;
	v9 =	vadd.f32 v47, v10;
	[tilespmem:s25+$0x0] =	vst v3  }
0x181: {  	v10 =	vmul.f32 v46, v16;
	v3 =	vadd.f32 v6, v12;
	v6 =	vadd.f32 v49, v13;
	[tilespmem:s25+$0x10] =	vst v4;
	v4 =	vld [tilespmem:s15+$0xFFFFD520]  }
0x182: {  	v12 =	vmul.f32 v50, v16;
	v46 =	vld [tilespmem:s15+$0xFFFFD680];
	v7 =	vadd.f32 v7, v9;
	v9 =	vadd.f32 v18, v14;
	[tilespmem:s25+$0x20] =	vst v5  }
0x183: {  	v5 =	vld [tilespmem:s15+$0xFFFFD5A0];
	v6 =	vadd.f32 v8, v6;
	v8 =	vadd.f32 v11, v10;
	[tilespmem:s25+$0x30] =	vst v3;
	v10 =	vmul.f32 v15, v17  }
0x184: {  	v11 =	vld [tilespmem:s15+$0xFFFFD530];
	v3 =	vadd.f32 v12, v9;
	[tilespmem:s25+$0x40] =	vst v7  }
0x185: {  	v7 =	vld [tilespmem:s15+$0xFFFFD5B0];
	[tilespmem:s25+$0x50] =	vst v6;
	v8 =	vadd.f32 v10, v8  }
0x186: {  	v6 =	vld [tilespmem:s15+$0xFFFFD540];
	[tilespmem:s25+$0x60] =	vst v3  }
0x187: {  	v9 =	vld [tilespmem:s15+$0xFFFFD5C0];
	[tilespmem:s25+$0x70] =	vst v8  }
0x188: {  	v8 =	vld [tilespmem:s15+$0xFFFFFF90]  }
0x189: {  	v10 =	vld [tilespmem:s15+$0xFFFFFFA0]  }
0x18a: {  	v24 =	vperm.xlane v51, v2;
	v12 =	vld [tilespmem:s15+$0xFFFFFFB0]  }
0x18b: {  	v58 =	vperm.xlane v51, v0;
	v13 =	vld [tilespmem:s15+$0xFFFFFFC0]  }
0x18c: {  	v34 =	vperm.xlane v51, v1;
	v20 =	vmul.f32 v52, v24;
	v14 =	vld [tilespmem:s15+$0xFFFFFFD0]  }
0x18d: {  	v62 =	vmul.f32 v56, v24;
	v37 =	vmul.f32 v37, v58;
	v15 =	vld [tilespmem:s15+$0xFFFFFFE0]  }
0x18e: {  	v28 =	vmul.f32 v61, v58;
	v30 =	vmul.f32 v63, v34;
	v3 =	vld [tilespmem:s15+$0xFFFFFFF0]  }
0x18f: {  	v40 =	vmul.f32 v59, v58;
	v42 =	vmul.f32 v38, v34;
	v16 =	vld [tilespmem:s15+$0x0]  }
0x190: {  	v44 =	vmul.f32 v36, v34;
	v48 =	vmul.f32 v41, v24;
	v17 =	vld [tilespmem:s15+$0xFFFFFE90]  }
0x191: {  	v49 =	vmul.f32 v43, v58;
	v19 =	vmul.f32 v19, v58;
	v18 =	vld [tilespmem:s15+$0xFFFFFF10]  }
0x192: {  	v51 =	vmul.f32 v45, v34;
	v4 =	vmul.f32 v4, v34;
	v21 =	vld [tilespmem:s15+$0xFFFFFEA0]  }
0x193: {  	v19 =	vadd.f32 v20, v19;
	v20 =	vmul.f32 v60, v24;
	v5 =	vmul.f32 v5, v58;
	v53 =	vld [tilespmem:s21+$0x0]  }
0x194: {  	v29 =	vadd.f32 v37, v44;
	v11 =	vmul.f32 v11, v24;
	v23 =	vld [tilespmem:s15+$0xFFFFFF00];
	v7 =	vmul.f32 v7, v34  }
0x195: {  	v25 =	vld [tilespmem:s15+$0xFFFFFF80];
	v6 =	vmul.f32 v6, v58;
	v4 =	vadd.f32 v5, v4;
	v5 =	vmul.f32 v9, v24  }
0x196: {  	v26 =	vld [tilespmem:s15+$0xFFFFFF20];
	v9 =	vmul.f32 v54, v34;
	v7 =	vadd.f32 v7, v11;
	v11 =	vmul.f32 v55, v58  }
0x197: {  	v19 =	vadd.f32 v42, v19;
	v27 =	vld [tilespmem:s15+$0xFFFFFEB0];
	v5 =	vadd.f32 v5, v6;
	v6 =	vmul.f32 v57, v34  }
0x198: {  	v47 =	vld [tilespmem:s15+$0xFFFFFF30];
	v4 =	vadd.f32 v20, v4;
	v9 =	vadd.f32 v11, v9;
	v11 =	vmul.f32 v35, v24  }
0x199: {  	[tilespmem:s25+$0xFFFFFF00] =	vst v19;
	v19 =	vld [tilespmem:s15+$0xFFFFFEC0];
	v6 =	vadd.f32 v6, v62;
	v7 =	vadd.f32 v28, v7;
	v50 =	vperm.xlane v53, v0  }
0x19a: {  	v56 =	vld [tilespmem:s15+$0xFFFFFEF0];
	v5 =	vadd.f32 v30, v5;
	[tilespmem:s25+$0xFFFFFF10] =	vst v4;
	v52 =	vperm.xlane v53, v1;
	v22 =	vperm.xlane v53, v2  }
0x19b: {  	v55 =	vld [tilespmem:s15+$0xFFFFFEE0];
	v24 =	vmul.f32 v46, v24;
	v11 =	vadd.f32 v11, v40;
	v9 =	vadd.f32 v48, v9;
	[tilespmem:s25+$0xFFFFFF20] =	vst v7  }
0x19c: {  	v57 =	vld [tilespmem:s15+$0xFFFFFF70];
	v6 =	vadd.f32 v49, v6;
	[tilespmem:s25+$0xFFFFFF30] =	vst v5;
	v5 =	vmul.f32 v23, v52;
	v54 =	vmul.f32 v25, v50  }
0x19d: {  	v4 =	vld [tilespmem:s15+$0xFFFFFF40];
	v24 =	vadd.f32 v24, v29;
	v16 =	vmul.f32 v16, v22;
	v20 =	vmul.f32 v47, v52;
	[tilespmem:s25+$0xFFFFFF40] =	vst v9  }
0x19e: {  	v53 =	vld [tilespmem:s15+$0xFFFFFF50];
	v19 =	vmul.f32 v19, v50;
	v8 =	vmul.f32 v8, v52;
	v11 =	vadd.f32 v51, v11;
	[tilespmem:s25+$0xFFFFFF50] =	vst v6  }
0x19f: {  	v7 =	vld [tilespmem:s15+$0xFFFFFED0];
	v10 =	vmul.f32 v10, v22;
	v12 =	vmul.f32 v12, v50;
	v5 =	vadd.f32 v54, v5;
	[tilespmem:s25+$0xFFFFFF70] =	vst v24  }
0x1a0: {  	v9 =	vmul.f32 v17, v50;
	v17 =	vmul.f32 v18, v22;
	v18 =	vld [tilespmem:s15+$0xFFFFFF60];
	[tilespmem:s25+$0xFFFFFF60] =	vst v11  }
0x1a1: {  	v14 =	vmul.f32 v14, v22;
	v61 =	vmul.f32 v3, v52;
	v5 =	vadd.f32 v16, v5;
	v16 =	vld [tilespmem:s21+$0xFFFFFFFD]  }
0x1a2: {  	v6 =	vmul.f32 v21, v52;
	v4 =	vmul.f32 v4, v22;
	v58 =	vld [tilespmem:s15+$0xFFFFFD90]  }
0x1a3: {  	v9 =	vadd.f32 v17, v9;
	v11 =	vmul.f32 v26, v50;
	v17 =	vmul.f32 v27, v22;
	v24 =	vld [tilespmem:s15+$0xFFFFFD20]  }
0x1a4: {  	v7 =	vmul.f32 v7, v52;
	v4 =	vadd.f32 v4, v19;
	v19 =	vmul.f32 v53, v50;
	v59 =	vld [tilespmem:s15+$0xFFFFFDA0]  }
0x1a5: {  	v60 =	vld [tilespmem:s15+$0xFFFFFDB0];
	v6 =	vadd.f32 v11, v6;
	v8 =	vadd.f32 v8, v9;
	v9 =	vmul.f32 v13, v52  }
0x1a6: {  	v11 =	vld [tilespmem:s15+$0xFFFFFD10];
	v17 =	vadd.f32 v20, v17;
	v13 =	vmul.f32 v55, v22;
	v18 =	vmul.f32 v18, v52  }
0x1a7: {  	v62 =	vld [tilespmem:s15+$0xFFFFFD40];
	v7 =	vadd.f32 v19, v7;
	v6 =	vadd.f32 v10, v6;
	v10 =	vmul.f32 v15, v50  }
0x1a8: {  	v19 =	vld [tilespmem:s15+$0xFFFFFD30];
	v15 =	vmul.f32 v56, v50;
	v13 =	vadd.f32 v18, v13;
	v18 =	vmul.f32 v57, v22  }
0x1a9: {  	[tilespmem:s25+$0xF0] =	vst v5;
	v12 =	vadd.f32 v12, v17;
	v17 =	vld [tilespmem:s15+$0xFFFFFDC0];
	v5 =	vperm.xlane v16, v0;
	v3 =	vperm.xlane v16, v2  }
0x1aa: {  	[tilespmem:s25+$0x80] =	vst v8;
	v8 =	vadd.f32 v9, v4;
	v9 =	vld [tilespmem:s15+$0xFFFFFD50];
	v7 =	vadd.f32 v14, v7;
	v4 =	vperm.xlane v16, v1  }
0x1ab: {  	[tilespmem:s25+$0x90] =	vst v6;
	v16 =	vld [tilespmem:s15+$0xFFFFFDD0];
	v6 =	vadd.f32 v18, v15;
	v14 =	vmul.f32 v11, v5;
	v15 =	vmul.f32 v58, v3  }
0x1ac: {  	[tilespmem:s25+$0xA0] =	vst v12;
	v18 =	vadd.f32 v10, v13;
	v10 =	vld [tilespmem:s15+$0xFFFFFD60];
	v12 =	vmul.f32 v24, v4;
	v63 =	vmul.f32 v59, v5  }
0x1ad: {  	[tilespmem:s25+$0xB0] =	vst v8;
	v8 =	vmul.f32 v19, v3;
	v19 =	vmul.f32 v60, v4;
	v11 =	vld [tilespmem:s15+$0xFFFFFDE0];
	v22 =	vadd.f32 v61, v6  }
0x1ae: {  	[tilespmem:s25+$0xC0] =	vst v7;
	v13 =	vld [tilespmem:s15+$0xFFFFFD70];
	v17 =	vmul.f32 v17, v3;
	v7 =	vadd.f32 v15, v14;
	v14 =	vmul.f32 v62, v5  }
0x1af: {  	[tilespmem:s25+$0xD0] =	vst v18;
	v6 =	vadd.f32 v63, v12;
	v8 =	vadd.f32 v19, v8;
	v12 =	vld [tilespmem:s15+$0xFFFFFDF0]  }
0x1b0: {  	s9 =	simm.s32 $0x0;
	s10 =	simm.s32 $0x85F0;
	s6 =	simm.s32 $0xA900;
	v15 =	vmul.f32 v9, v4;
	[tilespmem:s25+$0xE0] =	vst v22;
	v16 =	vmul.f32 v16, v5;
	v9 =	vadd.f32 v17, v14;
	v14 =	vld [tilespmem:s15+$0xFFFFFD80]  }
.LBB2_5:
0x1b1: {  	v17 =	vld [tilespmem:s10+$0xFFFFD790];
	v18 =	vmul.f32 v10, v3  }
0x1b2: {  	v19 =	vld [tilespmem:s10+$0xFFFFD7A0];
	v10 =	vadd.f32 v16, v15;
	v11 =	vmul.f32 v11, v4  }
0x1b3: {  	v15 =	vld [tilespmem:s10+$0xFFFFD7B0];
	v16 =	vmul.f32 v13, v5  }
0x1b4: {  	v20 =	vld [tilespmem:s10+$0xFFFFD7C0];
	v11 =	vadd.f32 v11, v18;
	v12 =	vmul.f32 v12, v3  }
0x1b5: {  	v18 =	vld [tilespmem:s10+$0xFFFFD7D0];
	v13 =	vmul.f32 v14, v4  }
0x1b6: {  	v14 =	vld [tilespmem:s10+$0xFFFFD7E0];
	v12 =	vadd.f32 v12, v16  }
0x1b7: {  	v16 =	vld [tilespmem:s10+$0xFFFFD690]  }
0x1b8: {  	s21 =	sadd.s32 $0x6, s21;
	v21 =	vld [tilespmem:s10+$0xFFFFD710]  }
0x1b9: {  	v22 =	vld [tilespmem:s21+$0xFFFFFF80]  }
0x1ba: {  	v23 =	vld [tilespmem:s10+$0xFFFFD6A0]  }
0x1bb: {  	v24 =	vld [tilespmem:s10+$0xFFFFD720]  }
0x1bc: {  	v25 =	vld [tilespmem:s10+$0xFFFFD6B0]  }
0x1bd: {  	v26 =	vld [tilespmem:s10+$0xFFFFD730]  }
0x1be: {  	v27 =	vperm.xlane v22, v1;
	v28 =	vperm.xlane v22, v2;
	v29 =	vld [tilespmem:s10+$0xFFFFD6C0]  }
0x1bf: {  	v22 =	vperm.xlane v22, v0;
	v30 =	vld [tilespmem:s10+$0xFFFFD740]  }
0x1c0: {  	v17 =	vmul.f32 v17, v27;
	v19 =	vmul.f32 v19, v28;
	v31 =	vld [tilespmem:s10+$0xFFFFD6D0]  }
0x1c1: {  	v15 =	vmul.f32 v15, v22;
	v20 =	vmul.f32 v20, v27;
	v32 =	vld [tilespmem:s10+$0xFFFFD750]  }
0x1c2: {  	v18 =	vmul.f32 v18, v28;
	v14 =	vmul.f32 v14, v22;
	v33 =	vld [tilespmem:s10+$0xFFFFD6E0]  }
0x1c3: {  	v16 =	vmul.f32 v16, v22;
	v21 =	vmul.f32 v21, v28;
	v34 =	vld [tilespmem:s10+$0xFFFFD760]  }
0x1c4: {  	v23 =	vmul.f32 v23, v27;
	v24 =	vmul.f32 v24, v22;
	v35 =	vld [tilespmem:s10+$0xFFFFD6F0]  }
0x1c5: {  	v25 =	vmul.f32 v25, v28;
	v26 =	vmul.f32 v26, v27;
	v36 =	vld [tilespmem:s10+$0xFFFFD770]  }
0x1c6: {  	v29 =	vmul.f32 v29, v22;
	v30 =	vmul.f32 v30, v28;
	v37 =	vld [tilespmem:s10+$0xFFFFD700]  }
0x1c7: {  	v16 =	vadd.f32 v21, v16;
	v21 =	vmul.f32 v31, v27;
	v31 =	vmul.f32 v32, v22;
	v32 =	vld [tilespmem:s10+$0xFFFFD780]  }
0x1c8: {  	v23 =	vadd.f32 v24, v23;
	v24 =	vmul.f32 v33, v28;
	v33 =	vmul.f32 v34, v27;
	v34 =	vld [tilespmem:s10+$0xFFFFD7F0]  }
0x1c9: {  	v16 =	vadd.f32 v17, v16;
	v17 =	vadd.f32 v26, v25;
	v25 =	vmul.f32 v35, v22;
	v26 =	vld [tilespmem:s10+$0xFFFFD800]  }
0x1ca: {  	s25 =	sadd.s32 $0x200, s25;
	v19 =	vadd.f32 v19, v23;
	v23 =	vadd.f32 v30, v29;
	v35 =	vld [tilespmem:s21+$0xFFFFFF7D];
	v29 =	vmul.f32 v36, v28  }
0x1cb: {  	v15 =	vadd.f32 v15, v17;
	v17 =	vadd.f32 v31, v21;
	v30 =	vld [tilespmem:s10+$0xFFFFD510];
	v21 =	vmul.f32 v37, v27;
	[tilespmem:s25+$0x0] =	vst v16  }
0x1cc: {  	v16 =	vadd.f32 v20, v23;
	v20 =	vadd.f32 v33, v24;
	v31 =	vld [tilespmem:s10+$0xFFFFD590];
	v22 =	vmul.f32 v32, v22;
	[tilespmem:s25+$0x10] =	vst v19  }
0x1cd: {  	v17 =	vadd.f32 v18, v17;
	v18 =	vadd.f32 v29, v25;
	v19 =	vld [tilespmem:s10+$0xFFFFD520];
	v23 =	vmul.f32 v34, v27;
	[tilespmem:s25+$0x20] =	vst v15  }
0x1ce: {  	v20 =	vadd.f32 v14, v20;
	v24 =	vld [tilespmem:s10+$0xFFFFD5A0];
	v21 =	vadd.f32 v22, v21;
	v22 =	vmul.f32 v26, v28;
	[tilespmem:s25+$0x30] =	vst v16  }
0x1cf: {  	v16 =	vperm.xlane v35, v0;
	v14 =	vperm.xlane v35, v1;
	v25 =	vld [tilespmem:s10+$0xFFFFD530];
	v18 =	vadd.f32 v23, v18;
	[tilespmem:s25+$0x40] =	vst v17  }
0x1d0: {  	s9 =	sadd.s32 $0x2, s9;
	v15 =	vperm.xlane v35, v2;
	v23 =	vld [tilespmem:s10+$0xFFFFD5B0];
	v17 =	vadd.f32 v22, v21;
	[tilespmem:s25+$0x50] =	vst v20  }
0x1d1: {  	p1 =	slt.u32 s9, $0x16;
	v20 =	vmul.f32 v30, v16;
	v21 =	vld [tilespmem:s10+$0xFFFFD540];
	[tilespmem:s25+$0x60] =	vst v18  }
0x1d2: {  	v18 =	vmul.f32 v31, v15;
	v19 =	vmul.f32 v19, v14;
	v22 =	vld [tilespmem:s10+$0xFFFFD5C0];
	[tilespmem:s25+$0x70] =	vst v17  }
0x1d3: {  	v24 =	vmul.f32 v24, v16;
	v26 =	vld [tilespmem:s10+$0xFFFFFF90]  }
0x1d4: {  	v17 =	vadd.f32 v18, v20;
	v20 =	vmul.f32 v25, v15;
	v25 =	vld [tilespmem:s10+$0xFFFFFFA0]  }
0x1d5: {  	v18 =	vadd.f32 v24, v19;
	v19 =	vmul.f32 v23, v14;
	v23 =	vld [tilespmem:s10+$0xFFFFFFB0]  }
0x1d6: {  	v21 =	vmul.f32 v21, v16;
	v24 =	vld [tilespmem:s10+$0xFFFFFFC0]  }
0x1d7: {  	v19 =	vadd.f32 v19, v20;
	v20 =	vmul.f32 v22, v15;
	v22 =	vld [tilespmem:s10+$0xFFFFFFD0]  }
0x1d8: {  	v27 =	vld [tilespmem:s10+$0xFFFFFFE0]  }
0x1d9: {  	v20 =	vadd.f32 v20, v21;
	v21 =	vld [tilespmem:s10+$0xFFFFFFF0]  }
0x1da: {  	v28 =	vld [tilespmem:s10+$0x0]  }
0x1db: {  	v29 =	vld [tilespmem:s10+$0xFFFFFE90]  }
0x1dc: {  	v30 =	vld [tilespmem:s10+$0xFFFFFF10]  }
0x1dd: {  	v31 =	vld [tilespmem:s10+$0xFFFFFEA0]  }
0x1de: {  	v32 =	vld [tilespmem:s21+$0x0]  }
0x1df: {  	v33 =	vld [tilespmem:s10+$0xFFFFFF00]  }
0x1e0: {  	v34 =	vld [tilespmem:s10+$0xFFFFFF80]  }
0x1e1: {  	v35 =	vld [tilespmem:s10+$0xFFFFFF20]  }
0x1e2: {  	v36 =	vld [tilespmem:s10+$0xFFFFFEB0]  }
0x1e3: {  	v37 =	vperm.xlane v32, v0;
	v38 =	vperm.xlane v32, v1;
	v39 =	vld [tilespmem:s10+$0xFFFFFF30]  }
0x1e4: {  	v32 =	vperm.xlane v32, v2;
	v40 =	vld [tilespmem:s10+$0xFFFFFEC0]  }
0x1e5: {  	v41 =	vld [tilespmem:s10+$0xFFFFFF40];
	v33 =	vmul.f32 v33, v38;
	v34 =	vmul.f32 v34, v37  }
0x1e6: {  	v29 =	vmul.f32 v29, v37;
	v30 =	vmul.f32 v30, v32;
	v42 =	vld [tilespmem:s10+$0xFFFFFED0]  }
0x1e7: {  	v31 =	vmul.f32 v31, v38;
	v28 =	vmul.f32 v28, v32;
	v43 =	vld [tilespmem:s10+$0xFFFFFF50];
	v33 =	vadd.f32 v34, v33  }
0x1e8: {  	v29 =	vadd.f32 v30, v29;
	v30 =	vmul.f32 v35, v37;
	v34 =	vmul.f32 v36, v32;
	v35 =	vld [tilespmem:s10+$0xFFFFFEE0]  }
0x1e9: {  	v36 =	vmul.f32 v39, v38;
	v39 =	vmul.f32 v40, v37;
	v40 =	vld [tilespmem:s10+$0xFFFFFF60];
	v28 =	vadd.f32 v28, v33  }
0x1ea: {  	v26 =	vmul.f32 v26, v38;
	v30 =	vadd.f32 v30, v31;
	v31 =	vmul.f32 v41, v32;
	v33 =	vld [tilespmem:s10+$0xFFFFFEF0]  }
0x1eb: {  	v25 =	vmul.f32 v25, v32;
	v34 =	vadd.f32 v36, v34;
	v36 =	vmul.f32 v42, v38;
	v41 =	vld [tilespmem:s10+$0xFFFFFF70];
	[tilespmem:s25+$0xF0] =	vst v28  }
0x1ec: {  	v23 =	vmul.f32 v23, v37;
	v28 =	vld [tilespmem:s10+$0xFFFFD550];
	v31 =	vadd.f32 v31, v39;
	v39 =	vmul.f32 v43, v37  }
0x1ed: {  	v24 =	vmul.f32 v24, v38;
	v26 =	vadd.f32 v26, v29;
	v42 =	vld [tilespmem:s10+$0xFFFFD5D0];
	v29 =	vmul.f32 v35, v32  }
0x1ee: {  	v22 =	vmul.f32 v22, v32;
	v35 =	vld [tilespmem:s10+$0xFFFFD560];
	v36 =	vadd.f32 v39, v36;
	v39 =	vmul.f32 v40, v38  }
0x1ef: {  	v27 =	vmul.f32 v27, v37;
	v25 =	vadd.f32 v25, v30;
	v40 =	vld [tilespmem:s10+$0xFFFFD5E0];
	v30 =	vmul.f32 v33, v37;
	[tilespmem:s25+$0x80] =	vst v26  }
0x1f0: {  	v21 =	vmul.f32 v21, v38;
	v26 =	vld [tilespmem:s10+$0xFFFFD570];
	v29 =	vadd.f32 v39, v29;
	v32 =	vmul.f32 v41, v32  }
0x1f1: {  	v23 =	vadd.f32 v23, v34;
	v24 =	vadd.f32 v24, v31;
	v28 =	vmul.f32 v28, v14;
	v33 =	vld [tilespmem:s10+$0xFFFFD5F0];
	[tilespmem:s25+$0x90] =	vst v25  }
0x1f2: {  	v22 =	vadd.f32 v22, v36;
	v25 =	vmul.f32 v42, v16;
	v31 =	vld [tilespmem:s10+$0xFFFFD580];
	v30 =	vadd.f32 v32, v30  }
0x1f3: {  	v27 =	vadd.f32 v27, v29;
	v32 =	vmul.f32 v35, v15;
	v34 =	vld [tilespmem:s10+$0xFFFFD600];
	[tilespmem:s25+$0xA0] =	vst v23  }
0x1f4: {  	v23 =	vld [tilespmem:s10+$0xFFFFD610];
	v25 =	vadd.f32 v25, v28;
	v28 =	vmul.f32 v40, v14;
	v21 =	vadd.f32 v21, v30;
	[tilespmem:s25+$0xB0] =	vst v24  }
0x1f5: {  	v24 =	vld [tilespmem:s10+$0xFFFFD620];
	v26 =	vmul.f32 v26, v16;
	[tilespmem:s25+$0xC0] =	vst v22  }
0x1f6: {  	v22 =	vld [tilespmem:s10+$0xFFFFD630];
	v28 =	vadd.f32 v28, v32;
	v29 =	vmul.f32 v33, v15;
	[tilespmem:s25+$0xD0] =	vst v27  }
0x1f7: {  	v27 =	vld [tilespmem:s10+$0xFFFFD640];
	v30 =	vmul.f32 v31, v14;
	[tilespmem:s25+$0xE0] =	vst v21  }
0x1f8: {  	v21 =	vld [tilespmem:s10+$0xFFFFD650];
	v26 =	vadd.f32 v29, v26;
	v29 =	vmul.f32 v34, v16  }
0x1f9: {  	v23 =	vmul.f32 v23, v14;
	v31 =	vld [tilespmem:s10+$0xFFFFD660]  }
0x1fa: {  	v24 =	vmul.f32 v24, v15;
	v32 =	vld [tilespmem:s10+$0xFFFFD670];
	v29 =	vadd.f32 v29, v30  }
0x1fb: {  	v17 =	vadd.f32 v23, v17;
	v22 =	vmul.f32 v22, v16;
	v23 =	vld [tilespmem:s10+$0xFFFFD680]  }
0x1fc: {  	v18 =	vadd.f32 v24, v18;
	v24 =	vmul.f32 v27, v14;
	v27 =	vld [tilespmem:s15+$0xFFFFFE00]  }
0x1fd: {  	v19 =	vadd.f32 v22, v19;
	v21 =	vmul.f32 v21, v15;
	[tilespmem:s25+$0xFFFFFF00] =	vst v17;
	v17 =	vld [tilespmem:s15+$0xFFFFFE10]  }
0x1fe: {  	v20 =	vadd.f32 v24, v20;
	v16 =	vmul.f32 v31, v16;
	[tilespmem:s25+$0xFFFFFF10] =	vst v18;
	v18 =	vld [tilespmem:s15+$0xFFFFFE20]  }
0x1ff: {  	v21 =	vadd.f32 v21, v25;
	v14 =	vmul.f32 v32, v14;
	[tilespmem:s25+$0xFFFFFF20] =	vst v19;
	v19 =	vld [tilespmem:s15+$0xFFFFFE30]  }
0x200: {  	v16 =	vadd.f32 v16, v28;
	v15 =	vmul.f32 v23, v15;
	[tilespmem:s25+$0xFFFFFF30] =	vst v20;
	v20 =	vld [tilespmem:s15+$0xFFFFFE40]  }
0x201: {  	v14 =	vadd.f32 v14, v26;
	[tilespmem:s25+$0xFFFFFF40] =	vst v21;
	v21 =	vld [tilespmem:s15+$0xFFFFFE50];
	v22 =	vmul.f32 v27, v5  }
0x202: {  	v15 =	vadd.f32 v15, v29;
	[tilespmem:s25+$0xFFFFFF50] =	vst v16;
	v16 =	vmul.f32 v17, v4;
	v17 =	vld [tilespmem:s15+$0xFFFFFE60]  }
0x203: {  	[tilespmem:s25+$0xFFFFFF60] =	vst v14;
	v14 =	vmul.f32 v18, v3;
	v18 =	vld [tilespmem:s15+$0xFFFFFE70];
	v13 =	vadd.f32 v22, v13  }
0x204: {  	[tilespmem:s25+$0xFFFFFF70] =	vst v15;
	v7 =	vadd.f32 v16, v7;
	v15 =	vmul.f32 v19, v5;
	v16 =	vld [tilespmem:s15+$0xFFFFFE80];
	s15 =	smov.u32 s10  }
0x205: {  	v19 =	vld [tilespmem:s21+$0xFFFFFFFD];
	v6 =	vadd.f32 v14, v6;
	v14 =	vmul.f32 v20, v4  }
0x206: {  	v20 =	vld [tilespmem:s10+$0xFFFFFD10];
	v8 =	vadd.f32 v15, v8;
	v15 =	vmul.f32 v21, v3;
	[tilespmem:s6+$0xFFFFFF80] =	vst v7  }
0x207: {  	v7 =	vld [tilespmem:s10+$0xFFFFFD90];
	v9 =	vadd.f32 v14, v9;
	v5 =	vmul.f32 v17, v5;
	[tilespmem:s6+$0xFFFFFF90] =	vst v6  }
0x208: {  	v6 =	vld [tilespmem:s10+$0xFFFFFD20];
	v10 =	vadd.f32 v15, v10;
	v14 =	vmul.f32 v18, v4;
	[tilespmem:s6+$0xFFFFFFA0] =	vst v8  }
0x209: {  	v8 =	vld [tilespmem:s10+$0xFFFFFDA0];
	v11 =	vadd.f32 v5, v11;
	v15 =	vmul.f32 v16, v3;
	[tilespmem:s6+$0xFFFFFFB0] =	vst v9  }
0x20a: {  	v5 =	vperm.xlane v19, v0;
	v4 =	vperm.xlane v19, v1;
	v9 =	vld [tilespmem:s10+$0xFFFFFD30];
	v12 =	vadd.f32 v14, v12;
	[tilespmem:s6+$0xFFFFFFC0] =	vst v10  }
0x20b: {  	v3 =	vperm.xlane v19, v2;
	v10 =	vld [tilespmem:s10+$0xFFFFFDB0];
	v13 =	vadd.f32 v15, v13;
	[tilespmem:s6+$0xFFFFFFD0] =	vst v11  }
0x20c: {  	v11 =	vmul.f32 v20, v5;
	v14 =	vld [tilespmem:s10+$0xFFFFFD40];
	[tilespmem:s6+$0xFFFFFFE0] =	vst v12  }
0x20d: {  	v7 =	vmul.f32 v7, v3;
	v6 =	vmul.f32 v6, v4;
	v12 =	vld [tilespmem:s10+$0xFFFFFDC0];
	[tilespmem:s6+$0xFFFFFFF0] =	vst v13;
	s6 =	smov.u32 s25  }
0x20e: {  	v8 =	vmul.f32 v8, v5;
	v15 =	vld [tilespmem:s10+$0xFFFFFD50]  }
0x20f: {  	v7 =	vadd.f32 v7, v11;
	v9 =	vmul.f32 v9, v3;
	v16 =	vld [tilespmem:s10+$0xFFFFFDD0]  }
.Ltmp1:
0x210: {  	v6 =	vadd.f32 v8, v6;
	v8 =	vmul.f32 v10, v4;
	v10 =	vld [tilespmem:s10+$0xFFFFFD60];
	(pc) =	sbr.rel @p1 .LBB2_5-.Ltmp1, $4  }
0x211: {  	v14 =	vmul.f32 v14, v5;
	v11 =	vld [tilespmem:s10+$0xFFFFFDE0]  }
0x212: {  	v8 =	vadd.f32 v8, v9;
	v9 =	vmul.f32 v12, v3;
	v13 =	vld [tilespmem:s10+$0xFFFFFD70]  }
0x213: {  	v15 =	vmul.f32 v15, v4;
	v12 =	vld [tilespmem:s10+$0xFFFFFDF0]  }
0x214: {  	s10 =	sadd.s32 $0x300, s10;
	v9 =	vadd.f32 v9, v14;
	v16 =	vmul.f32 v16, v5;
	v14 =	vld [tilespmem:s15+$0xFFFFFD80]  }
0x215: {  	v17 =	vld [tilespmem:s15+$0xFFFFFE00]  }
0x216: {  	v18 =	vld [tilespmem:s15+$0xFFFFFE10]  }
0x217: {  	v19 =	vld [tilespmem:s15+$0xFFFFFE20]  }
0x218: {  	v20 =	vld [tilespmem:s15+$0xFFFFFE30]  }
0x219: {  	v21 =	vld [tilespmem:s15+$0xFFFFFE40]  }
0x21a: {  	v10 =	vmul.f32 v10, v3;
	v22 =	vld [tilespmem:s15+$0xFFFFFE50]  }
0x21b: {  	v23 =	vld [tilespmem:s15+$0xFFFFFE60];
	v11 =	vmul.f32 v11, v4;
	v18 =	vmul.f32 v18, v4  }
0x21c: {  	v15 =	vadd.f32 v16, v15;
	v13 =	vmul.f32 v13, v5;
	v16 =	vmul.f32 v19, v3;
	v19 =	vld [tilespmem:s15+$0xFFFFFE70]  }
0x21d: {  	v10 =	vadd.f32 v11, v10;
	v11 =	vmul.f32 v20, v5;
	v7 =	vadd.f32 v18, v7;
	v18 =	vld [tilespmem:s15+$0xFFFFFE80]  }
0x21e: {  	v12 =	vmul.f32 v12, v3;
	v6 =	vadd.f32 v16, v6;
	v16 =	vmul.f32 v21, v4  }
0x21f: {  	v14 =	vmul.f32 v14, v4;
	v8 =	vadd.f32 v11, v8;
	v11 =	vmul.f32 v22, v3;
	[tilespmem:s6+$0xFFFFFF80] =	vst v7  }
0x220: {  	v7 =	vmul.f32 v17, v5;
	v9 =	vadd.f32 v16, v9;
	v5 =	vmul.f32 v23, v5;
	[tilespmem:s6+$0xFFFFFF90] =	vst v6  }
0x221: {  	v6 =	vadd.f32 v12, v13;
	v11 =	vadd.f32 v11, v15;
	[tilespmem:s6+$0xFFFFFFA0] =	vst v8;
	v4 =	vmul.f32 v19, v4  }
0x222: {  	v7 =	vadd.f32 v7, v14;
	v5 =	vadd.f32 v5, v10;
	[tilespmem:s6+$0xFFFFFFB0] =	vst v9;
	v3 =	vmul.f32 v18, v3  }
0x223: {  	[tilespmem:s6+$0xFFFFFFC0] =	vst v11;
	v4 =	vadd.f32 v4, v6  }
0x224: {  	[tilespmem:s6+$0xFFFFFFD0] =	vst v5;
	v3 =	vadd.f32 v3, v7  }
0x225: {  	[tilespmem:s6+$0xFFFFFFE0] =	vst v4  }
0x226: {  	[tilespmem:s6+$0xFFFFFFF0] =	vst v3  }
0x227: {  	v3 =	vld [tilespmem:$0x548]  }
0x228: {  	v4 =	vld [tilespmem:$0x7C00]  }
0x229: {  	v5 =	vld [tilespmem:$0x7C80]  }
0x22a: {  	v6 =	vld [tilespmem:$0x7D00]  }
0x22b: {  	v7 =	vld [tilespmem:$0x7C10]  }
0x22c: {  	v8 =	vld [tilespmem:$0x7C90]  }
0x22d: {  	v9 =	vld [tilespmem:$0x7D10]  }
0x22e: {  	v10 =	vld [tilespmem:$0x7C20]  }
0x22f: {  	v11 =	vld [tilespmem:$0x7CA0]  }
0x230: {  	v12 =	vld [tilespmem:$0x7D20]  }
0x231: {  	v13 =	vld [tilespmem:$0x7C30]  }
0x232: {  	v14 =	vld [tilespmem:$0x7CB0]  }
0x233: {  	v15 =	vld [tilespmem:$0x7D30]  }
0x234: {  	v16 =	vld [tilespmem:$0x7C40]  }
0x235: {  	v17 =	vld [tilespmem:$0x7CC0]  }
0x236: {  	v18 =	vld [tilespmem:$0x7D40]  }
0x237: {  	v19 =	vld [tilespmem:$0x7C50]  }
0x238: {  	v50 =	vld [tilespmem:$0x7CD0]  }
0x239: {  	v51 =	vld [tilespmem:$0x7D50]  }
0x23a: {  	v52 =	vld [tilespmem:$0x7C60]  }
0x23b: {  	v53 =	vld [tilespmem:$0x7CE0]  }
0x23c: {  	v30 =	vld [tilespmem:$0x5C8]  }
0x23d: {  	v24 =	vld [tilespmem:$0x7D60]  }
0x23e: {  	v25 =	vld [tilespmem:$0x7C70]  }
0x23f: {  	v26 =	vld [tilespmem:$0x7CF0];
	v28 =	vperm.xlane v3, v0  }
0x240: {  	v32 =	vld [tilespmem:$0xA480];
	v29 =	vperm.xlane v3, v2;
	v3 =	vperm.xlane v3, v1  }
0x241: {  	v33 =	vld [tilespmem:$0xA500];
	v60 =	vperm.xlane v30, v2;
	v62 =	vperm.xlane v30, v1  }
0x242: {  	v27 =	vld [tilespmem:$0x7D70];
	v4 =	vmul.f32 v4, v28;
	v5 =	vmul.f32 v5, v29  }
0x243: {  	v31 =	vld [tilespmem:$0xA400];
	v7 =	vmul.f32 v7, v3;
	v8 =	vmul.f32 v8, v28  }
0x244: {  	v54 =	vld [tilespmem:$0xA430];
	v55 =	vmul.f32 v52, v28;
	v57 =	vmul.f32 v24, v3  }
0x245: {  	v56 =	vld [tilespmem:$0xA4B0];
	v35 =	vmul.f32 v32, v60;
	v4 =	vadd.f32 v5, v4;
	v5 =	vmul.f32 v6, v3  }
0x246: {  	v37 =	vmul.f32 v33, v62;
	v6 =	vld [tilespmem:$0xA410];
	v7 =	vadd.f32 v8, v7;
	v8 =	vmul.f32 v9, v29  }
0x247: {  	v58 =	vld [tilespmem:$0xA530];
	v9 =	vmul.f32 v10, v29;
	v4 =	vadd.f32 v5, v4;
	v5 =	vmul.f32 v11, v3  }
0x248: {  	v59 =	vld [tilespmem:$0xA440];
	v7 =	vadd.f32 v8, v7;
	v8 =	vmul.f32 v13, v28;
	v13 =	vmul.f32 v14, v29  }
0x249: {  	v61 =	vld [tilespmem:$0xA4C0];
	v11 =	vmul.f32 v12, v28;
	v5 =	vadd.f32 v5, v9;
	v9 =	vmul.f32 v15, v3  }
0x24a: {  	v12 =	vld [tilespmem:$0xA510];
	v15 =	vmul.f32 v16, v3;
	v8 =	vadd.f32 v13, v8;
	v13 =	vmul.f32 v17, v28  }
0x24b: {  	v14 =	vld [tilespmem:$0xA420];
	v17 =	vmul.f32 v18, v29;
	v6 =	vmul.f32 v6, v62  }
0x24c: {  	v10 =	vld [tilespmem:$0xA490];
	v5 =	vadd.f32 v11, v5;
	v11 =	vmul.f32 v19, v29;
	v19 =	vmul.f32 v50, v3  }
0x24d: {  	v63 =	vld [tilespmem:$0xA540];
	v8 =	vadd.f32 v9, v8;
	v9 =	vmul.f32 v51, v28;
	v13 =	vadd.f32 v13, v15  }
0x24e: {  	v36 =	vld [tilespmem:$0xA450];
	v15 =	vmul.f32 v53, v29;
	v3 =	vmul.f32 v25, v3  }
0x24f: {  	v16 =	vld [tilespmem:$0xA4A0];
	[tilespmem:$0xC010] =	vst v7;
	v7 =	vmul.f32 v12, v60;
	v13 =	vadd.f32 v17, v13;
	v17 =	vperm.xlane v30, v0  }
0x250: {  	v38 =	vld [tilespmem:$0xA550];
	v11 =	vadd.f32 v19, v11;
	v19 =	vmul.f32 v26, v28;
	[tilespmem:$0xC020] =	vst v5;
	v5 =	vmul.f32 v14, v60  }
0x251: {  	v18 =	vld [tilespmem:$0xA520];
	v15 =	vadd.f32 v15, v55;
	[tilespmem:$0xC030] =	vst v8;
	v8 =	vmul.f32 v56, v60;
	v10 =	vmul.f32 v10, v17  }
0x252: {  	v12 =	vld [tilespmem:$0xA4E0];
	v9 =	vadd.f32 v9, v11;
	v11 =	vmul.f32 v27, v29;
	v3 =	vadd.f32 v19, v3  }
0x253: {  	v14 =	vld [tilespmem:$0xA470];
	v34 =	vmul.f32 v31, v17;
	v15 =	vadd.f32 v57, v15;
	v6 =	vadd.f32 v10, v6  }
0x254: {  	v19 =	vld [tilespmem:$0xA4D0];
	[tilespmem:$0xC040] =	vst v13;
	v13 =	vmul.f32 v58, v62;
	v3 =	vadd.f32 v11, v3;
	v11 =	vmul.f32 v16, v62  }
0x255: {  	[tilespmem:$0xC000] =	vst v4;
	v4 =	vadd.f32 v35, v34;
	v10 =	vld [tilespmem:$0xA460];
	v6 =	vadd.f32 v7, v6;
	v7 =	vmul.f32 v54, v17  }
0x256: {  	v16 =	vld [tilespmem:$0xA4F0];
	[tilespmem:$0xC050] =	vst v9;
	v9 =	vmul.f32 v61, v17;
	v5 =	vadd.f32 v11, v5;
	v11 =	vmul.f32 v18, v17  }
0x257: {  	[tilespmem:$0xC060] =	vst v15;
	v15 =	vmul.f32 v36, v60;
	v4 =	vadd.f32 v37, v4;
	v18 =	vld [tilespmem:$0xA560];
	v7 =	vadd.f32 v8, v7  }
0x258: {  	v39 =	vld [tilespmem:$0xA570];
	v8 =	vmul.f32 v59, v62;
	v5 =	vadd.f32 v11, v5;
	v11 =	vmul.f32 v63, v60  }
0x259: {  	[tilespmem:$0xC070] =	vst v3;
	v3 =	vadd.f32 v13, v7;
	v7 =	vmul.f32 v19, v62;
	v13 =	vmul.f32 v38, v17  }
0x25a: {  	[tilespmem:$0xC080] =	vst v4;
	v8 =	vadd.f32 v9, v8;
	v9 =	vmul.f32 v10, v17;
	v10 =	vmul.f32 v12, v60  }
0x25b: {  	[tilespmem:$0xC090] =	vst v6;
	v12 =	vmul.f32 v16, v17;
	v4 =	vadd.f32 v7, v15;
	v7 =	vmul.f32 v14, v62  }
0x25c: {  	[tilespmem:$0xC0A0] =	vst v5;
	v6 =	vadd.f32 v11, v8;
	v8 =	vadd.f32 v10, v9;
	v9 =	vmul.f32 v18, v62  }
0x25d: {  	[tilespmem:$0xC0B0] =	vst v3;
	v4 =	vadd.f32 v13, v4;
	v5 =	vadd.f32 v12, v7;
	v7 =	vmul.f32 v39, v60  }
0x25e: {  	v3 =	vadd.f32 v9, v8;
	[tilespmem:$0xC0C0] =	vst v6  }
0x25f: {  	v5 =	vadd.f32 v7, v5;
	[tilespmem:$0xC0D0] =	vst v4  }
0x260: {  	[tilespmem:$0xC0E0] =	vst v3  }
0x261: {  	s9 =	sadd.s32 s1, s11;
	[tilespmem:$0xC0F0] =	vst v5  }
0x262: {  	[hbm4b:s9+s23] =	stream.strided.scatter [tilespmem:s0], [sflag:$0x5], $0x1900, s18, s23, $0x38;
	[tilespmem:$0x1F980] =	vst v63  }
0x263: {  	_ =	swait.ge [sflag:s17], $0x1900  }
0x264: {  	s21 =	sadd.s32 s8, s14;
	[sflag:s17] =	ssyncset.done $0x0  }
0x265: {  	s10 =	simm.s32 $0x300;
	s6 =	smin.u32 s21, $0x9FF;
	[sflag:s17] =	ssyncadd.s32 $0xFFFFE700  }
0x266: {  	[tilespmem:s24], [sflag:$0x2] =	stream.indirect.gather [spmem:s2], $0x80, s10, s19, $0xb8;
	[tilespmem:$0x1F980] =	vst v63  }
0x267: {  	s15 =	simm.s32 $0x380;
	s6 =	sshll.u32 s6, $0x6  }
0x268: {  	[tilespmem:s26], [sflag:$0x2] =	stream.indirect.gather [spmem:s2], $0x80, s15, s19, $0xb8;
	[tilespmem:$0x1F980] =	vst v63  }
0x269: {  	s25 =	sadd.s32 s4, s6  }
0x26a: {  	[tilespmem:s3], [sflag:$0x5] =	stream.linear.gather [hbm4b:s25+s3], $0x200, $0x38;
	[tilespmem:$0x1F980] =	vst v63  }
0x26b: {  	_ =	swait.ge [sflag:s17], $0x200  }
0x26c: {  	[sflag:s17] =	ssyncset.done $0x0  }
0x26d: {  	s6 =	sadd.s32 s5, s6;
	[sflag:s17] =	ssyncadd.s32 $0xFFFFFE00  }
0x26e: {  	[tilespmem:s18], [sflag:$0x3] =	stream.linear.gather [hbm4b:s6+s3], $0x200, $0x38;
	[tilespmem:$0x1F980] =	vst v63  }
0x26f: {  	_ =	swait.ge [sflag:s16], $0x200  }
0x270: {  	[sflag:s16] =	ssyncset.done $0x0  }
0x271: {  	[sflag:s16] =	ssyncadd.s32 $0xFFFFFE00  }
0x272: {  	_ =	swait.ge [sflag:s31], $0x2580  }
0x273: {  	[sflag:s31] =	ssyncset.done $0x0  }
0x274: {  	[sflag:s31] =	ssyncadd.s32 $0xFFFFDA80  }
0x275: {  	_ =	swait.ge [sflag:s31], $0x2580  }
0x276: {  	[sflag:s31] =	ssyncset.done $0x0  }
0x277: {  	s8 =	simm.s32 $0x32F0;
	[sflag:s31] =	ssyncadd.s32 $0xFFFFDA80  }
0x278: {  	v3 =	vld [tilespmem:s8+$0xFFFFD790]  }
0x279: {  	v4 =	vld [tilespmem:s8+$0xFFFFD7A0]  }
0x27a: {  	v5 =	vld [tilespmem:s8+$0xFFFFD7B0]  }
0x27b: {  	v6 =	vld [tilespmem:s8+$0xFFFFD7C0]  }
0x27c: {  	v7 =	vld [tilespmem:s8+$0xFFFFD7D0]  }
0x27d: {  	v8 =	vld [tilespmem:s8+$0xFFFFD7E0]  }
0x27e: {  	v9 =	vld [tilespmem:s8+$0xFFFFD690]  }
0x27f: {  	s15 =	simm.s32 $0x680;
	v10 =	vld [tilespmem:s8+$0xFFFFD710]  }
0x280: {  	v11 =	vld [tilespmem:s15+$0xFFFFFF83]  }
0x281: {  	v12 =	vld [tilespmem:s8+$0xFFFFD6A0]  }
0x282: {  	v13 =	vld [tilespmem:s8+$0xFFFFD720]  }
0x283: {  	v14 =	vld [tilespmem:s8+$0xFFFFD6B0]  }
0x284: {  	v15 =	vld [tilespmem:s8+$0xFFFFD730]  }
0x285: {  	v18 =	vld [tilespmem:s8+$0xFFFFD6C0]  }
0x286: {  	v19 =	vld [tilespmem:s8+$0xFFFFD740]  }
0x287: {  	v40 =	vld [tilespmem:s8+$0xFFFFD6D0]  }
0x288: {  	v41 =	vld [tilespmem:s8+$0xFFFFD750]  }
0x289: {  	v42 =	vld [tilespmem:s8+$0xFFFFD6E0]  }
0x28a: {  	v43 =	vld [tilespmem:s8+$0xFFFFD760]  }
0x28b: {  	v44 =	vld [tilespmem:s8+$0xFFFFD6F0]  }
0x28c: {  	v45 =	vld [tilespmem:s8+$0xFFFFD770]  }
0x28d: {  	v46 =	vld [tilespmem:s8+$0xFFFFD700]  }
0x28e: {  	v48 =	vld [tilespmem:s8+$0xFFFFD780]  }
0x28f: {  	v50 =	vld [tilespmem:s8+$0xFFFFD7F0]  }
0x290: {  	v51 =	vld [tilespmem:s15+$0xFFFFFF80]  }
0x291: {  	v52 =	vld [tilespmem:s8+$0xFFFFD590]  }
0x292: {  	v54 =	vld [tilespmem:s8+$0xFFFFD550]  }
0x293: {  	v55 =	vld [tilespmem:s8+$0xFFFFD5D0]  }
0x294: {  	v56 =	vld [tilespmem:s8+$0xFFFFD560]  }
0x295: {  	v57 =	vld [tilespmem:s8+$0xFFFFD5E0];
	v16 =	vperm.xlane v11, v1;
	v17 =	vperm.xlane v11, v2  }
0x296: {  	v59 =	vld [tilespmem:s8+$0xFFFFD570];
	v11 =	vperm.xlane v11, v0  }
0x297: {  	v35 =	vld [tilespmem:s8+$0xFFFFD5F0];
	v3 =	vmul.f32 v3, v16;
	v4 =	vmul.f32 v4, v17  }
0x298: {  	v36 =	vld [tilespmem:s8+$0xFFFFD580];
	v5 =	vmul.f32 v5, v11;
	v6 =	vmul.f32 v6, v16  }
0x299: {  	v37 =	vld [tilespmem:s8+$0xFFFFD600];
	v7 =	vmul.f32 v7, v17;
	v8 =	vmul.f32 v8, v11  }
0x29a: {  	v38 =	vld [tilespmem:s8+$0xFFFFD610];
	v9 =	vmul.f32 v9, v11;
	v10 =	vmul.f32 v10, v17  }
0x29b: {  	v60 =	vld [tilespmem:s8+$0xFFFFD620];
	v12 =	vmul.f32 v12, v16;
	v13 =	vmul.f32 v13, v11  }
0x29c: {  	v61 =	vld [tilespmem:s8+$0xFFFFD630];
	v14 =	vmul.f32 v14, v17;
	v15 =	vmul.f32 v15, v16  }
0x29d: {  	v63 =	vld [tilespmem:s8+$0xFFFFD640];
	v18 =	vmul.f32 v18, v11;
	v19 =	vmul.f32 v19, v17  }
0x29e: {  	v47 =	vmul.f32 v41, v11;
	v49 =	vmul.f32 v43, v16;
	v41 =	vld [tilespmem:s8+$0xFFFFD650];
	v9 =	vadd.f32 v10, v9  }
0x29f: {  	v43 =	vld [tilespmem:s8+$0xFFFFD660];
	v10 =	vmul.f32 v40, v16;
	v12 =	vadd.f32 v13, v12;
	v13 =	vmul.f32 v42, v17  }
0x2a0: {  	v3 =	vadd.f32 v3, v9;
	v9 =	vadd.f32 v15, v14;
	v14 =	vmul.f32 v44, v11;
	v15 =	vld [tilespmem:s8+$0xFFFFD800]  }
0x2a1: {  	s21 =	simm.s32 $0xA900;
	v4 =	vadd.f32 v4, v12;
	v12 =	vadd.f32 v19, v18;
	v18 =	vmul.f32 v45, v17;
	v19 =	vld [tilespmem:s8+$0xFFFFD510]  }
0x2a2: {  	v11 =	vmul.f32 v48, v11;
	v45 =	vld [tilespmem:s8+$0xFFFFD670];
	v5 =	vadd.f32 v5, v9;
	v9 =	vadd.f32 v47, v10;
	[tilespmem:s21+$0x0] =	vst v3  }
0x2a3: {  	v10 =	vmul.f32 v46, v16;
	v3 =	vadd.f32 v6, v12;
	v6 =	vadd.f32 v49, v13;
	[tilespmem:s21+$0x10] =	vst v4;
	v4 =	vld [tilespmem:s8+$0xFFFFD520]  }
0x2a4: {  	v12 =	vmul.f32 v50, v16;
	v46 =	vld [tilespmem:s8+$0xFFFFD680];
	v7 =	vadd.f32 v7, v9;
	v9 =	vadd.f32 v18, v14;
	[tilespmem:s21+$0x20] =	vst v5  }
0x2a5: {  	v5 =	vld [tilespmem:s8+$0xFFFFD5A0];
	v6 =	vadd.f32 v8, v6;
	v8 =	vadd.f32 v11, v10;
	[tilespmem:s21+$0x30] =	vst v3;
	v10 =	vmul.f32 v15, v17  }
0x2a6: {  	v11 =	vld [tilespmem:s8+$0xFFFFD530];
	v3 =	vadd.f32 v12, v9;
	[tilespmem:s21+$0x40] =	vst v7  }
0x2a7: {  	v7 =	vld [tilespmem:s8+$0xFFFFD5B0];
	[tilespmem:s21+$0x50] =	vst v6;
	v8 =	vadd.f32 v10, v8  }
0x2a8: {  	v6 =	vld [tilespmem:s8+$0xFFFFD540];
	[tilespmem:s21+$0x60] =	vst v3  }
0x2a9: {  	v9 =	vld [tilespmem:s8+$0xFFFFD5C0];
	[tilespmem:s21+$0x70] =	vst v8  }
0x2aa: {  	v8 =	vld [tilespmem:s8+$0xFFFFFF90]  }
0x2ab: {  	v10 =	vld [tilespmem:s8+$0xFFFFFFA0]  }
0x2ac: {  	v24 =	vperm.xlane v51, v2;
	v12 =	vld [tilespmem:s8+$0xFFFFFFB0]  }
0x2ad: {  	v58 =	vperm.xlane v51, v0;
	v13 =	vld [tilespmem:s8+$0xFFFFFFC0]  }
0x2ae: {  	v34 =	vperm.xlane v51, v1;
	v20 =	vmul.f32 v52, v24;
	v14 =	vld [tilespmem:s8+$0xFFFFFFD0]  }
0x2af: {  	v62 =	vmul.f32 v56, v24;
	v37 =	vmul.f32 v37, v58;
	v15 =	vld [tilespmem:s8+$0xFFFFFFE0]  }
0x2b0: {  	v28 =	vmul.f32 v61, v58;
	v30 =	vmul.f32 v63, v34;
	v3 =	vld [tilespmem:s8+$0xFFFFFFF0]  }
0x2b1: {  	v40 =	vmul.f32 v59, v58;
	v42 =	vmul.f32 v38, v34;
	v16 =	vld [tilespmem:s8+$0x0]  }
0x2b2: {  	v44 =	vmul.f32 v36, v34;
	v48 =	vmul.f32 v41, v24;
	v17 =	vld [tilespmem:s8+$0xFFFFFE90]  }
0x2b3: {  	v49 =	vmul.f32 v43, v58;
	v19 =	vmul.f32 v19, v58;
	v18 =	vld [tilespmem:s8+$0xFFFFFF10]  }
0x2b4: {  	v51 =	vmul.f32 v45, v34;
	v4 =	vmul.f32 v4, v34;
	v21 =	vld [tilespmem:s8+$0xFFFFFEA0]  }
0x2b5: {  	v19 =	vadd.f32 v20, v19;
	v20 =	vmul.f32 v60, v24;
	v5 =	vmul.f32 v5, v58;
	v53 =	vld [tilespmem:s15+$0x3]  }
0x2b6: {  	v29 =	vadd.f32 v37, v44;
	v11 =	vmul.f32 v11, v24;
	v23 =	vld [tilespmem:s8+$0xFFFFFF00];
	v7 =	vmul.f32 v7, v34  }
0x2b7: {  	v25 =	vld [tilespmem:s8+$0xFFFFFF80];
	v6 =	vmul.f32 v6, v58;
	v4 =	vadd.f32 v5, v4;
	v5 =	vmul.f32 v9, v24  }
0x2b8: {  	v26 =	vld [tilespmem:s8+$0xFFFFFF20];
	v9 =	vmul.f32 v54, v34;
	v7 =	vadd.f32 v7, v11;
	v11 =	vmul.f32 v55, v58  }
0x2b9: {  	v19 =	vadd.f32 v42, v19;
	v27 =	vld [tilespmem:s8+$0xFFFFFEB0];
	v5 =	vadd.f32 v5, v6;
	v6 =	vmul.f32 v57, v34  }
0x2ba: {  	v47 =	vld [tilespmem:s8+$0xFFFFFF30];
	v4 =	vadd.f32 v20, v4;
	v9 =	vadd.f32 v11, v9;
	v11 =	vmul.f32 v35, v24  }
0x2bb: {  	[tilespmem:s21+$0xFFFFFF00] =	vst v19;
	v19 =	vld [tilespmem:s8+$0xFFFFFEC0];
	v6 =	vadd.f32 v6, v62;
	v7 =	vadd.f32 v28, v7;
	v50 =	vperm.xlane v53, v0  }
0x2bc: {  	v56 =	vld [tilespmem:s8+$0xFFFFFEF0];
	v5 =	vadd.f32 v30, v5;
	[tilespmem:s21+$0xFFFFFF10] =	vst v4;
	v52 =	vperm.xlane v53, v1;
	v22 =	vperm.xlane v53, v2  }
0x2bd: {  	v55 =	vld [tilespmem:s8+$0xFFFFFEE0];
	v24 =	vmul.f32 v46, v24;
	v11 =	vadd.f32 v11, v40;
	v9 =	vadd.f32 v48, v9;
	[tilespmem:s21+$0xFFFFFF20] =	vst v7  }
0x2be: {  	v57 =	vld [tilespmem:s8+$0xFFFFFF70];
	v6 =	vadd.f32 v49, v6;
	[tilespmem:s21+$0xFFFFFF30] =	vst v5;
	v5 =	vmul.f32 v23, v52;
	v54 =	vmul.f32 v25, v50  }
0x2bf: {  	v4 =	vld [tilespmem:s8+$0xFFFFFF40];
	v24 =	vadd.f32 v24, v29;
	v16 =	vmul.f32 v16, v22;
	v20 =	vmul.f32 v47, v52;
	[tilespmem:s21+$0xFFFFFF40] =	vst v9  }
0x2c0: {  	v53 =	vld [tilespmem:s8+$0xFFFFFF50];
	v19 =	vmul.f32 v19, v50;
	v8 =	vmul.f32 v8, v52;
	v11 =	vadd.f32 v51, v11;
	[tilespmem:s21+$0xFFFFFF50] =	vst v6  }
0x2c1: {  	v7 =	vld [tilespmem:s8+$0xFFFFFED0];
	v10 =	vmul.f32 v10, v22;
	v12 =	vmul.f32 v12, v50;
	v5 =	vadd.f32 v54, v5;
	[tilespmem:s21+$0xFFFFFF70] =	vst v24  }
0x2c2: {  	v9 =	vmul.f32 v17, v50;
	v17 =	vmul.f32 v18, v22;
	v18 =	vld [tilespmem:s8+$0xFFFFFF60];
	[tilespmem:s21+$0xFFFFFF60] =	vst v11  }
0x2c3: {  	v14 =	vmul.f32 v14, v22;
	v61 =	vmul.f32 v3, v52;
	v5 =	vadd.f32 v16, v5;
	v16 =	vld [tilespmem:s15+$0x0]  }
0x2c4: {  	v6 =	vmul.f32 v21, v52;
	v4 =	vmul.f32 v4, v22;
	v58 =	vld [tilespmem:s8+$0xFFFFFD90]  }
0x2c5: {  	v9 =	vadd.f32 v17, v9;
	v11 =	vmul.f32 v26, v50;
	v17 =	vmul.f32 v27, v22;
	v24 =	vld [tilespmem:s8+$0xFFFFFD20]  }
0x2c6: {  	v7 =	vmul.f32 v7, v52;
	v4 =	vadd.f32 v4, v19;
	v19 =	vmul.f32 v53, v50;
	v59 =	vld [tilespmem:s8+$0xFFFFFDA0]  }
0x2c7: {  	v60 =	vld [tilespmem:s8+$0xFFFFFDB0];
	v6 =	vadd.f32 v11, v6;
	v8 =	vadd.f32 v8, v9;
	v9 =	vmul.f32 v13, v52  }
0x2c8: {  	v11 =	vld [tilespmem:s8+$0xFFFFFD10];
	v17 =	vadd.f32 v20, v17;
	v13 =	vmul.f32 v55, v22;
	v18 =	vmul.f32 v18, v52  }
0x2c9: {  	v62 =	vld [tilespmem:s8+$0xFFFFFD40];
	v7 =	vadd.f32 v19, v7;
	v6 =	vadd.f32 v10, v6;
	v10 =	vmul.f32 v15, v50  }
0x2ca: {  	v19 =	vld [tilespmem:s8+$0xFFFFFD30];
	v15 =	vmul.f32 v56, v50;
	v13 =	vadd.f32 v18, v13;
	v18 =	vmul.f32 v57, v22  }
0x2cb: {  	[tilespmem:s21+$0xF0] =	vst v5;
	v12 =	vadd.f32 v12, v17;
	v17 =	vld [tilespmem:s8+$0xFFFFFDC0];
	v5 =	vperm.xlane v16, v0;
	v3 =	vperm.xlane v16, v2  }
0x2cc: {  	[tilespmem:s21+$0x80] =	vst v8;
	v8 =	vadd.f32 v9, v4;
	v9 =	vld [tilespmem:s8+$0xFFFFFD50];
	v7 =	vadd.f32 v14, v7;
	v4 =	vperm.xlane v16, v1  }
0x2cd: {  	[tilespmem:s21+$0x90] =	vst v6;
	v16 =	vld [tilespmem:s8+$0xFFFFFDD0];
	v6 =	vadd.f32 v18, v15;
	v14 =	vmul.f32 v11, v5;
	v15 =	vmul.f32 v58, v3  }
0x2ce: {  	[tilespmem:s21+$0xA0] =	vst v12;
	v18 =	vadd.f32 v10, v13;
	v10 =	vld [tilespmem:s8+$0xFFFFFD60];
	v12 =	vmul.f32 v24, v4;
	v63 =	vmul.f32 v59, v5  }
0x2cf: {  	[tilespmem:s21+$0xB0] =	vst v8;
	v8 =	vmul.f32 v19, v3;
	v19 =	vmul.f32 v60, v4;
	v11 =	vld [tilespmem:s8+$0xFFFFFDE0];
	v22 =	vadd.f32 v61, v6  }
0x2d0: {  	[tilespmem:s21+$0xC0] =	vst v7;
	v13 =	vld [tilespmem:s8+$0xFFFFFD70];
	v17 =	vmul.f32 v17, v3;
	v7 =	vadd.f32 v15, v14;
	v14 =	vmul.f32 v62, v5  }
0x2d1: {  	[tilespmem:s21+$0xD0] =	vst v18;
	v6 =	vadd.f32 v63, v12;
	v8 =	vadd.f32 v19, v8;
	v12 =	vld [tilespmem:s8+$0xFFFFFDF0]  }
0x2d2: {  	s9 =	simm.s32 $0x0;
	s10 =	simm.s32 $0x35F0;
	s6 =	simm.s32 $0xA900;
	v15 =	vmul.f32 v9, v4;
	[tilespmem:s21+$0xE0] =	vst v22;
	v16 =	vmul.f32 v16, v5;
	v9 =	vadd.f32 v17, v14;
	v14 =	vld [tilespmem:s8+$0xFFFFFD80]  }
.LBB2_7:
0x2d3: {  	v17 =	vld [tilespmem:s10+$0xFFFFD790];
	v18 =	vmul.f32 v10, v3  }
0x2d4: {  	v19 =	vld [tilespmem:s10+$0xFFFFD7A0];
	v10 =	vadd.f32 v16, v15;
	v11 =	vmul.f32 v11, v4  }
0x2d5: {  	v15 =	vld [tilespmem:s10+$0xFFFFD7B0];
	v16 =	vmul.f32 v13, v5  }
0x2d6: {  	v20 =	vld [tilespmem:s10+$0xFFFFD7C0];
	v11 =	vadd.f32 v11, v18;
	v12 =	vmul.f32 v12, v3  }
0x2d7: {  	v18 =	vld [tilespmem:s10+$0xFFFFD7D0];
	v13 =	vmul.f32 v14, v4  }
0x2d8: {  	v14 =	vld [tilespmem:s10+$0xFFFFD7E0];
	v12 =	vadd.f32 v12, v16  }
0x2d9: {  	v16 =	vld [tilespmem:s10+$0xFFFFD690]  }
0x2da: {  	s15 =	sadd.s32 $0x6, s15;
	v21 =	vld [tilespmem:s10+$0xFFFFD710]  }
0x2db: {  	v22 =	vld [tilespmem:s15+$0xFFFFFF83]  }
0x2dc: {  	v23 =	vld [tilespmem:s10+$0xFFFFD6A0]  }
0x2dd: {  	v24 =	vld [tilespmem:s10+$0xFFFFD720]  }
0x2de: {  	v25 =	vld [tilespmem:s10+$0xFFFFD6B0]  }
0x2df: {  	v26 =	vld [tilespmem:s10+$0xFFFFD730]  }
0x2e0: {  	v27 =	vperm.xlane v22, v1;
	v28 =	vperm.xlane v22, v2;
	v29 =	vld [tilespmem:s10+$0xFFFFD6C0]  }
0x2e1: {  	v22 =	vperm.xlane v22, v0;
	v30 =	vld [tilespmem:s10+$0xFFFFD740]  }
0x2e2: {  	v17 =	vmul.f32 v17, v27;
	v19 =	vmul.f32 v19, v28;
	v31 =	vld [tilespmem:s10+$0xFFFFD6D0]  }
0x2e3: {  	v15 =	vmul.f32 v15, v22;
	v20 =	vmul.f32 v20, v27;
	v32 =	vld [tilespmem:s10+$0xFFFFD750]  }
0x2e4: {  	v18 =	vmul.f32 v18, v28;
	v14 =	vmul.f32 v14, v22;
	v33 =	vld [tilespmem:s10+$0xFFFFD6E0]  }
0x2e5: {  	v16 =	vmul.f32 v16, v22;
	v21 =	vmul.f32 v21, v28;
	v34 =	vld [tilespmem:s10+$0xFFFFD760]  }
0x2e6: {  	v23 =	vmul.f32 v23, v27;
	v24 =	vmul.f32 v24, v22;
	v35 =	vld [tilespmem:s10+$0xFFFFD6F0]  }
0x2e7: {  	v25 =	vmul.f32 v25, v28;
	v26 =	vmul.f32 v26, v27;
	v36 =	vld [tilespmem:s10+$0xFFFFD770]  }
0x2e8: {  	v29 =	vmul.f32 v29, v22;
	v30 =	vmul.f32 v30, v28;
	v37 =	vld [tilespmem:s10+$0xFFFFD700]  }
0x2e9: {  	v16 =	vadd.f32 v21, v16;
	v21 =	vmul.f32 v31, v27;
	v31 =	vmul.f32 v32, v22;
	v32 =	vld [tilespmem:s10+$0xFFFFD780]  }
0x2ea: {  	v23 =	vadd.f32 v24, v23;
	v24 =	vmul.f32 v33, v28;
	v33 =	vmul.f32 v34, v27;
	v34 =	vld [tilespmem:s10+$0xFFFFD7F0]  }
0x2eb: {  	v16 =	vadd.f32 v17, v16;
	v17 =	vadd.f32 v26, v25;
	v25 =	vmul.f32 v35, v22;
	v26 =	vld [tilespmem:s10+$0xFFFFD800]  }
0x2ec: {  	s21 =	sadd.s32 $0x200, s21;
	v19 =	vadd.f32 v19, v23;
	v23 =	vadd.f32 v30, v29;
	v35 =	vld [tilespmem:s15+$0xFFFFFF80];
	v29 =	vmul.f32 v36, v28  }
0x2ed: {  	v15 =	vadd.f32 v15, v17;
	v17 =	vadd.f32 v31, v21;
	v30 =	vld [tilespmem:s10+$0xFFFFD510];
	v21 =	vmul.f32 v37, v27;
	[tilespmem:s21+$0x0] =	vst v16  }
0x2ee: {  	v16 =	vadd.f32 v20, v23;
	v20 =	vadd.f32 v33, v24;
	v31 =	vld [tilespmem:s10+$0xFFFFD590];
	v22 =	vmul.f32 v32, v22;
	[tilespmem:s21+$0x10] =	vst v19  }
0x2ef: {  	v17 =	vadd.f32 v18, v17;
	v18 =	vadd.f32 v29, v25;
	v19 =	vld [tilespmem:s10+$0xFFFFD520];
	v23 =	vmul.f32 v34, v27;
	[tilespmem:s21+$0x20] =	vst v15  }
0x2f0: {  	v20 =	vadd.f32 v14, v20;
	v24 =	vld [tilespmem:s10+$0xFFFFD5A0];
	v21 =	vadd.f32 v22, v21;
	v22 =	vmul.f32 v26, v28;
	[tilespmem:s21+$0x30] =	vst v16  }
0x2f1: {  	v16 =	vperm.xlane v35, v0;
	v14 =	vperm.xlane v35, v1;
	v25 =	vld [tilespmem:s10+$0xFFFFD530];
	v18 =	vadd.f32 v23, v18;
	[tilespmem:s21+$0x40] =	vst v17  }
0x2f2: {  	s9 =	sadd.s32 $0x2, s9;
	v15 =	vperm.xlane v35, v2;
	v23 =	vld [tilespmem:s10+$0xFFFFD5B0];
	v17 =	vadd.f32 v22, v21;
	[tilespmem:s21+$0x50] =	vst v20  }
0x2f3: {  	p1 =	slt.u32 s9, $0x16;
	v20 =	vmul.f32 v30, v16;
	v21 =	vld [tilespmem:s10+$0xFFFFD540];
	[tilespmem:s21+$0x60] =	vst v18  }
0x2f4: {  	v18 =	vmul.f32 v31, v15;
	v19 =	vmul.f32 v19, v14;
	v22 =	vld [tilespmem:s10+$0xFFFFD5C0];
	[tilespmem:s21+$0x70] =	vst v17  }
0x2f5: {  	v24 =	vmul.f32 v24, v16;
	v26 =	vld [tilespmem:s10+$0xFFFFFF90]  }
0x2f6: {  	v17 =	vadd.f32 v18, v20;
	v20 =	vmul.f32 v25, v15;
	v25 =	vld [tilespmem:s10+$0xFFFFFFA0]  }
0x2f7: {  	v18 =	vadd.f32 v24, v19;
	v19 =	vmul.f32 v23, v14;
	v23 =	vld [tilespmem:s10+$0xFFFFFFB0]  }
0x2f8: {  	v21 =	vmul.f32 v21, v16;
	v24 =	vld [tilespmem:s10+$0xFFFFFFC0]  }
0x2f9: {  	v19 =	vadd.f32 v19, v20;
	v20 =	vmul.f32 v22, v15;
	v22 =	vld [tilespmem:s10+$0xFFFFFFD0]  }
0x2fa: {  	v27 =	vld [tilespmem:s10+$0xFFFFFFE0]  }
0x2fb: {  	v20 =	vadd.f32 v20, v21;
	v21 =	vld [tilespmem:s10+$0xFFFFFFF0]  }
0x2fc: {  	v28 =	vld [tilespmem:s10+$0x0]  }
0x2fd: {  	v29 =	vld [tilespmem:s10+$0xFFFFFE90]  }
0x2fe: {  	v30 =	vld [tilespmem:s10+$0xFFFFFF10]  }
0x2ff: {  	v31 =	vld [tilespmem:s10+$0xFFFFFEA0]  }
0x300: {  	v32 =	vld [tilespmem:s15+$0x3]  }
0x301: {  	v33 =	vld [tilespmem:s10+$0xFFFFFF00]  }
0x302: {  	v34 =	vld [tilespmem:s10+$0xFFFFFF80]  }
0x303: {  	v35 =	vld [tilespmem:s10+$0xFFFFFF20]  }
0x304: {  	v36 =	vld [tilespmem:s10+$0xFFFFFEB0]  }
0x305: {  	v37 =	vperm.xlane v32, v0;
	v38 =	vperm.xlane v32, v1;
	v39 =	vld [tilespmem:s10+$0xFFFFFF30]  }
0x306: {  	v32 =	vperm.xlane v32, v2;
	v40 =	vld [tilespmem:s10+$0xFFFFFEC0]  }
0x307: {  	v41 =	vld [tilespmem:s10+$0xFFFFFF40];
	v33 =	vmul.f32 v33, v38;
	v34 =	vmul.f32 v34, v37  }
0x308: {  	v29 =	vmul.f32 v29, v37;
	v30 =	vmul.f32 v30, v32;
	v42 =	vld [tilespmem:s10+$0xFFFFFED0]  }
0x309: {  	v31 =	vmul.f32 v31, v38;
	v28 =	vmul.f32 v28, v32;
	v43 =	vld [tilespmem:s10+$0xFFFFFF50];
	v33 =	vadd.f32 v34, v33  }
0x30a: {  	v29 =	vadd.f32 v30, v29;
	v30 =	vmul.f32 v35, v37;
	v34 =	vmul.f32 v36, v32;
	v35 =	vld [tilespmem:s10+$0xFFFFFEE0]  }
0x30b: {  	v36 =	vmul.f32 v39, v38;
	v39 =	vmul.f32 v40, v37;
	v40 =	vld [tilespmem:s10+$0xFFFFFF60];
	v28 =	vadd.f32 v28, v33  }
0x30c: {  	v26 =	vmul.f32 v26, v38;
	v30 =	vadd.f32 v30, v31;
	v31 =	vmul.f32 v41, v32;
	v33 =	vld [tilespmem:s10+$0xFFFFFEF0]  }
0x30d: {  	v25 =	vmul.f32 v25, v32;
	v34 =	vadd.f32 v36, v34;
	v36 =	vmul.f32 v42, v38;
	v41 =	vld [tilespmem:s10+$0xFFFFFF70];
	[tilespmem:s21+$0xF0] =	vst v28  }
0x30e: {  	v23 =	vmul.f32 v23, v37;
	v28 =	vld [tilespmem:s10+$0xFFFFD550];
	v31 =	vadd.f32 v31, v39;
	v39 =	vmul.f32 v43, v37  }
0x30f: {  	v24 =	vmul.f32 v24, v38;
	v26 =	vadd.f32 v26, v29;
	v42 =	vld [tilespmem:s10+$0xFFFFD5D0];
	v29 =	vmul.f32 v35, v32  }
0x310: {  	v22 =	vmul.f32 v22, v32;
	v35 =	vld [tilespmem:s10+$0xFFFFD560];
	v36 =	vadd.f32 v39, v36;
	v39 =	vmul.f32 v40, v38  }
0x311: {  	v27 =	vmul.f32 v27, v37;
	v25 =	vadd.f32 v25, v30;
	v40 =	vld [tilespmem:s10+$0xFFFFD5E0];
	v30 =	vmul.f32 v33, v37;
	[tilespmem:s21+$0x80] =	vst v26  }
0x312: {  	v21 =	vmul.f32 v21, v38;
	v26 =	vld [tilespmem:s10+$0xFFFFD570];
	v29 =	vadd.f32 v39, v29;
	v32 =	vmul.f32 v41, v32  }
0x313: {  	v23 =	vadd.f32 v23, v34;
	v24 =	vadd.f32 v24, v31;
	v28 =	vmul.f32 v28, v14;
	v33 =	vld [tilespmem:s10+$0xFFFFD5F0];
	[tilespmem:s21+$0x90] =	vst v25  }
0x314: {  	v22 =	vadd.f32 v22, v36;
	v25 =	vmul.f32 v42, v16;
	v31 =	vld [tilespmem:s10+$0xFFFFD580];
	v30 =	vadd.f32 v32, v30  }
0x315: {  	v27 =	vadd.f32 v27, v29;
	v32 =	vmul.f32 v35, v15;
	v34 =	vld [tilespmem:s10+$0xFFFFD600];
	[tilespmem:s21+$0xA0] =	vst v23  }
0x316: {  	v23 =	vld [tilespmem:s10+$0xFFFFD610];
	v25 =	vadd.f32 v25, v28;
	v28 =	vmul.f32 v40, v14;
	v21 =	vadd.f32 v21, v30;
	[tilespmem:s21+$0xB0] =	vst v24  }
0x317: {  	v24 =	vld [tilespmem:s10+$0xFFFFD620];
	v26 =	vmul.f32 v26, v16;
	[tilespmem:s21+$0xC0] =	vst v22  }
0x318: {  	v22 =	vld [tilespmem:s10+$0xFFFFD630];
	v28 =	vadd.f32 v28, v32;
	v29 =	vmul.f32 v33, v15;
	[tilespmem:s21+$0xD0] =	vst v27  }
0x319: {  	v27 =	vld [tilespmem:s10+$0xFFFFD640];
	v30 =	vmul.f32 v31, v14;
	[tilespmem:s21+$0xE0] =	vst v21  }
0x31a: {  	v21 =	vld [tilespmem:s10+$0xFFFFD650];
	v26 =	vadd.f32 v29, v26;
	v29 =	vmul.f32 v34, v16  }
0x31b: {  	v23 =	vmul.f32 v23, v14;
	v31 =	vld [tilespmem:s10+$0xFFFFD660]  }
0x31c: {  	v24 =	vmul.f32 v24, v15;
	v32 =	vld [tilespmem:s10+$0xFFFFD670];
	v29 =	vadd.f32 v29, v30  }
0x31d: {  	v17 =	vadd.f32 v23, v17;
	v22 =	vmul.f32 v22, v16;
	v23 =	vld [tilespmem:s10+$0xFFFFD680]  }
0x31e: {  	v18 =	vadd.f32 v24, v18;
	v24 =	vmul.f32 v27, v14;
	v27 =	vld [tilespmem:s8+$0xFFFFFE00]  }
0x31f: {  	v19 =	vadd.f32 v22, v19;
	v21 =	vmul.f32 v21, v15;
	[tilespmem:s21+$0xFFFFFF00] =	vst v17;
	v17 =	vld [tilespmem:s8+$0xFFFFFE10]  }
0x320: {  	v20 =	vadd.f32 v24, v20;
	v16 =	vmul.f32 v31, v16;
	[tilespmem:s21+$0xFFFFFF10] =	vst v18;
	v18 =	vld [tilespmem:s8+$0xFFFFFE20]  }
0x321: {  	v21 =	vadd.f32 v21, v25;
	v14 =	vmul.f32 v32, v14;
	[tilespmem:s21+$0xFFFFFF20] =	vst v19;
	v19 =	vld [tilespmem:s8+$0xFFFFFE30]  }
0x322: {  	v16 =	vadd.f32 v16, v28;
	v15 =	vmul.f32 v23, v15;
	[tilespmem:s21+$0xFFFFFF30] =	vst v20;
	v20 =	vld [tilespmem:s8+$0xFFFFFE40]  }
0x323: {  	v14 =	vadd.f32 v14, v26;
	[tilespmem:s21+$0xFFFFFF40] =	vst v21;
	v21 =	vld [tilespmem:s8+$0xFFFFFE50];
	v22 =	vmul.f32 v27, v5  }
0x324: {  	v15 =	vadd.f32 v15, v29;
	[tilespmem:s21+$0xFFFFFF50] =	vst v16;
	v16 =	vmul.f32 v17, v4;
	v17 =	vld [tilespmem:s8+$0xFFFFFE60]  }
0x325: {  	[tilespmem:s21+$0xFFFFFF60] =	vst v14;
	v14 =	vmul.f32 v18, v3;
	v18 =	vld [tilespmem:s8+$0xFFFFFE70];
	v13 =	vadd.f32 v22, v13  }
0x326: {  	[tilespmem:s21+$0xFFFFFF70] =	vst v15;
	v7 =	vadd.f32 v16, v7;
	v15 =	vmul.f32 v19, v5;
	v16 =	vld [tilespmem:s8+$0xFFFFFE80];
	s8 =	smov.u32 s10  }
0x327: {  	v19 =	vld [tilespmem:s15+$0x0];
	v6 =	vadd.f32 v14, v6;
	v14 =	vmul.f32 v20, v4  }
0x328: {  	v20 =	vld [tilespmem:s10+$0xFFFFFD10];
	v8 =	vadd.f32 v15, v8;
	v15 =	vmul.f32 v21, v3;
	[tilespmem:s6+$0xFFFFFF80] =	vst v7  }
0x329: {  	v7 =	vld [tilespmem:s10+$0xFFFFFD90];
	v9 =	vadd.f32 v14, v9;
	v5 =	vmul.f32 v17, v5;
	[tilespmem:s6+$0xFFFFFF90] =	vst v6  }
0x32a: {  	v6 =	vld [tilespmem:s10+$0xFFFFFD20];
	v10 =	vadd.f32 v15, v10;
	v14 =	vmul.f32 v18, v4;
	[tilespmem:s6+$0xFFFFFFA0] =	vst v8  }
0x32b: {  	v8 =	vld [tilespmem:s10+$0xFFFFFDA0];
	v11 =	vadd.f32 v5, v11;
	v15 =	vmul.f32 v16, v3;
	[tilespmem:s6+$0xFFFFFFB0] =	vst v9  }
0x32c: {  	v5 =	vperm.xlane v19, v0;
	v4 =	vperm.xlane v19, v1;
	v9 =	vld [tilespmem:s10+$0xFFFFFD30];
	v12 =	vadd.f32 v14, v12;
	[tilespmem:s6+$0xFFFFFFC0] =	vst v10  }
0x32d: {  	v3 =	vperm.xlane v19, v2;
	v10 =	vld [tilespmem:s10+$0xFFFFFDB0];
	v13 =	vadd.f32 v15, v13;
	[tilespmem:s6+$0xFFFFFFD0] =	vst v11  }
0x32e: {  	v11 =	vmul.f32 v20, v5;
	v14 =	vld [tilespmem:s10+$0xFFFFFD40];
	[tilespmem:s6+$0xFFFFFFE0] =	vst v12  }
0x32f: {  	v7 =	vmul.f32 v7, v3;
	v6 =	vmul.f32 v6, v4;
	v12 =	vld [tilespmem:s10+$0xFFFFFDC0];
	[tilespmem:s6+$0xFFFFFFF0] =	vst v13;
	s6 =	smov.u32 s21  }
0x330: {  	v8 =	vmul.f32 v8, v5;
	v15 =	vld [tilespmem:s10+$0xFFFFFD50]  }
0x331: {  	v7 =	vadd.f32 v7, v11;
	v9 =	vmul.f32 v9, v3;
	v16 =	vld [tilespmem:s10+$0xFFFFFDD0]  }
.Ltmp2:
0x332: {  	v6 =	vadd.f32 v8, v6;
	v8 =	vmul.f32 v10, v4;
	v10 =	vld [tilespmem:s10+$0xFFFFFD60];
	(pc) =	sbr.rel @p1 .LBB2_7-.Ltmp2, $4  }
0x333: {  	v14 =	vmul.f32 v14, v5;
	v11 =	vld [tilespmem:s10+$0xFFFFFDE0]  }
0x334: {  	v8 =	vadd.f32 v8, v9;
	v9 =	vmul.f32 v12, v3;
	v13 =	vld [tilespmem:s10+$0xFFFFFD70]  }
0x335: {  	v15 =	vmul.f32 v15, v4;
	v12 =	vld [tilespmem:s10+$0xFFFFFDF0]  }
0x336: {  	s10 =	sadd.s32 $0x300, s10;
	v9 =	vadd.f32 v9, v14;
	v16 =	vmul.f32 v16, v5;
	v14 =	vld [tilespmem:s8+$0xFFFFFD80]  }
0x337: {  	v17 =	vld [tilespmem:s8+$0xFFFFFE00]  }
0x338: {  	v18 =	vld [tilespmem:s8+$0xFFFFFE10]  }
0x339: {  	v19 =	vld [tilespmem:s8+$0xFFFFFE20]  }
0x33a: {  	v20 =	vld [tilespmem:s8+$0xFFFFFE30]  }
0x33b: {  	v21 =	vld [tilespmem:s8+$0xFFFFFE40]  }
0x33c: {  	v10 =	vmul.f32 v10, v3;
	v22 =	vld [tilespmem:s8+$0xFFFFFE50]  }
0x33d: {  	v23 =	vld [tilespmem:s8+$0xFFFFFE60];
	v11 =	vmul.f32 v11, v4;
	v18 =	vmul.f32 v18, v4  }
0x33e: {  	v15 =	vadd.f32 v16, v15;
	v13 =	vmul.f32 v13, v5;
	v16 =	vmul.f32 v19, v3;
	v19 =	vld [tilespmem:s8+$0xFFFFFE70]  }
0x33f: {  	v10 =	vadd.f32 v11, v10;
	v11 =	vmul.f32 v20, v5;
	v7 =	vadd.f32 v18, v7;
	v18 =	vld [tilespmem:s8+$0xFFFFFE80]  }
0x340: {  	v12 =	vmul.f32 v12, v3;
	v6 =	vadd.f32 v16, v6;
	v16 =	vmul.f32 v21, v4  }
0x341: {  	v14 =	vmul.f32 v14, v4;
	v8 =	vadd.f32 v11, v8;
	v11 =	vmul.f32 v22, v3;
	[tilespmem:s6+$0xFFFFFF80] =	vst v7  }
0x342: {  	v7 =	vmul.f32 v17, v5;
	v9 =	vadd.f32 v16, v9;
	v5 =	vmul.f32 v23, v5;
	[tilespmem:s6+$0xFFFFFF90] =	vst v6  }
0x343: {  	v6 =	vadd.f32 v12, v13;
	v11 =	vadd.f32 v11, v15;
	[tilespmem:s6+$0xFFFFFFA0] =	vst v8;
	v4 =	vmul.f32 v19, v4  }
0x344: {  	v7 =	vadd.f32 v7, v14;
	v5 =	vadd.f32 v5, v10;
	[tilespmem:s6+$0xFFFFFFB0] =	vst v9;
	v3 =	vmul.f32 v18, v3  }
0x345: {  	[tilespmem:s6+$0xFFFFFFC0] =	vst v11;
	v4 =	vadd.f32 v4, v6  }
0x346: {  	[tilespmem:s6+$0xFFFFFFD0] =	vst v5;
	v3 =	vadd.f32 v3, v7  }
0x347: {  	[tilespmem:s6+$0xFFFFFFE0] =	vst v4  }
0x348: {  	[tilespmem:s6+$0xFFFFFFF0] =	vst v3  }
0x349: {  	v3 =	vld [tilespmem:$0x648]  }
0x34a: {  	v4 =	vld [tilespmem:$0x2C00]  }
0x34b: {  	v5 =	vld [tilespmem:$0x2C80]  }
0x34c: {  	v6 =	vld [tilespmem:$0x2D00]  }
0x34d: {  	v7 =	vld [tilespmem:$0x2C10]  }
0x34e: {  	v8 =	vld [tilespmem:$0x2C90]  }
0x34f: {  	v9 =	vld [tilespmem:$0x2D10]  }
0x350: {  	v10 =	vld [tilespmem:$0x2C20]  }
0x351: {  	v11 =	vld [tilespmem:$0x2CA0]  }
0x352: {  	v12 =	vld [tilespmem:$0x2D20]  }
0x353: {  	v13 =	vld [tilespmem:$0x2C30]  }
0x354: {  	v14 =	vld [tilespmem:$0x2CB0]  }
0x355: {  	v15 =	vld [tilespmem:$0x2D30]  }
0x356: {  	v16 =	vld [tilespmem:$0x2C40]  }
0x357: {  	v17 =	vld [tilespmem:$0x2CC0]  }
0x358: {  	v18 =	vld [tilespmem:$0x2D40]  }
0x359: {  	v19 =	vld [tilespmem:$0x2C50]  }
0x35a: {  	v50 =	vld [tilespmem:$0x2CD0]  }
0x35b: {  	v51 =	vld [tilespmem:$0x2D50]  }
0x35c: {  	v52 =	vld [tilespmem:$0x2C60]  }
0x35d: {  	v53 =	vld [tilespmem:$0x2CE0]  }
0x35e: {  	v30 =	vld [tilespmem:$0x6C8]  }
0x35f: {  	v24 =	vld [tilespmem:$0x2D60]  }
0x360: {  	v25 =	vld [tilespmem:$0x2C70]  }
0x361: {  	v26 =	vld [tilespmem:$0x2CF0];
	v28 =	vperm.xlane v3, v0  }
0x362: {  	v32 =	vld [tilespmem:$0x5480];
	v29 =	vperm.xlane v3, v2;
	v3 =	vperm.xlane v3, v1  }
0x363: {  	v33 =	vld [tilespmem:$0x5500];
	v60 =	vperm.xlane v30, v2;
	v62 =	vperm.xlane v30, v1  }
0x364: {  	v27 =	vld [tilespmem:$0x2D70];
	v4 =	vmul.f32 v4, v28;
	v5 =	vmul.f32 v5, v29  }
0x365: {  	v31 =	vld [tilespmem:$0x5400];
	v7 =	vmul.f32 v7, v3;
	v8 =	vmul.f32 v8, v28  }
0x366: {  	v54 =	vld [tilespmem:$0x5430];
	v55 =	vmul.f32 v52, v28;
	v57 =	vmul.f32 v24, v3  }
0x367: {  	v56 =	vld [tilespmem:$0x54B0];
	v35 =	vmul.f32 v32, v60;
	v4 =	vadd.f32 v5, v4;
	v5 =	vmul.f32 v6, v3  }
0x368: {  	v37 =	vmul.f32 v33, v62;
	v6 =	vld [tilespmem:$0x5410];
	v7 =	vadd.f32 v8, v7;
	v8 =	vmul.f32 v9, v29  }
0x369: {  	v58 =	vld [tilespmem:$0x5530];
	v9 =	vmul.f32 v10, v29;
	v4 =	vadd.f32 v5, v4;
	v5 =	vmul.f32 v11, v3  }
0x36a: {  	v59 =	vld [tilespmem:$0x5440];
	v7 =	vadd.f32 v8, v7;
	v8 =	vmul.f32 v13, v28;
	v13 =	vmul.f32 v14, v29  }
0x36b: {  	v61 =	vld [tilespmem:$0x54C0];
	v11 =	vmul.f32 v12, v28;
	v5 =	vadd.f32 v5, v9;
	v9 =	vmul.f32 v15, v3  }
0x36c: {  	v12 =	vld [tilespmem:$0x5510];
	v15 =	vmul.f32 v16, v3;
	v8 =	vadd.f32 v13, v8;
	v13 =	vmul.f32 v17, v28  }
0x36d: {  	v14 =	vld [tilespmem:$0x5420];
	v17 =	vmul.f32 v18, v29;
	v6 =	vmul.f32 v6, v62  }
0x36e: {  	v10 =	vld [tilespmem:$0x5490];
	v5 =	vadd.f32 v11, v5;
	v11 =	vmul.f32 v19, v29;
	v19 =	vmul.f32 v50, v3  }
0x36f: {  	v63 =	vld [tilespmem:$0x5540];
	v8 =	vadd.f32 v9, v8;
	v9 =	vmul.f32 v51, v28;
	v13 =	vadd.f32 v13, v15  }
0x370: {  	v36 =	vld [tilespmem:$0x5450];
	v15 =	vmul.f32 v53, v29;
	v3 =	vmul.f32 v25, v3  }
0x371: {  	v16 =	vld [tilespmem:$0x54A0];
	[tilespmem:$0xC010] =	vst v7;
	v7 =	vmul.f32 v12, v60;
	v13 =	vadd.f32 v17, v13;
	v17 =	vperm.xlane v30, v0  }
0x372: {  	v38 =	vld [tilespmem:$0x5550];
	v11 =	vadd.f32 v19, v11;
	v19 =	vmul.f32 v26, v28;
	[tilespmem:$0xC020] =	vst v5;
	v5 =	vmul.f32 v14, v60  }
0x373: {  	v18 =	vld [tilespmem:$0x5520];
	v15 =	vadd.f32 v15, v55;
	[tilespmem:$0xC030] =	vst v8;
	v8 =	vmul.f32 v56, v60;
	v10 =	vmul.f32 v10, v17  }
0x374: {  	v12 =	vld [tilespmem:$0x54E0];
	v9 =	vadd.f32 v9, v11;
	v11 =	vmul.f32 v27, v29;
	v3 =	vadd.f32 v19, v3  }
0x375: {  	v14 =	vld [tilespmem:$0x5470];
	v34 =	vmul.f32 v31, v17;
	v15 =	vadd.f32 v57, v15;
	v6 =	vadd.f32 v10, v6  }
0x376: {  	v19 =	vld [tilespmem:$0x54D0];
	[tilespmem:$0xC040] =	vst v13;
	v13 =	vmul.f32 v58, v62;
	v3 =	vadd.f32 v11, v3;
	v11 =	vmul.f32 v16, v62  }
0x377: {  	[tilespmem:$0xC000] =	vst v4;
	v4 =	vadd.f32 v35, v34;
	v10 =	vld [tilespmem:$0x5460];
	v6 =	vadd.f32 v7, v6;
	v7 =	vmul.f32 v54, v17  }
0x378: {  	v16 =	vld [tilespmem:$0x54F0];
	[tilespmem:$0xC050] =	vst v9;
	v9 =	vmul.f32 v61, v17;
	v5 =	vadd.f32 v11, v5;
	v11 =	vmul.f32 v18, v17  }
0x379: {  	[tilespmem:$0xC060] =	vst v15;
	v15 =	vmul.f32 v36, v60;
	v4 =	vadd.f32 v37, v4;
	v18 =	vld [tilespmem:$0x5560];
	v7 =	vadd.f32 v8, v7  }
0x37a: {  	v39 =	vld [tilespmem:$0x5570];
	v8 =	vmul.f32 v59, v62;
	v5 =	vadd.f32 v11, v5;
	v11 =	vmul.f32 v63, v60  }
0x37b: {  	[tilespmem:$0xC070] =	vst v3;
	v3 =	vadd.f32 v13, v7;
	v7 =	vmul.f32 v19, v62;
	v13 =	vmul.f32 v38, v17  }
0x37c: {  	[tilespmem:$0xC080] =	vst v4;
	v8 =	vadd.f32 v9, v8;
	v9 =	vmul.f32 v10, v17;
	v10 =	vmul.f32 v12, v60  }
0x37d: {  	[tilespmem:$0xC090] =	vst v6;
	v12 =	vmul.f32 v16, v17;
	v4 =	vadd.f32 v7, v15;
	v7 =	vmul.f32 v14, v62  }
0x37e: {  	[tilespmem:$0xC0A0] =	vst v5;
	v6 =	vadd.f32 v11, v8;
	v8 =	vadd.f32 v10, v9;
	v9 =	vmul.f32 v18, v62  }
0x37f: {  	[tilespmem:$0xC0B0] =	vst v3;
	v4 =	vadd.f32 v13, v4;
	v5 =	vadd.f32 v12, v7;
	v7 =	vmul.f32 v39, v60  }
0x380: {  	v3 =	vadd.f32 v9, v8;
	[tilespmem:$0xC0C0] =	vst v6  }
0x381: {  	v5 =	vadd.f32 v7, v5;
	[tilespmem:$0xC0D0] =	vst v4  }
0x382: {  	[tilespmem:$0xC0E0] =	vst v3  }
0x383: {  	s21 =	sadd.s32 s1, s12;
	[tilespmem:$0xC0F0] =	vst v5  }
0x384: {  	[hbm4b:s21+s23] =	stream.strided.scatter [tilespmem:s0], [sflag:$0x5], $0x1900, s18, s23, $0x38;
	[tilespmem:$0x1F980] =	vst v63  }
0x385: {  	_ =	swait.ge [sflag:s17], $0x1900  }
0x386: {  	[sflag:s17] =	ssyncset.done $0x0  }
0x387: {  	[sflag:s17] =	ssyncadd.s32 $0xFFFFE700  }
0x388: {  	[tilespmem:s20], [sflag:$0x1] =	stream.indirect.gather [spmem:s2], $0x80, s3, s19, $0xb8;
	[tilespmem:$0x1F980] =	vst v63  }
0x389: {  	s25 =	simm.s32 $0x80  }
0x38a: {  	[tilespmem:s22], [sflag:$0x1] =	stream.indirect.gather [spmem:s2], $0x80, s25, s19, $0xb8;
	[tilespmem:$0x1F980] =	vst v63  }
0x38b: {  	_ =	swait.ge [sflag:s7], $0x2580  }
0x38c: {  	[sflag:s7] =	ssyncset.done $0x0  }
0x38d: {  	[sflag:s7] =	ssyncadd.s32 $0xFFFFDA80  }
0x38e: {  	_ =	swait.ge [sflag:s7], $0x2580  }
0x38f: {  	[sflag:s7] =	ssyncset.done $0x0  }
0x390: {  	s8 =	simm.s32 $0x82F0;
	[sflag:s7] =	ssyncadd.s32 $0xFFFFDA80  }
0x391: {  	v3 =	vld [tilespmem:s8+$0xFFFFD790]  }
0x392: {  	v4 =	vld [tilespmem:s8+$0xFFFFD7A0]  }
0x393: {  	v5 =	vld [tilespmem:s8+$0xFFFFD7B0]  }
0x394: {  	v6 =	vld [tilespmem:s8+$0xFFFFD7C0]  }
0x395: {  	v7 =	vld [tilespmem:s8+$0xFFFFD7D0]  }
0x396: {  	v8 =	vld [tilespmem:s8+$0xFFFFD7E0]  }
0x397: {  	v9 =	vld [tilespmem:s8+$0xFFFFD690]  }
0x398: {  	s15 =	simm.s32 $0x783;
	v10 =	vld [tilespmem:s8+$0xFFFFD710]  }
0x399: {  	v11 =	vld [tilespmem:s15+$0xFFFFFF80]  }
0x39a: {  	v12 =	vld [tilespmem:s8+$0xFFFFD6A0]  }
0x39b: {  	v13 =	vld [tilespmem:s8+$0xFFFFD720]  }
0x39c: {  	v14 =	vld [tilespmem:s8+$0xFFFFD6B0]  }
0x39d: {  	v15 =	vld [tilespmem:s8+$0xFFFFD730]  }
0x39e: {  	v18 =	vld [tilespmem:s8+$0xFFFFD6C0]  }
0x39f: {  	v19 =	vld [tilespmem:s8+$0xFFFFD740]  }
0x3a0: {  	v40 =	vld [tilespmem:s8+$0xFFFFD6D0]  }
0x3a1: {  	v41 =	vld [tilespmem:s8+$0xFFFFD750]  }
0x3a2: {  	v42 =	vld [tilespmem:s8+$0xFFFFD6E0]  }
0x3a3: {  	v43 =	vld [tilespmem:s8+$0xFFFFD760]  }
0x3a4: {  	v44 =	vld [tilespmem:s8+$0xFFFFD6F0]  }
0x3a5: {  	v45 =	vld [tilespmem:s8+$0xFFFFD770]  }
0x3a6: {  	v46 =	vld [tilespmem:s8+$0xFFFFD700]  }
0x3a7: {  	v48 =	vld [tilespmem:s8+$0xFFFFD780]  }
0x3a8: {  	v50 =	vld [tilespmem:s8+$0xFFFFD7F0]  }
0x3a9: {  	v51 =	vld [tilespmem:s15+$0xFFFFFF7D]  }
0x3aa: {  	v52 =	vld [tilespmem:s8+$0xFFFFD590]  }
0x3ab: {  	v54 =	vld [tilespmem:s8+$0xFFFFD550]  }
0x3ac: {  	v55 =	vld [tilespmem:s8+$0xFFFFD5D0]  }
0x3ad: {  	v56 =	vld [tilespmem:s8+$0xFFFFD560]  }
0x3ae: {  	v57 =	vld [tilespmem:s8+$0xFFFFD5E0];
	v16 =	vperm.xlane v11, v1;
	v17 =	vperm.xlane v11, v2  }
0x3af: {  	v59 =	vld [tilespmem:s8+$0xFFFFD570];
	v11 =	vperm.xlane v11, v0  }
0x3b0: {  	v35 =	vld [tilespmem:s8+$0xFFFFD5F0];
	v3 =	vmul.f32 v3, v16;
	v4 =	vmul.f32 v4, v17  }
0x3b1: {  	v36 =	vld [tilespmem:s8+$0xFFFFD580];
	v5 =	vmul.f32 v5, v11;
	v6 =	vmul.f32 v6, v16  }
0x3b2: {  	v37 =	vld [tilespmem:s8+$0xFFFFD600];
	v7 =	vmul.f32 v7, v17;
	v8 =	vmul.f32 v8, v11  }
0x3b3: {  	v38 =	vld [tilespmem:s8+$0xFFFFD610];
	v9 =	vmul.f32 v9, v11;
	v10 =	vmul.f32 v10, v17  }
0x3b4: {  	v60 =	vld [tilespmem:s8+$0xFFFFD620];
	v12 =	vmul.f32 v12, v16;
	v13 =	vmul.f32 v13, v11  }
0x3b5: {  	v61 =	vld [tilespmem:s8+$0xFFFFD630];
	v14 =	vmul.f32 v14, v17;
	v15 =	vmul.f32 v15, v16  }
0x3b6: {  	v63 =	vld [tilespmem:s8+$0xFFFFD640];
	v18 =	vmul.f32 v18, v11;
	v19 =	vmul.f32 v19, v17  }
0x3b7: {  	v47 =	vmul.f32 v41, v11;
	v49 =	vmul.f32 v43, v16;
	v41 =	vld [tilespmem:s8+$0xFFFFD650];
	v9 =	vadd.f32 v10, v9  }
0x3b8: {  	v43 =	vld [tilespmem:s8+$0xFFFFD660];
	v10 =	vmul.f32 v40, v16;
	v12 =	vadd.f32 v13, v12;
	v13 =	vmul.f32 v42, v17  }
0x3b9: {  	v3 =	vadd.f32 v3, v9;
	v9 =	vadd.f32 v15, v14;
	v14 =	vmul.f32 v44, v11;
	v15 =	vld [tilespmem:s8+$0xFFFFD800]  }
0x3ba: {  	s21 =	simm.s32 $0xA900;
	v4 =	vadd.f32 v4, v12;
	v12 =	vadd.f32 v19, v18;
	v18 =	vmul.f32 v45, v17;
	v19 =	vld [tilespmem:s8+$0xFFFFD510]  }
0x3bb: {  	v11 =	vmul.f32 v48, v11;
	v45 =	vld [tilespmem:s8+$0xFFFFD670];
	v5 =	vadd.f32 v5, v9;
	v9 =	vadd.f32 v47, v10;
	[tilespmem:s21+$0x0] =	vst v3  }
0x3bc: {  	v10 =	vmul.f32 v46, v16;
	v3 =	vadd.f32 v6, v12;
	v6 =	vadd.f32 v49, v13;
	[tilespmem:s21+$0x10] =	vst v4;
	v4 =	vld [tilespmem:s8+$0xFFFFD520]  }
0x3bd: {  	v12 =	vmul.f32 v50, v16;
	v46 =	vld [tilespmem:s8+$0xFFFFD680];
	v7 =	vadd.f32 v7, v9;
	v9 =	vadd.f32 v18, v14;
	[tilespmem:s21+$0x20] =	vst v5  }
0x3be: {  	v5 =	vld [tilespmem:s8+$0xFFFFD5A0];
	v6 =	vadd.f32 v8, v6;
	v8 =	vadd.f32 v11, v10;
	[tilespmem:s21+$0x30] =	vst v3;
	v10 =	vmul.f32 v15, v17  }
0x3bf: {  	v11 =	vld [tilespmem:s8+$0xFFFFD530];
	v3 =	vadd.f32 v12, v9;
	[tilespmem:s21+$0x40] =	vst v7  }
0x3c0: {  	v7 =	vld [tilespmem:s8+$0xFFFFD5B0];
	[tilespmem:s21+$0x50] =	vst v6;
	v8 =	vadd.f32 v10, v8  }
0x3c1: {  	v6 =	vld [tilespmem:s8+$0xFFFFD540];
	[tilespmem:s21+$0x60] =	vst v3  }
0x3c2: {  	v9 =	vld [tilespmem:s8+$0xFFFFD5C0];
	[tilespmem:s21+$0x70] =	vst v8  }
0x3c3: {  	v8 =	vld [tilespmem:s8+$0xFFFFFF90]  }
0x3c4: {  	v10 =	vld [tilespmem:s8+$0xFFFFFFA0]  }
0x3c5: {  	v24 =	vperm.xlane v51, v2;
	v12 =	vld [tilespmem:s8+$0xFFFFFFB0]  }
0x3c6: {  	v58 =	vperm.xlane v51, v0;
	v13 =	vld [tilespmem:s8+$0xFFFFFFC0]  }
0x3c7: {  	v34 =	vperm.xlane v51, v1;
	v20 =	vmul.f32 v52, v24;
	v14 =	vld [tilespmem:s8+$0xFFFFFFD0]  }
0x3c8: {  	v62 =	vmul.f32 v56, v24;
	v37 =	vmul.f32 v37, v58;
	v15 =	vld [tilespmem:s8+$0xFFFFFFE0]  }
0x3c9: {  	v28 =	vmul.f32 v61, v58;
	v30 =	vmul.f32 v63, v34;
	v3 =	vld [tilespmem:s8+$0xFFFFFFF0]  }
0x3ca: {  	v40 =	vmul.f32 v59, v58;
	v42 =	vmul.f32 v38, v34;
	v16 =	vld [tilespmem:s8+$0x0]  }
0x3cb: {  	v44 =	vmul.f32 v36, v34;
	v48 =	vmul.f32 v41, v24;
	v17 =	vld [tilespmem:s8+$0xFFFFFE90]  }
0x3cc: {  	v49 =	vmul.f32 v43, v58;
	v19 =	vmul.f32 v19, v58;
	v18 =	vld [tilespmem:s8+$0xFFFFFF10]  }
0x3cd: {  	v51 =	vmul.f32 v45, v34;
	v4 =	vmul.f32 v4, v34;
	v21 =	vld [tilespmem:s8+$0xFFFFFEA0]  }
0x3ce: {  	v19 =	vadd.f32 v20, v19;
	v20 =	vmul.f32 v60, v24;
	v5 =	vmul.f32 v5, v58;
	v53 =	vld [tilespmem:s15+$0x0]  }
0x3cf: {  	v29 =	vadd.f32 v37, v44;
	v11 =	vmul.f32 v11, v24;
	v23 =	vld [tilespmem:s8+$0xFFFFFF00];
	v7 =	vmul.f32 v7, v34  }
0x3d0: {  	v25 =	vld [tilespmem:s8+$0xFFFFFF80];
	v6 =	vmul.f32 v6, v58;
	v4 =	vadd.f32 v5, v4;
	v5 =	vmul.f32 v9, v24  }
0x3d1: {  	v26 =	vld [tilespmem:s8+$0xFFFFFF20];
	v9 =	vmul.f32 v54, v34;
	v7 =	vadd.f32 v7, v11;
	v11 =	vmul.f32 v55, v58  }
0x3d2: {  	v19 =	vadd.f32 v42, v19;
	v27 =	vld [tilespmem:s8+$0xFFFFFEB0];
	v5 =	vadd.f32 v5, v6;
	v6 =	vmul.f32 v57, v34  }
0x3d3: {  	v47 =	vld [tilespmem:s8+$0xFFFFFF30];
	v4 =	vadd.f32 v20, v4;
	v9 =	vadd.f32 v11, v9;
	v11 =	vmul.f32 v35, v24  }
0x3d4: {  	[tilespmem:s21+$0xFFFFFF00] =	vst v19;
	v19 =	vld [tilespmem:s8+$0xFFFFFEC0];
	v6 =	vadd.f32 v6, v62;
	v7 =	vadd.f32 v28, v7;
	v50 =	vperm.xlane v53, v0  }
0x3d5: {  	v56 =	vld [tilespmem:s8+$0xFFFFFEF0];
	v5 =	vadd.f32 v30, v5;
	[tilespmem:s21+$0xFFFFFF10] =	vst v4;
	v52 =	vperm.xlane v53, v1;
	v22 =	vperm.xlane v53, v2  }
0x3d6: {  	v55 =	vld [tilespmem:s8+$0xFFFFFEE0];
	v24 =	vmul.f32 v46, v24;
	v11 =	vadd.f32 v11, v40;
	v9 =	vadd.f32 v48, v9;
	[tilespmem:s21+$0xFFFFFF20] =	vst v7  }
0x3d7: {  	v57 =	vld [tilespmem:s8+$0xFFFFFF70];
	v6 =	vadd.f32 v49, v6;
	[tilespmem:s21+$0xFFFFFF30] =	vst v5;
	v5 =	vmul.f32 v23, v52;
	v54 =	vmul.f32 v25, v50  }
0x3d8: {  	v4 =	vld [tilespmem:s8+$0xFFFFFF40];
	v24 =	vadd.f32 v24, v29;
	v16 =	vmul.f32 v16, v22;
	v20 =	vmul.f32 v47, v52;
	[tilespmem:s21+$0xFFFFFF40] =	vst v9  }
0x3d9: {  	v53 =	vld [tilespmem:s8+$0xFFFFFF50];
	v19 =	vmul.f32 v19, v50;
	v8 =	vmul.f32 v8, v52;
	v11 =	vadd.f32 v51, v11;
	[tilespmem:s21+$0xFFFFFF50] =	vst v6  }
0x3da: {  	v7 =	vld [tilespmem:s8+$0xFFFFFED0];
	v10 =	vmul.f32 v10, v22;
	v12 =	vmul.f32 v12, v50;
	v5 =	vadd.f32 v54, v5;
	[tilespmem:s21+$0xFFFFFF70] =	vst v24  }
0x3db: {  	v9 =	vmul.f32 v17, v50;
	v17 =	vmul.f32 v18, v22;
	v18 =	vld [tilespmem:s8+$0xFFFFFF60];
	[tilespmem:s21+$0xFFFFFF60] =	vst v11  }
0x3dc: {  	v14 =	vmul.f32 v14, v22;
	v61 =	vmul.f32 v3, v52;
	v5 =	vadd.f32 v16, v5;
	v16 =	vld [tilespmem:s15+$0xFFFFFFFD]  }
0x3dd: {  	v6 =	vmul.f32 v21, v52;
	v4 =	vmul.f32 v4, v22;
	v58 =	vld [tilespmem:s8+$0xFFFFFD90]  }
0x3de: {  	v9 =	vadd.f32 v17, v9;
	v11 =	vmul.f32 v26, v50;
	v17 =	vmul.f32 v27, v22;
	v24 =	vld [tilespmem:s8+$0xFFFFFD20]  }
0x3df: {  	v7 =	vmul.f32 v7, v52;
	v4 =	vadd.f32 v4, v19;
	v19 =	vmul.f32 v53, v50;
	v59 =	vld [tilespmem:s8+$0xFFFFFDA0]  }
0x3e0: {  	v60 =	vld [tilespmem:s8+$0xFFFFFDB0];
	v6 =	vadd.f32 v11, v6;
	v8 =	vadd.f32 v8, v9;
	v9 =	vmul.f32 v13, v52  }
0x3e1: {  	v11 =	vld [tilespmem:s8+$0xFFFFFD10];
	v17 =	vadd.f32 v20, v17;
	v13 =	vmul.f32 v55, v22;
	v18 =	vmul.f32 v18, v52  }
0x3e2: {  	v62 =	vld [tilespmem:s8+$0xFFFFFD40];
	v7 =	vadd.f32 v19, v7;
	v6 =	vadd.f32 v10, v6;
	v10 =	vmul.f32 v15, v50  }
0x3e3: {  	v19 =	vld [tilespmem:s8+$0xFFFFFD30];
	v15 =	vmul.f32 v56, v50;
	v13 =	vadd.f32 v18, v13;
	v18 =	vmul.f32 v57, v22  }
0x3e4: {  	[tilespmem:s21+$0xF0] =	vst v5;
	v12 =	vadd.f32 v12, v17;
	v17 =	vld [tilespmem:s8+$0xFFFFFDC0];
	v5 =	vperm.xlane v16, v0;
	v3 =	vperm.xlane v16, v2  }
0x3e5: {  	[tilespmem:s21+$0x80] =	vst v8;
	v8 =	vadd.f32 v9, v4;
	v9 =	vld [tilespmem:s8+$0xFFFFFD50];
	v7 =	vadd.f32 v14, v7;
	v4 =	vperm.xlane v16, v1  }
0x3e6: {  	[tilespmem:s21+$0x90] =	vst v6;
	v16 =	vld [tilespmem:s8+$0xFFFFFDD0];
	v6 =	vadd.f32 v18, v15;
	v14 =	vmul.f32 v11, v5;
	v15 =	vmul.f32 v58, v3  }
0x3e7: {  	[tilespmem:s21+$0xA0] =	vst v12;
	v18 =	vadd.f32 v10, v13;
	v10 =	vld [tilespmem:s8+$0xFFFFFD60];
	v12 =	vmul.f32 v24, v4;
	v63 =	vmul.f32 v59, v5  }
0x3e8: {  	[tilespmem:s21+$0xB0] =	vst v8;
	v8 =	vmul.f32 v19, v3;
	v19 =	vmul.f32 v60, v4;
	v11 =	vld [tilespmem:s8+$0xFFFFFDE0];
	v22 =	vadd.f32 v61, v6  }
0x3e9: {  	[tilespmem:s21+$0xC0] =	vst v7;
	v13 =	vld [tilespmem:s8+$0xFFFFFD70];
	v17 =	vmul.f32 v17, v3;
	v7 =	vadd.f32 v15, v14;
	v14 =	vmul.f32 v62, v5  }
0x3ea: {  	[tilespmem:s21+$0xD0] =	vst v18;
	v6 =	vadd.f32 v63, v12;
	v8 =	vadd.f32 v19, v8;
	v12 =	vld [tilespmem:s8+$0xFFFFFDF0]  }
0x3eb: {  	s9 =	simm.s32 $0x0;
	s10 =	simm.s32 $0x85F0;
	s6 =	simm.s32 $0xA900;
	v15 =	vmul.f32 v9, v4;
	[tilespmem:s21+$0xE0] =	vst v22;
	v16 =	vmul.f32 v16, v5;
	v9 =	vadd.f32 v17, v14;
	v14 =	vld [tilespmem:s8+$0xFFFFFD80]  }
.LBB2_9:
0x3ec: {  	v17 =	vld [tilespmem:s10+$0xFFFFD790];
	v18 =	vmul.f32 v10, v3  }
0x3ed: {  	v19 =	vld [tilespmem:s10+$0xFFFFD7A0];
	v10 =	vadd.f32 v16, v15;
	v11 =	vmul.f32 v11, v4  }
0x3ee: {  	v15 =	vld [tilespmem:s10+$0xFFFFD7B0];
	v16 =	vmul.f32 v13, v5  }
0x3ef: {  	v20 =	vld [tilespmem:s10+$0xFFFFD7C0];
	v11 =	vadd.f32 v11, v18;
	v12 =	vmul.f32 v12, v3  }
0x3f0: {  	v18 =	vld [tilespmem:s10+$0xFFFFD7D0];
	v13 =	vmul.f32 v14, v4  }
0x3f1: {  	v14 =	vld [tilespmem:s10+$0xFFFFD7E0];
	v12 =	vadd.f32 v12, v16  }
0x3f2: {  	v16 =	vld [tilespmem:s10+$0xFFFFD690]  }
0x3f3: {  	s15 =	sadd.s32 $0x6, s15;
	v21 =	vld [tilespmem:s10+$0xFFFFD710]  }
0x3f4: {  	v22 =	vld [tilespmem:s15+$0xFFFFFF80]  }
0x3f5: {  	v23 =	vld [tilespmem:s10+$0xFFFFD6A0]  }
0x3f6: {  	v24 =	vld [tilespmem:s10+$0xFFFFD720]  }
0x3f7: {  	v25 =	vld [tilespmem:s10+$0xFFFFD6B0]  }
0x3f8: {  	v26 =	vld [tilespmem:s10+$0xFFFFD730]  }
0x3f9: {  	v27 =	vperm.xlane v22, v1;
	v28 =	vperm.xlane v22, v2;
	v29 =	vld [tilespmem:s10+$0xFFFFD6C0]  }
0x3fa: {  	v22 =	vperm.xlane v22, v0;
	v30 =	vld [tilespmem:s10+$0xFFFFD740]  }
0x3fb: {  	v17 =	vmul.f32 v17, v27;
	v19 =	vmul.f32 v19, v28;
	v31 =	vld [tilespmem:s10+$0xFFFFD6D0]  }
0x3fc: {  	v15 =	vmul.f32 v15, v22;
	v20 =	vmul.f32 v20, v27;
	v32 =	vld [tilespmem:s10+$0xFFFFD750]  }
0x3fd: {  	v18 =	vmul.f32 v18, v28;
	v14 =	vmul.f32 v14, v22;
	v33 =	vld [tilespmem:s10+$0xFFFFD6E0]  }
0x3fe: {  	v16 =	vmul.f32 v16, v22;
	v21 =	vmul.f32 v21, v28;
	v34 =	vld [tilespmem:s10+$0xFFFFD760]  }
0x3ff: {  	v23 =	vmul.f32 v23, v27;
	v24 =	vmul.f32 v24, v22;
	v35 =	vld [tilespmem:s10+$0xFFFFD6F0]  }
0x400: {  	v25 =	vmul.f32 v25, v28;
	v26 =	vmul.f32 v26, v27;
	v36 =	vld [tilespmem:s10+$0xFFFFD770]  }
0x401: {  	v29 =	vmul.f32 v29, v22;
	v30 =	vmul.f32 v30, v28;
	v37 =	vld [tilespmem:s10+$0xFFFFD700]  }
0x402: {  	v16 =	vadd.f32 v21, v16;
	v21 =	vmul.f32 v31, v27;
	v31 =	vmul.f32 v32, v22;
	v32 =	vld [tilespmem:s10+$0xFFFFD780]  }
0x403: {  	v23 =	vadd.f32 v24, v23;
	v24 =	vmul.f32 v33, v28;
	v33 =	vmul.f32 v34, v27;
	v34 =	vld [tilespmem:s10+$0xFFFFD7F0]  }
0x404: {  	v16 =	vadd.f32 v17, v16;
	v17 =	vadd.f32 v26, v25;
	v25 =	vmul.f32 v35, v22;
	v26 =	vld [tilespmem:s10+$0xFFFFD800]  }
0x405: {  	s21 =	sadd.s32 $0x200, s21;
	v19 =	vadd.f32 v19, v23;
	v23 =	vadd.f32 v30, v29;
	v35 =	vld [tilespmem:s15+$0xFFFFFF7D];
	v29 =	vmul.f32 v36, v28  }
0x406: {  	v15 =	vadd.f32 v15, v17;
	v17 =	vadd.f32 v31, v21;
	v30 =	vld [tilespmem:s10+$0xFFFFD510];
	v21 =	vmul.f32 v37, v27;
	[tilespmem:s21+$0x0] =	vst v16  }
0x407: {  	v16 =	vadd.f32 v20, v23;
	v20 =	vadd.f32 v33, v24;
	v31 =	vld [tilespmem:s10+$0xFFFFD590];
	v22 =	vmul.f32 v32, v22;
	[tilespmem:s21+$0x10] =	vst v19  }
0x408: {  	v17 =	vadd.f32 v18, v17;
	v18 =	vadd.f32 v29, v25;
	v19 =	vld [tilespmem:s10+$0xFFFFD520];
	v23 =	vmul.f32 v34, v27;
	[tilespmem:s21+$0x20] =	vst v15  }
0x409: {  	v20 =	vadd.f32 v14, v20;
	v24 =	vld [tilespmem:s10+$0xFFFFD5A0];
	v21 =	vadd.f32 v22, v21;
	v22 =	vmul.f32 v26, v28;
	[tilespmem:s21+$0x30] =	vst v16  }
0x40a: {  	v16 =	vperm.xlane v35, v0;
	v14 =	vperm.xlane v35, v1;
	v25 =	vld [tilespmem:s10+$0xFFFFD530];
	v18 =	vadd.f32 v23, v18;
	[tilespmem:s21+$0x40] =	vst v17  }
0x40b: {  	s9 =	sadd.s32 $0x2, s9;
	v15 =	vperm.xlane v35, v2;
	v23 =	vld [tilespmem:s10+$0xFFFFD5B0];
	v17 =	vadd.f32 v22, v21;
	[tilespmem:s21+$0x50] =	vst v20  }
0x40c: {  	p1 =	slt.u32 s9, $0x16;
	v20 =	vmul.f32 v30, v16;
	v21 =	vld [tilespmem:s10+$0xFFFFD540];
	[tilespmem:s21+$0x60] =	vst v18  }
0x40d: {  	v18 =	vmul.f32 v31, v15;
	v19 =	vmul.f32 v19, v14;
	v22 =	vld [tilespmem:s10+$0xFFFFD5C0];
	[tilespmem:s21+$0x70] =	vst v17  }
0x40e: {  	v24 =	vmul.f32 v24, v16;
	v26 =	vld [tilespmem:s10+$0xFFFFFF90]  }
0x40f: {  	v17 =	vadd.f32 v18, v20;
	v20 =	vmul.f32 v25, v15;
	v25 =	vld [tilespmem:s10+$0xFFFFFFA0]  }
0x410: {  	v18 =	vadd.f32 v24, v19;
	v19 =	vmul.f32 v23, v14;
	v23 =	vld [tilespmem:s10+$0xFFFFFFB0]  }
0x411: {  	v21 =	vmul.f32 v21, v16;
	v24 =	vld [tilespmem:s10+$0xFFFFFFC0]  }
0x412: {  	v19 =	vadd.f32 v19, v20;
	v20 =	vmul.f32 v22, v15;
	v22 =	vld [tilespmem:s10+$0xFFFFFFD0]  }
0x413: {  	v27 =	vld [tilespmem:s10+$0xFFFFFFE0]  }
0x414: {  	v20 =	vadd.f32 v20, v21;
	v21 =	vld [tilespmem:s10+$0xFFFFFFF0]  }
0x415: {  	v28 =	vld [tilespmem:s10+$0x0]  }
0x416: {  	v29 =	vld [tilespmem:s10+$0xFFFFFE90]  }
0x417: {  	v30 =	vld [tilespmem:s10+$0xFFFFFF10]  }
0x418: {  	v31 =	vld [tilespmem:s10+$0xFFFFFEA0]  }
0x419: {  	v32 =	vld [tilespmem:s15+$0x0]  }
0x41a: {  	v33 =	vld [tilespmem:s10+$0xFFFFFF00]  }
0x41b: {  	v34 =	vld [tilespmem:s10+$0xFFFFFF80]  }
0x41c: {  	v35 =	vld [tilespmem:s10+$0xFFFFFF20]  }
0x41d: {  	v36 =	vld [tilespmem:s10+$0xFFFFFEB0]  }
0x41e: {  	v37 =	vperm.xlane v32, v0;
	v38 =	vperm.xlane v32, v1;
	v39 =	vld [tilespmem:s10+$0xFFFFFF30]  }
0x41f: {  	v32 =	vperm.xlane v32, v2;
	v40 =	vld [tilespmem:s10+$0xFFFFFEC0]  }
0x420: {  	v41 =	vld [tilespmem:s10+$0xFFFFFF40];
	v33 =	vmul.f32 v33, v38;
	v34 =	vmul.f32 v34, v37  }
0x421: {  	v29 =	vmul.f32 v29, v37;
	v30 =	vmul.f32 v30, v32;
	v42 =	vld [tilespmem:s10+$0xFFFFFED0]  }
0x422: {  	v31 =	vmul.f32 v31, v38;
	v28 =	vmul.f32 v28, v32;
	v43 =	vld [tilespmem:s10+$0xFFFFFF50];
	v33 =	vadd.f32 v34, v33  }
0x423: {  	v29 =	vadd.f32 v30, v29;
	v30 =	vmul.f32 v35, v37;
	v34 =	vmul.f32 v36, v32;
	v35 =	vld [tilespmem:s10+$0xFFFFFEE0]  }
0x424: {  	v36 =	vmul.f32 v39, v38;
	v39 =	vmul.f32 v40, v37;
	v40 =	vld [tilespmem:s10+$0xFFFFFF60];
	v28 =	vadd.f32 v28, v33  }
0x425: {  	v26 =	vmul.f32 v26, v38;
	v30 =	vadd.f32 v30, v31;
	v31 =	vmul.f32 v41, v32;
	v33 =	vld [tilespmem:s10+$0xFFFFFEF0]  }
0x426: {  	v25 =	vmul.f32 v25, v32;
	v34 =	vadd.f32 v36, v34;
	v36 =	vmul.f32 v42, v38;
	v41 =	vld [tilespmem:s10+$0xFFFFFF70];
	[tilespmem:s21+$0xF0] =	vst v28  }
0x427: {  	v23 =	vmul.f32 v23, v37;
	v28 =	vld [tilespmem:s10+$0xFFFFD550];
	v31 =	vadd.f32 v31, v39;
	v39 =	vmul.f32 v43, v37  }
0x428: {  	v24 =	vmul.f32 v24, v38;
	v26 =	vadd.f32 v26, v29;
	v42 =	vld [tilespmem:s10+$0xFFFFD5D0];
	v29 =	vmul.f32 v35, v32  }
0x429: {  	v22 =	vmul.f32 v22, v32;
	v35 =	vld [tilespmem:s10+$0xFFFFD560];
	v36 =	vadd.f32 v39, v36;
	v39 =	vmul.f32 v40, v38  }
0x42a: {  	v27 =	vmul.f32 v27, v37;
	v25 =	vadd.f32 v25, v30;
	v40 =	vld [tilespmem:s10+$0xFFFFD5E0];
	v30 =	vmul.f32 v33, v37;
	[tilespmem:s21+$0x80] =	vst v26  }
0x42b: {  	v21 =	vmul.f32 v21, v38;
	v26 =	vld [tilespmem:s10+$0xFFFFD570];
	v29 =	vadd.f32 v39, v29;
	v32 =	vmul.f32 v41, v32  }
0x42c: {  	v23 =	vadd.f32 v23, v34;
	v24 =	vadd.f32 v24, v31;
	v28 =	vmul.f32 v28, v14;
	v33 =	vld [tilespmem:s10+$0xFFFFD5F0];
	[tilespmem:s21+$0x90] =	vst v25  }
0x42d: {  	v22 =	vadd.f32 v22, v36;
	v25 =	vmul.f32 v42, v16;
	v31 =	vld [tilespmem:s10+$0xFFFFD580];
	v30 =	vadd.f32 v32, v30  }
0x42e: {  	v27 =	vadd.f32 v27, v29;
	v32 =	vmul.f32 v35, v15;
	v34 =	vld [tilespmem:s10+$0xFFFFD600];
	[tilespmem:s21+$0xA0] =	vst v23  }
0x42f: {  	v23 =	vld [tilespmem:s10+$0xFFFFD610];
	v25 =	vadd.f32 v25, v28;
	v28 =	vmul.f32 v40, v14;
	v21 =	vadd.f32 v21, v30;
	[tilespmem:s21+$0xB0] =	vst v24  }
0x430: {  	v24 =	vld [tilespmem:s10+$0xFFFFD620];
	v26 =	vmul.f32 v26, v16;
	[tilespmem:s21+$0xC0] =	vst v22  }
0x431: {  	v22 =	vld [tilespmem:s10+$0xFFFFD630];
	v28 =	vadd.f32 v28, v32;
	v29 =	vmul.f32 v33, v15;
	[tilespmem:s21+$0xD0] =	vst v27  }
0x432: {  	v27 =	vld [tilespmem:s10+$0xFFFFD640];
	v30 =	vmul.f32 v31, v14;
	[tilespmem:s21+$0xE0] =	vst v21  }
0x433: {  	v21 =	vld [tilespmem:s10+$0xFFFFD650];
	v26 =	vadd.f32 v29, v26;
	v29 =	vmul.f32 v34, v16  }
0x434: {  	v23 =	vmul.f32 v23, v14;
	v31 =	vld [tilespmem:s10+$0xFFFFD660]  }
0x435: {  	v24 =	vmul.f32 v24, v15;
	v32 =	vld [tilespmem:s10+$0xFFFFD670];
	v29 =	vadd.f32 v29, v30  }
0x436: {  	v17 =	vadd.f32 v23, v17;
	v22 =	vmul.f32 v22, v16;
	v23 =	vld [tilespmem:s10+$0xFFFFD680]  }
0x437: {  	v18 =	vadd.f32 v24, v18;
	v24 =	vmul.f32 v27, v14;
	v27 =	vld [tilespmem:s8+$0xFFFFFE00]  }
0x438: {  	v19 =	vadd.f32 v22, v19;
	v21 =	vmul.f32 v21, v15;
	[tilespmem:s21+$0xFFFFFF00] =	vst v17;
	v17 =	vld [tilespmem:s8+$0xFFFFFE10]  }
0x439: {  	v20 =	vadd.f32 v24, v20;
	v16 =	vmul.f32 v31, v16;
	[tilespmem:s21+$0xFFFFFF10] =	vst v18;
	v18 =	vld [tilespmem:s8+$0xFFFFFE20]  }
0x43a: {  	v21 =	vadd.f32 v21, v25;
	v14 =	vmul.f32 v32, v14;
	[tilespmem:s21+$0xFFFFFF20] =	vst v19;
	v19 =	vld [tilespmem:s8+$0xFFFFFE30]  }
0x43b: {  	v16 =	vadd.f32 v16, v28;
	v15 =	vmul.f32 v23, v15;
	[tilespmem:s21+$0xFFFFFF30] =	vst v20;
	v20 =	vld [tilespmem:s8+$0xFFFFFE40]  }
0x43c: {  	v14 =	vadd.f32 v14, v26;
	[tilespmem:s21+$0xFFFFFF40] =	vst v21;
	v21 =	vld [tilespmem:s8+$0xFFFFFE50];
	v22 =	vmul.f32 v27, v5  }
0x43d: {  	v15 =	vadd.f32 v15, v29;
	[tilespmem:s21+$0xFFFFFF50] =	vst v16;
	v16 =	vmul.f32 v17, v4;
	v17 =	vld [tilespmem:s8+$0xFFFFFE60]  }
0x43e: {  	[tilespmem:s21+$0xFFFFFF60] =	vst v14;
	v14 =	vmul.f32 v18, v3;
	v18 =	vld [tilespmem:s8+$0xFFFFFE70];
	v13 =	vadd.f32 v22, v13  }
0x43f: {  	[tilespmem:s21+$0xFFFFFF70] =	vst v15;
	v7 =	vadd.f32 v16, v7;
	v15 =	vmul.f32 v19, v5;
	v16 =	vld [tilespmem:s8+$0xFFFFFE80];
	s8 =	smov.u32 s10  }
0x440: {  	v19 =	vld [tilespmem:s15+$0xFFFFFFFD];
	v6 =	vadd.f32 v14, v6;
	v14 =	vmul.f32 v20, v4  }
0x441: {  	v20 =	vld [tilespmem:s10+$0xFFFFFD10];
	v8 =	vadd.f32 v15, v8;
	v15 =	vmul.f32 v21, v3;
	[tilespmem:s6+$0xFFFFFF80] =	vst v7  }
0x442: {  	v7 =	vld [tilespmem:s10+$0xFFFFFD90];
	v9 =	vadd.f32 v14, v9;
	v5 =	vmul.f32 v17, v5;
	[tilespmem:s6+$0xFFFFFF90] =	vst v6  }
0x443: {  	v6 =	vld [tilespmem:s10+$0xFFFFFD20];
	v10 =	vadd.f32 v15, v10;
	v14 =	vmul.f32 v18, v4;
	[tilespmem:s6+$0xFFFFFFA0] =	vst v8  }
0x444: {  	v8 =	vld [tilespmem:s10+$0xFFFFFDA0];
	v11 =	vadd.f32 v5, v11;
	v15 =	vmul.f32 v16, v3;
	[tilespmem:s6+$0xFFFFFFB0] =	vst v9  }
0x445: {  	v5 =	vperm.xlane v19, v0;
	v4 =	vperm.xlane v19, v1;
	v9 =	vld [tilespmem:s10+$0xFFFFFD30];
	v12 =	vadd.f32 v14, v12;
	[tilespmem:s6+$0xFFFFFFC0] =	vst v10  }
0x446: {  	v3 =	vperm.xlane v19, v2;
	v10 =	vld [tilespmem:s10+$0xFFFFFDB0];
	v13 =	vadd.f32 v15, v13;
	[tilespmem:s6+$0xFFFFFFD0] =	vst v11  }
0x447: {  	v11 =	vmul.f32 v20, v5;
	v14 =	vld [tilespmem:s10+$0xFFFFFD40];
	[tilespmem:s6+$0xFFFFFFE0] =	vst v12  }
0x448: {  	v7 =	vmul.f32 v7, v3;
	v6 =	vmul.f32 v6, v4;
	v12 =	vld [tilespmem:s10+$0xFFFFFDC0];
	[tilespmem:s6+$0xFFFFFFF0] =	vst v13;
	s6 =	smov.u32 s21  }
0x449: {  	v8 =	vmul.f32 v8, v5;
	v15 =	vld [tilespmem:s10+$0xFFFFFD50]  }
0x44a: {  	v7 =	vadd.f32 v7, v11;
	v9 =	vmul.f32 v9, v3;
	v16 =	vld [tilespmem:s10+$0xFFFFFDD0]  }
.Ltmp3:
0x44b: {  	v6 =	vadd.f32 v8, v6;
	v8 =	vmul.f32 v10, v4;
	v10 =	vld [tilespmem:s10+$0xFFFFFD60];
	(pc) =	sbr.rel @p1 .LBB2_9-.Ltmp3, $4  }
0x44c: {  	v14 =	vmul.f32 v14, v5;
	v11 =	vld [tilespmem:s10+$0xFFFFFDE0]  }
0x44d: {  	v8 =	vadd.f32 v8, v9;
	v9 =	vmul.f32 v12, v3;
	v13 =	vld [tilespmem:s10+$0xFFFFFD70]  }
0x44e: {  	v15 =	vmul.f32 v15, v4;
	v12 =	vld [tilespmem:s10+$0xFFFFFDF0]  }
0x44f: {  	s10 =	sadd.s32 $0x300, s10;
	v9 =	vadd.f32 v9, v14;
	v16 =	vmul.f32 v16, v5;
	v14 =	vld [tilespmem:s8+$0xFFFFFD80]  }
0x450: {  	v17 =	vld [tilespmem:s8+$0xFFFFFE00]  }
0x451: {  	v18 =	vld [tilespmem:s8+$0xFFFFFE10]  }
0x452: {  	v19 =	vld [tilespmem:s8+$0xFFFFFE20]  }
0x453: {  	v20 =	vld [tilespmem:s8+$0xFFFFFE30]  }
0x454: {  	v21 =	vld [tilespmem:s8+$0xFFFFFE40]  }
0x455: {  	v10 =	vmul.f32 v10, v3;
	v22 =	vld [tilespmem:s8+$0xFFFFFE50]  }
0x456: {  	v23 =	vld [tilespmem:s8+$0xFFFFFE60];
	v11 =	vmul.f32 v11, v4;
	v18 =	vmul.f32 v18, v4  }
0x457: {  	v36 =	vld [tilespmem:s8+$0xFFFFFE70];
	v15 =	vadd.f32 v16, v15;
	v13 =	vmul.f32 v13, v5;
	v35 =	vmul.f32 v19, v3  }
0x458: {  	v38 =	vld [tilespmem:s8+$0xFFFFFE80];
	v10 =	vadd.f32 v11, v10;
	v37 =	vmul.f32 v20, v5;
	v7 =	vadd.f32 v18, v7  }
0x459: {  	v12 =	vmul.f32 v12, v3;
	v39 =	vmul.f32 v21, v4;
	v6 =	vadd.f32 v35, v6  }
0x45a: {  	v14 =	vmul.f32 v14, v4;
	v40 =	vmul.f32 v22, v3;
	v8 =	vadd.f32 v37, v8;
	[tilespmem:s6+$0xFFFFFF80] =	vst v7  }
0x45b: {  	v41 =	vmul.f32 v17, v5;
	v42 =	vmul.f32 v23, v5;
	v9 =	vadd.f32 v39, v9;
	[tilespmem:s6+$0xFFFFFF90] =	vst v6  }
0x45c: {  	v43 =	vadd.f32 v12, v13;
	v44 =	vmul.f32 v36, v4;
	v11 =	vadd.f32 v40, v15;
	[tilespmem:s6+$0xFFFFFFA0] =	vst v8  }
0x45d: {  	v3 =	vmul.f32 v38, v3;
	v5 =	vadd.f32 v42, v10;
	v7 =	vadd.f32 v41, v14;
	[tilespmem:s6+$0xFFFFFFB0] =	vst v9  }
0x45e: {  	v4 =	vadd.f32 v44, v43;
	[tilespmem:s6+$0xFFFFFFC0] =	vst v11  }
0x45f: {  	[tilespmem:s6+$0xFFFFFFD0] =	vst v5;
	v3 =	vadd.f32 v3, v7  }
0x460: {  	[tilespmem:s6+$0xFFFFFFE0] =	vst v4  }
0x461: {  	[tilespmem:s6+$0xFFFFFFF0] =	vst v3  }
0x462: {  	v3 =	vld [tilespmem:$0x748]  }
0x463: {  	v4 =	vld [tilespmem:$0x7C00]  }
0x464: {  	v5 =	vld [tilespmem:$0x7C80]  }
0x465: {  	v45 =	vld [tilespmem:$0x7D00]  }
0x466: {  	v46 =	vld [tilespmem:$0x7C10]  }
0x467: {  	v8 =	vld [tilespmem:$0x7C90]  }
0x468: {  	v9 =	vld [tilespmem:$0x7D10]  }
0x469: {  	v47 =	vld [tilespmem:$0x7C20]  }
0x46a: {  	v11 =	vld [tilespmem:$0x7CA0]  }
0x46b: {  	v48 =	vld [tilespmem:$0x7D20]  }
0x46c: {  	v49 =	vld [tilespmem:$0x7C30]  }
0x46d: {  	v50 =	vld [tilespmem:$0x7CB0]  }
0x46e: {  	v51 =	vld [tilespmem:$0x7D30]  }
0x46f: {  	v52 =	vld [tilespmem:$0x7C40]  }
0x470: {  	v53 =	vld [tilespmem:$0x7CC0]  }
0x471: {  	v54 =	vld [tilespmem:$0x7D40]  }
0x472: {  	v55 =	vld [tilespmem:$0x7C50]  }
0x473: {  	v56 =	vld [tilespmem:$0x7CD0]  }
0x474: {  	v57 =	vld [tilespmem:$0x7D50]  }
0x475: {  	v30 =	vld [tilespmem:$0x7C8]  }
0x476: {  	v58 =	vld [tilespmem:$0x7C60]  }
0x477: {  	v59 =	vld [tilespmem:$0x7CE0]  }
0x478: {  	v24 =	vld [tilespmem:$0x7D60];
	v28 =	vperm.xlane v3, v0  }
0x479: {  	v25 =	vld [tilespmem:$0x7C70];
	v29 =	vperm.xlane v3, v2;
	v3 =	vperm.xlane v3, v1  }
0x47a: {  	v26 =	vld [tilespmem:$0x7CF0];
	v17 =	vperm.xlane v30, v0;
	v4 =	vmul.f32 v4, v28  }
0x47b: {  	v27 =	vld [tilespmem:$0x7D70];
	v5 =	vmul.f32 v5, v29;
	v7 =	vmul.f32 v46, v3  }
0x47c: {  	v31 =	vld [tilespmem:$0xA400];
	v8 =	vmul.f32 v8, v28;
	v60 =	vmul.f32 v45, v3  }
0x47d: {  	v32 =	vld [tilespmem:$0xA480];
	v61 =	vmul.f32 v9, v29;
	v62 =	vmul.f32 v47, v29  }
0x47e: {  	v33 =	vld [tilespmem:$0xA500];
	v34 =	vmul.f32 v11, v3;
	v35 =	vmul.f32 v48, v28  }
0x47f: {  	v6 =	vld [tilespmem:$0xA410];
	v37 =	vmul.f32 v49, v28;
	v38 =	vmul.f32 v50, v29  }
0x480: {  	v63 =	vld [tilespmem:$0xA490];
	v40 =	vmul.f32 v51, v3;
	v41 =	vmul.f32 v52, v3  }
0x481: {  	v36 =	vld [tilespmem:$0xA510];
	v43 =	vmul.f32 v53, v28;
	v44 =	vmul.f32 v54, v29  }
0x482: {  	v39 =	vld [tilespmem:$0xA420];
	v46 =	vmul.f32 v55, v29;
	v47 =	vmul.f32 v56, v3  }
0x483: {  	v42 =	vld [tilespmem:$0xA4A0];
	v49 =	vmul.f32 v57, v28;
	v50 =	vmul.f32 v58, v28  }
0x484: {  	v45 =	vld [tilespmem:$0xA520];
	v52 =	vmul.f32 v59, v29;
	v53 =	vmul.f32 v24, v3  }
0x485: {  	v48 =	vld [tilespmem:$0xA430];
	v3 =	vmul.f32 v25, v3;
	v55 =	vmul.f32 v26, v28  }
0x486: {  	v51 =	vld [tilespmem:$0xA4B0];
	v26 =	vperm.xlane v30, v2;
	v4 =	vadd.f32 v5, v4;
	v7 =	vadd.f32 v8, v7  }
0x487: {  	v54 =	vld [tilespmem:$0xA530];
	v58 =	vmul.f32 v27, v29;
	v5 =	vadd.f32 v34, v62;
	v8 =	vadd.f32 v38, v37  }
0x488: {  	v56 =	vld [tilespmem:$0xA440];
	v27 =	vperm.xlane v30, v1;
	v13 =	vadd.f32 v43, v41;
	v11 =	vadd.f32 v47, v46  }
0x489: {  	v57 =	vld [tilespmem:$0xA4C0];
	v10 =	vmul.f32 v63, v17;
	v15 =	vadd.f32 v52, v50;
	v3 =	vadd.f32 v55, v3  }
0x48a: {  	v59 =	vld [tilespmem:$0xA540];
	v6 =	vmul.f32 v6, v27;
	v33 =	vmul.f32 v33, v27;
	v4 =	vadd.f32 v60, v4  }
0x48b: {  	v63 =	vld [tilespmem:$0xA4D0];
	v37 =	vmul.f32 v39, v26;
	v7 =	vadd.f32 v61, v7;
	v5 =	vadd.f32 v35, v5  }
0x48c: {  	v62 =	vld [tilespmem:$0xA450];
	v38 =	vmul.f32 v42, v27;
	v8 =	vadd.f32 v40, v8;
	v13 =	vadd.f32 v44, v13  }
0x48d: {  	v34 =	vld [tilespmem:$0xA550];
	v9 =	vadd.f32 v49, v11;
	v60 =	vmul.f32 v31, v17;
	v61 =	vmul.f32 v32, v26;
	[tilespmem:$0xC000] =	vst v4  }
0x48e: {  	v39 =	vld [tilespmem:$0xA4E0];
	v15 =	vadd.f32 v53, v15;
	v35 =	vmul.f32 v36, v26;
	v40 =	vmul.f32 v48, v17;
	[tilespmem:$0xC010] =	vst v7  }
0x48f: {  	v42 =	vld [tilespmem:$0xA470];
	v3 =	vadd.f32 v58, v3;
	v41 =	vmul.f32 v51, v26;
	v43 =	vmul.f32 v45, v17;
	[tilespmem:$0xC020] =	vst v5  }
0x490: {  	v6 =	vadd.f32 v10, v6;
	v36 =	vld [tilespmem:$0xA460];
	v44 =	vmul.f32 v54, v27;
	v46 =	vmul.f32 v56, v27;
	[tilespmem:$0xC030] =	vst v8  }
0x491: {  	v45 =	vld [tilespmem:$0xA4F0];
	v47 =	vmul.f32 v57, v17;
	v49 =	vmul.f32 v59, v26;
	v32 =	vadd.f32 v61, v60;
	[tilespmem:$0xC040] =	vst v13  }
0x492: {  	v48 =	vld [tilespmem:$0xA560];
	v52 =	vmul.f32 v63, v27;
	v6 =	vadd.f32 v35, v6;
	v5 =	vadd.f32 v38, v37;
	[tilespmem:$0xC050] =	vst v9  }
0x493: {  	v51 =	vld [tilespmem:$0xA570];
	[tilespmem:$0xC060] =	vst v15;
	v7 =	vadd.f32 v41, v40;
	v50 =	vmul.f32 v62, v26;
	v53 =	vmul.f32 v34, v17  }
0x494: {  	[tilespmem:$0xC070] =	vst v3;
	v8 =	vadd.f32 v47, v46;
	v55 =	vmul.f32 v39, v26;
	v4 =	vadd.f32 v33, v32  }
0x495: {  	v57 =	vmul.f32 v42, v27;
	v5 =	vadd.f32 v43, v5;
	[tilespmem:$0xC090] =	vst v6;
	v54 =	vmul.f32 v36, v17  }
0x496: {  	v3 =	vadd.f32 v44, v7;
	v56 =	vadd.f32 v52, v50;
	[tilespmem:$0xC080] =	vst v4;
	v58 =	vmul.f32 v45, v17  }
0x497: {  	v59 =	vadd.f32 v49, v8;
	v61 =	vmul.f32 v48, v27;
	[tilespmem:$0xC0A0] =	vst v5;
	v60 =	vadd.f32 v55, v54  }
0x498: {  	v63 =	vmul.f32 v51, v26;
	v4 =	vadd.f32 v53, v56;
	[tilespmem:$0xC0B0] =	vst v3;
	v62 =	vadd.f32 v58, v57  }
0x499: {  	[tilespmem:$0xC0C0] =	vst v59;
	v3 =	vadd.f32 v61, v60  }
0x49a: {  	[tilespmem:$0xC0D0] =	vst v4;
	v5 =	vadd.f32 v63, v62  }
0x49b: {  	[tilespmem:$0xC0E0] =	vst v3  }
0x49c: {  	s1 =	sadd.s32 s1, s13;
	s29 =	sadd.s32 $0x1, s29;
	[tilespmem:$0xC0F0] =	vst v5  }
0x49d: {  	[hbm4b:s1+s23] =	stream.strided.scatter [tilespmem:s0], [sflag:$0x5], $0x1900, s18, s23, $0x38;
	[tilespmem:$0x1F980] =	vst v63  }
0x49e: {  	p1 =	sne.s32 s29, $0x28;
	_ =	swait.ge [sflag:s17], $0x1900  }
.Ltmp4:
0x49f: {  	[sflag:s17] =	ssyncset.done $0x0;
	(pc) =	sbr.rel @p1 .LBB2_2-.Ltmp4, $4  }
0x4a0: {  	[sflag:s17] =	ssyncadd.s32 $0xFFFFE700  }
0x4a1: {  	[tilespmem:s24], [sflag:$0x2] =	stream.indirect.gather [spmem:s2], $0x80, s23, s19, $0xb8;
	[tilespmem:$0x1F980] =	vst v63  }
0x4a2: {  	s25 =	simm.s32 $0x180  }
0x4a3: {  	[tilespmem:s26], [sflag:$0x2] =	stream.indirect.gather [spmem:s2], $0x80, s25, s19, $0xb8;
	[tilespmem:$0x1F980] =	vst v63  }
0x4a4: {  	_ =	swait.ge [sflag:s30], $0x200  }
0x4a5: {  	[sflag:s30] =	ssyncset.done $0x0  }
0x4a6: {  	[sflag:s30] =	ssyncadd.s32 $0xFFFFFE00  }
0x4a7: {  	_ =	swait.ge [sflag:s31], $0x2580  }
0x4a8: {  	[sflag:s31] =	ssyncset.done $0x0  }
0x4a9: {  	[sflag:s31] =	ssyncadd.s32 $0xFFFFDA80  }
0x4aa: {  	_ =	swait.ge [sflag:s31], $0x2580  }
0x4ab: {  	[sflag:s31] =	ssyncset.done $0x0  }
0x4ac: {  	[sflag:s31] =	ssyncadd.s32 $0xFFFFDA80  }
0x4ad: {  	_ =	swait.ge [sflag:s7], $0x2580  }
0x4ae: {  	[sflag:s7] =	ssyncset.done $0x0  }
0x4af: {  	[sflag:s7] =	ssyncadd.s32 $0xFFFFDA80  }
0x4b0: {  	_ =	swait.ge [sflag:s7], $0x2580  }
0x4b1: {  	s6 =	rddreg [dreg:$0xb]  }
0x4b2: {  	s1 =	rddreg [dreg:$0x9];
	s6 =	sadd.s32 $0x1, s6  }
0x4b3: {  	p1 =	sne.s32 s6, s1  }
.Ltmp5:
0x4b4: {  	_ = 	snop;
	(pc) =	sbr.rel @p1 .LBB2_1-.Ltmp5, $3  }
0x4b5: {  	_ =	sdelay $0x1  }
0x4b6: {  	[sflag:s7] =	ssyncset.done $0x0  }
0x4b7: {  	[sflag:s7] =	ssyncadd.s32 $0xFFFFDA80  }
0x4b8: {  	_ =	sfence.sel $0x180000  }
0x4b9: {  	[bflag:$0x0] =	sbarrier.arrive $0xFFFF  }
0x4ba: {  	_ =	strace $0x90000047  }
0x4bb: {  	[bflag:$0x2] =	sbarrier.arrive $0xFFFF  }
0x4bc: {  	s0 =	rddreg [dreg:$0x3]  }
0x4bd: {  	s0 =	sadd.s32 @!p0 $0x100000, s0  }
0x4be: {  	[sflag:s0] =	ssyncadd.tile.s32 @!p0 $0x1;
	_ =	shalt  }
.Lfunc_end2:
_tile_overlayer_lowered:
.L_overlay_start_2:
0x4bf: {  	(tag) =	ssettag $0x2  }
0x4c0: {  	s0 =	rddreg [dreg:$0x0];
	s2 =	stileid.u32  }
0x4c1: {  	s1 =	rddreg [dreg:$0x1];
	p0 =	sne.s32 s2, $0x0  }
0x4c2: {  	s3 =	rddreg [dreg:$0x2];
	[bflag:$0x3] =	sbarrier.arrive $0xFFFF;
	s2 =	simm.s32 @!p0 $0x1C05  }
0x4c3: {  	[timem:s3], [sflag:s2] =	dma.local @!p0 [hbm:s0], s1  }
0x4c4: {  	s0 =	simm.s32 @!p0 $0x5  }
0x4c5: {  	_ =	swait.ge @!p0 [sflag:s0], s1  }
0x4c6: {  	s1 =	ssub.s32 @!p0 $0x0, s1;
	[sflag:s0] =	ssyncset.done @!p0 $0x0  }
0x4c7: {  	[sflag:s0] =	ssyncadd.s32 @!p0 s1  }
0x4c8: {  	[bflag:$0x3] =	sbarrier.arrive $0xFFFF  }
0x4c9: {  	_ =	shalt  }

</sc_bundles>
